<compile_context>
chip_gen: v7x
topology: tpu7x:2x2x1
jax: 0.10.2.dev20260603
libtpu: 0.0.44.dev20260713+nightly
codegen_flags: <defaults>
</compile_context>

<pallas_src>
import functools

import jax
import jax.numpy as jnp
from jax import lax
from jax.experimental import pallas as pl
from jax.experimental.pallas import tpu as pltpu
from jax.experimental.pallas import tpu_sc as plsc


NN = 10000
EE = 160000
DIN = 256
DHALF = 128
BATCH = 128
NBATCH = EE // BATCH
NTILES = 16
RPT = NN // NTILES
HROWS = 80
MMBLK = 2000
SKETCH_D = 256
DBLK = 1000


def _mm_body(x_ref, wr_ref, xcat_ref, yr_ref):
    xx = x_ref[...]
    xcat_ref[0] = xx[:, :DHALF]
    xcat_ref[1] = xx[:, DHALF:]
    yr_ref[...] = jnp.dot(xx, wr_ref[...], preferred_element_type=jnp.float32)


def _matmul_stage(x, W_r1):
    return pl.pallas_call(
        _mm_body,
        grid=(NN // MMBLK,),
        in_specs=[
            pl.BlockSpec((MMBLK, DIN), lambda i: (i, 0)),
            pl.BlockSpec((DIN, DIN), lambda i: (0, 0)),
        ],
        out_specs=[
            pl.BlockSpec((2, MMBLK, DHALF), lambda i: (0, i, 0)),
            pl.BlockSpec((MMBLK, DIN), lambda i: (i, 0)),
        ],
        out_shape=[
            jax.ShapeDtypeStruct((2, NN, DHALF), jnp.float32),
            jax.ShapeDtypeStruct((NN, DIN), jnp.float32),
        ],
    )(x, W_r1)


def _z_body(acc0_ref, acc1_ref, cnt_ref, yr_ref, wl_ref, bl_ref, z_ref):
    agg = (jnp.concatenate([acc0_ref[...], acc1_ref[...]], axis=1)
           / jnp.maximum(cnt_ref[...], 1.0))
    z_ref[...] = (jnp.dot(agg, wl_ref[...], preferred_element_type=jnp.float32)
                  + bl_ref[...] + yr_ref[...])


def _combine_stage(acc0, acc1, cnt2, yr, W_l1, b_l1_2d):
    return pl.pallas_call(
        _z_body,
        grid=(NN // DBLK,),
        in_specs=[
            pl.BlockSpec((DBLK, DHALF), lambda i: (i, 0)),
            pl.BlockSpec((DBLK, DHALF), lambda i: (i, 0)),
            pl.BlockSpec((DBLK, 1), lambda i: (i, 0)),
            pl.BlockSpec((DBLK, DIN), lambda i: (i, 0)),
            pl.BlockSpec((DIN, DIN), lambda i: (0, 0)),
            pl.BlockSpec((1, DIN), lambda i: (0, 0)),
        ],
        out_specs=pl.BlockSpec((DBLK, DIN), lambda i: (i, 0)),
        out_shape=jax.ShapeDtypeStruct((NN, DIN), jnp.float32),
    )(acc0, acc1, cnt2, yr, W_l1, b_l1_2d)


def _zero_rows(buf, nrows, width):
    def _row(i, _):
        for jj in range(width // 16):
            buf[i, pl.ds(jj * 16, 16)] = jnp.zeros((16,), jnp.float32)
        return 0
    lax.fori_loop(0, nrows, _row, 0)


def _zero_spmem(sh, zsrc, s, width):
    nzc = NN // 128
    nz = jnp.where(s < nzc - (nzc // NTILES) * NTILES,
                   nzc // NTILES + 1, nzc // NTILES)

    def _zchunk(k, _):
        m = (s + k * NTILES) * 128
        pltpu.sync_copy(zsrc, sh.at[pl.ds(m, 128)])
        return 0
    lax.fori_loop(0, nz, _zchunk, 0)

    @pl.when(s == NTILES - 1)
    def _():
        pltpu.sync_copy(zsrc.at[pl.ds(0, 16)], sh.at[pl.ds(nzc * 128, 16)])


def _agg_body(src_hbm, dst_hbm, ycat_hbm, acc0_out, acc1_out, cnt0_out, cnt1_out,
              src_a, dst_a, rows_a, src_b, dst_b, rows_b, hist, iota_h,
              acc_sh, cnt_sh, sem_a, sem_b):
    c = lax.axis_index("c")
    s = lax.axis_index("s")
    row0 = s * RPT

    _zero_rows(hist, HROWS, DHALF)
    for i in range(HROWS // 16):
        iota_h[pl.ds(i * 16, 16)] = lax.iota(jnp.int32, 16) + i * 16

    _zero_rows(rows_a, BATCH, DHALF)
    _zero_spmem(acc_sh, rows_a, s, DHALF)

    @pl.when(s == 0)
    def _():
        pltpu.sync_copy(rows_a.at[pl.ds(0, HROWS)], cnt_sh)
    plsc.subcore_barrier()

    nb = jnp.where(s < NBATCH - (NBATCH // NTILES) * NTILES,
                   NBATCH // NTILES + 1, NBATCH // NTILES)
    coff = c * NN

    def _start(j, src_v, dst_v, rows_v, sem):
        off = (s + j * NTILES) * BATCH
        pltpu.sync_copy(src_hbm.at[pl.ds(off, BATCH)], src_v)
        pltpu.sync_copy(dst_hbm.at[pl.ds(off, BATCH)], dst_v)
        for g in range(BATCH // 16):
            src_v[pl.ds(g * 16, 16)] = src_v[pl.ds(g * 16, 16)] + coff
        return pltpu.async_copy(ycat_hbm.at[src_v], rows_v, sem)

    ones16 = jnp.ones((16,), jnp.float32)
    count_mine = (s % 2) == c

    def _drain(src_v, dst_v, rows_v, sem):
        pltpu.make_async_copy(ycat_hbm.at[src_v], rows_v, sem).wait()
        pltpu.sync_copy(rows_v, acc_sh.at[dst_v], add=True)

        @pl.when(count_mine)
        def _():
            for g in range(BATCH // 16):
                dv = dst_v[pl.ds(g * 16, 16)]
                plsc.addupdate_scatter(
                    hist, [lax.shift_right_logical(dv, 7), dv & 127], ones16)

    _start(0, src_a, dst_a, rows_a, sem_a)
    npairs = (nb + 1) // 2

    def _pair(m, _):
        j1 = 2 * m + 1

        @pl.when(j1 < nb)
        def _():
            _start(j1, src_b, dst_b, rows_b, sem_b)
        _drain(src_a, dst_a, rows_a, sem_a)

        @pl.when(j1 < nb)
        def _():
            @pl.when(j1 + 1 < nb)
            def _():
                _start(j1 + 1, src_a, dst_a, rows_a, sem_a)
            _drain(src_b, dst_b, rows_b, sem_b)
        return 0

    lax.fori_loop(0, npairs, _pair, 0)

    @pl.when(count_mine)
    def _():
        pltpu.sync_copy(hist, cnt_sh.at[iota_h], add=True)
    plsc.subcore_barrier()

    @pl.when(c == 0)
    def _():
        pltpu.sync_copy(acc_sh.at[pl.ds(row0, RPT)], acc0_out.at[s])

    @pl.when(c == 1)
    def _():
        pltpu.sync_copy(acc_sh.at[pl.ds(row0, RPT)], acc1_out.at[s])

    @pl.when((s == 0) & (c == 0))
    def _():
        pltpu.sync_copy(cnt_sh, cnt0_out)

    @pl.when((s == 0) & (c == 1))
    def _():
        pltpu.sync_copy(cnt_sh, cnt1_out)


def _aggregate(src, dst, y_cat_flat):
    f32 = jnp.float32
    kern = functools.partial(
        pl.kernel,
        mesh=plsc.VectorSubcoreMesh(core_axis_name="c", subcore_axis_name="s"),
        compiler_params=pltpu.CompilerParams(needs_layout_passes=False),
        out_type=[
            jax.ShapeDtypeStruct((NTILES, RPT, DHALF), f32),
            jax.ShapeDtypeStruct((NTILES, RPT, DHALF), f32),
            jax.ShapeDtypeStruct((HROWS, DHALF), f32),
            jax.ShapeDtypeStruct((HROWS, DHALF), f32),
        ],
        scratch_types=[
            pltpu.VMEM((BATCH,), jnp.int32),
            pltpu.VMEM((BATCH,), jnp.int32),
            pltpu.VMEM((BATCH, DHALF), f32),
            pltpu.VMEM((BATCH,), jnp.int32),
            pltpu.VMEM((BATCH,), jnp.int32),
            pltpu.VMEM((BATCH, DHALF), f32),
            pltpu.VMEM((HROWS, DHALF), f32),
            pltpu.VMEM((HROWS,), jnp.int32),
            pltpu.VMEM_SHARED((NN, DHALF), f32),
            pltpu.VMEM_SHARED((HROWS, DHALF), f32),
            pltpu.SemaphoreType.DMA,
            pltpu.SemaphoreType.DMA,
        ],
    )
    return kern(_agg_body)(src, dst, y_cat_flat)


def _bn_body(z_ref, gamma_ref, beta_ref, h1cat_ref, sum_ref, sq_ref):
    p = pl.program_id(0)
    i = pl.program_id(1)

    @pl.when((p == 0) & (i == 0))
    def _():
        sum_ref[...] = jnp.zeros_like(sum_ref)

    @pl.when((p == 1) & (i == 0))
    def _():
        sq_ref[...] = jnp.zeros_like(sq_ref)

    z = z_ref[...]

    @pl.when(p == 0)
    def _():
        sum_ref[...] += jnp.sum(z, axis=0, keepdims=True)

    @pl.when(p == 1)
    def _():
        zc = z - sum_ref[...] * (1.0 / NN)
        sq_ref[...] += jnp.sum(zc * zc, axis=0, keepdims=True)

    @pl.when(p == 2)
    def _():
        mu = sum_ref[...] * (1.0 / NN)
        var = sq_ref[...] * (1.0 / NN)
        inv = 1.0 / jnp.sqrt(var + 1e-5)
        h = jnp.maximum((z - mu) * (inv * gamma_ref[...]) + beta_ref[...], 0.0)
        h1cat_ref[0] = h[:, :DHALF]
        h1cat_ref[1] = h[:, DHALF:]


def _bn_stage(z, gamma2, beta2):
    return pl.pallas_call(
        _bn_body,
        grid=(3, NN // DBLK),
        in_specs=[
            pl.BlockSpec((DBLK, DIN), lambda p, i: (i, 0)),
            pl.BlockSpec((1, DIN), lambda p, i: (0, 0)),
            pl.BlockSpec((1, DIN), lambda p, i: (0, 0)),
        ],
        out_specs=pl.BlockSpec((2, DBLK, DHALF), lambda p, i: (0, i, 0)),
        out_shape=jax.ShapeDtypeStruct((2, NN, DHALF), jnp.float32),
        scratch_shapes=[
            pltpu.VMEM((1, DIN), jnp.float32),
            pltpu.VMEM((1, DIN), jnp.float32),
        ],
    )(z, gamma2, beta2)


def _tail_body(a0_ref, a1_ref, cnt_ref, h0_ref, h1_ref,
               wl2_ref, bl2_ref, wr2_ref, wsk_ref, bsk_ref,
               wc1_ref, bc1_ref, wc2_ref, bc2_ref,
               out_ref, sk_ref):
    i = pl.program_id(0)

    @pl.when(i == 0)
    def _():
        sk_ref[...] = jnp.zeros_like(sk_ref)

    agg2 = (jnp.concatenate([a0_ref[...], a1_ref[...]], axis=1)
            / jnp.maximum(cnt_ref[...], 1.0))
    h1 = jnp.concatenate([h0_ref[...], h1_ref[...]], axis=1)
    h2 = (jnp.dot(agg2, wl2_ref[...], preferred_element_type=jnp.float32)
          + bl2_ref[...]
          + jnp.dot(h1, wr2_ref[...], preferred_element_type=jnp.float32))
    sk = jnp.dot(h2, wsk_ref[...], preferred_element_type=jnp.float32)
    sk_ref[...] += jnp.sum(sk, axis=0, keepdims=True)

    @pl.when(i == NN // DBLK - 1)
    def _():
        pooled = sk_ref[...] * (1.0 / NN) + bsk_ref[...]
        hid = jnp.maximum(
            jnp.dot(pooled, wc1_ref[...], preferred_element_type=jnp.float32) + bc1_ref[...], 0.0)
        out_ref[...] = jnp.dot(hid, wc2_ref[...], preferred_element_type=jnp.float32) + bc2_ref[...]


def _finalize(a0, a1, cnt2, h0, h1, W_l2, b_l2_2, W_r2, W_sk, b_sk_2,
              W_c1, b_c1_2, W_c2, b_c2_2):
    def full(a):
        n = len(a.shape)
        return pl.BlockSpec(a.shape, lambda i, _n=n: (0,) * _n)
    return pl.pallas_call(
        _tail_body,
        grid=(NN // DBLK,),
        in_specs=[
            pl.BlockSpec((DBLK, DHALF), lambda i: (i, 0)),
            pl.BlockSpec((DBLK, DHALF), lambda i: (i, 0)),
            pl.BlockSpec((DBLK, 1), lambda i: (i, 0)),
            pl.BlockSpec((DBLK, DHALF), lambda i: (i, 0)),
            pl.BlockSpec((DBLK, DHALF), lambda i: (i, 0)),
            full(W_l2), full(b_l2_2), full(W_r2), full(W_sk), full(b_sk_2),
            full(W_c1), full(b_c1_2), full(W_c2), full(b_c2_2),
        ],
        out_specs=pl.BlockSpec((1, 2), lambda i: (0, 0)),
        out_shape=jax.ShapeDtypeStruct((1, 2), jnp.float32),
        scratch_shapes=[pltpu.VMEM((1, SKETCH_D), jnp.float32)],
    )(a0, a1, cnt2, h0, h1, W_l2, b_l2_2, W_r2, W_sk, b_sk_2,
      W_c1, b_c1_2, W_c2, b_c2_2)


def kernel(x, edge_index, W_l1, b_l1, W_r1, gamma, beta, W_l2, b_l2, W_r2,
           W_sk, b_sk, W_c1, b_c1, W_c2, b_c2):
    src = edge_index[0]
    dst = edge_index[1]

    x_cat, y_r = _matmul_stage(x, W_r1)
    acc0, acc1, cnt0, cnt1 = _aggregate(src, dst, x_cat.reshape(2 * NN, DHALF))
    acc0 = acc0.reshape(NN, DHALF)
    acc1 = acc1.reshape(NN, DHALF)
    cnt = (cnt0 + cnt1).reshape(HROWS * DHALF)[:NN]
    cnt2 = cnt[:, None]

    z = _combine_stage(acc0, acc1, cnt2, y_r, W_l1, b_l1.reshape(1, -1))
    h1_cat = _bn_stage(z, gamma.reshape(1, -1), beta.reshape(1, -1))
    a20, a21, _c0, _c1 = _aggregate(src, dst, h1_cat.reshape(2 * NN, DHALF))
    return _finalize(
        a20.reshape(NN, DHALF), a21.reshape(NN, DHALF), cnt2,
        h1_cat[0], h1_cat[1],
        W_l2, b_l2.reshape(1, -1), W_r2, W_sk, b_sk.reshape(1, -1),
        W_c1, b_c1.reshape(1, -1), W_c2, b_c2.reshape(1, -1))

# --- scband reference (transcript-rebuilt; emitter-appended) ---
"""Pipeline reference for scband-threa-trace-model-69793218560138 (READ-ONLY COPY).

The authoritative reference and input builder live on the scoring server;
editing this copy changes nothing except your own understanding.
"""

import jax, jax.numpy as jnp
import numpy as np

N = 10000
E = 160000
D_IN = 256
D_HID = 256
D_OUT = 128
SKETCH = 256
NCLS = 2


def setup_inputs(seed: int = 0) -> dict:
    key = jax.random.key(seed)
    ks = jax.random.split(key, 20)
    inp = {}
    inp["x"] = jax.random.normal(ks[0], (N, D_IN), dtype=jnp.float32)
    inp["edge_index"] = jax.random.randint(ks[1], (2, E), 0, N, dtype=jnp.int32)
    # SAGEConv layer 1: lin_l (with bias) applied to aggregated neighbors, lin_r (no bias) to root
    inp["W_l1"] = jax.random.normal(ks[2], (D_IN, D_HID), dtype=jnp.float32) / np.sqrt(D_IN)
    inp["b_l1"] = jnp.zeros((D_HID,), dtype=jnp.float32)
    inp["W_r1"] = jax.random.normal(ks[3], (D_IN, D_HID), dtype=jnp.float32) / np.sqrt(D_IN)
    # BatchNorm1d params (training-mode batch statistics)
    inp["gamma"] = jnp.ones((D_HID,), dtype=jnp.float32)
    inp["beta"] = jnp.zeros((D_HID,), dtype=jnp.float32)
    # SAGEConv layer 2
    inp["W_l2"] = jax.random.normal(ks[4], (D_HID, D_OUT), dtype=jnp.float32) / np.sqrt(D_HID)
    inp["b_l2"] = jnp.zeros((D_OUT,), dtype=jnp.float32)
    inp["W_r2"] = jax.random.normal(ks[5], (D_HID, D_OUT), dtype=jnp.float32) / np.sqrt(D_HID)
    # sketch projection
    inp["W_sk"] = jax.random.normal(ks[6], (D_OUT, SKETCH), dtype=jnp.float32) / np.sqrt(D_OUT)
    inp["b_sk"] = jnp.zeros((SKETCH,), dtype=jnp.float32)
    # classifier MLP
    inp["W_c1"] = jax.random.normal(ks[7], (SKETCH, SKETCH // 2), dtype=jnp.float32) / np.sqrt(SKETCH)
    inp["b_c1"] = jnp.zeros((SKETCH // 2,), dtype=jnp.float32)
    inp["W_c2"] = jax.random.normal(ks[8], (SKETCH // 2, NCLS), dtype=jnp.float32) / np.sqrt(SKETCH // 2)
    inp["b_c2"] = jnp.zeros((NCLS,), dtype=jnp.float32)
    return inp


def reference(x, edge_index, W_l1, b_l1, W_r1, gamma, beta, W_l2, b_l2, W_r2, W_sk, b_sk, W_c1, b_c1, W_c2, b_c2):
    src = edge_index[0]
    dst = edge_index[1]

    def sage(h, Wl, bl, Wr):
        # mean aggregation of source-node features into destination nodes
        msgs = jnp.take(h, src, axis=0)
        agg = jax.ops.segment_sum(msgs, dst, num_segments=N)
        cnt = jax.ops.segment_sum(jnp.ones((E,), dtype=h.dtype), dst, num_segments=N)
        agg = agg / jnp.maximum(cnt, 1.0)[:, None]
        return agg @ Wl + bl + h @ Wr

    # layer 1 + BN + ReLU (dropout is identity in eval)
    h = sage(x, W_l1, b_l1, W_r1)
    mu = h.mean(axis=0)
    var = h.var(axis=0)
    h = (h - mu) / jnp.sqrt(var + 1e-5) * gamma + beta
    h = jax.nn.relu(h)
    # layer 2 (no BN/ReLU on last layer)
    h = sage(h, W_l2, b_l2, W_r2)
    # sketch projection + global mean pool (batch=None)
    sketch = h @ W_sk + b_sk
    sketch = sketch.mean(axis=0, keepdims=True)
    # classifier
    hid = jax.nn.relu(sketch @ W_c1 + b_c1)
    logits = hid @ W_c2 + b_c2
    return logits

if __name__ == "__main__":
    import jax
    _d = setup_inputs()
    print(jax.jit(kernel)(*tuple(_d.values())))

</pallas_src>

<mosaic_0001>
#map = affine_map<(d0, d1) -> (0)>
#map1 = affine_map<(d0, d1) -> (0, 0)>
#map2 = affine_map<(d0, d1) -> (0, 0, 0)>
module attributes {stable_mosaic.version = 14 : i64} {
  func.func @_agg_body(%arg0: i32, %arg1: i32, %arg2: memref<160000xi32, #tpu.memory_space<hbm>>, %arg3: memref<160000xi32, #tpu.memory_space<hbm>>, %arg4: memref<20000x128xf32, #tpu.memory_space<hbm>>, %arg5: memref<16x625x128xf32, #tpu.memory_space<hbm>>, %arg6: memref<16x625x128xf32, #tpu.memory_space<hbm>>, %arg7: memref<80x128xf32, #tpu.memory_space<hbm>>, %arg8: memref<80x128xf32, #tpu.memory_space<hbm>>, %arg9: memref<128xi32, #tpu.memory_space<vmem>>, %arg10: memref<128xi32, #tpu.memory_space<vmem>>, %arg11: memref<128x128xf32, #tpu.memory_space<vmem>>, %arg12: memref<128xi32, #tpu.memory_space<vmem>>, %arg13: memref<128xi32, #tpu.memory_space<vmem>>, %arg14: memref<128x128xf32, #tpu.memory_space<vmem>>, %arg15: memref<80x128xf32, #tpu.memory_space<vmem>>, %arg16: memref<80xi32, #tpu.memory_space<vmem>>, %arg17: memref<10000x128xf32, #tpu.memory_space<vmem_shared>>, %arg18: memref<80x128xf32, #tpu.memory_space<vmem_shared>>, %arg19: memref<!tpu.dma_semaphore, #tpu.memory_space<semaphore_mem>>, %arg20: memref<!tpu.dma_semaphore, #tpu.memory_space<semaphore_mem>>) attributes {dimension_semantics = [#tpu.dimension_semantics<core_parallel>, #tpu.dimension_semantics<subcore_parallel>], iteration_bounds = array<i64: 2, 16>, scalar_prefetch = 0 : i64, scratch_operands = 12 : i64, tpu.core_type = #tpu.core_type<sc_vector_subcore>, window_params = [{transform_indices = #map}, {transform_indices = #map}, {transform_indices = #map1}, {transform_indices = #map2}, {transform_indices = #map2}, {transform_indices = #map1}, {transform_indices = #map1}]} {
    %mul3A = arith.constant 625 : i32
    %mul3A_0 = arith.muli %arg1, %mul3A : i32
    %scan3A = arith.constant 0 : i32
    %scan3A_1 = arith.constant 0 : i32
    %scan3A_2 = arith.constant 80 : i32
    %scan3A_3 = arith.addi %scan3A_1, %scan3A_2 : i32
    %scan3A_4 = arith.constant 1 : i32
    %scan3A_5 = scf.for %scan3A_201 = %scan3A_1 to %scan3A_3 step %scan3A_4 iter_args(%scan3A_202 = %scan3A) -> (i32)  : i32 {
      %broadcast_in_dim3A_203 = arith.constant 0.000000e+00 : f32
      %broadcast_in_dim3A_204 = vector.broadcast %broadcast_in_dim3A_203 : f32 to vector<16xf32>
      %swap3A_205 = arith.index_cast %scan3A_201 : i32 to index
      %swap3A_206 = arith.constant 0 : index
      %swap3A_207 = tpu.vector_load %arg15[%swap3A_205, %swap3A_206] {strides = array<i32>} : memref<80x128xf32, #tpu.memory_space<vmem>>, vector<16xf32>,
      tpu.vector_store %arg15[%swap3A_205, %swap3A_206], %broadcast_in_dim3A_204 {strides = array<i32>} : memref<80x128xf32, #tpu.memory_space<vmem>>, vector<16xf32>,
      %broadcast_in_dim3A_208 = arith.constant 0.000000e+00 : f32
      %broadcast_in_dim3A_209 = vector.broadcast %broadcast_in_dim3A_208 : f32 to vector<16xf32>
      %swap3A_210 = arith.index_cast %scan3A_201 : i32 to index
      %swap3A_211 = arith.constant 16 : index
      %swap3A_212 = tpu.vector_load %arg15[%swap3A_210, %swap3A_211] {strides = array<i32>} : memref<80x128xf32, #tpu.memory_space<vmem>>, vector<16xf32>,
      tpu.vector_store %arg15[%swap3A_210, %swap3A_211], %broadcast_in_dim3A_209 {strides = array<i32>} : memref<80x128xf32, #tpu.memory_space<vmem>>, vector<16xf32>,
      %broadcast_in_dim3A_213 = arith.constant 0.000000e+00 : f32
      %broadcast_in_dim3A_214 = vector.broadcast %broadcast_in_dim3A_213 : f32 to vector<16xf32>
      %swap3A_215 = arith.index_cast %scan3A_201 : i32 to index
      %swap3A_216 = arith.constant 32 : index
      %swap3A_217 = tpu.vector_load %arg15[%swap3A_215, %swap3A_216] {strides = array<i32>} : memref<80x128xf32, #tpu.memory_space<vmem>>, vector<16xf32>,
      tpu.vector_store %arg15[%swap3A_215, %swap3A_216], %broadcast_in_dim3A_214 {strides = array<i32>} : memref<80x128xf32, #tpu.memory_space<vmem>>, vector<16xf32>,
      %broadcast_in_dim3A_218 = arith.constant 0.000000e+00 : f32
      %broadcast_in_dim3A_219 = vector.broadcast %broadcast_in_dim3A_218 : f32 to vector<16xf32>
      %swap3A_220 = arith.index_cast %scan3A_201 : i32 to index
      %swap3A_221 = arith.constant 48 : index
      %swap3A_222 = tpu.vector_load %arg15[%swap3A_220, %swap3A_221] {strides = array<i32>} : memref<80x128xf32, #tpu.memory_space<vmem>>, vector<16xf32>,
      tpu.vector_store %arg15[%swap3A_220, %swap3A_221], %broadcast_in_dim3A_219 {strides = array<i32>} : memref<80x128xf32, #tpu.memory_space<vmem>>, vector<16xf32>,
      %broadcast_in_dim3A_223 = arith.constant 0.000000e+00 : f32
      %broadcast_in_dim3A_224 = vector.broadcast %broadcast_in_dim3A_223 : f32 to vector<16xf32>
      %swap3A_225 = arith.index_cast %scan3A_201 : i32 to index
      %swap3A_226 = arith.constant 64 : index
      %swap3A_227 = tpu.vector_load %arg15[%swap3A_225, %swap3A_226] {strides = array<i32>} : memref<80x128xf32, #tpu.memory_space<vmem>>, vector<16xf32>,
      tpu.vector_store %arg15[%swap3A_225, %swap3A_226], %broadcast_in_dim3A_224 {strides = array<i32>} : memref<80x128xf32, #tpu.memory_space<vmem>>, vector<16xf32>,
      %broadcast_in_dim3A_228 = arith.constant 0.000000e+00 : f32
      %broadcast_in_dim3A_229 = vector.broadcast %broadcast_in_dim3A_228 : f32 to vector<16xf32>
      %swap3A_230 = arith.index_cast %scan3A_201 : i32 to index
      %swap3A_231 = arith.constant 80 : index
      %swap3A_232 = tpu.vector_load %arg15[%swap3A_230, %swap3A_231] {strides = array<i32>} : memref<80x128xf32, #tpu.memory_space<vmem>>, vector<16xf32>,
      tpu.vector_store %arg15[%swap3A_230, %swap3A_231], %broadcast_in_dim3A_229 {strides = array<i32>} : memref<80x128xf32, #tpu.memory_space<vmem>>, vector<16xf32>,
      %broadcast_in_dim3A_233 = arith.constant 0.000000e+00 : f32
      %broadcast_in_dim3A_234 = vector.broadcast %broadcast_in_dim3A_233 : f32 to vector<16xf32>
      %swap3A_235 = arith.index_cast %scan3A_201 : i32 to index
      %swap3A_236 = arith.constant 96 : index
      %swap3A_237 = tpu.vector_load %arg15[%swap3A_235, %swap3A_236] {strides = array<i32>} : memref<80x128xf32, #tpu.memory_space<vmem>>, vector<16xf32>,
      tpu.vector_store %arg15[%swap3A_235, %swap3A_236], %broadcast_in_dim3A_234 {strides = array<i32>} : memref<80x128xf32, #tpu.memory_space<vmem>>, vector<16xf32>,
      %broadcast_in_dim3A_238 = arith.constant 0.000000e+00 : f32
      %broadcast_in_dim3A_239 = vector.broadcast %broadcast_in_dim3A_238 : f32 to vector<16xf32>
      %swap3A_240 = arith.index_cast %scan3A_201 : i32 to index
      %swap3A_241 = arith.constant 112 : index
      %swap3A_242 = tpu.vector_load %arg15[%swap3A_240, %swap3A_241] {strides = array<i32>} : memref<80x128xf32, #tpu.memory_space<vmem>>, vector<16xf32>,
      tpu.vector_store %arg15[%swap3A_240, %swap3A_241], %broadcast_in_dim3A_239 {strides = array<i32>} : memref<80x128xf32, #tpu.memory_space<vmem>>, vector<16xf32>,
      %scan3A_243 = arith.constant 0 : i32
      scf.yield %scan3A_243 : i32
    }
    %scan3A_6 = arith.constant 80 : i32
    %iota3A = tpu.iota {dimensions = array<i32: 0>} : vector<16xi32>
    %add3A = arith.constant 0 : i32
    %add3A_7 = vector.broadcast %add3A : i32 to vector<16xi32>
    %add3A_8 = arith.addi %iota3A, %add3A_7 : vector<16xi32>
    %swap3A = arith.constant 0 : index
    %swap3A_9 = tpu.vector_load %arg16[%swap3A] {strides = array<i32>} : memref<80xi32, #tpu.memory_space<vmem>>, vector<16xi32>,
    tpu.vector_store %arg16[%swap3A], %add3A_8 {strides = array<i32>} : memref<80xi32, #tpu.memory_space<vmem>>, vector<16xi32>,
    %iota3A_10 = tpu.iota {dimensions = array<i32: 0>} : vector<16xi32>
    %add3A_11 = arith.constant 16 : i32
    %add3A_12 = vector.broadcast %add3A_11 : i32 to vector<16xi32>
    %add3A_13 = arith.addi %iota3A_10, %add3A_12 : vector<16xi32>
    %swap3A_14 = arith.constant 16 : index
    %swap3A_15 = tpu.vector_load %arg16[%swap3A_14] {strides = array<i32>} : memref<80xi32, #tpu.memory_space<vmem>>, vector<16xi32>,
    tpu.vector_store %arg16[%swap3A_14], %add3A_13 {strides = array<i32>} : memref<80xi32, #tpu.memory_space<vmem>>, vector<16xi32>,
    %iota3A_16 = tpu.iota {dimensions = array<i32: 0>} : vector<16xi32>
    %add3A_17 = arith.constant 32 : i32
    %add3A_18 = vector.broadcast %add3A_17 : i32 to vector<16xi32>
    %add3A_19 = arith.addi %iota3A_16, %add3A_18 : vector<16xi32>
    %swap3A_20 = arith.constant 32 : index
    %swap3A_21 = tpu.vector_load %arg16[%swap3A_20] {strides = array<i32>} : memref<80xi32, #tpu.memory_space<vmem>>, vector<16xi32>,
    tpu.vector_store %arg16[%swap3A_20], %add3A_19 {strides = array<i32>} : memref<80xi32, #tpu.memory_space<vmem>>, vector<16xi32>,
    %iota3A_22 = tpu.iota {dimensions = array<i32: 0>} : vector<16xi32>
    %add3A_23 = arith.constant 48 : i32
    %add3A_24 = vector.broadcast %add3A_23 : i32 to vector<16xi32>
    %add3A_25 = arith.addi %iota3A_22, %add3A_24 : vector<16xi32>
    %swap3A_26 = arith.constant 48 : index
    %swap3A_27 = tpu.vector_load %arg16[%swap3A_26] {strides = array<i32>} : memref<80xi32, #tpu.memory_space<vmem>>, vector<16xi32>,
    tpu.vector_store %arg16[%swap3A_26], %add3A_25 {strides = array<i32>} : memref<80xi32, #tpu.memory_space<vmem>>, vector<16xi32>,
    %iota3A_28 = tpu.iota {dimensions = array<i32: 0>} : vector<16xi32>
    %add3A_29 = arith.constant 64 : i32
    %add3A_30 = vector.broadcast %add3A_29 : i32 to vector<16xi32>
    %add3A_31 = arith.addi %iota3A_28, %add3A_30 : vector<16xi32>
    %swap3A_32 = arith.constant 64 : index
    %swap3A_33 = tpu.vector_load %arg16[%swap3A_32] {strides = array<i32>} : memref<80xi32, #tpu.memory_space<vmem>>, vector<16xi32>,
    tpu.vector_store %arg16[%swap3A_32], %add3A_31 {strides = array<i32>} : memref<80xi32, #tpu.memory_space<vmem>>, vector<16xi32>,
    %scan3A_34 = arith.constant 0 : i32
    %scan3A_35 = arith.constant 0 : i32
    %scan3A_36 = arith.constant 128 : i32
    %scan3A_37 = arith.addi %scan3A_35, %scan3A_36 : i32
    %scan3A_38 = arith.constant 1 : i32
    %scan3A_39 = scf.for %scan3A_201 = %scan3A_35 to %scan3A_37 step %scan3A_38 iter_args(%scan3A_202 = %scan3A_34) -> (i32)  : i32 {
      %broadcast_in_dim3A_203 = arith.constant 0.000000e+00 : f32
      %broadcast_in_dim3A_204 = vector.broadcast %broadcast_in_dim3A_203 : f32 to vector<16xf32>
      %swap3A_205 = arith.index_cast %scan3A_201 : i32 to index
      %swap3A_206 = arith.constant 0 : index
      %swap3A_207 = tpu.vector_load %arg11[%swap3A_205, %swap3A_206] {strides = array<i32>} : memref<128x128xf32, #tpu.memory_space<vmem>>, vector<16xf32>,
      tpu.vector_store %arg11[%swap3A_205, %swap3A_206], %broadcast_in_dim3A_204 {strides = array<i32>} : memref<128x128xf32, #tpu.memory_space<vmem>>, vector<16xf32>,
      %broadcast_in_dim3A_208 = arith.constant 0.000000e+00 : f32
      %broadcast_in_dim3A_209 = vector.broadcast %broadcast_in_dim3A_208 : f32 to vector<16xf32>
      %swap3A_210 = arith.index_cast %scan3A_201 : i32 to index
      %swap3A_211 = arith.constant 16 : index
      %swap3A_212 = tpu.vector_load %arg11[%swap3A_210, %swap3A_211] {strides = array<i32>} : memref<128x128xf32, #tpu.memory_space<vmem>>, vector<16xf32>,
      tpu.vector_store %arg11[%swap3A_210, %swap3A_211], %broadcast_in_dim3A_209 {strides = array<i32>} : memref<128x128xf32, #tpu.memory_space<vmem>>, vector<16xf32>,
      %broadcast_in_dim3A_213 = arith.constant 0.000000e+00 : f32
      %broadcast_in_dim3A_214 = vector.broadcast %broadcast_in_dim3A_213 : f32 to vector<16xf32>
      %swap3A_215 = arith.index_cast %scan3A_201 : i32 to index
      %swap3A_216 = arith.constant 32 : index
      %swap3A_217 = tpu.vector_load %arg11[%swap3A_215, %swap3A_216] {strides = array<i32>} : memref<128x128xf32, #tpu.memory_space<vmem>>, vector<16xf32>,
      tpu.vector_store %arg11[%swap3A_215, %swap3A_216], %broadcast_in_dim3A_214 {strides = array<i32>} : memref<128x128xf32, #tpu.memory_space<vmem>>, vector<16xf32>,
      %broadcast_in_dim3A_218 = arith.constant 0.000000e+00 : f32
      %broadcast_in_dim3A_219 = vector.broadcast %broadcast_in_dim3A_218 : f32 to vector<16xf32>
      %swap3A_220 = arith.index_cast %scan3A_201 : i32 to index
      %swap3A_221 = arith.constant 48 : index
      %swap3A_222 = tpu.vector_load %arg11[%swap3A_220, %swap3A_221] {strides = array<i32>} : memref<128x128xf32, #tpu.memory_space<vmem>>, vector<16xf32>,
      tpu.vector_store %arg11[%swap3A_220, %swap3A_221], %broadcast_in_dim3A_219 {strides = array<i32>} : memref<128x128xf32, #tpu.memory_space<vmem>>, vector<16xf32>,
      %broadcast_in_dim3A_223 = arith.constant 0.000000e+00 : f32
      %broadcast_in_dim3A_224 = vector.broadcast %broadcast_in_dim3A_223 : f32 to vector<16xf32>
      %swap3A_225 = arith.index_cast %scan3A_201 : i32 to index
      %swap3A_226 = arith.constant 64 : index
      %swap3A_227 = tpu.vector_load %arg11[%swap3A_225, %swap3A_226] {strides = array<i32>} : memref<128x128xf32, #tpu.memory_space<vmem>>, vector<16xf32>,
      tpu.vector_store %arg11[%swap3A_225, %swap3A_226], %broadcast_in_dim3A_224 {strides = array<i32>} : memref<128x128xf32, #tpu.memory_space<vmem>>, vector<16xf32>,
      %broadcast_in_dim3A_228 = arith.constant 0.000000e+00 : f32
      %broadcast_in_dim3A_229 = vector.broadcast %broadcast_in_dim3A_228 : f32 to vector<16xf32>
      %swap3A_230 = arith.index_cast %scan3A_201 : i32 to index
      %swap3A_231 = arith.constant 80 : index
      %swap3A_232 = tpu.vector_load %arg11[%swap3A_230, %swap3A_231] {strides = array<i32>} : memref<128x128xf32, #tpu.memory_space<vmem>>, vector<16xf32>,
      tpu.vector_store %arg11[%swap3A_230, %swap3A_231], %broadcast_in_dim3A_229 {strides = array<i32>} : memref<128x128xf32, #tpu.memory_space<vmem>>, vector<16xf32>,
      %broadcast_in_dim3A_233 = arith.constant 0.000000e+00 : f32
      %broadcast_in_dim3A_234 = vector.broadcast %broadcast_in_dim3A_233 : f32 to vector<16xf32>
      %swap3A_235 = arith.index_cast %scan3A_201 : i32 to index
      %swap3A_236 = arith.constant 96 : index
      %swap3A_237 = tpu.vector_load %arg11[%swap3A_235, %swap3A_236] {strides = array<i32>} : memref<128x128xf32, #tpu.memory_space<vmem>>, vector<16xf32>,
      tpu.vector_store %arg11[%swap3A_235, %swap3A_236], %broadcast_in_dim3A_234 {strides = array<i32>} : memref<128x128xf32, #tpu.memory_space<vmem>>, vector<16xf32>,
      %broadcast_in_dim3A_238 = arith.constant 0.000000e+00 : f32
      %broadcast_in_dim3A_239 = vector.broadcast %broadcast_in_dim3A_238 : f32 to vector<16xf32>
      %swap3A_240 = arith.index_cast %scan3A_201 : i32 to index
      %swap3A_241 = arith.constant 112 : index
      %swap3A_242 = tpu.vector_load %arg11[%swap3A_240, %swap3A_241] {strides = array<i32>} : memref<128x128xf32, #tpu.memory_space<vmem>>, vector<16xf32>,
      tpu.vector_store %arg11[%swap3A_240, %swap3A_241], %broadcast_in_dim3A_239 {strides = array<i32>} : memref<128x128xf32, #tpu.memory_space<vmem>>, vector<16xf32>,
      %scan3A_243 = arith.constant 0 : i32
      scf.yield %scan3A_243 : i32
    }
    %scan3A_40 = arith.constant 128 : i32
    %lt3A = arith.constant 14 : i32
    %lt3A_41 = arith.cmpi slt, %arg1, %lt3A : i32
    %jit3A = arith.constant 5 : i32
    %jit3A_42 = arith.constant 4 : i32
    %select_n3A = arith.select %lt3A_41, %jit3A, %jit3A_42 : i32
    %while3A = arith.constant 0 : i32
    %while3A_43 = arith.constant 0 : i32
    %while3A_44 = arith.subi %select_n3A, %while3A : i32
    %while3A_45 = arith.addi %while3A, %while3A_44 : i32
    %while3A_46 = arith.constant 1 : i32
    %while3A_47 = arith.divsi %while3A_44, %while3A_46 : i32
    %while3A_48 = arith.muli %while3A_47, %while3A_46 : i32
    %while3A_49 = arith.addi %while3A, %while3A_48 : i32
    %while3A_50 = arith.constant 1 : i32
    %while3A_51 = scf.for %while3A_201 = %while3A to %while3A_49 step %while3A_50 iter_args(%while3A_202 = %while3A_43) -> (i32)  : i32 {
      %mul3A_203 = arith.constant 16 : i32
      %mul3A_204 = arith.muli %while3A_201, %mul3A_203 : i32
      %add3A_205 = arith.addi %arg1, %mul3A_204 : i32
      %mul3A_206 = arith.constant 128 : i32
      %mul3A_207 = arith.muli %add3A_205, %mul3A_206 : i32
      "tpu.region"() ({
        %run_scoped3A = tpu.sem_alloc : memref<!tpu.dma_semaphore, #tpu.memory_space<semaphore_mem>>
        %dma_start3A_209 = arith.constant 0 : i32
        %dma_start3A_210 = tpu.memref_slice %arg17[%mul3A_207, %dma_start3A_209] : memref<10000x128xf32, #tpu.memory_space<vmem_shared>> -> memref<128x128xf32, #tpu.memory_space<vmem_shared>>
        %dma_start3A_211 = arith.constant 0 : i32
        %dma_start3A_212 = tpu.memref_slice %arg17[%mul3A_207, %dma_start3A_211] : memref<10000x128xf32, #tpu.memory_space<vmem_shared>> -> memref<128x128xf32, #tpu.memory_space<vmem_shared>>
        tpu.enqueue_dma source(%arg11 : memref<128x128xf32, #tpu.memory_space<vmem>>) target(%dma_start3A_212 : memref<128x128xf32, #tpu.memory_space<vmem_shared>>) target_semaphore(%run_scoped3A : memref<!tpu.dma_semaphore, #tpu.memory_space<semaphore_mem>>)
        %dma_wait3A = arith.constant 0 : i32
        %dma_wait3A_213 = tpu.memref_slice %arg17[%mul3A_207, %dma_wait3A] : memref<10000x128xf32, #tpu.memory_space<vmem_shared>> -> memref<128x128xf32, #tpu.memory_space<vmem_shared>>
        %dma_wait3A_214 = arith.constant 0 : i32
        %dma_wait3A_215 = tpu.memref_slice %arg17[%mul3A_207, %dma_wait3A_214] : memref<10000x128xf32, #tpu.memory_space<vmem_shared>> -> memref<128x128xf32, #tpu.memory_space<vmem_shared>>
        tpu.wait_dma2 semaphore(%run_scoped3A : memref<!tpu.dma_semaphore, #tpu.memory_space<semaphore_mem>>) src(%arg11 : memref<128x128xf32, #tpu.memory_space<vmem>>) dst(%dma_wait3A_215 : memref<128x128xf32, #tpu.memory_space<vmem_shared>>)
        tpu.yield
      }) : () -> ()
      %while3A_208 = arith.constant 0 : i32
      scf.yield %while3A_208 : i32
    }
    %while3A_52 = arith.constant 1 : i32
    %while3A_53 = scf.for %while3A_201 = %while3A_49 to %while3A_45 step %while3A_52 iter_args(%while3A_202 = %while3A_51) -> (i32)  : i32 {
      %mul3A_203 = arith.constant 16 : i32
      %mul3A_204 = arith.muli %while3A_201, %mul3A_203 : i32
      %add3A_205 = arith.addi %arg1, %mul3A_204 : i32
      %mul3A_206 = arith.constant 128 : i32
      %mul3A_207 = arith.muli %add3A_205, %mul3A_206 : i32
      "tpu.region"() ({
        %run_scoped3A = tpu.sem_alloc : memref<!tpu.dma_semaphore, #tpu.memory_space<semaphore_mem>>
        %dma_start3A_209 = arith.constant 0 : i32
        %dma_start3A_210 = tpu.memref_slice %arg17[%mul3A_207, %dma_start3A_209] : memref<10000x128xf32, #tpu.memory_space<vmem_shared>> -> memref<128x128xf32, #tpu.memory_space<vmem_shared>>
        %dma_start3A_211 = arith.constant 0 : i32
        %dma_start3A_212 = tpu.memref_slice %arg17[%mul3A_207, %dma_start3A_211] : memref<10000x128xf32, #tpu.memory_space<vmem_shared>> -> memref<128x128xf32, #tpu.memory_space<vmem_shared>>
        tpu.enqueue_dma source(%arg11 : memref<128x128xf32, #tpu.memory_space<vmem>>) target(%dma_start3A_212 : memref<128x128xf32, #tpu.memory_space<vmem_shared>>) target_semaphore(%run_scoped3A : memref<!tpu.dma_semaphore, #tpu.memory_space<semaphore_mem>>)
        %dma_wait3A = arith.constant 0 : i32
        %dma_wait3A_213 = tpu.memref_slice %arg17[%mul3A_207, %dma_wait3A] : memref<10000x128xf32, #tpu.memory_space<vmem_shared>> -> memref<128x128xf32, #tpu.memory_space<vmem_shared>>
        %dma_wait3A_214 = arith.constant 0 : i32
        %dma_wait3A_215 = tpu.memref_slice %arg17[%mul3A_207, %dma_wait3A_214] : memref<10000x128xf32, #tpu.memory_space<vmem_shared>> -> memref<128x128xf32, #tpu.memory_space<vmem_shared>>
        tpu.wait_dma2 semaphore(%run_scoped3A : memref<!tpu.dma_semaphore, #tpu.memory_space<semaphore_mem>>) src(%arg11 : memref<128x128xf32, #tpu.memory_space<vmem>>) dst(%dma_wait3A_215 : memref<128x128xf32, #tpu.memory_space<vmem_shared>>)
        tpu.yield
      }) : () -> ()
      %while3A_208 = arith.constant 0 : i32
      scf.yield %while3A_208 : i32
    }
    %eq3A = arith.constant 15 : i32
    %eq3A_54 = arith.cmpi eq, %arg1, %eq3A : i32
    %convert_element_type3A = arith.extui %eq3A_54 : i1 to i32
    %cond3A = arith.constant 0 : i32
    %cond3A_55 = arith.cmpi ne, %convert_element_type3A, %cond3A : i32
    scf.if %cond3A_55 {
      "tpu.region"() ({
        %run_scoped3A = tpu.sem_alloc : memref<!tpu.dma_semaphore, #tpu.memory_space<semaphore_mem>>
        %dma_start3A_201 = arith.constant 0 : i32
        %dma_start3A_202 = arith.constant 0 : i32
        %dma_start3A_203 = tpu.memref_slice %arg11[%dma_start3A_201, %dma_start3A_202] : memref<128x128xf32, #tpu.memory_space<vmem>> -> memref<16x128xf32, #tpu.memory_space<vmem>>
        %dma_start3A_204 = arith.constant 9984 : i32
        %dma_start3A_205 = arith.constant 0 : i32
        %dma_start3A_206 = tpu.memref_slice %arg17[%dma_start3A_204, %dma_start3A_205] : memref<10000x128xf32, #tpu.memory_space<vmem_shared>> -> memref<16x128xf32, #tpu.memory_space<vmem_shared>>
        %dma_start3A_207 = arith.constant 9984 : i32
        %dma_start3A_208 = arith.constant 0 : i32
        %dma_start3A_209 = tpu.memref_slice %arg17[%dma_start3A_207, %dma_start3A_208] : memref<10000x128xf32, #tpu.memory_space<vmem_shared>> -> memref<16x128xf32, #tpu.memory_space<vmem_shared>>
        %dma_start3A_210 = arith.constant 0 : i32
        %dma_start3A_211 = arith.constant 0 : i32
        %dma_start3A_212 = tpu.memref_slice %arg11[%dma_start3A_210, %dma_start3A_211] : memref<128x128xf32, #tpu.memory_space<vmem>> -> memref<16x128xf32, #tpu.memory_space<vmem>>
        tpu.enqueue_dma source(%dma_start3A_212 : memref<16x128xf32, #tpu.memory_space<vmem>>) target(%dma_start3A_209 : memref<16x128xf32, #tpu.memory_space<vmem_shared>>) target_semaphore(%run_scoped3A : memref<!tpu.dma_semaphore, #tpu.memory_space<semaphore_mem>>)
        %dma_wait3A = arith.constant 0 : i32
        %dma_wait3A_213 = arith.constant 0 : i32
        %dma_wait3A_214 = tpu.memref_slice %arg11[%dma_wait3A, %dma_wait3A_213] : memref<128x128xf32, #tpu.memory_space<vmem>> -> memref<16x128xf32, #tpu.memory_space<vmem>>
        %dma_wait3A_215 = arith.constant 9984 : i32
        %dma_wait3A_216 = arith.constant 0 : i32
        %dma_wait3A_217 = tpu.memref_slice %arg17[%dma_wait3A_215, %dma_wait3A_216] : memref<10000x128xf32, #tpu.memory_space<vmem_shared>> -> memref<16x128xf32, #tpu.memory_space<vmem_shared>>
        %dma_wait3A_218 = arith.constant 9984 : i32
        %dma_wait3A_219 = arith.constant 0 : i32
        %dma_wait3A_220 = tpu.memref_slice %arg17[%dma_wait3A_218, %dma_wait3A_219] : memref<10000x128xf32, #tpu.memory_space<vmem_shared>> -> memref<16x128xf32, #tpu.memory_space<vmem_shared>>
        %dma_wait3A_221 = arith.constant 0 : i32
        %dma_wait3A_222 = arith.constant 0 : i32
        %dma_wait3A_223 = tpu.memref_slice %arg11[%dma_wait3A_221, %dma_wait3A_222] : memref<128x128xf32, #tpu.memory_space<vmem>> -> memref<16x128xf32, #tpu.memory_space<vmem>>
        tpu.wait_dma2 semaphore(%run_scoped3A : memref<!tpu.dma_semaphore, #tpu.memory_space<semaphore_mem>>) src(%dma_wait3A_223 : memref<16x128xf32, #tpu.memory_space<vmem>>) dst(%dma_wait3A_220 : memref<16x128xf32, #tpu.memory_space<vmem_shared>>)
        tpu.yield
      }) : () -> ()
    } else {
    }
    %eq3A_56 = arith.constant 0 : i32
    %eq3A_57 = arith.cmpi eq, %arg1, %eq3A_56 : i32
    %convert_element_type3A_58 = arith.extui %eq3A_57 : i1 to i32
    %cond3A_59 = arith.constant 0 : i32
    %cond3A_60 = arith.cmpi ne, %convert_element_type3A_58, %cond3A_59 : i32
    scf.if %cond3A_60 {
      "tpu.region"() ({
        %run_scoped3A = tpu.sem_alloc : memref<!tpu.dma_semaphore, #tpu.memory_space<semaphore_mem>>
        %dma_start3A_201 = arith.constant 0 : i32
        %dma_start3A_202 = arith.constant 0 : i32
        %dma_start3A_203 = tpu.memref_slice %arg11[%dma_start3A_201, %dma_start3A_202] : memref<128x128xf32, #tpu.memory_space<vmem>> -> memref<80x128xf32, #tpu.memory_space<vmem>>
        %dma_start3A_204 = arith.constant 0 : i32
        %dma_start3A_205 = arith.constant 0 : i32
        %dma_start3A_206 = tpu.memref_slice %arg11[%dma_start3A_204, %dma_start3A_205] : memref<128x128xf32, #tpu.memory_space<vmem>> -> memref<80x128xf32, #tpu.memory_space<vmem>>
        tpu.enqueue_dma source(%dma_start3A_206 : memref<80x128xf32, #tpu.memory_space<vmem>>) target(%arg18 : memref<80x128xf32, #tpu.memory_space<vmem_shared>>) target_semaphore(%run_scoped3A : memref<!tpu.dma_semaphore, #tpu.memory_space<semaphore_mem>>)
        %dma_wait3A = arith.constant 0 : i32
        %dma_wait3A_207 = arith.constant 0 : i32
        %dma_wait3A_208 = tpu.memref_slice %arg11[%dma_wait3A, %dma_wait3A_207] : memref<128x128xf32, #tpu.memory_space<vmem>> -> memref<80x128xf32, #tpu.memory_space<vmem>>
        %dma_wait3A_209 = arith.constant 0 : i32
        %dma_wait3A_210 = arith.constant 0 : i32
        %dma_wait3A_211 = tpu.memref_slice %arg11[%dma_wait3A_209, %dma_wait3A_210] : memref<128x128xf32, #tpu.memory_space<vmem>> -> memref<80x128xf32, #tpu.memory_space<vmem>>
        tpu.wait_dma2 semaphore(%run_scoped3A : memref<!tpu.dma_semaphore, #tpu.memory_space<semaphore_mem>>) src(%dma_wait3A_211 : memref<80x128xf32, #tpu.memory_space<vmem>>) dst(%arg18 : memref<80x128xf32, #tpu.memory_space<vmem_shared>>)
        tpu.yield
      }) : () -> ()
    } else {
    }
    %barrier3A = arith.constant 0 : index
    tpu.barrier barrier_id(%barrier3A)
    %lt3A_61 = arith.constant 2 : i32
    %lt3A_62 = arith.cmpi slt, %arg1, %lt3A_61 : i32
    %jit3A_63 = arith.constant 79 : i32
    %jit3A_64 = arith.constant 78 : i32
    %select_n3A_65 = arith.select %lt3A_62, %jit3A_63, %jit3A_64 : i32
    %mul3A_66 = arith.constant 10000 : i32
    %mul3A_67 = arith.muli %arg0, %mul3A_66 : i32
    %broadcast_in_dim3A = arith.constant 1.000000e+00 : f32
    %broadcast_in_dim3A_68 = vector.broadcast %broadcast_in_dim3A : f32 to vector<16xf32>
    %jit3A_69 = arith.constant 2 : i32
    %eq3A_70 = arith.constant 0 : i32
    %eq3A_71 = arith.cmpi eq, %jit3A_69, %eq3A_70 : i32
    %jit3A_72 = arith.constant 1 : i32
    %select_n3A_73 = arith.select %eq3A_71, %jit3A_72, %jit3A_69 : i32
    %rem3A = arith.remsi %arg1, %select_n3A_73 : i32
    %ne3A = arith.constant 0 : i32
    %ne3A_74 = arith.cmpi ne, %rem3A, %ne3A : i32
    %lt3A_75 = arith.constant 0 : i32
    %lt3A_76 = arith.cmpi slt, %rem3A, %lt3A_75 : i32
    %lt3A_77 = arith.constant 0 : i32
    %lt3A_78 = arith.cmpi slt, %select_n3A_73, %lt3A_77 : i32
    %ne3A_79 = arith.xori %lt3A_76, %lt3A_78 : i1
    %and3A = arith.andi %ne3A_79, %ne3A_74 : i1
    %add3A_80 = arith.addi %rem3A, %select_n3A_73 : i32
    %select_n3A_81 = arith.select %and3A, %add3A_80, %rem3A : i32
    %eq3A_82 = arith.cmpi eq, %select_n3A_81, %arg0 : i32
    %add3A_83 = arith.constant 0 : i32
    %add3A_84 = arith.addi %arg1, %add3A_83 : i32
    %mul3A_85 = arith.constant 128 : i32
    %mul3A_86 = arith.muli %add3A_84, %mul3A_85 : i32
    "tpu.region"() ({
      %run_scoped3A = tpu.sem_alloc : memref<!tpu.dma_semaphore, #tpu.memory_space<semaphore_mem>>
      %dma_start3A_201 = tpu.memref_slice %arg2[%mul3A_86] : memref<160000xi32, #tpu.memory_space<hbm>> -> memref<128xi32, #tpu.memory_space<hbm>>
      %dma_start3A_202 = tpu.memref_slice %arg2[%mul3A_86] : memref<160000xi32, #tpu.memory_space<hbm>> -> memref<128xi32, #tpu.memory_space<hbm>>
      tpu.enqueue_dma source(%dma_start3A_202 : memref<128xi32, #tpu.memory_space<hbm>>) target(%arg9 : memref<128xi32, #tpu.memory_space<vmem>>) target_semaphore(%run_scoped3A : memref<!tpu.dma_semaphore, #tpu.memory_space<semaphore_mem>>)
      %dma_wait3A = tpu.memref_slice %arg2[%mul3A_86] : memref<160000xi32, #tpu.memory_space<hbm>> -> memref<128xi32, #tpu.memory_space<hbm>>
      %dma_wait3A_203 = tpu.memref_slice %arg2[%mul3A_86] : memref<160000xi32, #tpu.memory_space<hbm>> -> memref<128xi32, #tpu.memory_space<hbm>>
      tpu.wait_dma2 semaphore(%run_scoped3A : memref<!tpu.dma_semaphore, #tpu.memory_space<semaphore_mem>>) src(%dma_wait3A_203 : memref<128xi32, #tpu.memory_space<hbm>>) dst(%arg9 : memref<128xi32, #tpu.memory_space<vmem>>)
      tpu.yield
    }) : () -> ()
    "tpu.region"() ({
      %run_scoped3A = tpu.sem_alloc : memref<!tpu.dma_semaphore, #tpu.memory_space<semaphore_mem>>
      %dma_start3A_201 = tpu.memref_slice %arg3[%mul3A_86] : memref<160000xi32, #tpu.memory_space<hbm>> -> memref<128xi32, #tpu.memory_space<hbm>>
      %dma_start3A_202 = tpu.memref_slice %arg3[%mul3A_86] : memref<160000xi32, #tpu.memory_space<hbm>> -> memref<128xi32, #tpu.memory_space<hbm>>
      tpu.enqueue_dma source(%dma_start3A_202 : memref<128xi32, #tpu.memory_space<hbm>>) target(%arg10 : memref<128xi32, #tpu.memory_space<vmem>>) target_semaphore(%run_scoped3A : memref<!tpu.dma_semaphore, #tpu.memory_space<semaphore_mem>>)
      %dma_wait3A = tpu.memref_slice %arg3[%mul3A_86] : memref<160000xi32, #tpu.memory_space<hbm>> -> memref<128xi32, #tpu.memory_space<hbm>>
      %dma_wait3A_203 = tpu.memref_slice %arg3[%mul3A_86] : memref<160000xi32, #tpu.memory_space<hbm>> -> memref<128xi32, #tpu.memory_space<hbm>>
      tpu.wait_dma2 semaphore(%run_scoped3A : memref<!tpu.dma_semaphore, #tpu.memory_space<semaphore_mem>>) src(%dma_wait3A_203 : memref<128xi32, #tpu.memory_space<hbm>>) dst(%arg10 : memref<128xi32, #tpu.memory_space<vmem>>)
      tpu.yield
    }) : () -> ()
    %get3A = arith.constant 0 : index
    %get3A_87 = tpu.vector_load %arg9[%get3A] {strides = array<i32>} : memref<128xi32, #tpu.memory_space<vmem>>, vector<16xi32>,
    %add3A_88 = vector.broadcast %mul3A_67 : i32 to vector<16xi32>
    %add3A_89 = arith.addi %get3A_87, %add3A_88 : vector<16xi32>
    %swap3A_90 = arith.constant 0 : index
    %swap3A_91 = tpu.vector_load %arg9[%swap3A_90] {strides = array<i32>} : memref<128xi32, #tpu.memory_space<vmem>>, vector<16xi32>,
    tpu.vector_store %arg9[%swap3A_90], %add3A_89 {strides = array<i32>} : memref<128xi32, #tpu.memory_space<vmem>>, vector<16xi32>,
    %get3A_92 = arith.constant 16 : index
    %get3A_93 = tpu.vector_load %arg9[%get3A_92] {strides = array<i32>} : memref<128xi32, #tpu.memory_space<vmem>>, vector<16xi32>,
    %add3A_94 = vector.broadcast %mul3A_67 : i32 to vector<16xi32>
    %add3A_95 = arith.addi %get3A_93, %add3A_94 : vector<16xi32>
    %swap3A_96 = arith.constant 16 : index
    %swap3A_97 = tpu.vector_load %arg9[%swap3A_96] {strides = array<i32>} : memref<128xi32, #tpu.memory_space<vmem>>, vector<16xi32>,
    tpu.vector_store %arg9[%swap3A_96], %add3A_95 {strides = array<i32>} : memref<128xi32, #tpu.memory_space<vmem>>, vector<16xi32>,
    %get3A_98 = arith.constant 32 : index
    %get3A_99 = tpu.vector_load %arg9[%get3A_98] {strides = array<i32>} : memref<128xi32, #tpu.memory_space<vmem>>, vector<16xi32>,
    %add3A_100 = vector.broadcast %mul3A_67 : i32 to vector<16xi32>
    %add3A_101 = arith.addi %get3A_99, %add3A_100 : vector<16xi32>
    %swap3A_102 = arith.constant 32 : index
    %swap3A_103 = tpu.vector_load %arg9[%swap3A_102] {strides = array<i32>} : memref<128xi32, #tpu.memory_space<vmem>>, vector<16xi32>,
    tpu.vector_store %arg9[%swap3A_102], %add3A_101 {strides = array<i32>} : memref<128xi32, #tpu.memory_space<vmem>>, vector<16xi32>,
    %get3A_104 = arith.constant 48 : index
    %get3A_105 = tpu.vector_load %arg9[%get3A_104] {strides = array<i32>} : memref<128xi32, #tpu.memory_space<vmem>>, vector<16xi32>,
    %add3A_106 = vector.broadcast %mul3A_67 : i32 to vector<16xi32>
    %add3A_107 = arith.addi %get3A_105, %add3A_106 : vector<16xi32>
    %swap3A_108 = arith.constant 48 : index
    %swap3A_109 = tpu.vector_load %arg9[%swap3A_108] {strides = array<i32>} : memref<128xi32, #tpu.memory_space<vmem>>, vector<16xi32>,
    tpu.vector_store %arg9[%swap3A_108], %add3A_107 {strides = array<i32>} : memref<128xi32, #tpu.memory_space<vmem>>, vector<16xi32>,
    %get3A_110 = arith.constant 64 : index
    %get3A_111 = tpu.vector_load %arg9[%get3A_110] {strides = array<i32>} : memref<128xi32, #tpu.memory_space<vmem>>, vector<16xi32>,
    %add3A_112 = vector.broadcast %mul3A_67 : i32 to vector<16xi32>
    %add3A_113 = arith.addi %get3A_111, %add3A_112 : vector<16xi32>
    %swap3A_114 = arith.constant 64 : index
    %swap3A_115 = tpu.vector_load %arg9[%swap3A_114] {strides = array<i32>} : memref<128xi32, #tpu.memory_space<vmem>>, vector<16xi32>,
    tpu.vector_store %arg9[%swap3A_114], %add3A_113 {strides = array<i32>} : memref<128xi32, #tpu.memory_space<vmem>>, vector<16xi32>,
    %get3A_116 = arith.constant 80 : index
    %get3A_117 = tpu.vector_load %arg9[%get3A_116] {strides = array<i32>} : memref<128xi32, #tpu.memory_space<vmem>>, vector<16xi32>,
    %add3A_118 = vector.broadcast %mul3A_67 : i32 to vector<16xi32>
    %add3A_119 = arith.addi %get3A_117, %add3A_118 : vector<16xi32>
    %swap3A_120 = arith.constant 80 : index
    %swap3A_121 = tpu.vector_load %arg9[%swap3A_120] {strides = array<i32>} : memref<128xi32, #tpu.memory_space<vmem>>, vector<16xi32>,
    tpu.vector_store %arg9[%swap3A_120], %add3A_119 {strides = array<i32>} : memref<128xi32, #tpu.memory_space<vmem>>, vector<16xi32>,
    %get3A_122 = arith.constant 96 : index
    %get3A_123 = tpu.vector_load %arg9[%get3A_122] {strides = array<i32>} : memref<128xi32, #tpu.memory_space<vmem>>, vector<16xi32>,
    %add3A_124 = vector.broadcast %mul3A_67 : i32 to vector<16xi32>
    %add3A_125 = arith.addi %get3A_123, %add3A_124 : vector<16xi32>
    %swap3A_126 = arith.constant 96 : index
    %swap3A_127 = tpu.vector_load %arg9[%swap3A_126] {strides = array<i32>} : memref<128xi32, #tpu.memory_space<vmem>>, vector<16xi32>,
    tpu.vector_store %arg9[%swap3A_126], %add3A_125 {strides = array<i32>} : memref<128xi32, #tpu.memory_space<vmem>>, vector<16xi32>,
    %get3A_128 = arith.constant 112 : index
    %get3A_129 = tpu.vector_load %arg9[%get3A_128] {strides = array<i32>} : memref<128xi32, #tpu.memory_space<vmem>>, vector<16xi32>,
    %add3A_130 = vector.broadcast %mul3A_67 : i32 to vector<16xi32>
    %add3A_131 = arith.addi %get3A_129, %add3A_130 : vector<16xi32>
    %swap3A_132 = arith.constant 112 : index
    %swap3A_133 = tpu.vector_load %arg9[%swap3A_132] {strides = array<i32>} : memref<128xi32, #tpu.memory_space<vmem>>, vector<16xi32>,
    tpu.vector_store %arg9[%swap3A_132], %add3A_131 {strides = array<i32>} : memref<128xi32, #tpu.memory_space<vmem>>, vector<16xi32>,
    %dma_start3A = arith.constant 0 : i32
    %dma_start3A_134 = arith.constant 0 : i32
    %dma_start3A_135 = tpu.memref_slice %arg4[%dma_start3A, %dma_start3A_134] : memref<20000x128xf32, #tpu.memory_space<hbm>> -> memref<20000x128xf32, #tpu.memory_space<hbm>>
    tpu.enqueue_indirect_dma source(%dma_start3A_135 : memref<20000x128xf32, #tpu.memory_space<hbm>>) target(%arg11 : memref<128x128xf32, #tpu.memory_space<vmem>>) offsets(%arg9 : memref<128xi32, #tpu.memory_space<vmem>>) semaphore(%arg19 : memref<!tpu.dma_semaphore, #tpu.memory_space<semaphore_mem>>)
    %add3A_136 = arith.constant 1 : i32
    %add3A_137 = arith.addi %select_n3A_65, %add3A_136 : i32
    %jit3A_138 = arith.constant 2 : i32
    %div3A = arith.divsi %add3A_137, %jit3A_138 : i32
    %sign3A = arith.constant 0 : i32
    %sign3A_139 = arith.cmpi sgt, %add3A_137, %sign3A : i32
    %sign3A_140 = arith.extui %sign3A_139 : i1 to i32
    %sign3A_141 = arith.constant 0 : i32
    %sign3A_142 = arith.cmpi slt, %add3A_137, %sign3A_141 : i32
    %sign3A_143 = arith.extui %sign3A_142 : i1 to i32
    %sign3A_144 = arith.subi %sign3A_140, %sign3A_143 : i32
    %sign3A_145 = arith.constant 0 : i32
    %sign3A_146 = arith.cmpi sgt, %jit3A_138, %sign3A_145 : i32
    %sign3A_147 = arith.extui %sign3A_146 : i1 to i32
    %sign3A_148 = arith.constant 0 : i32
    %sign3A_149 = arith.cmpi slt, %jit3A_138, %sign3A_148 : i32
    %sign3A_150 = arith.extui %sign3A_149 : i1 to i32
    %sign3A_151 = arith.subi %sign3A_147, %sign3A_150 : i32
    %ne3A_152 = arith.cmpi ne, %sign3A_144, %sign3A_151 : i32
    %rem3A_153 = arith.remsi %add3A_137, %jit3A_138 : i32
    %ne3A_154 = arith.constant 0 : i32
    %ne3A_155 = arith.cmpi ne, %rem3A_153, %ne3A_154 : i32
    %and3A_156 = arith.andi %ne3A_152, %ne3A_155 : i1
    %sub3A = arith.constant 1 : i32
    %sub3A_157 = arith.subi %div3A, %sub3A : i32
    %select_n3A_158 = arith.select %and3A_156, %sub3A_157, %div3A : i32
    %while3A_159 = arith.constant 0 : i32
    %while3A_160 = arith.constant 0 : i32
    %while3A_161 = arith.subi %select_n3A_158, %while3A_159 : i32
    %while3A_162 = arith.addi %while3A_159, %while3A_161 : i32
    %while3A_163 = arith.constant 1 : i32
    %while3A_164 = arith.divsi %while3A_161, %while3A_163 : i32
    %while3A_165 = arith.muli %while3A_164, %while3A_163 : i32
    %while3A_166 = arith.addi %while3A_159, %while3A_165 : i32
    %while3A_167 = arith.constant 1 : i32
    %while3A_168 = scf.for %while3A_201 = %while3A_159 to %while3A_166 step %while3A_167 iter_args(%while3A_202 = %while3A_160) -> (i32)  : i32 {
      %mul3A_203 = arith.constant 2 : i32
      %mul3A_204 = arith.muli %mul3A_203, %while3A_201 : i32
      %add3A_205 = arith.constant 1 : i32
      %add3A_206 = arith.addi %mul3A_204, %add3A_205 : i32
      %lt3A_207 = arith.cmpi slt, %add3A_206, %select_n3A_65 : i32
      %convert_element_type3A_208 = arith.extui %lt3A_207 : i1 to i32
      %cond3A_209 = arith.constant 0 : i32
      %cond3A_210 = arith.cmpi ne, %convert_element_type3A_208, %cond3A_209 : i32
      scf.if %cond3A_210 {
        %mul3A_221 = arith.constant 16 : i32
        %mul3A_222 = arith.muli %add3A_206, %mul3A_221 : i32
        %add3A_223 = arith.addi %arg1, %mul3A_222 : i32
        %mul3A_224 = arith.constant 128 : i32
        %mul3A_225 = arith.muli %add3A_223, %mul3A_224 : i32
        "tpu.region"() ({
          %run_scoped3A = tpu.sem_alloc : memref<!tpu.dma_semaphore, #tpu.memory_space<semaphore_mem>>
          %dma_start3A_277 = tpu.memref_slice %arg2[%mul3A_225] : memref<160000xi32, #tpu.memory_space<hbm>> -> memref<128xi32, #tpu.memory_space<hbm>>
          %dma_start3A_278 = tpu.memref_slice %arg2[%mul3A_225] : memref<160000xi32, #tpu.memory_space<hbm>> -> memref<128xi32, #tpu.memory_space<hbm>>
          tpu.enqueue_dma source(%dma_start3A_278 : memref<128xi32, #tpu.memory_space<hbm>>) target(%arg12 : memref<128xi32, #tpu.memory_space<vmem>>) target_semaphore(%run_scoped3A : memref<!tpu.dma_semaphore, #tpu.memory_space<semaphore_mem>>)
          %dma_wait3A_279 = tpu.memref_slice %arg2[%mul3A_225] : memref<160000xi32, #tpu.memory_space<hbm>> -> memref<128xi32, #tpu.memory_space<hbm>>
          %dma_wait3A_280 = tpu.memref_slice %arg2[%mul3A_225] : memref<160000xi32, #tpu.memory_space<hbm>> -> memref<128xi32, #tpu.memory_space<hbm>>
          tpu.wait_dma2 semaphore(%run_scoped3A : memref<!tpu.dma_semaphore, #tpu.memory_space<semaphore_mem>>) src(%dma_wait3A_280 : memref<128xi32, #tpu.memory_space<hbm>>) dst(%arg12 : memref<128xi32, #tpu.memory_space<vmem>>)
          tpu.yield
        }) : () -> ()
        "tpu.region"() ({
          %run_scoped3A = tpu.sem_alloc : memref<!tpu.dma_semaphore, #tpu.memory_space<semaphore_mem>>
          %dma_start3A_277 = tpu.memref_slice %arg3[%mul3A_225] : memref<160000xi32, #tpu.memory_space<hbm>> -> memref<128xi32, #tpu.memory_space<hbm>>
          %dma_start3A_278 = tpu.memref_slice %arg3[%mul3A_225] : memref<160000xi32, #tpu.memory_space<hbm>> -> memref<128xi32, #tpu.memory_space<hbm>>
          tpu.enqueue_dma source(%dma_start3A_278 : memref<128xi32, #tpu.memory_space<hbm>>) target(%arg13 : memref<128xi32, #tpu.memory_space<vmem>>) target_semaphore(%run_scoped3A : memref<!tpu.dma_semaphore, #tpu.memory_space<semaphore_mem>>)
          %dma_wait3A_279 = tpu.memref_slice %arg3[%mul3A_225] : memref<160000xi32, #tpu.memory_space<hbm>> -> memref<128xi32, #tpu.memory_space<hbm>>
          %dma_wait3A_280 = tpu.memref_slice %arg3[%mul3A_225] : memref<160000xi32, #tpu.memory_space<hbm>> -> memref<128xi32, #tpu.memory_space<hbm>>
          tpu.wait_dma2 semaphore(%run_scoped3A : memref<!tpu.dma_semaphore, #tpu.memory_space<semaphore_mem>>) src(%dma_wait3A_280 : memref<128xi32, #tpu.memory_space<hbm>>) dst(%arg13 : memref<128xi32, #tpu.memory_space<vmem>>)
          tpu.yield
        }) : () -> ()
        %get3A_226 = arith.constant 0 : index
        %get3A_227 = tpu.vector_load %arg12[%get3A_226] {strides = array<i32>} : memref<128xi32, #tpu.memory_space<vmem>>, vector<16xi32>,
        %add3A_228 = vector.broadcast %mul3A_67 : i32 to vector<16xi32>
        %add3A_229 = arith.addi %get3A_227, %add3A_228 : vector<16xi32>
        %swap3A_230 = arith.constant 0 : index
        %swap3A_231 = tpu.vector_load %arg12[%swap3A_230] {strides = array<i32>} : memref<128xi32, #tpu.memory_space<vmem>>, vector<16xi32>,
        tpu.vector_store %arg12[%swap3A_230], %add3A_229 {strides = array<i32>} : memref<128xi32, #tpu.memory_space<vmem>>, vector<16xi32>,
        %get3A_232 = arith.constant 16 : index
        %get3A_233 = tpu.vector_load %arg12[%get3A_232] {strides = array<i32>} : memref<128xi32, #tpu.memory_space<vmem>>, vector<16xi32>,
        %add3A_234 = vector.broadcast %mul3A_67 : i32 to vector<16xi32>
        %add3A_235 = arith.addi %get3A_233, %add3A_234 : vector<16xi32>
        %swap3A_236 = arith.constant 16 : index
        %swap3A_237 = tpu.vector_load %arg12[%swap3A_236] {strides = array<i32>} : memref<128xi32, #tpu.memory_space<vmem>>, vector<16xi32>,
        tpu.vector_store %arg12[%swap3A_236], %add3A_235 {strides = array<i32>} : memref<128xi32, #tpu.memory_space<vmem>>, vector<16xi32>,
        %get3A_238 = arith.constant 32 : index
        %get3A_239 = tpu.vector_load %arg12[%get3A_238] {strides = array<i32>} : memref<128xi32, #tpu.memory_space<vmem>>, vector<16xi32>,
        %add3A_240 = vector.broadcast %mul3A_67 : i32 to vector<16xi32>
        %add3A_241 = arith.addi %get3A_239, %add3A_240 : vector<16xi32>
        %swap3A_242 = arith.constant 32 : index
        %swap3A_243 = tpu.vector_load %arg12[%swap3A_242] {strides = array<i32>} : memref<128xi32, #tpu.memory_space<vmem>>, vector<16xi32>,
        tpu.vector_store %arg12[%swap3A_242], %add3A_241 {strides = array<i32>} : memref<128xi32, #tpu.memory_space<vmem>>, vector<16xi32>,
        %get3A_244 = arith.constant 48 : index
        %get3A_245 = tpu.vector_load %arg12[%get3A_244] {strides = array<i32>} : memref<128xi32, #tpu.memory_space<vmem>>, vector<16xi32>,
        %add3A_246 = vector.broadcast %mul3A_67 : i32 to vector<16xi32>
        %add3A_247 = arith.addi %get3A_245, %add3A_246 : vector<16xi32>
        %swap3A_248 = arith.constant 48 : index
        %swap3A_249 = tpu.vector_load %arg12[%swap3A_248] {strides = array<i32>} : memref<128xi32, #tpu.memory_space<vmem>>, vector<16xi32>,
        tpu.vector_store %arg12[%swap3A_248], %add3A_247 {strides = array<i32>} : memref<128xi32, #tpu.memory_space<vmem>>, vector<16xi32>,
        %get3A_250 = arith.constant 64 : index
        %get3A_251 = tpu.vector_load %arg12[%get3A_250] {strides = array<i32>} : memref<128xi32, #tpu.memory_space<vmem>>, vector<16xi32>,
        %add3A_252 = vector.broadcast %mul3A_67 : i32 to vector<16xi32>
        %add3A_253 = arith.addi %get3A_251, %add3A_252 : vector<16xi32>
        %swap3A_254 = arith.constant 64 : index
        %swap3A_255 = tpu.vector_load %arg12[%swap3A_254] {strides = array<i32>} : memref<128xi32, #tpu.memory_space<vmem>>, vector<16xi32>,
        tpu.vector_store %arg12[%swap3A_254], %add3A_253 {strides = array<i32>} : memref<128xi32, #tpu.memory_space<vmem>>, vector<16xi32>,
        %get3A_256 = arith.constant 80 : index
        %get3A_257 = tpu.vector_load %arg12[%get3A_256] {strides = array<i32>} : memref<128xi32, #tpu.memory_space<vmem>>, vector<16xi32>,
        %add3A_258 = vector.broadcast %mul3A_67 : i32 to vector<16xi32>
        %add3A_259 = arith.addi %get3A_257, %add3A_258 : vector<16xi32>
        %swap3A_260 = arith.constant 80 : index
        %swap3A_261 = tpu.vector_load %arg12[%swap3A_260] {strides = array<i32>} : memref<128xi32, #tpu.memory_space<vmem>>, vector<16xi32>,
        tpu.vector_store %arg12[%swap3A_260], %add3A_259 {strides = array<i32>} : memref<128xi32, #tpu.memory_space<vmem>>, vector<16xi32>,
        %get3A_262 = arith.constant 96 : index
        %get3A_263 = tpu.vector_load %arg12[%get3A_262] {strides = array<i32>} : memref<128xi32, #tpu.memory_space<vmem>>, vector<16xi32>,
        %add3A_264 = vector.broadcast %mul3A_67 : i32 to vector<16xi32>
        %add3A_265 = arith.addi %get3A_263, %add3A_264 : vector<16xi32>
        %swap3A_266 = arith.constant 96 : index
        %swap3A_267 = tpu.vector_load %arg12[%swap3A_266] {strides = array<i32>} : memref<128xi32, #tpu.memory_space<vmem>>, vector<16xi32>,
        tpu.vector_store %arg12[%swap3A_266], %add3A_265 {strides = array<i32>} : memref<128xi32, #tpu.memory_space<vmem>>, vector<16xi32>,
        %get3A_268 = arith.constant 112 : index
        %get3A_269 = tpu.vector_load %arg12[%get3A_268] {strides = array<i32>} : memref<128xi32, #tpu.memory_space<vmem>>, vector<16xi32>,
        %add3A_270 = vector.broadcast %mul3A_67 : i32 to vector<16xi32>
        %add3A_271 = arith.addi %get3A_269, %add3A_270 : vector<16xi32>
        %swap3A_272 = arith.constant 112 : index
        %swap3A_273 = tpu.vector_load %arg12[%swap3A_272] {strides = array<i32>} : memref<128xi32, #tpu.memory_space<vmem>>, vector<16xi32>,
        tpu.vector_store %arg12[%swap3A_272], %add3A_271 {strides = array<i32>} : memref<128xi32, #tpu.memory_space<vmem>>, vector<16xi32>,
        %dma_start3A_274 = arith.constant 0 : i32
        %dma_start3A_275 = arith.constant 0 : i32
        %dma_start3A_276 = tpu.memref_slice %arg4[%dma_start3A_274, %dma_start3A_275] : memref<20000x128xf32, #tpu.memory_space<hbm>> -> memref<20000x128xf32, #tpu.memory_space<hbm>>
        tpu.enqueue_indirect_dma source(%dma_start3A_276 : memref<20000x128xf32, #tpu.memory_space<hbm>>) target(%arg14 : memref<128x128xf32, #tpu.memory_space<vmem>>) offsets(%arg12 : memref<128xi32, #tpu.memory_space<vmem>>) semaphore(%arg20 : memref<!tpu.dma_semaphore, #tpu.memory_space<semaphore_mem>>)
      } else {
      }
      %dma_wait3A = arith.constant 0 : i32
      %dma_wait3A_211 = arith.constant 0 : i32
      %dma_wait3A_212 = tpu.memref_slice %arg4[%dma_wait3A, %dma_wait3A_211] : memref<20000x128xf32, #tpu.memory_space<hbm>> -> memref<20000x128xf32, #tpu.memory_space<hbm>>
      tpu.wait_indirect_dma semaphore(%arg19 : memref<!tpu.dma_semaphore, #tpu.memory_space<semaphore_mem>>) src(%dma_wait3A_212 : memref<20000x128xf32, #tpu.memory_space<hbm>>) dst(%arg11 : memref<128x128xf32, #tpu.memory_space<vmem>>)
      "tpu.region"() ({
        %run_scoped3A = tpu.sem_alloc : memref<!tpu.dma_semaphore, #tpu.memory_space<semaphore_mem>>
        %dma_start3A_221 = arith.constant 0 : i32
        %dma_start3A_222 = arith.constant 0 : i32
        %dma_start3A_223 = tpu.memref_slice %arg17[%dma_start3A_221, %dma_start3A_222] : memref<10000x128xf32, #tpu.memory_space<vmem_shared>> -> memref<10000x128xf32, #tpu.memory_space<vmem_shared>>
        tpu.enqueue_indirect_dma source(%arg11 : memref<128x128xf32, #tpu.memory_space<vmem>>) target(%dma_start3A_223 : memref<10000x128xf32, #tpu.memory_space<vmem_shared>>) offsets(%arg10 : memref<128xi32, #tpu.memory_space<vmem>>) semaphore(%run_scoped3A : memref<!tpu.dma_semaphore, #tpu.memory_space<semaphore_mem>>) {add = true}
        %dma_wait3A_224 = arith.constant 0 : i32
        %dma_wait3A_225 = arith.constant 0 : i32
        %dma_wait3A_226 = tpu.memref_slice %arg17[%dma_wait3A_224, %dma_wait3A_225] : memref<10000x128xf32, #tpu.memory_space<vmem_shared>> -> memref<10000x128xf32, #tpu.memory_space<vmem_shared>>
        tpu.wait_indirect_dma semaphore(%run_scoped3A : memref<!tpu.dma_semaphore, #tpu.memory_space<semaphore_mem>>) src(%arg11 : memref<128x128xf32, #tpu.memory_space<vmem>>) dst(%dma_wait3A_226 : memref<10000x128xf32, #tpu.memory_space<vmem_shared>>)
        tpu.yield
      }) : () -> ()
      %convert_element_type3A_213 = arith.extui %eq3A_82 : i1 to i32
      %cond3A_214 = arith.constant 0 : i32
      %cond3A_215 = arith.cmpi ne, %convert_element_type3A_213, %cond3A_214 : i32
      scf.if %cond3A_215 {
        %get3A_221 = arith.constant 0 : index
        %get3A_222 = tpu.vector_load %arg10[%get3A_221] {strides = array<i32>} : memref<128xi32, #tpu.memory_space<vmem>>, vector<16xi32>,
        %shift_right_logical3A = arith.constant 7 : i32
        %shift_right_logical3A_223 = vector.broadcast %shift_right_logical3A : i32 to vector<16xi32>
        %shift_right_logical3A_224 = arith.shrui %get3A_222, %shift_right_logical3A_223 : vector<16xi32>
        %and3A_225 = arith.constant 127 : i32
        %and3A_226 = vector.broadcast %and3A_225 : i32 to vector<16xi32>
        %and3A_227 = arith.andi %get3A_222, %and3A_226 : vector<16xi32>
        tpu.vector_store_idx %arg15[%shift_right_logical3A_224, %and3A_227], %broadcast_in_dim3A_68 {add = true} : memref<80x128xf32, #tpu.memory_space<vmem>>[vector<16xi32>, vector<16xi32>], vector<16xf32>,
        %get3A_228 = arith.constant 16 : index
        %get3A_229 = tpu.vector_load %arg10[%get3A_228] {strides = array<i32>} : memref<128xi32, #tpu.memory_space<vmem>>, vector<16xi32>,
        %shift_right_logical3A_230 = arith.constant 7 : i32
        %shift_right_logical3A_231 = vector.broadcast %shift_right_logical3A_230 : i32 to vector<16xi32>
        %shift_right_logical3A_232 = arith.shrui %get3A_229, %shift_right_logical3A_231 : vector<16xi32>
        %and3A_233 = arith.constant 127 : i32
        %and3A_234 = vector.broadcast %and3A_233 : i32 to vector<16xi32>
        %and3A_235 = arith.andi %get3A_229, %and3A_234 : vector<16xi32>
        tpu.vector_store_idx %arg15[%shift_right_logical3A_232, %and3A_235], %broadcast_in_dim3A_68 {add = true} : memref<80x128xf32, #tpu.memory_space<vmem>>[vector<16xi32>, vector<16xi32>], vector<16xf32>,
        %get3A_236 = arith.constant 32 : index
        %get3A_237 = tpu.vector_load %arg10[%get3A_236] {strides = array<i32>} : memref<128xi32, #tpu.memory_space<vmem>>, vector<16xi32>,
        %shift_right_logical3A_238 = arith.constant 7 : i32
        %shift_right_logical3A_239 = vector.broadcast %shift_right_logical3A_238 : i32 to vector<16xi32>
        %shift_right_logical3A_240 = arith.shrui %get3A_237, %shift_right_logical3A_239 : vector<16xi32>
        %and3A_241 = arith.constant 127 : i32
        %and3A_242 = vector.broadcast %and3A_241 : i32 to vector<16xi32>
        %and3A_243 = arith.andi %get3A_237, %and3A_242 : vector<16xi32>
        tpu.vector_store_idx %arg15[%shift_right_logical3A_240, %and3A_243], %broadcast_in_dim3A_68 {add = true} : memref<80x128xf32, #tpu.memory_space<vmem>>[vector<16xi32>, vector<16xi32>], vector<16xf32>,
        %get3A_244 = arith.constant 48 : index
        %get3A_245 = tpu.vector_load %arg10[%get3A_244] {strides = array<i32>} : memref<128xi32, #tpu.memory_space<vmem>>, vector<16xi32>,
        %shift_right_logical3A_246 = arith.constant 7 : i32
        %shift_right_logical3A_247 = vector.broadcast %shift_right_logical3A_246 : i32 to vector<16xi32>
        %shift_right_logical3A_248 = arith.shrui %get3A_245, %shift_right_logical3A_247 : vector<16xi32>
        %and3A_249 = arith.constant 127 : i32
        %and3A_250 = vector.broadcast %and3A_249 : i32 to vector<16xi32>
        %and3A_251 = arith.andi %get3A_245, %and3A_250 : vector<16xi32>
        tpu.vector_store_idx %arg15[%shift_right_logical3A_248, %and3A_251], %broadcast_in_dim3A_68 {add = true} : memref<80x128xf32, #tpu.memory_space<vmem>>[vector<16xi32>, vector<16xi32>], vector<16xf32>,
        %get3A_252 = arith.constant 64 : index
        %get3A_253 = tpu.vector_load %arg10[%get3A_252] {strides = array<i32>} : memref<128xi32, #tpu.memory_space<vmem>>, vector<16xi32>,
        %shift_right_logical3A_254 = arith.constant 7 : i32
        %shift_right_logical3A_255 = vector.broadcast %shift_right_logical3A_254 : i32 to vector<16xi32>
        %shift_right_logical3A_256 = arith.shrui %get3A_253, %shift_right_logical3A_255 : vector<16xi32>
        %and3A_257 = arith.constant 127 : i32
        %and3A_258 = vector.broadcast %and3A_257 : i32 to vector<16xi32>
        %and3A_259 = arith.andi %get3A_253, %and3A_258 : vector<16xi32>
        tpu.vector_store_idx %arg15[%shift_right_logical3A_256, %and3A_259], %broadcast_in_dim3A_68 {add = true} : memref<80x128xf32, #tpu.memory_space<vmem>>[vector<16xi32>, vector<16xi32>], vector<16xf32>,
        %get3A_260 = arith.constant 80 : index
        %get3A_261 = tpu.vector_load %arg10[%get3A_260] {strides = array<i32>} : memref<128xi32, #tpu.memory_space<vmem>>, vector<16xi32>,
        %shift_right_logical3A_262 = arith.constant 7 : i32
        %shift_right_logical3A_263 = vector.broadcast %shift_right_logical3A_262 : i32 to vector<16xi32>
        %shift_right_logical3A_264 = arith.shrui %get3A_261, %shift_right_logical3A_263 : vector<16xi32>
        %and3A_265 = arith.constant 127 : i32
        %and3A_266 = vector.broadcast %and3A_265 : i32 to vector<16xi32>
        %and3A_267 = arith.andi %get3A_261, %and3A_266 : vector<16xi32>
        tpu.vector_store_idx %arg15[%shift_right_logical3A_264, %and3A_267], %broadcast_in_dim3A_68 {add = true} : memref<80x128xf32, #tpu.memory_space<vmem>>[vector<16xi32>, vector<16xi32>], vector<16xf32>,
        %get3A_268 = arith.constant 96 : index
        %get3A_269 = tpu.vector_load %arg10[%get3A_268] {strides = array<i32>} : memref<128xi32, #tpu.memory_space<vmem>>, vector<16xi32>,
        %shift_right_logical3A_270 = arith.constant 7 : i32
        %shift_right_logical3A_271 = vector.broadcast %shift_right_logical3A_270 : i32 to vector<16xi32>
        %shift_right_logical3A_272 = arith.shrui %get3A_269, %shift_right_logical3A_271 : vector<16xi32>
        %and3A_273 = arith.constant 127 : i32
        %and3A_274 = vector.broadcast %and3A_273 : i32 to vector<16xi32>
        %and3A_275 = arith.andi %get3A_269, %and3A_274 : vector<16xi32>
        tpu.vector_store_idx %arg15[%shift_right_logical3A_272, %and3A_275], %broadcast_in_dim3A_68 {add = true} : memref<80x128xf32, #tpu.memory_space<vmem>>[vector<16xi32>, vector<16xi32>], vector<16xf32>,
        %get3A_276 = arith.constant 112 : index
        %get3A_277 = tpu.vector_load %arg10[%get3A_276] {strides = array<i32>} : memref<128xi32, #tpu.memory_space<vmem>>, vector<16xi32>,
        %shift_right_logical3A_278 = arith.constant 7 : i32
        %shift_right_logical3A_279 = vector.broadcast %shift_right_logical3A_278 : i32 to vector<16xi32>
        %shift_right_logical3A_280 = arith.shrui %get3A_277, %shift_right_logical3A_279 : vector<16xi32>
        %and3A_281 = arith.constant 127 : i32
        %and3A_282 = vector.broadcast %and3A_281 : i32 to vector<16xi32>
        %and3A_283 = arith.andi %get3A_277, %and3A_282 : vector<16xi32>
        tpu.vector_store_idx %arg15[%shift_right_logical3A_280, %and3A_283], %broadcast_in_dim3A_68 {add = true} : memref<80x128xf32, #tpu.memory_space<vmem>>[vector<16xi32>, vector<16xi32>], vector<16xf32>,
      } else {
      }
      %lt3A_216 = arith.cmpi slt, %add3A_206, %select_n3A_65 : i32
      %convert_element_type3A_217 = arith.extui %lt3A_216 : i1 to i32
      %cond3A_218 = arith.constant 0 : i32
      %cond3A_219 = arith.cmpi ne, %convert_element_type3A_217, %cond3A_218 : i32
      scf.if %cond3A_219 {
        %add3A_221 = arith.constant 1 : i32
        %add3A_222 = arith.addi %add3A_206, %add3A_221 : i32
        %lt3A_223 = arith.cmpi slt, %add3A_222, %select_n3A_65 : i32
        %convert_element_type3A_224 = arith.extui %lt3A_223 : i1 to i32
        %cond3A_225 = arith.constant 0 : i32
        %cond3A_226 = arith.cmpi ne, %convert_element_type3A_224, %cond3A_225 : i32
        scf.if %cond3A_226 {
          %add3A_233 = arith.constant 1 : i32
          %add3A_234 = arith.addi %add3A_206, %add3A_233 : i32
          %mul3A_235 = arith.constant 16 : i32
          %mul3A_236 = arith.muli %add3A_234, %mul3A_235 : i32
          %add3A_237 = arith.addi %arg1, %mul3A_236 : i32
          %mul3A_238 = arith.constant 128 : i32
          %mul3A_239 = arith.muli %add3A_237, %mul3A_238 : i32
          "tpu.region"() ({
            %run_scoped3A = tpu.sem_alloc : memref<!tpu.dma_semaphore, #tpu.memory_space<semaphore_mem>>
            %dma_start3A_291 = tpu.memref_slice %arg2[%mul3A_239] : memref<160000xi32, #tpu.memory_space<hbm>> -> memref<128xi32, #tpu.memory_space<hbm>>
            %dma_start3A_292 = tpu.memref_slice %arg2[%mul3A_239] : memref<160000xi32, #tpu.memory_space<hbm>> -> memref<128xi32, #tpu.memory_space<hbm>>
            tpu.enqueue_dma source(%dma_start3A_292 : memref<128xi32, #tpu.memory_space<hbm>>) target(%arg9 : memref<128xi32, #tpu.memory_space<vmem>>) target_semaphore(%run_scoped3A : memref<!tpu.dma_semaphore, #tpu.memory_space<semaphore_mem>>)
            %dma_wait3A_293 = tpu.memref_slice %arg2[%mul3A_239] : memref<160000xi32, #tpu.memory_space<hbm>> -> memref<128xi32, #tpu.memory_space<hbm>>
            %dma_wait3A_294 = tpu.memref_slice %arg2[%mul3A_239] : memref<160000xi32, #tpu.memory_space<hbm>> -> memref<128xi32, #tpu.memory_space<hbm>>
            tpu.wait_dma2 semaphore(%run_scoped3A : memref<!tpu.dma_semaphore, #tpu.memory_space<semaphore_mem>>) src(%dma_wait3A_294 : memref<128xi32, #tpu.memory_space<hbm>>) dst(%arg9 : memref<128xi32, #tpu.memory_space<vmem>>)
            tpu.yield
          }) : () -> ()
          "tpu.region"() ({
            %run_scoped3A = tpu.sem_alloc : memref<!tpu.dma_semaphore, #tpu.memory_space<semaphore_mem>>
            %dma_start3A_291 = tpu.memref_slice %arg3[%mul3A_239] : memref<160000xi32, #tpu.memory_space<hbm>> -> memref<128xi32, #tpu.memory_space<hbm>>
            %dma_start3A_292 = tpu.memref_slice %arg3[%mul3A_239] : memref<160000xi32, #tpu.memory_space<hbm>> -> memref<128xi32, #tpu.memory_space<hbm>>
            tpu.enqueue_dma source(%dma_start3A_292 : memref<128xi32, #tpu.memory_space<hbm>>) target(%arg10 : memref<128xi32, #tpu.memory_space<vmem>>) target_semaphore(%run_scoped3A : memref<!tpu.dma_semaphore, #tpu.memory_space<semaphore_mem>>)
            %dma_wait3A_293 = tpu.memref_slice %arg3[%mul3A_239] : memref<160000xi32, #tpu.memory_space<hbm>> -> memref<128xi32, #tpu.memory_space<hbm>>
            %dma_wait3A_294 = tpu.memref_slice %arg3[%mul3A_239] : memref<160000xi32, #tpu.memory_space<hbm>> -> memref<128xi32, #tpu.memory_space<hbm>>
            tpu.wait_dma2 semaphore(%run_scoped3A : memref<!tpu.dma_semaphore, #tpu.memory_space<semaphore_mem>>) src(%dma_wait3A_294 : memref<128xi32, #tpu.memory_space<hbm>>) dst(%arg10 : memref<128xi32, #tpu.memory_space<vmem>>)
            tpu.yield
          }) : () -> ()
          %get3A_240 = arith.constant 0 : index
          %get3A_241 = tpu.vector_load %arg9[%get3A_240] {strides = array<i32>} : memref<128xi32, #tpu.memory_space<vmem>>, vector<16xi32>,
          %add3A_242 = vector.broadcast %mul3A_67 : i32 to vector<16xi32>
          %add3A_243 = arith.addi %get3A_241, %add3A_242 : vector<16xi32>
          %swap3A_244 = arith.constant 0 : index
          %swap3A_245 = tpu.vector_load %arg9[%swap3A_244] {strides = array<i32>} : memref<128xi32, #tpu.memory_space<vmem>>, vector<16xi32>,
          tpu.vector_store %arg9[%swap3A_244], %add3A_243 {strides = array<i32>} : memref<128xi32, #tpu.memory_space<vmem>>, vector<16xi32>,
          %get3A_246 = arith.constant 16 : index
          %get3A_247 = tpu.vector_load %arg9[%get3A_246] {strides = array<i32>} : memref<128xi32, #tpu.memory_space<vmem>>, vector<16xi32>,
          %add3A_248 = vector.broadcast %mul3A_67 : i32 to vector<16xi32>
          %add3A_249 = arith.addi %get3A_247, %add3A_248 : vector<16xi32>
          %swap3A_250 = arith.constant 16 : index
          %swap3A_251 = tpu.vector_load %arg9[%swap3A_250] {strides = array<i32>} : memref<128xi32, #tpu.memory_space<vmem>>, vector<16xi32>,
          tpu.vector_store %arg9[%swap3A_250], %add3A_249 {strides = array<i32>} : memref<128xi32, #tpu.memory_space<vmem>>, vector<16xi32>,
          %get3A_252 = arith.constant 32 : index
          %get3A_253 = tpu.vector_load %arg9[%get3A_252] {strides = array<i32>} : memref<128xi32, #tpu.memory_space<vmem>>, vector<16xi32>,
          %add3A_254 = vector.broadcast %mul3A_67 : i32 to vector<16xi32>
          %add3A_255 = arith.addi %get3A_253, %add3A_254 : vector<16xi32>
          %swap3A_256 = arith.constant 32 : index
          %swap3A_257 = tpu.vector_load %arg9[%swap3A_256] {strides = array<i32>} : memref<128xi32, #tpu.memory_space<vmem>>, vector<16xi32>,
          tpu.vector_store %arg9[%swap3A_256], %add3A_255 {strides = array<i32>} : memref<128xi32, #tpu.memory_space<vmem>>, vector<16xi32>,
          %get3A_258 = arith.constant 48 : index
          %get3A_259 = tpu.vector_load %arg9[%get3A_258] {strides = array<i32>} : memref<128xi32, #tpu.memory_space<vmem>>, vector<16xi32>,
          %add3A_260 = vector.broadcast %mul3A_67 : i32 to vector<16xi32>
          %add3A_261 = arith.addi %get3A_259, %add3A_260 : vector<16xi32>
          %swap3A_262 = arith.constant 48 : index
          %swap3A_263 = tpu.vector_load %arg9[%swap3A_262] {strides = array<i32>} : memref<128xi32, #tpu.memory_space<vmem>>, vector<16xi32>,
          tpu.vector_store %arg9[%swap3A_262], %add3A_261 {strides = array<i32>} : memref<128xi32, #tpu.memory_space<vmem>>, vector<16xi32>,
          %get3A_264 = arith.constant 64 : index
          %get3A_265 = tpu.vector_load %arg9[%get3A_264] {strides = array<i32>} : memref<128xi32, #tpu.memory_space<vmem>>, vector<16xi32>,
          %add3A_266 = vector.broadcast %mul3A_67 : i32 to vector<16xi32>
          %add3A_267 = arith.addi %get3A_265, %add3A_266 : vector<16xi32>
          %swap3A_268 = arith.constant 64 : index
          %swap3A_269 = tpu.vector_load %arg9[%swap3A_268] {strides = array<i32>} : memref<128xi32, #tpu.memory_space<vmem>>, vector<16xi32>,
          tpu.vector_store %arg9[%swap3A_268], %add3A_267 {strides = array<i32>} : memref<128xi32, #tpu.memory_space<vmem>>, vector<16xi32>,
          %get3A_270 = arith.constant 80 : index
          %get3A_271 = tpu.vector_load %arg9[%get3A_270] {strides = array<i32>} : memref<128xi32, #tpu.memory_space<vmem>>, vector<16xi32>,
          %add3A_272 = vector.broadcast %mul3A_67 : i32 to vector<16xi32>
          %add3A_273 = arith.addi %get3A_271, %add3A_272 : vector<16xi32>
          %swap3A_274 = arith.constant 80 : index
          %swap3A_275 = tpu.vector_load %arg9[%swap3A_274] {strides = array<i32>} : memref<128xi32, #tpu.memory_space<vmem>>, vector<16xi32>,
          tpu.vector_store %arg9[%swap3A_274], %add3A_273 {strides = array<i32>} : memref<128xi32, #tpu.memory_space<vmem>>, vector<16xi32>,
          %get3A_276 = arith.constant 96 : index
          %get3A_277 = tpu.vector_load %arg9[%get3A_276] {strides = array<i32>} : memref<128xi32, #tpu.memory_space<vmem>>, vector<16xi32>,
          %add3A_278 = vector.broadcast %mul3A_67 : i32 to vector<16xi32>
          %add3A_279 = arith.addi %get3A_277, %add3A_278 : vector<16xi32>
          %swap3A_280 = arith.constant 96 : index
          %swap3A_281 = tpu.vector_load %arg9[%swap3A_280] {strides = array<i32>} : memref<128xi32, #tpu.memory_space<vmem>>, vector<16xi32>,
          tpu.vector_store %arg9[%swap3A_280], %add3A_279 {strides = array<i32>} : memref<128xi32, #tpu.memory_space<vmem>>, vector<16xi32>,
          %get3A_282 = arith.constant 112 : index
          %get3A_283 = tpu.vector_load %arg9[%get3A_282] {strides = array<i32>} : memref<128xi32, #tpu.memory_space<vmem>>, vector<16xi32>,
          %add3A_284 = vector.broadcast %mul3A_67 : i32 to vector<16xi32>
          %add3A_285 = arith.addi %get3A_283, %add3A_284 : vector<16xi32>
          %swap3A_286 = arith.constant 112 : index
          %swap3A_287 = tpu.vector_load %arg9[%swap3A_286] {strides = array<i32>} : memref<128xi32, #tpu.memory_space<vmem>>, vector<16xi32>,
          tpu.vector_store %arg9[%swap3A_286], %add3A_285 {strides = array<i32>} : memref<128xi32, #tpu.memory_space<vmem>>, vector<16xi32>,
          %dma_start3A_288 = arith.constant 0 : i32
          %dma_start3A_289 = arith.constant 0 : i32
          %dma_start3A_290 = tpu.memref_slice %arg4[%dma_start3A_288, %dma_start3A_289] : memref<20000x128xf32, #tpu.memory_space<hbm>> -> memref<20000x128xf32, #tpu.memory_space<hbm>>
          tpu.enqueue_indirect_dma source(%dma_start3A_290 : memref<20000x128xf32, #tpu.memory_space<hbm>>) target(%arg11 : memref<128x128xf32, #tpu.memory_space<vmem>>) offsets(%arg9 : memref<128xi32, #tpu.memory_space<vmem>>) semaphore(%arg19 : memref<!tpu.dma_semaphore, #tpu.memory_space<semaphore_mem>>)
        } else {
        }
        %dma_wait3A_227 = arith.constant 0 : i32
        %dma_wait3A_228 = arith.constant 0 : i32
        %dma_wait3A_229 = tpu.memref_slice %arg4[%dma_wait3A_227, %dma_wait3A_228] : memref<20000x128xf32, #tpu.memory_space<hbm>> -> memref<20000x128xf32, #tpu.memory_space<hbm>>
        tpu.wait_indirect_dma semaphore(%arg20 : memref<!tpu.dma_semaphore, #tpu.memory_space<semaphore_mem>>) src(%dma_wait3A_229 : memref<20000x128xf32, #tpu.memory_space<hbm>>) dst(%arg14 : memref<128x128xf32, #tpu.memory_space<vmem>>)
        "tpu.region"() ({
          %run_scoped3A = tpu.sem_alloc : memref<!tpu.dma_semaphore, #tpu.memory_space<semaphore_mem>>
          %dma_start3A_233 = arith.constant 0 : i32
          %dma_start3A_234 = arith.constant 0 : i32
          %dma_start3A_235 = tpu.memref_slice %arg17[%dma_start3A_233, %dma_start3A_234] : memref<10000x128xf32, #tpu.memory_space<vmem_shared>> -> memref<10000x128xf32, #tpu.memory_space<vmem_shared>>
          tpu.enqueue_indirect_dma source(%arg14 : memref<128x128xf32, #tpu.memory_space<vmem>>) target(%dma_start3A_235 : memref<10000x128xf32, #tpu.memory_space<vmem_shared>>) offsets(%arg13 : memref<128xi32, #tpu.memory_space<vmem>>) semaphore(%run_scoped3A : memref<!tpu.dma_semaphore, #tpu.memory_space<semaphore_mem>>) {add = true}
          %dma_wait3A_236 = arith.constant 0 : i32
          %dma_wait3A_237 = arith.constant 0 : i32
          %dma_wait3A_238 = tpu.memref_slice %arg17[%dma_wait3A_236, %dma_wait3A_237] : memref<10000x128xf32, #tpu.memory_space<vmem_shared>> -> memref<10000x128xf32, #tpu.memory_space<vmem_shared>>
          tpu.wait_indirect_dma semaphore(%run_scoped3A : memref<!tpu.dma_semaphore, #tpu.memory_space<semaphore_mem>>) src(%arg14 : memref<128x128xf32, #tpu.memory_space<vmem>>) dst(%dma_wait3A_238 : memref<10000x128xf32, #tpu.memory_space<vmem_shared>>)
          tpu.yield
        }) : () -> ()
        %convert_element_type3A_230 = arith.extui %eq3A_82 : i1 to i32
        %cond3A_231 = arith.constant 0 : i32
        %cond3A_232 = arith.cmpi ne, %convert_element_type3A_230, %cond3A_231 : i32
        scf.if %cond3A_232 {
          %get3A_233 = arith.constant 0 : index
          %get3A_234 = tpu.vector_load %arg13[%get3A_233] {strides = array<i32>} : memref<128xi32, #tpu.memory_space<vmem>>, vector<16xi32>,
          %shift_right_logical3A = arith.constant 7 : i32
          %shift_right_logical3A_235 = vector.broadcast %shift_right_logical3A : i32 to vector<16xi32>
          %shift_right_logical3A_236 = arith.shrui %get3A_234, %shift_right_logical3A_235 : vector<16xi32>
          %and3A_237 = arith.constant 127 : i32
          %and3A_238 = vector.broadcast %and3A_237 : i32 to vector<16xi32>
          %and3A_239 = arith.andi %get3A_234, %and3A_238 : vector<16xi32>
          tpu.vector_store_idx %arg15[%shift_right_logical3A_236, %and3A_239], %broadcast_in_dim3A_68 {add = true} : memref<80x128xf32, #tpu.memory_space<vmem>>[vector<16xi32>, vector<16xi32>], vector<16xf32>,
          %get3A_240 = arith.constant 16 : index
          %get3A_241 = tpu.vector_load %arg13[%get3A_240] {strides = array<i32>} : memref<128xi32, #tpu.memory_space<vmem>>, vector<16xi32>,
          %shift_right_logical3A_242 = arith.constant 7 : i32
          %shift_right_logical3A_243 = vector.broadcast %shift_right_logical3A_242 : i32 to vector<16xi32>
          %shift_right_logical3A_244 = arith.shrui %get3A_241, %shift_right_logical3A_243 : vector<16xi32>
          %and3A_245 = arith.constant 127 : i32
          %and3A_246 = vector.broadcast %and3A_245 : i32 to vector<16xi32>
          %and3A_247 = arith.andi %get3A_241, %and3A_246 : vector<16xi32>
          tpu.vector_store_idx %arg15[%shift_right_logical3A_244, %and3A_247], %broadcast_in_dim3A_68 {add = true} : memref<80x128xf32, #tpu.memory_space<vmem>>[vector<16xi32>, vector<16xi32>], vector<16xf32>,
          %get3A_248 = arith.constant 32 : index
          %get3A_249 = tpu.vector_load %arg13[%get3A_248] {strides = array<i32>} : memref<128xi32, #tpu.memory_space<vmem>>, vector<16xi32>,
          %shift_right_logical3A_250 = arith.constant 7 : i32
          %shift_right_logical3A_251 = vector.broadcast %shift_right_logical3A_250 : i32 to vector<16xi32>
          %shift_right_logical3A_252 = arith.shrui %get3A_249, %shift_right_logical3A_251 : vector<16xi32>
          %and3A_253 = arith.constant 127 : i32
          %and3A_254 = vector.broadcast %and3A_253 : i32 to vector<16xi32>
          %and3A_255 = arith.andi %get3A_249, %and3A_254 : vector<16xi32>
          tpu.vector_store_idx %arg15[%shift_right_logical3A_252, %and3A_255], %broadcast_in_dim3A_68 {add = true} : memref<80x128xf32, #tpu.memory_space<vmem>>[vector<16xi32>, vector<16xi32>], vector<16xf32>,
          %get3A_256 = arith.constant 48 : index
          %get3A_257 = tpu.vector_load %arg13[%get3A_256] {strides = array<i32>} : memref<128xi32, #tpu.memory_space<vmem>>, vector<16xi32>,
          %shift_right_logical3A_258 = arith.constant 7 : i32
          %shift_right_logical3A_259 = vector.broadcast %shift_right_logical3A_258 : i32 to vector<16xi32>
          %shift_right_logical3A_260 = arith.shrui %get3A_257, %shift_right_logical3A_259 : vector<16xi32>
          %and3A_261 = arith.constant 127 : i32
          %and3A_262 = vector.broadcast %and3A_261 : i32 to vector<16xi32>
          %and3A_263 = arith.andi %get3A_257, %and3A_262 : vector<16xi32>
          tpu.vector_store_idx %arg15[%shift_right_logical3A_260, %and3A_263], %broadcast_in_dim3A_68 {add = true} : memref<80x128xf32, #tpu.memory_space<vmem>>[vector<16xi32>, vector<16xi32>], vector<16xf32>,
          %get3A_264 = arith.constant 64 : index
          %get3A_265 = tpu.vector_load %arg13[%get3A_264] {strides = array<i32>} : memref<128xi32, #tpu.memory_space<vmem>>, vector<16xi32>,
          %shift_right_logical3A_266 = arith.constant 7 : i32
          %shift_right_logical3A_267 = vector.broadcast %shift_right_logical3A_266 : i32 to vector<16xi32>
          %shift_right_logical3A_268 = arith.shrui %get3A_265, %shift_right_logical3A_267 : vector<16xi32>
          %and3A_269 = arith.constant 127 : i32
          %and3A_270 = vector.broadcast %and3A_269 : i32 to vector<16xi32>
          %and3A_271 = arith.andi %get3A_265, %and3A_270 : vector<16xi32>
          tpu.vector_store_idx %arg15[%shift_right_logical3A_268, %and3A_271], %broadcast_in_dim3A_68 {add = true} : memref<80x128xf32, #tpu.memory_space<vmem>>[vector<16xi32>, vector<16xi32>], vector<16xf32>,
          %get3A_272 = arith.constant 80 : index
          %get3A_273 = tpu.vector_load %arg13[%get3A_272] {strides = array<i32>} : memref<128xi32, #tpu.memory_space<vmem>>, vector<16xi32>,
          %shift_right_logical3A_274 = arith.constant 7 : i32
          %shift_right_logical3A_275 = vector.broadcast %shift_right_logical3A_274 : i32 to vector<16xi32>
          %shift_right_logical3A_276 = arith.shrui %get3A_273, %shift_right_logical3A_275 : vector<16xi32>
          %and3A_277 = arith.constant 127 : i32
          %and3A_278 = vector.broadcast %and3A_277 : i32 to vector<16xi32>
          %and3A_279 = arith.andi %get3A_273, %and3A_278 : vector<16xi32>
          tpu.vector_store_idx %arg15[%shift_right_logical3A_276, %and3A_279], %broadcast_in_dim3A_68 {add = true} : memref<80x128xf32, #tpu.memory_space<vmem>>[vector<16xi32>, vector<16xi32>], vector<16xf32>,
          %get3A_280 = arith.constant 96 : index
          %get3A_281 = tpu.vector_load %arg13[%get3A_280] {strides = array<i32>} : memref<128xi32, #tpu.memory_space<vmem>>, vector<16xi32>,
          %shift_right_logical3A_282 = arith.constant 7 : i32
          %shift_right_logical3A_283 = vector.broadcast %shift_right_logical3A_282 : i32 to vector<16xi32>
          %shift_right_logical3A_284 = arith.shrui %get3A_281, %shift_right_logical3A_283 : vector<16xi32>
          %and3A_285 = arith.constant 127 : i32
          %and3A_286 = vector.broadcast %and3A_285 : i32 to vector<16xi32>
          %and3A_287 = arith.andi %get3A_281, %and3A_286 : vector<16xi32>
          tpu.vector_store_idx %arg15[%shift_right_logical3A_284, %and3A_287], %broadcast_in_dim3A_68 {add = true} : memref<80x128xf32, #tpu.memory_space<vmem>>[vector<16xi32>, vector<16xi32>], vector<16xf32>,
          %get3A_288 = arith.constant 112 : index
          %get3A_289 = tpu.vector_load %arg13[%get3A_288] {strides = array<i32>} : memref<128xi32, #tpu.memory_space<vmem>>, vector<16xi32>,
          %shift_right_logical3A_290 = arith.constant 7 : i32
          %shift_right_logical3A_291 = vector.broadcast %shift_right_logical3A_290 : i32 to vector<16xi32>
          %shift_right_logical3A_292 = arith.shrui %get3A_289, %shift_right_logical3A_291 : vector<16xi32>
          %and3A_293 = arith.constant 127 : i32
          %and3A_294 = vector.broadcast %and3A_293 : i32 to vector<16xi32>
          %and3A_295 = arith.andi %get3A_289, %and3A_294 : vector<16xi32>
          tpu.vector_store_idx %arg15[%shift_right_logical3A_292, %and3A_295], %broadcast_in_dim3A_68 {add = true} : memref<80x128xf32, #tpu.memory_space<vmem>>[vector<16xi32>, vector<16xi32>], vector<16xf32>,
        } else {
        }
      } else {
      }
      %while3A_220 = arith.constant 0 : i32
      scf.yield %while3A_220 : i32
    }
    %while3A_169 = arith.constant 1 : i32
    %while3A_170 = scf.for %while3A_201 = %while3A_166 to %while3A_162 step %while3A_169 iter_args(%while3A_202 = %while3A_168) -> (i32)  : i32 {
      %mul3A_203 = arith.constant 2 : i32
      %mul3A_204 = arith.muli %mul3A_203, %while3A_201 : i32
      %add3A_205 = arith.constant 1 : i32
      %add3A_206 = arith.addi %mul3A_204, %add3A_205 : i32
      %lt3A_207 = arith.cmpi slt, %add3A_206, %select_n3A_65 : i32
      %convert_element_type3A_208 = arith.extui %lt3A_207 : i1 to i32
      %cond3A_209 = arith.constant 0 : i32
      %cond3A_210 = arith.cmpi ne, %convert_element_type3A_208, %cond3A_209 : i32
      scf.if %cond3A_210 {
        %mul3A_221 = arith.constant 16 : i32
        %mul3A_222 = arith.muli %add3A_206, %mul3A_221 : i32
        %add3A_223 = arith.addi %arg1, %mul3A_222 : i32
        %mul3A_224 = arith.constant 128 : i32
        %mul3A_225 = arith.muli %add3A_223, %mul3A_224 : i32
        "tpu.region"() ({
          %run_scoped3A = tpu.sem_alloc : memref<!tpu.dma_semaphore, #tpu.memory_space<semaphore_mem>>
          %dma_start3A_277 = tpu.memref_slice %arg2[%mul3A_225] : memref<160000xi32, #tpu.memory_space<hbm>> -> memref<128xi32, #tpu.memory_space<hbm>>
          %dma_start3A_278 = tpu.memref_slice %arg2[%mul3A_225] : memref<160000xi32, #tpu.memory_space<hbm>> -> memref<128xi32, #tpu.memory_space<hbm>>
          tpu.enqueue_dma source(%dma_start3A_278 : memref<128xi32, #tpu.memory_space<hbm>>) target(%arg12 : memref<128xi32, #tpu.memory_space<vmem>>) target_semaphore(%run_scoped3A : memref<!tpu.dma_semaphore, #tpu.memory_space<semaphore_mem>>)
          %dma_wait3A_279 = tpu.memref_slice %arg2[%mul3A_225] : memref<160000xi32, #tpu.memory_space<hbm>> -> memref<128xi32, #tpu.memory_space<hbm>>
          %dma_wait3A_280 = tpu.memref_slice %arg2[%mul3A_225] : memref<160000xi32, #tpu.memory_space<hbm>> -> memref<128xi32, #tpu.memory_space<hbm>>
          tpu.wait_dma2 semaphore(%run_scoped3A : memref<!tpu.dma_semaphore, #tpu.memory_space<semaphore_mem>>) src(%dma_wait3A_280 : memref<128xi32, #tpu.memory_space<hbm>>) dst(%arg12 : memref<128xi32, #tpu.memory_space<vmem>>)
          tpu.yield
        }) : () -> ()
        "tpu.region"() ({
          %run_scoped3A = tpu.sem_alloc : memref<!tpu.dma_semaphore, #tpu.memory_space<semaphore_mem>>
          %dma_start3A_277 = tpu.memref_slice %arg3[%mul3A_225] : memref<160000xi32, #tpu.memory_space<hbm>> -> memref<128xi32, #tpu.memory_space<hbm>>
          %dma_start3A_278 = tpu.memref_slice %arg3[%mul3A_225] : memref<160000xi32, #tpu.memory_space<hbm>> -> memref<128xi32, #tpu.memory_space<hbm>>
          tpu.enqueue_dma source(%dma_start3A_278 : memref<128xi32, #tpu.memory_space<hbm>>) target(%arg13 : memref<128xi32, #tpu.memory_space<vmem>>) target_semaphore(%run_scoped3A : memref<!tpu.dma_semaphore, #tpu.memory_space<semaphore_mem>>)
          %dma_wait3A_279 = tpu.memref_slice %arg3[%mul3A_225] : memref<160000xi32, #tpu.memory_space<hbm>> -> memref<128xi32, #tpu.memory_space<hbm>>
          %dma_wait3A_280 = tpu.memref_slice %arg3[%mul3A_225] : memref<160000xi32, #tpu.memory_space<hbm>> -> memref<128xi32, #tpu.memory_space<hbm>>
          tpu.wait_dma2 semaphore(%run_scoped3A : memref<!tpu.dma_semaphore, #tpu.memory_space<semaphore_mem>>) src(%dma_wait3A_280 : memref<128xi32, #tpu.memory_space<hbm>>) dst(%arg13 : memref<128xi32, #tpu.memory_space<vmem>>)
          tpu.yield
        }) : () -> ()
        %get3A_226 = arith.constant 0 : index
        %get3A_227 = tpu.vector_load %arg12[%get3A_226] {strides = array<i32>} : memref<128xi32, #tpu.memory_space<vmem>>, vector<16xi32>,
        %add3A_228 = vector.broadcast %mul3A_67 : i32 to vector<16xi32>
        %add3A_229 = arith.addi %get3A_227, %add3A_228 : vector<16xi32>
        %swap3A_230 = arith.constant 0 : index
        %swap3A_231 = tpu.vector_load %arg12[%swap3A_230] {strides = array<i32>} : memref<128xi32, #tpu.memory_space<vmem>>, vector<16xi32>,
        tpu.vector_store %arg12[%swap3A_230], %add3A_229 {strides = array<i32>} : memref<128xi32, #tpu.memory_space<vmem>>, vector<16xi32>,
        %get3A_232 = arith.constant 16 : index
        %get3A_233 = tpu.vector_load %arg12[%get3A_232] {strides = array<i32>} : memref<128xi32, #tpu.memory_space<vmem>>, vector<16xi32>,
        %add3A_234 = vector.broadcast %mul3A_67 : i32 to vector<16xi32>
        %add3A_235 = arith.addi %get3A_233, %add3A_234 : vector<16xi32>
        %swap3A_236 = arith.constant 16 : index
        %swap3A_237 = tpu.vector_load %arg12[%swap3A_236] {strides = array<i32>} : memref<128xi32, #tpu.memory_space<vmem>>, vector<16xi32>,
        tpu.vector_store %arg12[%swap3A_236], %add3A_235 {strides = array<i32>} : memref<128xi32, #tpu.memory_space<vmem>>, vector<16xi32>,
        %get3A_238 = arith.constant 32 : index
        %get3A_239 = tpu.vector_load %arg12[%get3A_238] {strides = array<i32>} : memref<128xi32, #tpu.memory_space<vmem>>, vector<16xi32>,
        %add3A_240 = vector.broadcast %mul3A_67 : i32 to vector<16xi32>
        %add3A_241 = arith.addi %get3A_239, %add3A_240 : vector<16xi32>
        %swap3A_242 = arith.constant 32 : index
        %swap3A_243 = tpu.vector_load %arg12[%swap3A_242] {strides = array<i32>} : memref<128xi32, #tpu.memory_space<vmem>>, vector<16xi32>,
        tpu.vector_store %arg12[%swap3A_242], %add3A_241 {strides = array<i32>} : memref<128xi32, #tpu.memory_space<vmem>>, vector<16xi32>,
        %get3A_244 = arith.constant 48 : index
        %get3A_245 = tpu.vector_load %arg12[%get3A_244] {strides = array<i32>} : memref<128xi32, #tpu.memory_space<vmem>>, vector<16xi32>,
        %add3A_246 = vector.broadcast %mul3A_67 : i32 to vector<16xi32>
        %add3A_247 = arith.addi %get3A_245, %add3A_246 : vector<16xi32>
        %swap3A_248 = arith.constant 48 : index
        %swap3A_249 = tpu.vector_load %arg12[%swap3A_248] {strides = array<i32>} : memref<128xi32, #tpu.memory_space<vmem>>, vector<16xi32>,
        tpu.vector_store %arg12[%swap3A_248], %add3A_247 {strides = array<i32>} : memref<128xi32, #tpu.memory_space<vmem>>, vector<16xi32>,
        %get3A_250 = arith.constant 64 : index
        %get3A_251 = tpu.vector_load %arg12[%get3A_250] {strides = array<i32>} : memref<128xi32, #tpu.memory_space<vmem>>, vector<16xi32>,
        %add3A_252 = vector.broadcast %mul3A_67 : i32 to vector<16xi32>
        %add3A_253 = arith.addi %get3A_251, %add3A_252 : vector<16xi32>
        %swap3A_254 = arith.constant 64 : index
        %swap3A_255 = tpu.vector_load %arg12[%swap3A_254] {strides = array<i32>} : memref<128xi32, #tpu.memory_space<vmem>>, vector<16xi32>,
        tpu.vector_store %arg12[%swap3A_254], %add3A_253 {strides = array<i32>} : memref<128xi32, #tpu.memory_space<vmem>>, vector<16xi32>,
        %get3A_256 = arith.constant 80 : index
        %get3A_257 = tpu.vector_load %arg12[%get3A_256] {strides = array<i32>} : memref<128xi32, #tpu.memory_space<vmem>>, vector<16xi32>,
        %add3A_258 = vector.broadcast %mul3A_67 : i32 to vector<16xi32>
        %add3A_259 = arith.addi %get3A_257, %add3A_258 : vector<16xi32>
        %swap3A_260 = arith.constant 80 : index
        %swap3A_261 = tpu.vector_load %arg12[%swap3A_260] {strides = array<i32>} : memref<128xi32, #tpu.memory_space<vmem>>, vector<16xi32>,
        tpu.vector_store %arg12[%swap3A_260], %add3A_259 {strides = array<i32>} : memref<128xi32, #tpu.memory_space<vmem>>, vector<16xi32>,
        %get3A_262 = arith.constant 96 : index
        %get3A_263 = tpu.vector_load %arg12[%get3A_262] {strides = array<i32>} : memref<128xi32, #tpu.memory_space<vmem>>, vector<16xi32>,
        %add3A_264 = vector.broadcast %mul3A_67 : i32 to vector<16xi32>
        %add3A_265 = arith.addi %get3A_263, %add3A_264 : vector<16xi32>
        %swap3A_266 = arith.constant 96 : index
        %swap3A_267 = tpu.vector_load %arg12[%swap3A_266] {strides = array<i32>} : memref<128xi32, #tpu.memory_space<vmem>>, vector<16xi32>,
        tpu.vector_store %arg12[%swap3A_266], %add3A_265 {strides = array<i32>} : memref<128xi32, #tpu.memory_space<vmem>>, vector<16xi32>,
        %get3A_268 = arith.constant 112 : index
        %get3A_269 = tpu.vector_load %arg12[%get3A_268] {strides = array<i32>} : memref<128xi32, #tpu.memory_space<vmem>>, vector<16xi32>,
        %add3A_270 = vector.broadcast %mul3A_67 : i32 to vector<16xi32>
        %add3A_271 = arith.addi %get3A_269, %add3A_270 : vector<16xi32>
        %swap3A_272 = arith.constant 112 : index
        %swap3A_273 = tpu.vector_load %arg12[%swap3A_272] {strides = array<i32>} : memref<128xi32, #tpu.memory_space<vmem>>, vector<16xi32>,
        tpu.vector_store %arg12[%swap3A_272], %add3A_271 {strides = array<i32>} : memref<128xi32, #tpu.memory_space<vmem>>, vector<16xi32>,
        %dma_start3A_274 = arith.constant 0 : i32
        %dma_start3A_275 = arith.constant 0 : i32
        %dma_start3A_276 = tpu.memref_slice %arg4[%dma_start3A_274, %dma_start3A_275] : memref<20000x128xf32, #tpu.memory_space<hbm>> -> memref<20000x128xf32, #tpu.memory_space<hbm>>
        tpu.enqueue_indirect_dma source(%dma_start3A_276 : memref<20000x128xf32, #tpu.memory_space<hbm>>) target(%arg14 : memref<128x128xf32, #tpu.memory_space<vmem>>) offsets(%arg12 : memref<128xi32, #tpu.memory_space<vmem>>) semaphore(%arg20 : memref<!tpu.dma_semaphore, #tpu.memory_space<semaphore_mem>>)
      } else {
      }
      %dma_wait3A = arith.constant 0 : i32
      %dma_wait3A_211 = arith.constant 0 : i32
      %dma_wait3A_212 = tpu.memref_slice %arg4[%dma_wait3A, %dma_wait3A_211] : memref<20000x128xf32, #tpu.memory_space<hbm>> -> memref<20000x128xf32, #tpu.memory_space<hbm>>
      tpu.wait_indirect_dma semaphore(%arg19 : memref<!tpu.dma_semaphore, #tpu.memory_space<semaphore_mem>>) src(%dma_wait3A_212 : memref<20000x128xf32, #tpu.memory_space<hbm>>) dst(%arg11 : memref<128x128xf32, #tpu.memory_space<vmem>>)
      "tpu.region"() ({
        %run_scoped3A = tpu.sem_alloc : memref<!tpu.dma_semaphore, #tpu.memory_space<semaphore_mem>>
        %dma_start3A_221 = arith.constant 0 : i32
        %dma_start3A_222 = arith.constant 0 : i32
        %dma_start3A_223 = tpu.memref_slice %arg17[%dma_start3A_221, %dma_start3A_222] : memref<10000x128xf32, #tpu.memory_space<vmem_shared>> -> memref<10000x128xf32, #tpu.memory_space<vmem_shared>>
        tpu.enqueue_indirect_dma source(%arg11 : memref<128x128xf32, #tpu.memory_space<vmem>>) target(%dma_start3A_223 : memref<10000x128xf32, #tpu.memory_space<vmem_shared>>) offsets(%arg10 : memref<128xi32, #tpu.memory_space<vmem>>) semaphore(%run_scoped3A : memref<!tpu.dma_semaphore, #tpu.memory_space<semaphore_mem>>) {add = true}
        %dma_wait3A_224 = arith.constant 0 : i32
        %dma_wait3A_225 = arith.constant 0 : i32
        %dma_wait3A_226 = tpu.memref_slice %arg17[%dma_wait3A_224, %dma_wait3A_225] : memref<10000x128xf32, #tpu.memory_space<vmem_shared>> -> memref<10000x128xf32, #tpu.memory_space<vmem_shared>>
        tpu.wait_indirect_dma semaphore(%run_scoped3A : memref<!tpu.dma_semaphore, #tpu.memory_space<semaphore_mem>>) src(%arg11 : memref<128x128xf32, #tpu.memory_space<vmem>>) dst(%dma_wait3A_226 : memref<10000x128xf32, #tpu.memory_space<vmem_shared>>)
        tpu.yield
      }) : () -> ()
      %convert_element_type3A_213 = arith.extui %eq3A_82 : i1 to i32
      %cond3A_214 = arith.constant 0 : i32
      %cond3A_215 = arith.cmpi ne, %convert_element_type3A_213, %cond3A_214 : i32
      scf.if %cond3A_215 {
        %get3A_221 = arith.constant 0 : index
        %get3A_222 = tpu.vector_load %arg10[%get3A_221] {strides = array<i32>} : memref<128xi32, #tpu.memory_space<vmem>>, vector<16xi32>,
        %shift_right_logical3A = arith.constant 7 : i32
        %shift_right_logical3A_223 = vector.broadcast %shift_right_logical3A : i32 to vector<16xi32>
        %shift_right_logical3A_224 = arith.shrui %get3A_222, %shift_right_logical3A_223 : vector<16xi32>
        %and3A_225 = arith.constant 127 : i32
        %and3A_226 = vector.broadcast %and3A_225 : i32 to vector<16xi32>
        %and3A_227 = arith.andi %get3A_222, %and3A_226 : vector<16xi32>
        tpu.vector_store_idx %arg15[%shift_right_logical3A_224, %and3A_227], %broadcast_in_dim3A_68 {add = true} : memref<80x128xf32, #tpu.memory_space<vmem>>[vector<16xi32>, vector<16xi32>], vector<16xf32>,
        %get3A_228 = arith.constant 16 : index
        %get3A_229 = tpu.vector_load %arg10[%get3A_228] {strides = array<i32>} : memref<128xi32, #tpu.memory_space<vmem>>, vector<16xi32>,
        %shift_right_logical3A_230 = arith.constant 7 : i32
        %shift_right_logical3A_231 = vector.broadcast %shift_right_logical3A_230 : i32 to vector<16xi32>
        %shift_right_logical3A_232 = arith.shrui %get3A_229, %shift_right_logical3A_231 : vector<16xi32>
        %and3A_233 = arith.constant 127 : i32
        %and3A_234 = vector.broadcast %and3A_233 : i32 to vector<16xi32>
        %and3A_235 = arith.andi %get3A_229, %and3A_234 : vector<16xi32>
        tpu.vector_store_idx %arg15[%shift_right_logical3A_232, %and3A_235], %broadcast_in_dim3A_68 {add = true} : memref<80x128xf32, #tpu.memory_space<vmem>>[vector<16xi32>, vector<16xi32>], vector<16xf32>,
        %get3A_236 = arith.constant 32 : index
        %get3A_237 = tpu.vector_load %arg10[%get3A_236] {strides = array<i32>} : memref<128xi32, #tpu.memory_space<vmem>>, vector<16xi32>,
        %shift_right_logical3A_238 = arith.constant 7 : i32
        %shift_right_logical3A_239 = vector.broadcast %shift_right_logical3A_238 : i32 to vector<16xi32>
        %shift_right_logical3A_240 = arith.shrui %get3A_237, %shift_right_logical3A_239 : vector<16xi32>
        %and3A_241 = arith.constant 127 : i32
        %and3A_242 = vector.broadcast %and3A_241 : i32 to vector<16xi32>
        %and3A_243 = arith.andi %get3A_237, %and3A_242 : vector<16xi32>
        tpu.vector_store_idx %arg15[%shift_right_logical3A_240, %and3A_243], %broadcast_in_dim3A_68 {add = true} : memref<80x128xf32, #tpu.memory_space<vmem>>[vector<16xi32>, vector<16xi32>], vector<16xf32>,
        %get3A_244 = arith.constant 48 : index
        %get3A_245 = tpu.vector_load %arg10[%get3A_244] {strides = array<i32>} : memref<128xi32, #tpu.memory_space<vmem>>, vector<16xi32>,
        %shift_right_logical3A_246 = arith.constant 7 : i32
        %shift_right_logical3A_247 = vector.broadcast %shift_right_logical3A_246 : i32 to vector<16xi32>
        %shift_right_logical3A_248 = arith.shrui %get3A_245, %shift_right_logical3A_247 : vector<16xi32>
        %and3A_249 = arith.constant 127 : i32
        %and3A_250 = vector.broadcast %and3A_249 : i32 to vector<16xi32>
        %and3A_251 = arith.andi %get3A_245, %and3A_250 : vector<16xi32>
        tpu.vector_store_idx %arg15[%shift_right_logical3A_248, %and3A_251], %broadcast_in_dim3A_68 {add = true} : memref<80x128xf32, #tpu.memory_space<vmem>>[vector<16xi32>, vector<16xi32>], vector<16xf32>,
        %get3A_252 = arith.constant 64 : index
        %get3A_253 = tpu.vector_load %arg10[%get3A_252] {strides = array<i32>} : memref<128xi32, #tpu.memory_space<vmem>>, vector<16xi32>,
        %shift_right_logical3A_254 = arith.constant 7 : i32
        %shift_right_logical3A_255 = vector.broadcast %shift_right_logical3A_254 : i32 to vector<16xi32>
        %shift_right_logical3A_256 = arith.shrui %get3A_253, %shift_right_logical3A_255 : vector<16xi32>
        %and3A_257 = arith.constant 127 : i32
        %and3A_258 = vector.broadcast %and3A_257 : i32 to vector<16xi32>
        %and3A_259 = arith.andi %get3A_253, %and3A_258 : vector<16xi32>
        tpu.vector_store_idx %arg15[%shift_right_logical3A_256, %and3A_259], %broadcast_in_dim3A_68 {add = true} : memref<80x128xf32, #tpu.memory_space<vmem>>[vector<16xi32>, vector<16xi32>], vector<16xf32>,
        %get3A_260 = arith.constant 80 : index
        %get3A_261 = tpu.vector_load %arg10[%get3A_260] {strides = array<i32>} : memref<128xi32, #tpu.memory_space<vmem>>, vector<16xi32>,
        %shift_right_logical3A_262 = arith.constant 7 : i32
        %shift_right_logical3A_263 = vector.broadcast %shift_right_logical3A_262 : i32 to vector<16xi32>
        %shift_right_logical3A_264 = arith.shrui %get3A_261, %shift_right_logical3A_263 : vector<16xi32>
        %and3A_265 = arith.constant 127 : i32
        %and3A_266 = vector.broadcast %and3A_265 : i32 to vector<16xi32>
        %and3A_267 = arith.andi %get3A_261, %and3A_266 : vector<16xi32>
        tpu.vector_store_idx %arg15[%shift_right_logical3A_264, %and3A_267], %broadcast_in_dim3A_68 {add = true} : memref<80x128xf32, #tpu.memory_space<vmem>>[vector<16xi32>, vector<16xi32>], vector<16xf32>,
        %get3A_268 = arith.constant 96 : index
        %get3A_269 = tpu.vector_load %arg10[%get3A_268] {strides = array<i32>} : memref<128xi32, #tpu.memory_space<vmem>>, vector<16xi32>,
        %shift_right_logical3A_270 = arith.constant 7 : i32
        %shift_right_logical3A_271 = vector.broadcast %shift_right_logical3A_270 : i32 to vector<16xi32>
        %shift_right_logical3A_272 = arith.shrui %get3A_269, %shift_right_logical3A_271 : vector<16xi32>
        %and3A_273 = arith.constant 127 : i32
        %and3A_274 = vector.broadcast %and3A_273 : i32 to vector<16xi32>
        %and3A_275 = arith.andi %get3A_269, %and3A_274 : vector<16xi32>
        tpu.vector_store_idx %arg15[%shift_right_logical3A_272, %and3A_275], %broadcast_in_dim3A_68 {add = true} : memref<80x128xf32, #tpu.memory_space<vmem>>[vector<16xi32>, vector<16xi32>], vector<16xf32>,
        %get3A_276 = arith.constant 112 : index
        %get3A_277 = tpu.vector_load %arg10[%get3A_276] {strides = array<i32>} : memref<128xi32, #tpu.memory_space<vmem>>, vector<16xi32>,
        %shift_right_logical3A_278 = arith.constant 7 : i32
        %shift_right_logical3A_279 = vector.broadcast %shift_right_logical3A_278 : i32 to vector<16xi32>
        %shift_right_logical3A_280 = arith.shrui %get3A_277, %shift_right_logical3A_279 : vector<16xi32>
        %and3A_281 = arith.constant 127 : i32
        %and3A_282 = vector.broadcast %and3A_281 : i32 to vector<16xi32>
        %and3A_283 = arith.andi %get3A_277, %and3A_282 : vector<16xi32>
        tpu.vector_store_idx %arg15[%shift_right_logical3A_280, %and3A_283], %broadcast_in_dim3A_68 {add = true} : memref<80x128xf32, #tpu.memory_space<vmem>>[vector<16xi32>, vector<16xi32>], vector<16xf32>,
      } else {
      }
      %lt3A_216 = arith.cmpi slt, %add3A_206, %select_n3A_65 : i32
      %convert_element_type3A_217 = arith.extui %lt3A_216 : i1 to i32
      %cond3A_218 = arith.constant 0 : i32
      %cond3A_219 = arith.cmpi ne, %convert_element_type3A_217, %cond3A_218 : i32
      scf.if %cond3A_219 {
        %add3A_221 = arith.constant 1 : i32
        %add3A_222 = arith.addi %add3A_206, %add3A_221 : i32
        %lt3A_223 = arith.cmpi slt, %add3A_222, %select_n3A_65 : i32
        %convert_element_type3A_224 = arith.extui %lt3A_223 : i1 to i32
        %cond3A_225 = arith.constant 0 : i32
        %cond3A_226 = arith.cmpi ne, %convert_element_type3A_224, %cond3A_225 : i32
        scf.if %cond3A_226 {
          %add3A_233 = arith.constant 1 : i32
          %add3A_234 = arith.addi %add3A_206, %add3A_233 : i32
          %mul3A_235 = arith.constant 16 : i32
          %mul3A_236 = arith.muli %add3A_234, %mul3A_235 : i32
          %add3A_237 = arith.addi %arg1, %mul3A_236 : i32
          %mul3A_238 = arith.constant 128 : i32
          %mul3A_239 = arith.muli %add3A_237, %mul3A_238 : i32
          "tpu.region"() ({
            %run_scoped3A = tpu.sem_alloc : memref<!tpu.dma_semaphore, #tpu.memory_space<semaphore_mem>>
            %dma_start3A_291 = tpu.memref_slice %arg2[%mul3A_239] : memref<160000xi32, #tpu.memory_space<hbm>> -> memref<128xi32, #tpu.memory_space<hbm>>
            %dma_start3A_292 = tpu.memref_slice %arg2[%mul3A_239] : memref<160000xi32, #tpu.memory_space<hbm>> -> memref<128xi32, #tpu.memory_space<hbm>>
            tpu.enqueue_dma source(%dma_start3A_292 : memref<128xi32, #tpu.memory_space<hbm>>) target(%arg9 : memref<128xi32, #tpu.memory_space<vmem>>) target_semaphore(%run_scoped3A : memref<!tpu.dma_semaphore, #tpu.memory_space<semaphore_mem>>)
            %dma_wait3A_293 = tpu.memref_slice %arg2[%mul3A_239] : memref<160000xi32, #tpu.memory_space<hbm>> -> memref<128xi32, #tpu.memory_space<hbm>>
            %dma_wait3A_294 = tpu.memref_slice %arg2[%mul3A_239] : memref<160000xi32, #tpu.memory_space<hbm>> -> memref<128xi32, #tpu.memory_space<hbm>>
            tpu.wait_dma2 semaphore(%run_scoped3A : memref<!tpu.dma_semaphore, #tpu.memory_space<semaphore_mem>>) src(%dma_wait3A_294 : memref<128xi32, #tpu.memory_space<hbm>>) dst(%arg9 : memref<128xi32, #tpu.memory_space<vmem>>)
            tpu.yield
          }) : () -> ()
          "tpu.region"() ({
            %run_scoped3A = tpu.sem_alloc : memref<!tpu.dma_semaphore, #tpu.memory_space<semaphore_mem>>
            %dma_start3A_291 = tpu.memref_slice %arg3[%mul3A_239] : memref<160000xi32, #tpu.memory_space<hbm>> -> memref<128xi32, #tpu.memory_space<hbm>>
            %dma_start3A_292 = tpu.memref_slice %arg3[%mul3A_239] : memref<160000xi32, #tpu.memory_space<hbm>> -> memref<128xi32, #tpu.memory_space<hbm>>
            tpu.enqueue_dma source(%dma_start3A_292 : memref<128xi32, #tpu.memory_space<hbm>>) target(%arg10 : memref<128xi32, #tpu.memory_space<vmem>>) target_semaphore(%run_scoped3A : memref<!tpu.dma_semaphore, #tpu.memory_space<semaphore_mem>>)
            %dma_wait3A_293 = tpu.memref_slice %arg3[%mul3A_239] : memref<160000xi32, #tpu.memory_space<hbm>> -> memref<128xi32, #tpu.memory_space<hbm>>
            %dma_wait3A_294 = tpu.memref_slice %arg3[%mul3A_239] : memref<160000xi32, #tpu.memory_space<hbm>> -> memref<128xi32, #tpu.memory_space<hbm>>
            tpu.wait_dma2 semaphore(%run_scoped3A : memref<!tpu.dma_semaphore, #tpu.memory_space<semaphore_mem>>) src(%dma_wait3A_294 : memref<128xi32, #tpu.memory_space<hbm>>) dst(%arg10 : memref<128xi32, #tpu.memory_space<vmem>>)
            tpu.yield
          }) : () -> ()
          %get3A_240 = arith.constant 0 : index
          %get3A_241 = tpu.vector_load %arg9[%get3A_240] {strides = array<i32>} : memref<128xi32, #tpu.memory_space<vmem>>, vector<16xi32>,
          %add3A_242 = vector.broadcast %mul3A_67 : i32 to vector<16xi32>
          %add3A_243 = arith.addi %get3A_241, %add3A_242 : vector<16xi32>
          %swap3A_244 = arith.constant 0 : index
          %swap3A_245 = tpu.vector_load %arg9[%swap3A_244] {strides = array<i32>} : memref<128xi32, #tpu.memory_space<vmem>>, vector<16xi32>,
          tpu.vector_store %arg9[%swap3A_244], %add3A_243 {strides = array<i32>} : memref<128xi32, #tpu.memory_space<vmem>>, vector<16xi32>,
          %get3A_246 = arith.constant 16 : index
          %get3A_247 = tpu.vector_load %arg9[%get3A_246] {strides = array<i32>} : memref<128xi32, #tpu.memory_space<vmem>>, vector<16xi32>,
          %add3A_248 = vector.broadcast %mul3A_67 : i32 to vector<16xi32>
          %add3A_249 = arith.addi %get3A_247, %add3A_248 : vector<16xi32>
          %swap3A_250 = arith.constant 16 : index
          %swap3A_251 = tpu.vector_load %arg9[%swap3A_250] {strides = array<i32>} : memref<128xi32, #tpu.memory_space<vmem>>, vector<16xi32>,
          tpu.vector_store %arg9[%swap3A_250], %add3A_249 {strides = array<i32>} : memref<128xi32, #tpu.memory_space<vmem>>, vector<16xi32>,
          %get3A_252 = arith.constant 32 : index
          %get3A_253 = tpu.vector_load %arg9[%get3A_252] {strides = array<i32>} : memref<128xi32, #tpu.memory_space<vmem>>, vector<16xi32>,
          %add3A_254 = vector.broadcast %mul3A_67 : i32 to vector<16xi32>
          %add3A_255 = arith.addi %get3A_253, %add3A_254 : vector<16xi32>
          %swap3A_256 = arith.constant 32 : index
          %swap3A_257 = tpu.vector_load %arg9[%swap3A_256] {strides = array<i32>} : memref<128xi32, #tpu.memory_space<vmem>>, vector<16xi32>,
          tpu.vector_store %arg9[%swap3A_256], %add3A_255 {strides = array<i32>} : memref<128xi32, #tpu.memory_space<vmem>>, vector<16xi32>,
          %get3A_258 = arith.constant 48 : index
          %get3A_259 = tpu.vector_load %arg9[%get3A_258] {strides = array<i32>} : memref<128xi32, #tpu.memory_space<vmem>>, vector<16xi32>,
          %add3A_260 = vector.broadcast %mul3A_67 : i32 to vector<16xi32>
          %add3A_261 = arith.addi %get3A_259, %add3A_260 : vector<16xi32>
          %swap3A_262 = arith.constant 48 : index
          %swap3A_263 = tpu.vector_load %arg9[%swap3A_262] {strides = array<i32>} : memref<128xi32, #tpu.memory_space<vmem>>, vector<16xi32>,
          tpu.vector_store %arg9[%swap3A_262], %add3A_261 {strides = array<i32>} : memref<128xi32, #tpu.memory_space<vmem>>, vector<16xi32>,
          %get3A_264 = arith.constant 64 : index
          %get3A_265 = tpu.vector_load %arg9[%get3A_264] {strides = array<i32>} : memref<128xi32, #tpu.memory_space<vmem>>, vector<16xi32>,
          %add3A_266 = vector.broadcast %mul3A_67 : i32 to vector<16xi32>
          %add3A_267 = arith.addi %get3A_265, %add3A_266 : vector<16xi32>
          %swap3A_268 = arith.constant 64 : index
          %swap3A_269 = tpu.vector_load %arg9[%swap3A_268] {strides = array<i32>} : memref<128xi32, #tpu.memory_space<vmem>>, vector<16xi32>,
          tpu.vector_store %arg9[%swap3A_268], %add3A_267 {strides = array<i32>} : memref<128xi32, #tpu.memory_space<vmem>>, vector<16xi32>,
          %get3A_270 = arith.constant 80 : index
          %get3A_271 = tpu.vector_load %arg9[%get3A_270] {strides = array<i32>} : memref<128xi32, #tpu.memory_space<vmem>>, vector<16xi32>,
          %add3A_272 = vector.broadcast %mul3A_67 : i32 to vector<16xi32>
          %add3A_273 = arith.addi %get3A_271, %add3A_272 : vector<16xi32>
          %swap3A_274 = arith.constant 80 : index
          %swap3A_275 = tpu.vector_load %arg9[%swap3A_274] {strides = array<i32>} : memref<128xi32, #tpu.memory_space<vmem>>, vector<16xi32>,
          tpu.vector_store %arg9[%swap3A_274], %add3A_273 {strides = array<i32>} : memref<128xi32, #tpu.memory_space<vmem>>, vector<16xi32>,
          %get3A_276 = arith.constant 96 : index
          %get3A_277 = tpu.vector_load %arg9[%get3A_276] {strides = array<i32>} : memref<128xi32, #tpu.memory_space<vmem>>, vector<16xi32>,
          %add3A_278 = vector.broadcast %mul3A_67 : i32 to vector<16xi32>
          %add3A_279 = arith.addi %get3A_277, %add3A_278 : vector<16xi32>
          %swap3A_280 = arith.constant 96 : index
          %swap3A_281 = tpu.vector_load %arg9[%swap3A_280] {strides = array<i32>} : memref<128xi32, #tpu.memory_space<vmem>>, vector<16xi32>,
          tpu.vector_store %arg9[%swap3A_280], %add3A_279 {strides = array<i32>} : memref<128xi32, #tpu.memory_space<vmem>>, vector<16xi32>,
          %get3A_282 = arith.constant 112 : index
          %get3A_283 = tpu.vector_load %arg9[%get3A_282] {strides = array<i32>} : memref<128xi32, #tpu.memory_space<vmem>>, vector<16xi32>,
          %add3A_284 = vector.broadcast %mul3A_67 : i32 to vector<16xi32>
          %add3A_285 = arith.addi %get3A_283, %add3A_284 : vector<16xi32>
          %swap3A_286 = arith.constant 112 : index
          %swap3A_287 = tpu.vector_load %arg9[%swap3A_286] {strides = array<i32>} : memref<128xi32, #tpu.memory_space<vmem>>, vector<16xi32>,
          tpu.vector_store %arg9[%swap3A_286], %add3A_285 {strides = array<i32>} : memref<128xi32, #tpu.memory_space<vmem>>, vector<16xi32>,
          %dma_start3A_288 = arith.constant 0 : i32
          %dma_start3A_289 = arith.constant 0 : i32
          %dma_start3A_290 = tpu.memref_slice %arg4[%dma_start3A_288, %dma_start3A_289] : memref<20000x128xf32, #tpu.memory_space<hbm>> -> memref<20000x128xf32, #tpu.memory_space<hbm>>
          tpu.enqueue_indirect_dma source(%dma_start3A_290 : memref<20000x128xf32, #tpu.memory_space<hbm>>) target(%arg11 : memref<128x128xf32, #tpu.memory_space<vmem>>) offsets(%arg9 : memref<128xi32, #tpu.memory_space<vmem>>) semaphore(%arg19 : memref<!tpu.dma_semaphore, #tpu.memory_space<semaphore_mem>>)
        } else {
        }
        %dma_wait3A_227 = arith.constant 0 : i32
        %dma_wait3A_228 = arith.constant 0 : i32
        %dma_wait3A_229 = tpu.memref_slice %arg4[%dma_wait3A_227, %dma_wait3A_228] : memref<20000x128xf32, #tpu.memory_space<hbm>> -> memref<20000x128xf32, #tpu.memory_space<hbm>>
        tpu.wait_indirect_dma semaphore(%arg20 : memref<!tpu.dma_semaphore, #tpu.memory_space<semaphore_mem>>) src(%dma_wait3A_229 : memref<20000x128xf32, #tpu.memory_space<hbm>>) dst(%arg14 : memref<128x128xf32, #tpu.memory_space<vmem>>)
        "tpu.region"() ({
          %run_scoped3A = tpu.sem_alloc : memref<!tpu.dma_semaphore, #tpu.memory_space<semaphore_mem>>
          %dma_start3A_233 = arith.constant 0 : i32
          %dma_start3A_234 = arith.constant 0 : i32
          %dma_start3A_235 = tpu.memref_slice %arg17[%dma_start3A_233, %dma_start3A_234] : memref<10000x128xf32, #tpu.memory_space<vmem_shared>> -> memref<10000x128xf32, #tpu.memory_space<vmem_shared>>
          tpu.enqueue_indirect_dma source(%arg14 : memref<128x128xf32, #tpu.memory_space<vmem>>) target(%dma_start3A_235 : memref<10000x128xf32, #tpu.memory_space<vmem_shared>>) offsets(%arg13 : memref<128xi32, #tpu.memory_space<vmem>>) semaphore(%run_scoped3A : memref<!tpu.dma_semaphore, #tpu.memory_space<semaphore_mem>>) {add = true}
          %dma_wait3A_236 = arith.constant 0 : i32
          %dma_wait3A_237 = arith.constant 0 : i32
          %dma_wait3A_238 = tpu.memref_slice %arg17[%dma_wait3A_236, %dma_wait3A_237] : memref<10000x128xf32, #tpu.memory_space<vmem_shared>> -> memref<10000x128xf32, #tpu.memory_space<vmem_shared>>
          tpu.wait_indirect_dma semaphore(%run_scoped3A : memref<!tpu.dma_semaphore, #tpu.memory_space<semaphore_mem>>) src(%arg14 : memref<128x128xf32, #tpu.memory_space<vmem>>) dst(%dma_wait3A_238 : memref<10000x128xf32, #tpu.memory_space<vmem_shared>>)
          tpu.yield
        }) : () -> ()
        %convert_element_type3A_230 = arith.extui %eq3A_82 : i1 to i32
        %cond3A_231 = arith.constant 0 : i32
        %cond3A_232 = arith.cmpi ne, %convert_element_type3A_230, %cond3A_231 : i32
        scf.if %cond3A_232 {
          %get3A_233 = arith.constant 0 : index
          %get3A_234 = tpu.vector_load %arg13[%get3A_233] {strides = array<i32>} : memref<128xi32, #tpu.memory_space<vmem>>, vector<16xi32>,
          %shift_right_logical3A = arith.constant 7 : i32
          %shift_right_logical3A_235 = vector.broadcast %shift_right_logical3A : i32 to vector<16xi32>
          %shift_right_logical3A_236 = arith.shrui %get3A_234, %shift_right_logical3A_235 : vector<16xi32>
          %and3A_237 = arith.constant 127 : i32
          %and3A_238 = vector.broadcast %and3A_237 : i32 to vector<16xi32>
          %and3A_239 = arith.andi %get3A_234, %and3A_238 : vector<16xi32>
          tpu.vector_store_idx %arg15[%shift_right_logical3A_236, %and3A_239], %broadcast_in_dim3A_68 {add = true} : memref<80x128xf32, #tpu.memory_space<vmem>>[vector<16xi32>, vector<16xi32>], vector<16xf32>,
          %get3A_240 = arith.constant 16 : index
          %get3A_241 = tpu.vector_load %arg13[%get3A_240] {strides = array<i32>} : memref<128xi32, #tpu.memory_space<vmem>>, vector<16xi32>,
          %shift_right_logical3A_242 = arith.constant 7 : i32
          %shift_right_logical3A_243 = vector.broadcast %shift_right_logical3A_242 : i32 to vector<16xi32>
          %shift_right_logical3A_244 = arith.shrui %get3A_241, %shift_right_logical3A_243 : vector<16xi32>
          %and3A_245 = arith.constant 127 : i32
          %and3A_246 = vector.broadcast %and3A_245 : i32 to vector<16xi32>
          %and3A_247 = arith.andi %get3A_241, %and3A_246 : vector<16xi32>
          tpu.vector_store_idx %arg15[%shift_right_logical3A_244, %and3A_247], %broadcast_in_dim3A_68 {add = true} : memref<80x128xf32, #tpu.memory_space<vmem>>[vector<16xi32>, vector<16xi32>], vector<16xf32>,
          %get3A_248 = arith.constant 32 : index
          %get3A_249 = tpu.vector_load %arg13[%get3A_248] {strides = array<i32>} : memref<128xi32, #tpu.memory_space<vmem>>, vector<16xi32>,
          %shift_right_logical3A_250 = arith.constant 7 : i32
          %shift_right_logical3A_251 = vector.broadcast %shift_right_logical3A_250 : i32 to vector<16xi32>
          %shift_right_logical3A_252 = arith.shrui %get3A_249, %shift_right_logical3A_251 : vector<16xi32>
          %and3A_253 = arith.constant 127 : i32
          %and3A_254 = vector.broadcast %and3A_253 : i32 to vector<16xi32>
          %and3A_255 = arith.andi %get3A_249, %and3A_254 : vector<16xi32>
          tpu.vector_store_idx %arg15[%shift_right_logical3A_252, %and3A_255], %broadcast_in_dim3A_68 {add = true} : memref<80x128xf32, #tpu.memory_space<vmem>>[vector<16xi32>, vector<16xi32>], vector<16xf32>,
          %get3A_256 = arith.constant 48 : index
          %get3A_257 = tpu.vector_load %arg13[%get3A_256] {strides = array<i32>} : memref<128xi32, #tpu.memory_space<vmem>>, vector<16xi32>,
          %shift_right_logical3A_258 = arith.constant 7 : i32
          %shift_right_logical3A_259 = vector.broadcast %shift_right_logical3A_258 : i32 to vector<16xi32>
          %shift_right_logical3A_260 = arith.shrui %get3A_257, %shift_right_logical3A_259 : vector<16xi32>
          %and3A_261 = arith.constant 127 : i32
          %and3A_262 = vector.broadcast %and3A_261 : i32 to vector<16xi32>
          %and3A_263 = arith.andi %get3A_257, %and3A_262 : vector<16xi32>
          tpu.vector_store_idx %arg15[%shift_right_logical3A_260, %and3A_263], %broadcast_in_dim3A_68 {add = true} : memref<80x128xf32, #tpu.memory_space<vmem>>[vector<16xi32>, vector<16xi32>], vector<16xf32>,
          %get3A_264 = arith.constant 64 : index
          %get3A_265 = tpu.vector_load %arg13[%get3A_264] {strides = array<i32>} : memref<128xi32, #tpu.memory_space<vmem>>, vector<16xi32>,
          %shift_right_logical3A_266 = arith.constant 7 : i32
          %shift_right_logical3A_267 = vector.broadcast %shift_right_logical3A_266 : i32 to vector<16xi32>
          %shift_right_logical3A_268 = arith.shrui %get3A_265, %shift_right_logical3A_267 : vector<16xi32>
          %and3A_269 = arith.constant 127 : i32
          %and3A_270 = vector.broadcast %and3A_269 : i32 to vector<16xi32>
          %and3A_271 = arith.andi %get3A_265, %and3A_270 : vector<16xi32>
          tpu.vector_store_idx %arg15[%shift_right_logical3A_268, %and3A_271], %broadcast_in_dim3A_68 {add = true} : memref<80x128xf32, #tpu.memory_space<vmem>>[vector<16xi32>, vector<16xi32>], vector<16xf32>,
          %get3A_272 = arith.constant 80 : index
          %get3A_273 = tpu.vector_load %arg13[%get3A_272] {strides = array<i32>} : memref<128xi32, #tpu.memory_space<vmem>>, vector<16xi32>,
          %shift_right_logical3A_274 = arith.constant 7 : i32
          %shift_right_logical3A_275 = vector.broadcast %shift_right_logical3A_274 : i32 to vector<16xi32>
          %shift_right_logical3A_276 = arith.shrui %get3A_273, %shift_right_logical3A_275 : vector<16xi32>
          %and3A_277 = arith.constant 127 : i32
          %and3A_278 = vector.broadcast %and3A_277 : i32 to vector<16xi32>
          %and3A_279 = arith.andi %get3A_273, %and3A_278 : vector<16xi32>
          tpu.vector_store_idx %arg15[%shift_right_logical3A_276, %and3A_279], %broadcast_in_dim3A_68 {add = true} : memref<80x128xf32, #tpu.memory_space<vmem>>[vector<16xi32>, vector<16xi32>], vector<16xf32>,
          %get3A_280 = arith.constant 96 : index
          %get3A_281 = tpu.vector_load %arg13[%get3A_280] {strides = array<i32>} : memref<128xi32, #tpu.memory_space<vmem>>, vector<16xi32>,
          %shift_right_logical3A_282 = arith.constant 7 : i32
          %shift_right_logical3A_283 = vector.broadcast %shift_right_logical3A_282 : i32 to vector<16xi32>
          %shift_right_logical3A_284 = arith.shrui %get3A_281, %shift_right_logical3A_283 : vector<16xi32>
          %and3A_285 = arith.constant 127 : i32
          %and3A_286 = vector.broadcast %and3A_285 : i32 to vector<16xi32>
          %and3A_287 = arith.andi %get3A_281, %and3A_286 : vector<16xi32>
          tpu.vector_store_idx %arg15[%shift_right_logical3A_284, %and3A_287], %broadcast_in_dim3A_68 {add = true} : memref<80x128xf32, #tpu.memory_space<vmem>>[vector<16xi32>, vector<16xi32>], vector<16xf32>,
          %get3A_288 = arith.constant 112 : index
          %get3A_289 = tpu.vector_load %arg13[%get3A_288] {strides = array<i32>} : memref<128xi32, #tpu.memory_space<vmem>>, vector<16xi32>,
          %shift_right_logical3A_290 = arith.constant 7 : i32
          %shift_right_logical3A_291 = vector.broadcast %shift_right_logical3A_290 : i32 to vector<16xi32>
          %shift_right_logical3A_292 = arith.shrui %get3A_289, %shift_right_logical3A_291 : vector<16xi32>
          %and3A_293 = arith.constant 127 : i32
          %and3A_294 = vector.broadcast %and3A_293 : i32 to vector<16xi32>
          %and3A_295 = arith.andi %get3A_289, %and3A_294 : vector<16xi32>
          tpu.vector_store_idx %arg15[%shift_right_logical3A_292, %and3A_295], %broadcast_in_dim3A_68 {add = true} : memref<80x128xf32, #tpu.memory_space<vmem>>[vector<16xi32>, vector<16xi32>], vector<16xf32>,
        } else {
        }
      } else {
      }
      %while3A_220 = arith.constant 0 : i32
      scf.yield %while3A_220 : i32
    }
    %convert_element_type3A_171 = arith.extui %eq3A_82 : i1 to i32
    %cond3A_172 = arith.constant 0 : i32
    %cond3A_173 = arith.cmpi ne, %convert_element_type3A_171, %cond3A_172 : i32
    scf.if %cond3A_173 {
      "tpu.region"() ({
        %run_scoped3A = tpu.sem_alloc : memref<!tpu.dma_semaphore, #tpu.memory_space<semaphore_mem>>
        %dma_start3A_201 = arith.constant 0 : i32
        %dma_start3A_202 = arith.constant 0 : i32
        %dma_start3A_203 = tpu.memref_slice %arg18[%dma_start3A_201, %dma_start3A_202] : memref<80x128xf32, #tpu.memory_space<vmem_shared>> -> memref<80x128xf32, #tpu.memory_space<vmem_shared>>
        tpu.enqueue_indirect_dma source(%arg15 : memref<80x128xf32, #tpu.memory_space<vmem>>) target(%dma_start3A_203 : memref<80x128xf32, #tpu.memory_space<vmem_shared>>) offsets(%arg16 : memref<80xi32, #tpu.memory_space<vmem>>) semaphore(%run_scoped3A : memref<!tpu.dma_semaphore, #tpu.memory_space<semaphore_mem>>) {add = true}
        %dma_wait3A = arith.constant 0 : i32
        %dma_wait3A_204 = arith.constant 0 : i32
        %dma_wait3A_205 = tpu.memref_slice %arg18[%dma_wait3A, %dma_wait3A_204] : memref<80x128xf32, #tpu.memory_space<vmem_shared>> -> memref<80x128xf32, #tpu.memory_space<vmem_shared>>
        tpu.wait_indirect_dma semaphore(%run_scoped3A : memref<!tpu.dma_semaphore, #tpu.memory_space<semaphore_mem>>) src(%arg15 : memref<80x128xf32, #tpu.memory_space<vmem>>) dst(%dma_wait3A_205 : memref<80x128xf32, #tpu.memory_space<vmem_shared>>)
        tpu.yield
      }) : () -> ()
    } else {
    }
    %barrier3A_174 = arith.constant 0 : index
    tpu.barrier barrier_id(%barrier3A_174)
    %eq3A_175 = arith.constant 0 : i32
    %eq3A_176 = arith.cmpi eq, %arg0, %eq3A_175 : i32
    %convert_element_type3A_177 = arith.extui %eq3A_176 : i1 to i32
    %cond3A_178 = arith.constant 0 : i32
    %cond3A_179 = arith.cmpi ne, %convert_element_type3A_177, %cond3A_178 : i32
    scf.if %cond3A_179 {
      "tpu.region"() ({
        %run_scoped3A = tpu.sem_alloc : memref<!tpu.dma_semaphore, #tpu.memory_space<semaphore_mem>>
        %dma_start3A_201 = arith.constant 0 : i32
        %dma_start3A_202 = arith.constant 0 : i32
        %dma_start3A_203 = tpu.memref_slice %arg5[%arg1, %dma_start3A_201, %dma_start3A_202] : memref<16x625x128xf32, #tpu.memory_space<hbm>> -> memref<1x625x128xf32, #tpu.memory_space<hbm>>
        %dma_start3A_204 = tpu.memref_squeeze %dma_start3A_203 : memref<1x625x128xf32, #tpu.memory_space<hbm>> -> memref<625x128xf32, #tpu.memory_space<hbm>>
        %dma_start3A_205 = arith.constant 0 : i32
        %dma_start3A_206 = tpu.memref_slice %arg17[%mul3A_0, %dma_start3A_205] : memref<10000x128xf32, #tpu.memory_space<vmem_shared>> -> memref<625x128xf32, #tpu.memory_space<vmem_shared>>
        tpu.enqueue_dma source(%dma_start3A_206 : memref<625x128xf32, #tpu.memory_space<vmem_shared>>) target(%dma_start3A_204 : memref<625x128xf32, #tpu.memory_space<hbm>>) target_semaphore(%run_scoped3A : memref<!tpu.dma_semaphore, #tpu.memory_space<semaphore_mem>>)
        %dma_wait3A = arith.constant 0 : i32
        %dma_wait3A_207 = arith.constant 0 : i32
        %dma_wait3A_208 = tpu.memref_slice %arg5[%arg1, %dma_wait3A, %dma_wait3A_207] : memref<16x625x128xf32, #tpu.memory_space<hbm>> -> memref<1x625x128xf32, #tpu.memory_space<hbm>>
        %dma_wait3A_209 = tpu.memref_squeeze %dma_wait3A_208 : memref<1x625x128xf32, #tpu.memory_space<hbm>> -> memref<625x128xf32, #tpu.memory_space<hbm>>
        %dma_wait3A_210 = arith.constant 0 : i32
        %dma_wait3A_211 = tpu.memref_slice %arg17[%mul3A_0, %dma_wait3A_210] : memref<10000x128xf32, #tpu.memory_space<vmem_shared>> -> memref<625x128xf32, #tpu.memory_space<vmem_shared>>
        tpu.wait_dma2 semaphore(%run_scoped3A : memref<!tpu.dma_semaphore, #tpu.memory_space<semaphore_mem>>) src(%dma_wait3A_211 : memref<625x128xf32, #tpu.memory_space<vmem_shared>>) dst(%dma_wait3A_209 : memref<625x128xf32, #tpu.memory_space<hbm>>)
        tpu.yield
      }) : () -> ()
    } else {
    }
    %eq3A_180 = arith.constant 1 : i32
    %eq3A_181 = arith.cmpi eq, %arg0, %eq3A_180 : i32
    %convert_element_type3A_182 = arith.extui %eq3A_181 : i1 to i32
    %cond3A_183 = arith.constant 0 : i32
    %cond3A_184 = arith.cmpi ne, %convert_element_type3A_182, %cond3A_183 : i32
    scf.if %cond3A_184 {
      "tpu.region"() ({
        %run_scoped3A = tpu.sem_alloc : memref<!tpu.dma_semaphore, #tpu.memory_space<semaphore_mem>>
        %dma_start3A_201 = arith.constant 0 : i32
        %dma_start3A_202 = arith.constant 0 : i32
        %dma_start3A_203 = tpu.memref_slice %arg6[%arg1, %dma_start3A_201, %dma_start3A_202] : memref<16x625x128xf32, #tpu.memory_space<hbm>> -> memref<1x625x128xf32, #tpu.memory_space<hbm>>
        %dma_start3A_204 = tpu.memref_squeeze %dma_start3A_203 : memref<1x625x128xf32, #tpu.memory_space<hbm>> -> memref<625x128xf32, #tpu.memory_space<hbm>>
        %dma_start3A_205 = arith.constant 0 : i32
        %dma_start3A_206 = tpu.memref_slice %arg17[%mul3A_0, %dma_start3A_205] : memref<10000x128xf32, #tpu.memory_space<vmem_shared>> -> memref<625x128xf32, #tpu.memory_space<vmem_shared>>
        tpu.enqueue_dma source(%dma_start3A_206 : memref<625x128xf32, #tpu.memory_space<vmem_shared>>) target(%dma_start3A_204 : memref<625x128xf32, #tpu.memory_space<hbm>>) target_semaphore(%run_scoped3A : memref<!tpu.dma_semaphore, #tpu.memory_space<semaphore_mem>>)
        %dma_wait3A = arith.constant 0 : i32
        %dma_wait3A_207 = arith.constant 0 : i32
        %dma_wait3A_208 = tpu.memref_slice %arg6[%arg1, %dma_wait3A, %dma_wait3A_207] : memref<16x625x128xf32, #tpu.memory_space<hbm>> -> memref<1x625x128xf32, #tpu.memory_space<hbm>>
        %dma_wait3A_209 = tpu.memref_squeeze %dma_wait3A_208 : memref<1x625x128xf32, #tpu.memory_space<hbm>> -> memref<625x128xf32, #tpu.memory_space<hbm>>
        %dma_wait3A_210 = arith.constant 0 : i32
        %dma_wait3A_211 = tpu.memref_slice %arg17[%mul3A_0, %dma_wait3A_210] : memref<10000x128xf32, #tpu.memory_space<vmem_shared>> -> memref<625x128xf32, #tpu.memory_space<vmem_shared>>
        tpu.wait_dma2 semaphore(%run_scoped3A : memref<!tpu.dma_semaphore, #tpu.memory_space<semaphore_mem>>) src(%dma_wait3A_211 : memref<625x128xf32, #tpu.memory_space<vmem_shared>>) dst(%dma_wait3A_209 : memref<625x128xf32, #tpu.memory_space<hbm>>)
        tpu.yield
      }) : () -> ()
    } else {
    }
    %eq3A_185 = arith.constant 0 : i32
    %eq3A_186 = arith.cmpi eq, %arg1, %eq3A_185 : i32
    %eq3A_187 = arith.constant 0 : i32
    %eq3A_188 = arith.cmpi eq, %arg0, %eq3A_187 : i32
    %and3A_189 = arith.andi %eq3A_186, %eq3A_188 : i1
    %convert_element_type3A_190 = arith.extui %and3A_189 : i1 to i32
    %cond3A_191 = arith.constant 0 : i32
    %cond3A_192 = arith.cmpi ne, %convert_element_type3A_190, %cond3A_191 : i32
    scf.if %cond3A_192 {
      "tpu.region"() ({
        %run_scoped3A = tpu.sem_alloc : memref<!tpu.dma_semaphore, #tpu.memory_space<semaphore_mem>>
        tpu.enqueue_dma source(%arg18 : memref<80x128xf32, #tpu.memory_space<vmem_shared>>) target(%arg7 : memref<80x128xf32, #tpu.memory_space<hbm>>) target_semaphore(%run_scoped3A : memref<!tpu.dma_semaphore, #tpu.memory_space<semaphore_mem>>)
        tpu.wait_dma2 semaphore(%run_scoped3A : memref<!tpu.dma_semaphore, #tpu.memory_space<semaphore_mem>>) src(%arg18 : memref<80x128xf32, #tpu.memory_space<vmem_shared>>) dst(%arg7 : memref<80x128xf32, #tpu.memory_space<hbm>>)
        tpu.yield
      }) : () -> ()
    } else {
    }
    %eq3A_193 = arith.constant 0 : i32
    %eq3A_194 = arith.cmpi eq, %arg1, %eq3A_193 : i32
    %eq3A_195 = arith.constant 1 : i32
    %eq3A_196 = arith.cmpi eq, %arg0, %eq3A_195 : i32
    %and3A_197 = arith.andi %eq3A_194, %eq3A_196 : i1
    %convert_element_type3A_198 = arith.extui %and3A_197 : i1 to i32
    %cond3A_199 = arith.constant 0 : i32
    %cond3A_200 = arith.cmpi ne, %convert_element_type3A_198, %cond3A_199 : i32
    scf.if %cond3A_200 {
      "tpu.region"() ({
        %run_scoped3A = tpu.sem_alloc : memref<!tpu.dma_semaphore, #tpu.memory_space<semaphore_mem>>
        tpu.enqueue_dma source(%arg18 : memref<80x128xf32, #tpu.memory_space<vmem_shared>>) target(%arg8 : memref<80x128xf32, #tpu.memory_space<hbm>>) target_semaphore(%run_scoped3A : memref<!tpu.dma_semaphore, #tpu.memory_space<semaphore_mem>>)
        tpu.wait_dma2 semaphore(%run_scoped3A : memref<!tpu.dma_semaphore, #tpu.memory_space<semaphore_mem>>) src(%arg18 : memref<80x128xf32, #tpu.memory_space<vmem_shared>>) dst(%arg8 : memref<80x128xf32, #tpu.memory_space<hbm>>)
        tpu.yield
      }) : () -> ()
    } else {
    }
    return
  }
}

#map = affine_map<(d0, d1) -> (0)>
#map1 = affine_map<(d0, d1) -> (0, 0)>
#map2 = affine_map<(d0, d1) -> (0, 0, 0)>
module attributes {stable_mosaic.version = 14 : i64} {
  func.func @_agg_body(%arg0: i32, %arg1: i32, %arg2: memref<160000xi32, #tpu.memory_space<hbm>>, %arg3: memref<160000xi32, #tpu.memory_space<hbm>>, %arg4: memref<20000x128xf32, #tpu.memory_space<hbm>>, %arg5: memref<16x625x128xf32, #tpu.memory_space<hbm>>, %arg6: memref<16x625x128xf32, #tpu.memory_space<hbm>>, %arg7: memref<80x128xf32, #tpu.memory_space<hbm>>, %arg8: memref<80x128xf32, #tpu.memory_space<hbm>>, %arg9: memref<128xi32, #tpu.memory_space<vmem>>, %arg10: memref<128xi32, #tpu.memory_space<vmem>>, %arg11: memref<128x128xf32, #tpu.memory_space<vmem>>, %arg12: memref<128xi32, #tpu.memory_space<vmem>>, %arg13: memref<128xi32, #tpu.memory_space<vmem>>, %arg14: memref<128x128xf32, #tpu.memory_space<vmem>>, %arg15: memref<80x128xf32, #tpu.memory_space<vmem>>, %arg16: memref<80xi32, #tpu.memory_space<vmem>>, %arg17: memref<10000x128xf32, #tpu.memory_space<vmem_shared>>, %arg18: memref<80x128xf32, #tpu.memory_space<vmem_shared>>, %arg19: memref<!tpu.dma_semaphore, #tpu.memory_space<semaphore_mem>>, %arg20: memref<!tpu.dma_semaphore, #tpu.memory_space<semaphore_mem>>) attributes {dimension_semantics = [#tpu.dimension_semantics<core_parallel>, #tpu.dimension_semantics<subcore_parallel>], iteration_bounds = array<i64: 2, 16>, scalar_prefetch = 0 : i64, scratch_operands = 12 : i64, tpu.core_type = #tpu.core_type<sc_vector_subcore>, window_params = [{transform_indices = #map}, {transform_indices = #map}, {transform_indices = #map1}, {transform_indices = #map2}, {transform_indices = #map2}, {transform_indices = #map1}, {transform_indices = #map1}]} {
    %mul3A = arith.constant 625 : i32
    %mul3A_0 = arith.muli %arg1, %mul3A : i32
    %scan3A = arith.constant 0 : i32
    %scan3A_1 = arith.constant 0 : i32
    %scan3A_2 = arith.constant 80 : i32
    %scan3A_3 = arith.addi %scan3A_1, %scan3A_2 : i32
    %scan3A_4 = arith.constant 1 : i32
    %scan3A_5 = scf.for %scan3A_201 = %scan3A_1 to %scan3A_3 step %scan3A_4 iter_args(%scan3A_202 = %scan3A) -> (i32)  : i32 {
      %broadcast_in_dim3A_203 = arith.constant 0.000000e+00 : f32
      %broadcast_in_dim3A_204 = vector.broadcast %broadcast_in_dim3A_203 : f32 to vector<16xf32>
      %swap3A_205 = arith.index_cast %scan3A_201 : i32 to index
      %swap3A_206 = arith.constant 0 : index
      %swap3A_207 = tpu.vector_load %arg15[%swap3A_205, %swap3A_206] {strides = array<i32>} : memref<80x128xf32, #tpu.memory_space<vmem>>, vector<16xf32>,
      tpu.vector_store %arg15[%swap3A_205, %swap3A_206], %broadcast_in_dim3A_204 {strides = array<i32>} : memref<80x128xf32, #tpu.memory_space<vmem>>, vector<16xf32>,
      %broadcast_in_dim3A_208 = arith.constant 0.000000e+00 : f32
      %broadcast_in_dim3A_209 = vector.broadcast %broadcast_in_dim3A_208 : f32 to vector<16xf32>
      %swap3A_210 = arith.index_cast %scan3A_201 : i32 to index
      %swap3A_211 = arith.constant 16 : index
      %swap3A_212 = tpu.vector_load %arg15[%swap3A_210, %swap3A_211] {strides = array<i32>} : memref<80x128xf32, #tpu.memory_space<vmem>>, vector<16xf32>,
      tpu.vector_store %arg15[%swap3A_210, %swap3A_211], %broadcast_in_dim3A_209 {strides = array<i32>} : memref<80x128xf32, #tpu.memory_space<vmem>>, vector<16xf32>,
      %broadcast_in_dim3A_213 = arith.constant 0.000000e+00 : f32
      %broadcast_in_dim3A_214 = vector.broadcast %broadcast_in_dim3A_213 : f32 to vector<16xf32>
      %swap3A_215 = arith.index_cast %scan3A_201 : i32 to index
      %swap3A_216 = arith.constant 32 : index
      %swap3A_217 = tpu.vector_load %arg15[%swap3A_215, %swap3A_216] {strides = array<i32>} : memref<80x128xf32, #tpu.memory_space<vmem>>, vector<16xf32>,
      tpu.vector_store %arg15[%swap3A_215, %swap3A_216], %broadcast_in_dim3A_214 {strides = array<i32>} : memref<80x128xf32, #tpu.memory_space<vmem>>, vector<16xf32>,
      %broadcast_in_dim3A_218 = arith.constant 0.000000e+00 : f32
      %broadcast_in_dim3A_219 = vector.broadcast %broadcast_in_dim3A_218 : f32 to vector<16xf32>
      %swap3A_220 = arith.index_cast %scan3A_201 : i32 to index
      %swap3A_221 = arith.constant 48 : index
      %swap3A_222 = tpu.vector_load %arg15[%swap3A_220, %swap3A_221] {strides = array<i32>} : memref<80x128xf32, #tpu.memory_space<vmem>>, vector<16xf32>,
      tpu.vector_store %arg15[%swap3A_220, %swap3A_221], %broadcast_in_dim3A_219 {strides = array<i32>} : memref<80x128xf32, #tpu.memory_space<vmem>>, vector<16xf32>,
      %broadcast_in_dim3A_223 = arith.constant 0.000000e+00 : f32
      %broadcast_in_dim3A_224 = vector.broadcast %broadcast_in_dim3A_223 : f32 to vector<16xf32>
      %swap3A_225 = arith.index_cast %scan3A_201 : i32 to index
      %swap3A_226 = arith.constant 64 : index
      %swap3A_227 = tpu.vector_load %arg15[%swap3A_225, %swap3A_226] {strides = array<i32>} : memref<80x128xf32, #tpu.memory_space<vmem>>, vector<16xf32>,
      tpu.vector_store %arg15[%swap3A_225, %swap3A_226], %broadcast_in_dim3A_224 {strides = array<i32>} : memref<80x128xf32, #tpu.memory_space<vmem>>, vector<16xf32>,
      %broadcast_in_dim3A_228 = arith.constant 0.000000e+00 : f32
      %broadcast_in_dim3A_229 = vector.broadcast %broadcast_in_dim3A_228 : f32 to vector<16xf32>
      %swap3A_230 = arith.index_cast %scan3A_201 : i32 to index
      %swap3A_231 = arith.constant 80 : index
      %swap3A_232 = tpu.vector_load %arg15[%swap3A_230, %swap3A_231] {strides = array<i32>} : memref<80x128xf32, #tpu.memory_space<vmem>>, vector<16xf32>,
      tpu.vector_store %arg15[%swap3A_230, %swap3A_231], %broadcast_in_dim3A_229 {strides = array<i32>} : memref<80x128xf32, #tpu.memory_space<vmem>>, vector<16xf32>,
      %broadcast_in_dim3A_233 = arith.constant 0.000000e+00 : f32
      %broadcast_in_dim3A_234 = vector.broadcast %broadcast_in_dim3A_233 : f32 to vector<16xf32>
      %swap3A_235 = arith.index_cast %scan3A_201 : i32 to index
      %swap3A_236 = arith.constant 96 : index
      %swap3A_237 = tpu.vector_load %arg15[%swap3A_235, %swap3A_236] {strides = array<i32>} : memref<80x128xf32, #tpu.memory_space<vmem>>, vector<16xf32>,
      tpu.vector_store %arg15[%swap3A_235, %swap3A_236], %broadcast_in_dim3A_234 {strides = array<i32>} : memref<80x128xf32, #tpu.memory_space<vmem>>, vector<16xf32>,
      %broadcast_in_dim3A_238 = arith.constant 0.000000e+00 : f32
      %broadcast_in_dim3A_239 = vector.broadcast %broadcast_in_dim3A_238 : f32 to vector<16xf32>
      %swap3A_240 = arith.index_cast %scan3A_201 : i32 to index
      %swap3A_241 = arith.constant 112 : index
      %swap3A_242 = tpu.vector_load %arg15[%swap3A_240, %swap3A_241] {strides = array<i32>} : memref<80x128xf32, #tpu.memory_space<vmem>>, vector<16xf32>,
      tpu.vector_store %arg15[%swap3A_240, %swap3A_241], %broadcast_in_dim3A_239 {strides = array<i32>} : memref<80x128xf32, #tpu.memory_space<vmem>>, vector<16xf32>,
      %scan3A_243 = arith.constant 0 : i32
      scf.yield %scan3A_243 : i32
    }
    %scan3A_6 = arith.constant 80 : i32
    %iota3A = tpu.iota {dimensions = array<i32: 0>} : vector<16xi32>
    %add3A = arith.constant 0 : i32
    %add3A_7 = vector.broadcast %add3A : i32 to vector<16xi32>
    %add3A_8 = arith.addi %iota3A, %add3A_7 : vector<16xi32>
    %swap3A = arith.constant 0 : index
    %swap3A_9 = tpu.vector_load %arg16[%swap3A] {strides = array<i32>} : memref<80xi32, #tpu.memory_space<vmem>>, vector<16xi32>,
    tpu.vector_store %arg16[%swap3A], %add3A_8 {strides = array<i32>} : memref<80xi32, #tpu.memory_space<vmem>>, vector<16xi32>,
    %iota3A_10 = tpu.iota {dimensions = array<i32: 0>} : vector<16xi32>
    %add3A_11 = arith.constant 16 : i32
    %add3A_12 = vector.broadcast %add3A_11 : i32 to vector<16xi32>
    %add3A_13 = arith.addi %iota3A_10, %add3A_12 : vector<16xi32>
    %swap3A_14 = arith.constant 16 : index
    %swap3A_15 = tpu.vector_load %arg16[%swap3A_14] {strides = array<i32>} : memref<80xi32, #tpu.memory_space<vmem>>, vector<16xi32>,
    tpu.vector_store %arg16[%swap3A_14], %add3A_13 {strides = array<i32>} : memref<80xi32, #tpu.memory_space<vmem>>, vector<16xi32>,
    %iota3A_16 = tpu.iota {dimensions = array<i32: 0>} : vector<16xi32>
    %add3A_17 = arith.constant 32 : i32
    %add3A_18 = vector.broadcast %add3A_17 : i32 to vector<16xi32>
    %add3A_19 = arith.addi %iota3A_16, %add3A_18 : vector<16xi32>
    %swap3A_20 = arith.constant 32 : index
    %swap3A_21 = tpu.vector_load %arg16[%swap3A_20] {strides = array<i32>} : memref<80xi32, #tpu.memory_space<vmem>>, vector<16xi32>,
    tpu.vector_store %arg16[%swap3A_20], %add3A_19 {strides = array<i32>} : memref<80xi32, #tpu.memory_space<vmem>>, vector<16xi32>,
    %iota3A_22 = tpu.iota {dimensions = array<i32: 0>} : vector<16xi32>
    %add3A_23 = arith.constant 48 : i32
    %add3A_24 = vector.broadcast %add3A_23 : i32 to vector<16xi32>
    %add3A_25 = arith.addi %iota3A_22, %add3A_24 : vector<16xi32>
    %swap3A_26 = arith.constant 48 : index
    %swap3A_27 = tpu.vector_load %arg16[%swap3A_26] {strides = array<i32>} : memref<80xi32, #tpu.memory_space<vmem>>, vector<16xi32>,
    tpu.vector_store %arg16[%swap3A_26], %add3A_25 {strides = array<i32>} : memref<80xi32, #tpu.memory_space<vmem>>, vector<16xi32>,
    %iota3A_28 = tpu.iota {dimensions = array<i32: 0>} : vector<16xi32>
    %add3A_29 = arith.constant 64 : i32
    %add3A_30 = vector.broadcast %add3A_29 : i32 to vector<16xi32>
    %add3A_31 = arith.addi %iota3A_28, %add3A_30 : vector<16xi32>
    %swap3A_32 = arith.constant 64 : index
    %swap3A_33 = tpu.vector_load %arg16[%swap3A_32] {strides = array<i32>} : memref<80xi32, #tpu.memory_space<vmem>>, vector<16xi32>,
    tpu.vector_store %arg16[%swap3A_32], %add3A_31 {strides = array<i32>} : memref<80xi32, #tpu.memory_space<vmem>>, vector<16xi32>,
    %scan3A_34 = arith.constant 0 : i32
    %scan3A_35 = arith.constant 0 : i32
    %scan3A_36 = arith.constant 128 : i32
    %scan3A_37 = arith.addi %scan3A_35, %scan3A_36 : i32
    %scan3A_38 = arith.constant 1 : i32
    %scan3A_39 = scf.for %scan3A_201 = %scan3A_35 to %scan3A_37 step %scan3A_38 iter_args(%scan3A_202 = %scan3A_34) -> (i32)  : i32 {
      %broadcast_in_dim3A_203 = arith.constant 0.000000e+00 : f32
      %broadcast_in_dim3A_204 = vector.broadcast %broadcast_in_dim3A_203 : f32 to vector<16xf32>
      %swap3A_205 = arith.index_cast %scan3A_201 : i32 to index
      %swap3A_206 = arith.constant 0 : index
      %swap3A_207 = tpu.vector_load %arg11[%swap3A_205, %swap3A_206] {strides = array<i32>} : memref<128x128xf32, #tpu.memory_space<vmem>>, vector<16xf32>,
      tpu.vector_store %arg11[%swap3A_205, %swap3A_206], %broadcast_in_dim3A_204 {strides = array<i32>} : memref<128x128xf32, #tpu.memory_space<vmem>>, vector<16xf32>,
      %broadcast_in_dim3A_208 = arith.constant 0.000000e+00 : f32
      %broadcast_in_dim3A_209 = vector.broadcast %broadcast_in_dim3A_208 : f32 to vector<16xf32>
      %swap3A_210 = arith.index_cast %scan3A_201 : i32 to index
      %swap3A_211 = arith.constant 16 : index
      %swap3A_212 = tpu.vector_load %arg11[%swap3A_210, %swap3A_211] {strides = array<i32>} : memref<128x128xf32, #tpu.memory_space<vmem>>, vector<16xf32>,
      tpu.vector_store %arg11[%swap3A_210, %swap3A_211], %broadcast_in_dim3A_209 {strides = array<i32>} : memref<128x128xf32, #tpu.memory_space<vmem>>, vector<16xf32>,
      %broadcast_in_dim3A_213 = arith.constant 0.000000e+00 : f32
      %broadcast_in_dim3A_214 = vector.broadcast %broadcast_in_dim3A_213 : f32 to vector<16xf32>
      %swap3A_215 = arith.index_cast %scan3A_201 : i32 to index
      %swap3A_216 = arith.constant 32 : index
      %swap3A_217 = tpu.vector_load %arg11[%swap3A_215, %swap3A_216] {strides = array<i32>} : memref<128x128xf32, #tpu.memory_space<vmem>>, vector<16xf32>,
      tpu.vector_store %arg11[%swap3A_215, %swap3A_216], %broadcast_in_dim3A_214 {strides = array<i32>} : memref<128x128xf32, #tpu.memory_space<vmem>>, vector<16xf32>,
      %broadcast_in_dim3A_218 = arith.constant 0.000000e+00 : f32
      %broadcast_in_dim3A_219 = vector.broadcast %broadcast_in_dim3A_218 : f32 to vector<16xf32>
      %swap3A_220 = arith.index_cast %scan3A_201 : i32 to index
      %swap3A_221 = arith.constant 48 : index
      %swap3A_222 = tpu.vector_load %arg11[%swap3A_220, %swap3A_221] {strides = array<i32>} : memref<128x128xf32, #tpu.memory_space<vmem>>, vector<16xf32>,
      tpu.vector_store %arg11[%swap3A_220, %swap3A_221], %broadcast_in_dim3A_219 {strides = array<i32>} : memref<128x128xf32, #tpu.memory_space<vmem>>, vector<16xf32>,
      %broadcast_in_dim3A_223 = arith.constant 0.000000e+00 : f32
      %broadcast_in_dim3A_224 = vector.broadcast %broadcast_in_dim3A_223 : f32 to vector<16xf32>
      %swap3A_225 = arith.index_cast %scan3A_201 : i32 to index
      %swap3A_226 = arith.constant 64 : index
      %swap3A_227 = tpu.vector_load %arg11[%swap3A_225, %swap3A_226] {strides = array<i32>} : memref<128x128xf32, #tpu.memory_space<vmem>>, vector<16xf32>,
      tpu.vector_store %arg11[%swap3A_225, %swap3A_226], %broadcast_in_dim3A_224 {strides = array<i32>} : memref<128x128xf32, #tpu.memory_space<vmem>>, vector<16xf32>,
      %broadcast_in_dim3A_228 = arith.constant 0.000000e+00 : f32
      %broadcast_in_dim3A_229 = vector.broadcast %broadcast_in_dim3A_228 : f32 to vector<16xf32>
      %swap3A_230 = arith.index_cast %scan3A_201 : i32 to index
      %swap3A_231 = arith.constant 80 : index
      %swap3A_232 = tpu.vector_load %arg11[%swap3A_230, %swap3A_231] {strides = array<i32>} : memref<128x128xf32, #tpu.memory_space<vmem>>, vector<16xf32>,
      tpu.vector_store %arg11[%swap3A_230, %swap3A_231], %broadcast_in_dim3A_229 {strides = array<i32>} : memref<128x128xf32, #tpu.memory_space<vmem>>, vector<16xf32>,
      %broadcast_in_dim3A_233 = arith.constant 0.000000e+00 : f32
      %broadcast_in_dim3A_234 = vector.broadcast %broadcast_in_dim3A_233 : f32 to vector<16xf32>
      %swap3A_235 = arith.index_cast %scan3A_201 : i32 to index
      %swap3A_236 = arith.constant 96 : index
      %swap3A_237 = tpu.vector_load %arg11[%swap3A_235, %swap3A_236] {strides = array<i32>} : memref<128x128xf32, #tpu.memory_space<vmem>>, vector<16xf32>,
      tpu.vector_store %arg11[%swap3A_235, %swap3A_236], %broadcast_in_dim3A_234 {strides = array<i32>} : memref<128x128xf32, #tpu.memory_space<vmem>>, vector<16xf32>,
      %broadcast_in_dim3A_238 = arith.constant 0.000000e+00 : f32
      %broadcast_in_dim3A_239 = vector.broadcast %broadcast_in_dim3A_238 : f32 to vector<16xf32>
      %swap3A_240 = arith.index_cast %scan3A_201 : i32 to index
      %swap3A_241 = arith.constant 112 : index
      %swap3A_242 = tpu.vector_load %arg11[%swap3A_240, %swap3A_241] {strides = array<i32>} : memref<128x128xf32, #tpu.memory_space<vmem>>, vector<16xf32>,
      tpu.vector_store %arg11[%swap3A_240, %swap3A_241], %broadcast_in_dim3A_239 {strides = array<i32>} : memref<128x128xf32, #tpu.memory_space<vmem>>, vector<16xf32>,
      %scan3A_243 = arith.constant 0 : i32
      scf.yield %scan3A_243 : i32
    }
    %scan3A_40 = arith.constant 128 : i32
    %lt3A = arith.constant 14 : i32
    %lt3A_41 = arith.cmpi slt, %arg1, %lt3A : i32
    %jit3A = arith.constant 5 : i32
    %jit3A_42 = arith.constant 4 : i32
    %select_n3A = arith.select %lt3A_41, %jit3A, %jit3A_42 : i32
    %while3A = arith.constant 0 : i32
    %while3A_43 = arith.constant 0 : i32
    %while3A_44 = arith.subi %select_n3A, %while3A : i32
    %while3A_45 = arith.addi %while3A, %while3A_44 : i32
    %while3A_46 = arith.constant 1 : i32
    %while3A_47 = arith.divsi %while3A_44, %while3A_46 : i32
    %while3A_48 = arith.muli %while3A_47, %while3A_46 : i32
    %while3A_49 = arith.addi %while3A, %while3A_48 : i32
    %while3A_50 = arith.constant 1 : i32
    %while3A_51 = scf.for %while3A_201 = %while3A to %while3A_49 step %while3A_50 iter_args(%while3A_202 = %while3A_43) -> (i32)  : i32 {
      %mul3A_203 = arith.constant 16 : i32
      %mul3A_204 = arith.muli %while3A_201, %mul3A_203 : i32
      %add3A_205 = arith.addi %arg1, %mul3A_204 : i32
      %mul3A_206 = arith.constant 128 : i32
      %mul3A_207 = arith.muli %add3A_205, %mul3A_206 : i32
      "tpu.region"() ({
        %run_scoped3A = tpu.sem_alloc : memref<!tpu.dma_semaphore, #tpu.memory_space<semaphore_mem>>
        %dma_start3A_209 = arith.constant 0 : i32
        %dma_start3A_210 = tpu.memref_slice %arg17[%mul3A_207, %dma_start3A_209] : memref<10000x128xf32, #tpu.memory_space<vmem_shared>> -> memref<128x128xf32, #tpu.memory_space<vmem_shared>>
        %dma_start3A_211 = arith.constant 0 : i32
        %dma_start3A_212 = tpu.memref_slice %arg17[%mul3A_207, %dma_start3A_211] : memref<10000x128xf32, #tpu.memory_space<vmem_shared>> -> memref<128x128xf32, #tpu.memory_space<vmem_shared>>
        tpu.enqueue_dma source(%arg11 : memref<128x128xf32, #tpu.memory_space<vmem>>) target(%dma_start3A_212 : memref<128x128xf32, #tpu.memory_space<vmem_shared>>) target_semaphore(%run_scoped3A : memref<!tpu.dma_semaphore, #tpu.memory_space<semaphore_mem>>)
        %dma_wait3A = arith.constant 0 : i32
        %dma_wait3A_213 = tpu.memref_slice %arg17[%mul3A_207, %dma_wait3A] : memref<10000x128xf32, #tpu.memory_space<vmem_shared>> -> memref<128x128xf32, #tpu.memory_space<vmem_shared>>
        %dma_wait3A_214 = arith.constant 0 : i32
        %dma_wait3A_215 = tpu.memref_slice %arg17[%mul3A_207, %dma_wait3A_214] : memref<10000x128xf32, #tpu.memory_space<vmem_shared>> -> memref<128x128xf32, #tpu.memory_space<vmem_shared>>
        tpu.wait_dma2 semaphore(%run_scoped3A : memref<!tpu.dma_semaphore, #tpu.memory_space<semaphore_mem>>) src(%arg11 : memref<128x128xf32, #tpu.memory_space<vmem>>) dst(%dma_wait3A_215 : memref<128x128xf32, #tpu.memory_space<vmem_shared>>)
        tpu.yield
      }) : () -> ()
      %while3A_208 = arith.constant 0 : i32
      scf.yield %while3A_208 : i32
    }
    %while3A_52 = arith.constant 1 : i32
    %while3A_53 = scf.for %while3A_201 = %while3A_49 to %while3A_45 step %while3A_52 iter_args(%while3A_202 = %while3A_51) -> (i32)  : i32 {
      %mul3A_203 = arith.constant 16 : i32
      %mul3A_204 = arith.muli %while3A_201, %mul3A_203 : i32
      %add3A_205 = arith.addi %arg1, %mul3A_204 : i32
      %mul3A_206 = arith.constant 128 : i32
      %mul3A_207 = arith.muli %add3A_205, %mul3A_206 : i32
      "tpu.region"() ({
        %run_scoped3A = tpu.sem_alloc : memref<!tpu.dma_semaphore, #tpu.memory_space<semaphore_mem>>
        %dma_start3A_209 = arith.constant 0 : i32
        %dma_start3A_210 = tpu.memref_slice %arg17[%mul3A_207, %dma_start3A_209] : memref<10000x128xf32, #tpu.memory_space<vmem_shared>> -> memref<128x128xf32, #tpu.memory_space<vmem_shared>>
        %dma_start3A_211 = arith.constant 0 : i32
        %dma_start3A_212 = tpu.memref_slice %arg17[%mul3A_207, %dma_start3A_211] : memref<10000x128xf32, #tpu.memory_space<vmem_shared>> -> memref<128x128xf32, #tpu.memory_space<vmem_shared>>
        tpu.enqueue_dma source(%arg11 : memref<128x128xf32, #tpu.memory_space<vmem>>) target(%dma_start3A_212 : memref<128x128xf32, #tpu.memory_space<vmem_shared>>) target_semaphore(%run_scoped3A : memref<!tpu.dma_semaphore, #tpu.memory_space<semaphore_mem>>)
        %dma_wait3A = arith.constant 0 : i32
        %dma_wait3A_213 = tpu.memref_slice %arg17[%mul3A_207, %dma_wait3A] : memref<10000x128xf32, #tpu.memory_space<vmem_shared>> -> memref<128x128xf32, #tpu.memory_space<vmem_shared>>
        %dma_wait3A_214 = arith.constant 0 : i32
        %dma_wait3A_215 = tpu.memref_slice %arg17[%mul3A_207, %dma_wait3A_214] : memref<10000x128xf32, #tpu.memory_space<vmem_shared>> -> memref<128x128xf32, #tpu.memory_space<vmem_shared>>
        tpu.wait_dma2 semaphore(%run_scoped3A : memref<!tpu.dma_semaphore, #tpu.memory_space<semaphore_mem>>) src(%arg11 : memref<128x128xf32, #tpu.memory_space<vmem>>) dst(%dma_wait3A_215 : memref<128x128xf32, #tpu.memory_space<vmem_shared>>)
        tpu.yield
      }) : () -> ()
      %while3A_208 = arith.constant 0 : i32
      scf.yield %while3A_208 : i32
    }
    %eq3A = arith.constant 15 : i32
    %eq3A_54 = arith.cmpi eq, %arg1, %eq3A : i32
    %convert_element_type3A = arith.extui %eq3A_54 : i1 to i32
    %cond3A = arith.constant 0 : i32
    %cond3A_55 = arith.cmpi ne, %convert_element_type3A, %cond3A : i32
    scf.if %cond3A_55 {
      "tpu.region"() ({
        %run_scoped3A = tpu.sem_alloc : memref<!tpu.dma_semaphore, #tpu.memory_space<semaphore_mem>>
        %dma_start3A_201 = arith.constant 0 : i32
        %dma_start3A_202 = arith.constant 0 : i32
        %dma_start3A_203 = tpu.memref_slice %arg11[%dma_start3A_201, %dma_start3A_202] : memref<128x128xf32, #tpu.memory_space<vmem>> -> memref<16x128xf32, #tpu.memory_space<vmem>>
        %dma_start3A_204 = arith.constant 9984 : i32
        %dma_start3A_205 = arith.constant 0 : i32
        %dma_start3A_206 = tpu.memref_slice %arg17[%dma_start3A_204, %dma_start3A_205] : memref<10000x128xf32, #tpu.memory_space<vmem_shared>> -> memref<16x128xf32, #tpu.memory_space<vmem_shared>>
        %dma_start3A_207 = arith.constant 9984 : i32
        %dma_start3A_208 = arith.constant 0 : i32
        %dma_start3A_209 = tpu.memref_slice %arg17[%dma_start3A_207, %dma_start3A_208] : memref<10000x128xf32, #tpu.memory_space<vmem_shared>> -> memref<16x128xf32, #tpu.memory_space<vmem_shared>>
        %dma_start3A_210 = arith.constant 0 : i32
        %dma_start3A_211 = arith.constant 0 : i32
        %dma_start3A_212 = tpu.memref_slice %arg11[%dma_start3A_210, %dma_start3A_211] : memref<128x128xf32, #tpu.memory_space<vmem>> -> memref<16x128xf32, #tpu.memory_space<vmem>>
        tpu.enqueue_dma source(%dma_start3A_212 : memref<16x128xf32, #tpu.memory_space<vmem>>) target(%dma_start3A_209 : memref<16x128xf32, #tpu.memory_space<vmem_shared>>) target_semaphore(%run_scoped3A : memref<!tpu.dma_semaphore, #tpu.memory_space<semaphore_mem>>)
        %dma_wait3A = arith.constant 0 : i32
        %dma_wait3A_213 = arith.constant 0 : i32
        %dma_wait3A_214 = tpu.memref_slice %arg11[%dma_wait3A, %dma_wait3A_213] : memref<128x128xf32, #tpu.memory_space<vmem>> -> memref<16x128xf32, #tpu.memory_space<vmem>>
        %dma_wait3A_215 = arith.constant 9984 : i32
        %dma_wait3A_216 = arith.constant 0 : i32
        %dma_wait3A_217 = tpu.memref_slice %arg17[%dma_wait3A_215, %dma_wait3A_216] : memref<10000x128xf32, #tpu.memory_space<vmem_shared>> -> memref<16x128xf32, #tpu.memory_space<vmem_shared>>
        %dma_wait3A_218 = arith.constant 9984 : i32
        %dma_wait3A_219 = arith.constant 0 : i32
        %dma_wait3A_220 = tpu.memref_slice %arg17[%dma_wait3A_218, %dma_wait3A_219] : memref<10000x128xf32, #tpu.memory_space<vmem_shared>> -> memref<16x128xf32, #tpu.memory_space<vmem_shared>>
        %dma_wait3A_221 = arith.constant 0 : i32
        %dma_wait3A_222 = arith.constant 0 : i32
        %dma_wait3A_223 = tpu.memref_slice %arg11[%dma_wait3A_221, %dma_wait3A_222] : memref<128x128xf32, #tpu.memory_space<vmem>> -> memref<16x128xf32, #tpu.memory_space<vmem>>
        tpu.wait_dma2 semaphore(%run_scoped3A : memref<!tpu.dma_semaphore, #tpu.memory_space<semaphore_mem>>) src(%dma_wait3A_223 : memref<16x128xf32, #tpu.memory_space<vmem>>) dst(%dma_wait3A_220 : memref<16x128xf32, #tpu.memory_space<vmem_shared>>)
        tpu.yield
      }) : () -> ()
    } else {
    }
    %eq3A_56 = arith.constant 0 : i32
    %eq3A_57 = arith.cmpi eq, %arg1, %eq3A_56 : i32
    %convert_element_type3A_58 = arith.extui %eq3A_57 : i1 to i32
    %cond3A_59 = arith.constant 0 : i32
    %cond3A_60 = arith.cmpi ne, %convert_element_type3A_58, %cond3A_59 : i32
    scf.if %cond3A_60 {
      "tpu.region"() ({
        %run_scoped3A = tpu.sem_alloc : memref<!tpu.dma_semaphore, #tpu.memory_space<semaphore_mem>>
        %dma_start3A_201 = arith.constant 0 : i32
        %dma_start3A_202 = arith.constant 0 : i32
        %dma_start3A_203 = tpu.memref_slice %arg11[%dma_start3A_201, %dma_start3A_202] : memref<128x128xf32, #tpu.memory_space<vmem>> -> memref<80x128xf32, #tpu.memory_space<vmem>>
        %dma_start3A_204 = arith.constant 0 : i32
        %dma_start3A_205 = arith.constant 0 : i32
        %dma_start3A_206 = tpu.memref_slice %arg11[%dma_start3A_204, %dma_start3A_205] : memref<128x128xf32, #tpu.memory_space<vmem>> -> memref<80x128xf32, #tpu.memory_space<vmem>>
        tpu.enqueue_dma source(%dma_start3A_206 : memref<80x128xf32, #tpu.memory_space<vmem>>) target(%arg18 : memref<80x128xf32, #tpu.memory_space<vmem_shared>>) target_semaphore(%run_scoped3A : memref<!tpu.dma_semaphore, #tpu.memory_space<semaphore_mem>>)
        %dma_wait3A = arith.constant 0 : i32
        %dma_wait3A_207 = arith.constant 0 : i32
        %dma_wait3A_208 = tpu.memref_slice %arg11[%dma_wait3A, %dma_wait3A_207] : memref<128x128xf32, #tpu.memory_space<vmem>> -> memref<80x128xf32, #tpu.memory_space<vmem>>
        %dma_wait3A_209 = arith.constant 0 : i32
        %dma_wait3A_210 = arith.constant 0 : i32
        %dma_wait3A_211 = tpu.memref_slice %arg11[%dma_wait3A_209, %dma_wait3A_210] : memref<128x128xf32, #tpu.memory_space<vmem>> -> memref<80x128xf32, #tpu.memory_space<vmem>>
        tpu.wait_dma2 semaphore(%run_scoped3A : memref<!tpu.dma_semaphore, #tpu.memory_space<semaphore_mem>>) src(%dma_wait3A_211 : memref<80x128xf32, #tpu.memory_space<vmem>>) dst(%arg18 : memref<80x128xf32, #tpu.memory_space<vmem_shared>>)
        tpu.yield
      }) : () -> ()
    } else {
    }
    %barrier3A = arith.constant 0 : index
    tpu.barrier barrier_id(%barrier3A)
    %lt3A_61 = arith.constant 2 : i32
    %lt3A_62 = arith.cmpi slt, %arg1, %lt3A_61 : i32
    %jit3A_63 = arith.constant 79 : i32
    %jit3A_64 = arith.constant 78 : i32
    %select_n3A_65 = arith.select %lt3A_62, %jit3A_63, %jit3A_64 : i32
    %mul3A_66 = arith.constant 10000 : i32
    %mul3A_67 = arith.muli %arg0, %mul3A_66 : i32
    %broadcast_in_dim3A = arith.constant 1.000000e+00 : f32
    %broadcast_in_dim3A_68 = vector.broadcast %broadcast_in_dim3A : f32 to vector<16xf32>
    %jit3A_69 = arith.constant 2 : i32
    %eq3A_70 = arith.constant 0 : i32
    %eq3A_71 = arith.cmpi eq, %jit3A_69, %eq3A_70 : i32
    %jit3A_72 = arith.constant 1 : i32
    %select_n3A_73 = arith.select %eq3A_71, %jit3A_72, %jit3A_69 : i32
    %rem3A = arith.remsi %arg1, %select_n3A_73 : i32
    %ne3A = arith.constant 0 : i32
    %ne3A_74 = arith.cmpi ne, %rem3A, %ne3A : i32
    %lt3A_75 = arith.constant 0 : i32
    %lt3A_76 = arith.cmpi slt, %rem3A, %lt3A_75 : i32
    %lt3A_77 = arith.constant 0 : i32
    %lt3A_78 = arith.cmpi slt, %select_n3A_73, %lt3A_77 : i32
    %ne3A_79 = arith.xori %lt3A_76, %lt3A_78 : i1
    %and3A = arith.andi %ne3A_79, %ne3A_74 : i1
    %add3A_80 = arith.addi %rem3A, %select_n3A_73 : i32
    %select_n3A_81 = arith.select %and3A, %add3A_80, %rem3A : i32
    %eq3A_82 = arith.cmpi eq, %select_n3A_81, %arg0 : i32
    %add3A_83 = arith.constant 0 : i32
    %add3A_84 = arith.addi %arg1, %add3A_83 : i32
    %mul3A_85 = arith.constant 128 : i32
    %mul3A_86 = arith.muli %add3A_84, %mul3A_85 : i32
    "tpu.region"() ({
      %run_scoped3A = tpu.sem_alloc : memref<!tpu.dma_semaphore, #tpu.memory_space<semaphore_mem>>
      %dma_start3A_201 = tpu.memref_slice %arg2[%mul3A_86] : memref<160000xi32, #tpu.memory_space<hbm>> -> memref<128xi32, #tpu.memory_space<hbm>>
      %dma_start3A_202 = tpu.memref_slice %arg2[%mul3A_86] : memref<160000xi32, #tpu.memory_space<hbm>> -> memref<128xi32, #tpu.memory_space<hbm>>
      tpu.enqueue_dma source(%dma_start3A_202 : memref<128xi32, #tpu.memory_space<hbm>>) target(%arg9 : memref<128xi32, #tpu.memory_space<vmem>>) target_semaphore(%run_scoped3A : memref<!tpu.dma_semaphore, #tpu.memory_space<semaphore_mem>>)
      %dma_wait3A = tpu.memref_slice %arg2[%mul3A_86] : memref<160000xi32, #tpu.memory_space<hbm>> -> memref<128xi32, #tpu.memory_space<hbm>>
      %dma_wait3A_203 = tpu.memref_slice %arg2[%mul3A_86] : memref<160000xi32, #tpu.memory_space<hbm>> -> memref<128xi32, #tpu.memory_space<hbm>>
      tpu.wait_dma2 semaphore(%run_scoped3A : memref<!tpu.dma_semaphore, #tpu.memory_space<semaphore_mem>>) src(%dma_wait3A_203 : memref<128xi32, #tpu.memory_space<hbm>>) dst(%arg9 : memref<128xi32, #tpu.memory_space<vmem>>)
      tpu.yield
    }) : () -> ()
    "tpu.region"() ({
      %run_scoped3A = tpu.sem_alloc : memref<!tpu.dma_semaphore, #tpu.memory_space<semaphore_mem>>
      %dma_start3A_201 = tpu.memref_slice %arg3[%mul3A_86] : memref<160000xi32, #tpu.memory_space<hbm>> -> memref<128xi32, #tpu.memory_space<hbm>>
      %dma_start3A_202 = tpu.memref_slice %arg3[%mul3A_86] : memref<160000xi32, #tpu.memory_space<hbm>> -> memref<128xi32, #tpu.memory_space<hbm>>
      tpu.enqueue_dma source(%dma_start3A_202 : memref<128xi32, #tpu.memory_space<hbm>>) target(%arg10 : memref<128xi32, #tpu.memory_space<vmem>>) target_semaphore(%run_scoped3A : memref<!tpu.dma_semaphore, #tpu.memory_space<semaphore_mem>>)
      %dma_wait3A = tpu.memref_slice %arg3[%mul3A_86] : memref<160000xi32, #tpu.memory_space<hbm>> -> memref<128xi32, #tpu.memory_space<hbm>>
      %dma_wait3A_203 = tpu.memref_slice %arg3[%mul3A_86] : memref<160000xi32, #tpu.memory_space<hbm>> -> memref<128xi32, #tpu.memory_space<hbm>>
      tpu.wait_dma2 semaphore(%run_scoped3A : memref<!tpu.dma_semaphore, #tpu.memory_space<semaphore_mem>>) src(%dma_wait3A_203 : memref<128xi32, #tpu.memory_space<hbm>>) dst(%arg10 : memref<128xi32, #tpu.memory_space<vmem>>)
      tpu.yield
    }) : () -> ()
    %get3A = arith.constant 0 : index
    %get3A_87 = tpu.vector_load %arg9[%get3A] {strides = array<i32>} : memref<128xi32, #tpu.memory_space<vmem>>, vector<16xi32>,
    %add3A_88 = vector.broadcast %mul3A_67 : i32 to vector<16xi32>
    %add3A_89 = arith.addi %get3A_87, %add3A_88 : vector<16xi32>
    %swap3A_90 = arith.constant 0 : index
    %swap3A_91 = tpu.vector_load %arg9[%swap3A_90] {strides = array<i32>} : memref<128xi32, #tpu.memory_space<vmem>>, vector<16xi32>,
    tpu.vector_store %arg9[%swap3A_90], %add3A_89 {strides = array<i32>} : memref<128xi32, #tpu.memory_space<vmem>>, vector<16xi32>,
    %get3A_92 = arith.constant 16 : index
    %get3A_93 = tpu.vector_load %arg9[%get3A_92] {strides = array<i32>} : memref<128xi32, #tpu.memory_space<vmem>>, vector<16xi32>,
    %add3A_94 = vector.broadcast %mul3A_67 : i32 to vector<16xi32>
    %add3A_95 = arith.addi %get3A_93, %add3A_94 : vector<16xi32>
    %swap3A_96 = arith.constant 16 : index
    %swap3A_97 = tpu.vector_load %arg9[%swap3A_96] {strides = array<i32>} : memref<128xi32, #tpu.memory_space<vmem>>, vector<16xi32>,
    tpu.vector_store %arg9[%swap3A_96], %add3A_95 {strides = array<i32>} : memref<128xi32, #tpu.memory_space<vmem>>, vector<16xi32>,
    %get3A_98 = arith.constant 32 : index
    %get3A_99 = tpu.vector_load %arg9[%get3A_98] {strides = array<i32>} : memref<128xi32, #tpu.memory_space<vmem>>, vector<16xi32>,
    %add3A_100 = vector.broadcast %mul3A_67 : i32 to vector<16xi32>
    %add3A_101 = arith.addi %get3A_99, %add3A_100 : vector<16xi32>
    %swap3A_102 = arith.constant 32 : index
    %swap3A_103 = tpu.vector_load %arg9[%swap3A_102] {strides = array<i32>} : memref<128xi32, #tpu.memory_space<vmem>>, vector<16xi32>,
    tpu.vector_store %arg9[%swap3A_102], %add3A_101 {strides = array<i32>} : memref<128xi32, #tpu.memory_space<vmem>>, vector<16xi32>,
    %get3A_104 = arith.constant 48 : index
    %get3A_105 = tpu.vector_load %arg9[%get3A_104] {strides = array<i32>} : memref<128xi32, #tpu.memory_space<vmem>>, vector<16xi32>,
    %add3A_106 = vector.broadcast %mul3A_67 : i32 to vector<16xi32>
    %add3A_107 = arith.addi %get3A_105, %add3A_106 : vector<16xi32>
    %swap3A_108 = arith.constant 48 : index
    %swap3A_109 = tpu.vector_load %arg9[%swap3A_108] {strides = array<i32>} : memref<128xi32, #tpu.memory_space<vmem>>, vector<16xi32>,
    tpu.vector_store %arg9[%swap3A_108], %add3A_107 {strides = array<i32>} : memref<128xi32, #tpu.memory_space<vmem>>, vector<16xi32>,
    %get3A_110 = arith.constant 64 : index
    %get3A_111 = tpu.vector_load %arg9[%get3A_110] {strides = array<i32>} : memref<128xi32, #tpu.memory_space<vmem>>, vector<16xi32>,
    %add3A_112 = vector.broadcast %mul3A_67 : i32 to vector<16xi32>
    %add3A_113 = arith.addi %get3A_111, %add3A_112 : vector<16xi32>
    %swap3A_114 = arith.constant 64 : index
    %swap3A_115 = tpu.vector_load %arg9[%swap3A_114] {strides = array<i32>} : memref<128xi32, #tpu.memory_space<vmem>>, vector<16xi32>,
    tpu.vector_store %arg9[%swap3A_114], %add3A_113 {strides = array<i32>} : memref<128xi32, #tpu.memory_space<vmem>>, vector<16xi32>,
    %get3A_116 = arith.constant 80 : index
    %get3A_117 = tpu.vector_load %arg9[%get3A_116] {strides = array<i32>} : memref<128xi32, #tpu.memory_space<vmem>>, vector<16xi32>,
    %add3A_118 = vector.broadcast %mul3A_67 : i32 to vector<16xi32>
    %add3A_119 = arith.addi %get3A_117, %add3A_118 : vector<16xi32>
    %swap3A_120 = arith.constant 80 : index
    %swap3A_121 = tpu.vector_load %arg9[%swap3A_120] {strides = array<i32>} : memref<128xi32, #tpu.memory_space<vmem>>, vector<16xi32>,
    tpu.vector_store %arg9[%swap3A_120], %add3A_119 {strides = array<i32>} : memref<128xi32, #tpu.memory_space<vmem>>, vector<16xi32>,
    %get3A_122 = arith.constant 96 : index
    %get3A_123 = tpu.vector_load %arg9[%get3A_122] {strides = array<i32>} : memref<128xi32, #tpu.memory_space<vmem>>, vector<16xi32>,
    %add3A_124 = vector.broadcast %mul3A_67 : i32 to vector<16xi32>
    %add3A_125 = arith.addi %get3A_123, %add3A_124 : vector<16xi32>
    %swap3A_126 = arith.constant 96 : index
    %swap3A_127 = tpu.vector_load %arg9[%swap3A_126] {strides = array<i32>} : memref<128xi32, #tpu.memory_space<vmem>>, vector<16xi32>,
    tpu.vector_store %arg9[%swap3A_126], %add3A_125 {strides = array<i32>} : memref<128xi32, #tpu.memory_space<vmem>>, vector<16xi32>,
    %get3A_128 = arith.constant 112 : index
    %get3A_129 = tpu.vector_load %arg9[%get3A_128] {strides = array<i32>} : memref<128xi32, #tpu.memory_space<vmem>>, vector<16xi32>,
    %add3A_130 = vector.broadcast %mul3A_67 : i32 to vector<16xi32>
    %add3A_131 = arith.addi %get3A_129, %add3A_130 : vector<16xi32>
    %swap3A_132 = arith.constant 112 : index
    %swap3A_133 = tpu.vector_load %arg9[%swap3A_132] {strides = array<i32>} : memref<128xi32, #tpu.memory_space<vmem>>, vector<16xi32>,
    tpu.vector_store %arg9[%swap3A_132], %add3A_131 {strides = array<i32>} : memref<128xi32, #tpu.memory_space<vmem>>, vector<16xi32>,
    %dma_start3A = arith.constant 0 : i32
    %dma_start3A_134 = arith.constant 0 : i32
    %dma_start3A_135 = tpu.memref_slice %arg4[%dma_start3A, %dma_start3A_134] : memref<20000x128xf32, #tpu.memory_space<hbm>> -> memref<20000x128xf32, #tpu.memory_space<hbm>>
    tpu.enqueue_indirect_dma source(%dma_start3A_135 : memref<20000x128xf32, #tpu.memory_space<hbm>>) target(%arg11 : memref<128x128xf32, #tpu.memory_space<vmem>>) offsets(%arg9 : memref<128xi32, #tpu.memory_space<vmem>>) semaphore(%arg19 : memref<!tpu.dma_semaphore, #tpu.memory_space<semaphore_mem>>)
    %add3A_136 = arith.constant 1 : i32
    %add3A_137 = arith.addi %select_n3A_65, %add3A_136 : i32
    %jit3A_138 = arith.constant 2 : i32
    %div3A = arith.divsi %add3A_137, %jit3A_138 : i32
    %sign3A = arith.constant 0 : i32
    %sign3A_139 = arith.cmpi sgt, %add3A_137, %sign3A : i32
    %sign3A_140 = arith.extui %sign3A_139 : i1 to i32
    %sign3A_141 = arith.constant 0 : i32
    %sign3A_142 = arith.cmpi slt, %add3A_137, %sign3A_141 : i32
    %sign3A_143 = arith.extui %sign3A_142 : i1 to i32
    %sign3A_144 = arith.subi %sign3A_140, %sign3A_143 : i32
    %sign3A_145 = arith.constant 0 : i32
    %sign3A_146 = arith.cmpi sgt, %jit3A_138, %sign3A_145 : i32
    %sign3A_147 = arith.extui %sign3A_146 : i1 to i32
    %sign3A_148 = arith.constant 0 : i32
    %sign3A_149 = arith.cmpi slt, %jit3A_138, %sign3A_148 : i32
    %sign3A_150 = arith.extui %sign3A_149 : i1 to i32
    %sign3A_151 = arith.subi %sign3A_147, %sign3A_150 : i32
    %ne3A_152 = arith.cmpi ne, %sign3A_144, %sign3A_151 : i32
    %rem3A_153 = arith.remsi %add3A_137, %jit3A_138 : i32
    %ne3A_154 = arith.constant 0 : i32
    %ne3A_155 = arith.cmpi ne, %rem3A_153, %ne3A_154 : i32
    %and3A_156 = arith.andi %ne3A_152, %ne3A_155 : i1
    %sub3A = arith.constant 1 : i32
    %sub3A_157 = arith.subi %div3A, %sub3A : i32
    %select_n3A_158 = arith.select %and3A_156, %sub3A_157, %div3A : i32
    %while3A_159 = arith.constant 0 : i32
    %while3A_160 = arith.constant 0 : i32
    %while3A_161 = arith.subi %select_n3A_158, %while3A_159 : i32
    %while3A_162 = arith.addi %while3A_159, %while3A_161 : i32
    %while3A_163 = arith.constant 1 : i32
    %while3A_164 = arith.divsi %while3A_161, %while3A_163 : i32
    %while3A_165 = arith.muli %while3A_164, %while3A_163 : i32
    %while3A_166 = arith.addi %while3A_159, %while3A_165 : i32
    %while3A_167 = arith.constant 1 : i32
    %while3A_168 = scf.for %while3A_201 = %while3A_159 to %while3A_166 step %while3A_167 iter_args(%while3A_202 = %while3A_160) -> (i32)  : i32 {
      %mul3A_203 = arith.constant 2 : i32
      %mul3A_204 = arith.muli %mul3A_203, %while3A_201 : i32
      %add3A_205 = arith.constant 1 : i32
      %add3A_206 = arith.addi %mul3A_204, %add3A_205 : i32
      %lt3A_207 = arith.cmpi slt, %add3A_206, %select_n3A_65 : i32
      %convert_element_type3A_208 = arith.extui %lt3A_207 : i1 to i32
      %cond3A_209 = arith.constant 0 : i32
      %cond3A_210 = arith.cmpi ne, %convert_element_type3A_208, %cond3A_209 : i32
      scf.if %cond3A_210 {
        %mul3A_221 = arith.constant 16 : i32
        %mul3A_222 = arith.muli %add3A_206, %mul3A_221 : i32
        %add3A_223 = arith.addi %arg1, %mul3A_222 : i32
        %mul3A_224 = arith.constant 128 : i32
        %mul3A_225 = arith.muli %add3A_223, %mul3A_224 : i32
        "tpu.region"() ({
          %run_scoped3A = tpu.sem_alloc : memref<!tpu.dma_semaphore, #tpu.memory_space<semaphore_mem>>
          %dma_start3A_277 = tpu.memref_slice %arg2[%mul3A_225] : memref<160000xi32, #tpu.memory_space<hbm>> -> memref<128xi32, #tpu.memory_space<hbm>>
          %dma_start3A_278 = tpu.memref_slice %arg2[%mul3A_225] : memref<160000xi32, #tpu.memory_space<hbm>> -> memref<128xi32, #tpu.memory_space<hbm>>
          tpu.enqueue_dma source(%dma_start3A_278 : memref<128xi32, #tpu.memory_space<hbm>>) target(%arg12 : memref<128xi32, #tpu.memory_space<vmem>>) target_semaphore(%run_scoped3A : memref<!tpu.dma_semaphore, #tpu.memory_space<semaphore_mem>>)
          %dma_wait3A_279 = tpu.memref_slice %arg2[%mul3A_225] : memref<160000xi32, #tpu.memory_space<hbm>> -> memref<128xi32, #tpu.memory_space<hbm>>
          %dma_wait3A_280 = tpu.memref_slice %arg2[%mul3A_225] : memref<160000xi32, #tpu.memory_space<hbm>> -> memref<128xi32, #tpu.memory_space<hbm>>
          tpu.wait_dma2 semaphore(%run_scoped3A : memref<!tpu.dma_semaphore, #tpu.memory_space<semaphore_mem>>) src(%dma_wait3A_280 : memref<128xi32, #tpu.memory_space<hbm>>) dst(%arg12 : memref<128xi32, #tpu.memory_space<vmem>>)
          tpu.yield
        }) : () -> ()
        "tpu.region"() ({
          %run_scoped3A = tpu.sem_alloc : memref<!tpu.dma_semaphore, #tpu.memory_space<semaphore_mem>>
          %dma_start3A_277 = tpu.memref_slice %arg3[%mul3A_225] : memref<160000xi32, #tpu.memory_space<hbm>> -> memref<128xi32, #tpu.memory_space<hbm>>
          %dma_start3A_278 = tpu.memref_slice %arg3[%mul3A_225] : memref<160000xi32, #tpu.memory_space<hbm>> -> memref<128xi32, #tpu.memory_space<hbm>>
          tpu.enqueue_dma source(%dma_start3A_278 : memref<128xi32, #tpu.memory_space<hbm>>) target(%arg13 : memref<128xi32, #tpu.memory_space<vmem>>) target_semaphore(%run_scoped3A : memref<!tpu.dma_semaphore, #tpu.memory_space<semaphore_mem>>)
          %dma_wait3A_279 = tpu.memref_slice %arg3[%mul3A_225] : memref<160000xi32, #tpu.memory_space<hbm>> -> memref<128xi32, #tpu.memory_space<hbm>>
          %dma_wait3A_280 = tpu.memref_slice %arg3[%mul3A_225] : memref<160000xi32, #tpu.memory_space<hbm>> -> memref<128xi32, #tpu.memory_space<hbm>>
          tpu.wait_dma2 semaphore(%run_scoped3A : memref<!tpu.dma_semaphore, #tpu.memory_space<semaphore_mem>>) src(%dma_wait3A_280 : memref<128xi32, #tpu.memory_space<hbm>>) dst(%arg13 : memref<128xi32, #tpu.memory_space<vmem>>)
          tpu.yield
        }) : () -> ()
        %get3A_226 = arith.constant 0 : index
        %get3A_227 = tpu.vector_load %arg12[%get3A_226] {strides = array<i32>} : memref<128xi32, #tpu.memory_space<vmem>>, vector<16xi32>,
        %add3A_228 = vector.broadcast %mul3A_67 : i32 to vector<16xi32>
        %add3A_229 = arith.addi %get3A_227, %add3A_228 : vector<16xi32>
        %swap3A_230 = arith.constant 0 : index
        %swap3A_231 = tpu.vector_load %arg12[%swap3A_230] {strides = array<i32>} : memref<128xi32, #tpu.memory_space<vmem>>, vector<16xi32>,
        tpu.vector_store %arg12[%swap3A_230], %add3A_229 {strides = array<i32>} : memref<128xi32, #tpu.memory_space<vmem>>, vector<16xi32>,
        %get3A_232 = arith.constant 16 : index
        %get3A_233 = tpu.vector_load %arg12[%get3A_232] {strides = array<i32>} : memref<128xi32, #tpu.memory_space<vmem>>, vector<16xi32>,
        %add3A_234 = vector.broadcast %mul3A_67 : i32 to vector<16xi32>
        %add3A_235 = arith.addi %get3A_233, %add3A_234 : vector<16xi32>
        %swap3A_236 = arith.constant 16 : index
        %swap3A_237 = tpu.vector_load %arg12[%swap3A_236] {strides = array<i32>} : memref<128xi32, #tpu.memory_space<vmem>>, vector<16xi32>,
        tpu.vector_store %arg12[%swap3A_236], %add3A_235 {strides = array<i32>} : memref<128xi32, #tpu.memory_space<vmem>>, vector<16xi32>,
        %get3A_238 = arith.constant 32 : index
        %get3A_239 = tpu.vector_load %arg12[%get3A_238] {strides = array<i32>} : memref<128xi32, #tpu.memory_space<vmem>>, vector<16xi32>,
        %add3A_240 = vector.broadcast %mul3A_67 : i32 to vector<16xi32>
        %add3A_241 = arith.addi %get3A_239, %add3A_240 : vector<16xi32>
        %swap3A_242 = arith.constant 32 : index
        %swap3A_243 = tpu.vector_load %arg12[%swap3A_242] {strides = array<i32>} : memref<128xi32, #tpu.memory_space<vmem>>, vector<16xi32>,
        tpu.vector_store %arg12[%swap3A_242], %add3A_241 {strides = array<i32>} : memref<128xi32, #tpu.memory_space<vmem>>, vector<16xi32>,
        %get3A_244 = arith.constant 48 : index
        %get3A_245 = tpu.vector_load %arg12[%get3A_244] {strides = array<i32>} : memref<128xi32, #tpu.memory_space<vmem>>, vector<16xi32>,
        %add3A_246 = vector.broadcast %mul3A_67 : i32 to vector<16xi32>
        %add3A_247 = arith.addi %get3A_245, %add3A_246 : vector<16xi32>
        %swap3A_248 = arith.constant 48 : index
        %swap3A_249 = tpu.vector_load %arg12[%swap3A_248] {strides = array<i32>} : memref<128xi32, #tpu.memory_space<vmem>>, vector<16xi32>,
        tpu.vector_store %arg12[%swap3A_248], %add3A_247 {strides = array<i32>} : memref<128xi32, #tpu.memory_space<vmem>>, vector<16xi32>,
        %get3A_250 = arith.constant 64 : index
        %get3A_251 = tpu.vector_load %arg12[%get3A_250] {strides = array<i32>} : memref<128xi32, #tpu.memory_space<vmem>>, vector<16xi32>,
        %add3A_252 = vector.broadcast %mul3A_67 : i32 to vector<16xi32>
        %add3A_253 = arith.addi %get3A_251, %add3A_252 : vector<16xi32>
        %swap3A_254 = arith.constant 64 : index
        %swap3A_255 = tpu.vector_load %arg12[%swap3A_254] {strides = array<i32>} : memref<128xi32, #tpu.memory_space<vmem>>, vector<16xi32>,
        tpu.vector_store %arg12[%swap3A_254], %add3A_253 {strides = array<i32>} : memref<128xi32, #tpu.memory_space<vmem>>, vector<16xi32>,
        %get3A_256 = arith.constant 80 : index
        %get3A_257 = tpu.vector_load %arg12[%get3A_256] {strides = array<i32>} : memref<128xi32, #tpu.memory_space<vmem>>, vector<16xi32>,
        %add3A_258 = vector.broadcast %mul3A_67 : i32 to vector<16xi32>
        %add3A_259 = arith.addi %get3A_257, %add3A_258 : vector<16xi32>
        %swap3A_260 = arith.constant 80 : index
        %swap3A_261 = tpu.vector_load %arg12[%swap3A_260] {strides = array<i32>} : memref<128xi32, #tpu.memory_space<vmem>>, vector<16xi32>,
        tpu.vector_store %arg12[%swap3A_260], %add3A_259 {strides = array<i32>} : memref<128xi32, #tpu.memory_space<vmem>>, vector<16xi32>,
        %get3A_262 = arith.constant 96 : index
        %get3A_263 = tpu.vector_load %arg12[%get3A_262] {strides = array<i32>} : memref<128xi32, #tpu.memory_space<vmem>>, vector<16xi32>,
        %add3A_264 = vector.broadcast %mul3A_67 : i32 to vector<16xi32>
        %add3A_265 = arith.addi %get3A_263, %add3A_264 : vector<16xi32>
        %swap3A_266 = arith.constant 96 : index
        %swap3A_267 = tpu.vector_load %arg12[%swap3A_266] {strides = array<i32>} : memref<128xi32, #tpu.memory_space<vmem>>, vector<16xi32>,
        tpu.vector_store %arg12[%swap3A_266], %add3A_265 {strides = array<i32>} : memref<128xi32, #tpu.memory_space<vmem>>, vector<16xi32>,
        %get3A_268 = arith.constant 112 : index
        %get3A_269 = tpu.vector_load %arg12[%get3A_268] {strides = array<i32>} : memref<128xi32, #tpu.memory_space<vmem>>, vector<16xi32>,
        %add3A_270 = vector.broadcast %mul3A_67 : i32 to vector<16xi32>
        %add3A_271 = arith.addi %get3A_269, %add3A_270 : vector<16xi32>
        %swap3A_272 = arith.constant 112 : index
        %swap3A_273 = tpu.vector_load %arg12[%swap3A_272] {strides = array<i32>} : memref<128xi32, #tpu.memory_space<vmem>>, vector<16xi32>,
        tpu.vector_store %arg12[%swap3A_272], %add3A_271 {strides = array<i32>} : memref<128xi32, #tpu.memory_space<vmem>>, vector<16xi32>,
        %dma_start3A_274 = arith.constant 0 : i32
        %dma_start3A_275 = arith.constant 0 : i32
        %dma_start3A_276 = tpu.memref_slice %arg4[%dma_start3A_274, %dma_start3A_275] : memref<20000x128xf32, #tpu.memory_space<hbm>> -> memref<20000x128xf32, #tpu.memory_space<hbm>>
        tpu.enqueue_indirect_dma source(%dma_start3A_276 : memref<20000x128xf32, #tpu.memory_space<hbm>>) target(%arg14 : memref<128x128xf32, #tpu.memory_space<vmem>>) offsets(%arg12 : memref<128xi32, #tpu.memory_space<vmem>>) semaphore(%arg20 : memref<!tpu.dma_semaphore, #tpu.memory_space<semaphore_mem>>)
      } else {
      }
      %dma_wait3A = arith.constant 0 : i32
      %dma_wait3A_211 = arith.constant 0 : i32
      %dma_wait3A_212 = tpu.memref_slice %arg4[%dma_wait3A, %dma_wait3A_211] : memref<20000x128xf32, #tpu.memory_space<hbm>> -> memref<20000x128xf32, #tpu.memory_space<hbm>>
      tpu.wait_indirect_dma semaphore(%arg19 : memref<!tpu.dma_semaphore, #tpu.memory_space<semaphore_mem>>) src(%dma_wait3A_212 : memref<20000x128xf32, #tpu.memory_space<hbm>>) dst(%arg11 : memref<128x128xf32, #tpu.memory_space<vmem>>)
      "tpu.region"() ({
        %run_scoped3A = tpu.sem_alloc : memref<!tpu.dma_semaphore, #tpu.memory_space<semaphore_mem>>
        %dma_start3A_221 = arith.constant 0 : i32
        %dma_start3A_222 = arith.constant 0 : i32
        %dma_start3A_223 = tpu.memref_slice %arg17[%dma_start3A_221, %dma_start3A_222] : memref<10000x128xf32, #tpu.memory_space<vmem_shared>> -> memref<10000x128xf32, #tpu.memory_space<vmem_shared>>
        tpu.enqueue_indirect_dma source(%arg11 : memref<128x128xf32, #tpu.memory_space<vmem>>) target(%dma_start3A_223 : memref<10000x128xf32, #tpu.memory_space<vmem_shared>>) offsets(%arg10 : memref<128xi32, #tpu.memory_space<vmem>>) semaphore(%run_scoped3A : memref<!tpu.dma_semaphore, #tpu.memory_space<semaphore_mem>>) {add = true}
        %dma_wait3A_224 = arith.constant 0 : i32
        %dma_wait3A_225 = arith.constant 0 : i32
        %dma_wait3A_226 = tpu.memref_slice %arg17[%dma_wait3A_224, %dma_wait3A_225] : memref<10000x128xf32, #tpu.memory_space<vmem_shared>> -> memref<10000x128xf32, #tpu.memory_space<vmem_shared>>
        tpu.wait_indirect_dma semaphore(%run_scoped3A : memref<!tpu.dma_semaphore, #tpu.memory_space<semaphore_mem>>) src(%arg11 : memref<128x128xf32, #tpu.memory_space<vmem>>) dst(%dma_wait3A_226 : memref<10000x128xf32, #tpu.memory_space<vmem_shared>>)
        tpu.yield
      }) : () -> ()
      %convert_element_type3A_213 = arith.extui %eq3A_82 : i1 to i32
      %cond3A_214 = arith.constant 0 : i32
      %cond3A_215 = arith.cmpi ne, %convert_element_type3A_213, %cond3A_214 : i32
      scf.if %cond3A_215 {
        %get3A_221 = arith.constant 0 : index
        %get3A_222 = tpu.vector_load %arg10[%get3A_221] {strides = array<i32>} : memref<128xi32, #tpu.memory_space<vmem>>, vector<16xi32>,
        %shift_right_logical3A = arith.constant 7 : i32
        %shift_right_logical3A_223 = vector.broadcast %shift_right_logical3A : i32 to vector<16xi32>
        %shift_right_logical3A_224 = arith.shrui %get3A_222, %shift_right_logical3A_223 : vector<16xi32>
        %and3A_225 = arith.constant 127 : i32
        %and3A_226 = vector.broadcast %and3A_225 : i32 to vector<16xi32>
        %and3A_227 = arith.andi %get3A_222, %and3A_226 : vector<16xi32>
        tpu.vector_store_idx %arg15[%shift_right_logical3A_224, %and3A_227], %broadcast_in_dim3A_68 {add = true} : memref<80x128xf32, #tpu.memory_space<vmem>>[vector<16xi32>, vector<16xi32>], vector<16xf32>,
        %get3A_228 = arith.constant 16 : index
        %get3A_229 = tpu.vector_load %arg10[%get3A_228] {strides = array<i32>} : memref<128xi32, #tpu.memory_space<vmem>>, vector<16xi32>,
        %shift_right_logical3A_230 = arith.constant 7 : i32
        %shift_right_logical3A_231 = vector.broadcast %shift_right_logical3A_230 : i32 to vector<16xi32>
        %shift_right_logical3A_232 = arith.shrui %get3A_229, %shift_right_logical3A_231 : vector<16xi32>
        %and3A_233 = arith.constant 127 : i32
        %and3A_234 = vector.broadcast %and3A_233 : i32 to vector<16xi32>
        %and3A_235 = arith.andi %get3A_229, %and3A_234 : vector<16xi32>
        tpu.vector_store_idx %arg15[%shift_right_logical3A_232, %and3A_235], %broadcast_in_dim3A_68 {add = true} : memref<80x128xf32, #tpu.memory_space<vmem>>[vector<16xi32>, vector<16xi32>], vector<16xf32>,
        %get3A_236 = arith.constant 32 : index
        %get3A_237 = tpu.vector_load %arg10[%get3A_236] {strides = array<i32>} : memref<128xi32, #tpu.memory_space<vmem>>, vector<16xi32>,
        %shift_right_logical3A_238 = arith.constant 7 : i32
        %shift_right_logical3A_239 = vector.broadcast %shift_right_logical3A_238 : i32 to vector<16xi32>
        %shift_right_logical3A_240 = arith.shrui %get3A_237, %shift_right_logical3A_239 : vector<16xi32>
        %and3A_241 = arith.constant 127 : i32
        %and3A_242 = vector.broadcast %and3A_241 : i32 to vector<16xi32>
        %and3A_243 = arith.andi %get3A_237, %and3A_242 : vector<16xi32>
        tpu.vector_store_idx %arg15[%shift_right_logical3A_240, %and3A_243], %broadcast_in_dim3A_68 {add = true} : memref<80x128xf32, #tpu.memory_space<vmem>>[vector<16xi32>, vector<16xi32>], vector<16xf32>,
        %get3A_244 = arith.constant 48 : index
        %get3A_245 = tpu.vector_load %arg10[%get3A_244] {strides = array<i32>} : memref<128xi32, #tpu.memory_space<vmem>>, vector<16xi32>,
        %shift_right_logical3A_246 = arith.constant 7 : i32
        %shift_right_logical3A_247 = vector.broadcast %shift_right_logical3A_246 : i32 to vector<16xi32>
        %shift_right_logical3A_248 = arith.shrui %get3A_245, %shift_right_logical3A_247 : vector<16xi32>
        %and3A_249 = arith.constant 127 : i32
        %and3A_250 = vector.broadcast %and3A_249 : i32 to vector<16xi32>
        %and3A_251 = arith.andi %get3A_245, %and3A_250 : vector<16xi32>
        tpu.vector_store_idx %arg15[%shift_right_logical3A_248, %and3A_251], %broadcast_in_dim3A_68 {add = true} : memref<80x128xf32, #tpu.memory_space<vmem>>[vector<16xi32>, vector<16xi32>], vector<16xf32>,
        %get3A_252 = arith.constant 64 : index
        %get3A_253 = tpu.vector_load %arg10[%get3A_252] {strides = array<i32>} : memref<128xi32, #tpu.memory_space<vmem>>, vector<16xi32>,
        %shift_right_logical3A_254 = arith.constant 7 : i32
        %shift_right_logical3A_255 = vector.broadcast %shift_right_logical3A_254 : i32 to vector<16xi32>
        %shift_right_logical3A_256 = arith.shrui %get3A_253, %shift_right_logical3A_255 : vector<16xi32>
        %and3A_257 = arith.constant 127 : i32
        %and3A_258 = vector.broadcast %and3A_257 : i32 to vector<16xi32>
        %and3A_259 = arith.andi %get3A_253, %and3A_258 : vector<16xi32>
        tpu.vector_store_idx %arg15[%shift_right_logical3A_256, %and3A_259], %broadcast_in_dim3A_68 {add = true} : memref<80x128xf32, #tpu.memory_space<vmem>>[vector<16xi32>, vector<16xi32>], vector<16xf32>,
        %get3A_260 = arith.constant 80 : index
        %get3A_261 = tpu.vector_load %arg10[%get3A_260] {strides = array<i32>} : memref<128xi32, #tpu.memory_space<vmem>>, vector<16xi32>,
        %shift_right_logical3A_262 = arith.constant 7 : i32
        %shift_right_logical3A_263 = vector.broadcast %shift_right_logical3A_262 : i32 to vector<16xi32>
        %shift_right_logical3A_264 = arith.shrui %get3A_261, %shift_right_logical3A_263 : vector<16xi32>
        %and3A_265 = arith.constant 127 : i32
        %and3A_266 = vector.broadcast %and3A_265 : i32 to vector<16xi32>
        %and3A_267 = arith.andi %get3A_261, %and3A_266 : vector<16xi32>
        tpu.vector_store_idx %arg15[%shift_right_logical3A_264, %and3A_267], %broadcast_in_dim3A_68 {add = true} : memref<80x128xf32, #tpu.memory_space<vmem>>[vector<16xi32>, vector<16xi32>], vector<16xf32>,
        %get3A_268 = arith.constant 96 : index
        %get3A_269 = tpu.vector_load %arg10[%get3A_268] {strides = array<i32>} : memref<128xi32, #tpu.memory_space<vmem>>, vector<16xi32>,
        %shift_right_logical3A_270 = arith.constant 7 : i32
        %shift_right_logical3A_271 = vector.broadcast %shift_right_logical3A_270 : i32 to vector<16xi32>
        %shift_right_logical3A_272 = arith.shrui %get3A_269, %shift_right_logical3A_271 : vector<16xi32>
        %and3A_273 = arith.constant 127 : i32
        %and3A_274 = vector.broadcast %and3A_273 : i32 to vector<16xi32>
        %and3A_275 = arith.andi %get3A_269, %and3A_274 : vector<16xi32>
        tpu.vector_store_idx %arg15[%shift_right_logical3A_272, %and3A_275], %broadcast_in_dim3A_68 {add = true} : memref<80x128xf32, #tpu.memory_space<vmem>>[vector<16xi32>, vector<16xi32>], vector<16xf32>,
        %get3A_276 = arith.constant 112 : index
        %get3A_277 = tpu.vector_load %arg10[%get3A_276] {strides = array<i32>} : memref<128xi32, #tpu.memory_space<vmem>>, vector<16xi32>,
        %shift_right_logical3A_278 = arith.constant 7 : i32
        %shift_right_logical3A_279 = vector.broadcast %shift_right_logical3A_278 : i32 to vector<16xi32>
        %shift_right_logical3A_280 = arith.shrui %get3A_277, %shift_right_logical3A_279 : vector<16xi32>
        %and3A_281 = arith.constant 127 : i32
        %and3A_282 = vector.broadcast %and3A_281 : i32 to vector<16xi32>
        %and3A_283 = arith.andi %get3A_277, %and3A_282 : vector<16xi32>
        tpu.vector_store_idx %arg15[%shift_right_logical3A_280, %and3A_283], %broadcast_in_dim3A_68 {add = true} : memref<80x128xf32, #tpu.memory_space<vmem>>[vector<16xi32>, vector<16xi32>], vector<16xf32>,
      } else {
      }
      %lt3A_216 = arith.cmpi slt, %add3A_206, %select_n3A_65 : i32
      %convert_element_type3A_217 = arith.extui %lt3A_216 : i1 to i32
      %cond3A_218 = arith.constant 0 : i32
      %cond3A_219 = arith.cmpi ne, %convert_element_type3A_217, %cond3A_218 : i32
      scf.if %cond3A_219 {
        %add3A_221 = arith.constant 1 : i32
        %add3A_222 = arith.addi %add3A_206, %add3A_221 : i32
        %lt3A_223 = arith.cmpi slt, %add3A_222, %select_n3A_65 : i32
        %convert_element_type3A_224 = arith.extui %lt3A_223 : i1 to i32
        %cond3A_225 = arith.constant 0 : i32
        %cond3A_226 = arith.cmpi ne, %convert_element_type3A_224, %cond3A_225 : i32
        scf.if %cond3A_226 {
          %add3A_233 = arith.constant 1 : i32
          %add3A_234 = arith.addi %add3A_206, %add3A_233 : i32
          %mul3A_235 = arith.constant 16 : i32
          %mul3A_236 = arith.muli %add3A_234, %mul3A_235 : i32
          %add3A_237 = arith.addi %arg1, %mul3A_236 : i32
          %mul3A_238 = arith.constant 128 : i32
          %mul3A_239 = arith.muli %add3A_237, %mul3A_238 : i32
          "tpu.region"() ({
            %run_scoped3A = tpu.sem_alloc : memref<!tpu.dma_semaphore, #tpu.memory_space<semaphore_mem>>
            %dma_start3A_291 = tpu.memref_slice %arg2[%mul3A_239] : memref<160000xi32, #tpu.memory_space<hbm>> -> memref<128xi32, #tpu.memory_space<hbm>>
            %dma_start3A_292 = tpu.memref_slice %arg2[%mul3A_239] : memref<160000xi32, #tpu.memory_space<hbm>> -> memref<128xi32, #tpu.memory_space<hbm>>
            tpu.enqueue_dma source(%dma_start3A_292 : memref<128xi32, #tpu.memory_space<hbm>>) target(%arg9 : memref<128xi32, #tpu.memory_space<vmem>>) target_semaphore(%run_scoped3A : memref<!tpu.dma_semaphore, #tpu.memory_space<semaphore_mem>>)
            %dma_wait3A_293 = tpu.memref_slice %arg2[%mul3A_239] : memref<160000xi32, #tpu.memory_space<hbm>> -> memref<128xi32, #tpu.memory_space<hbm>>
            %dma_wait3A_294 = tpu.memref_slice %arg2[%mul3A_239] : memref<160000xi32, #tpu.memory_space<hbm>> -> memref<128xi32, #tpu.memory_space<hbm>>
            tpu.wait_dma2 semaphore(%run_scoped3A : memref<!tpu.dma_semaphore, #tpu.memory_space<semaphore_mem>>) src(%dma_wait3A_294 : memref<128xi32, #tpu.memory_space<hbm>>) dst(%arg9 : memref<128xi32, #tpu.memory_space<vmem>>)
            tpu.yield
          }) : () -> ()
          "tpu.region"() ({
            %run_scoped3A = tpu.sem_alloc : memref<!tpu.dma_semaphore, #tpu.memory_space<semaphore_mem>>
            %dma_start3A_291 = tpu.memref_slice %arg3[%mul3A_239] : memref<160000xi32, #tpu.memory_space<hbm>> -> memref<128xi32, #tpu.memory_space<hbm>>
            %dma_start3A_292 = tpu.memref_slice %arg3[%mul3A_239] : memref<160000xi32, #tpu.memory_space<hbm>> -> memref<128xi32, #tpu.memory_space<hbm>>
            tpu.enqueue_dma source(%dma_start3A_292 : memref<128xi32, #tpu.memory_space<hbm>>) target(%arg10 : memref<128xi32, #tpu.memory_space<vmem>>) target_semaphore(%run_scoped3A : memref<!tpu.dma_semaphore, #tpu.memory_space<semaphore_mem>>)
            %dma_wait3A_293 = tpu.memref_slice %arg3[%mul3A_239] : memref<160000xi32, #tpu.memory_space<hbm>> -> memref<128xi32, #tpu.memory_space<hbm>>
            %dma_wait3A_294 = tpu.memref_slice %arg3[%mul3A_239] : memref<160000xi32, #tpu.memory_space<hbm>> -> memref<128xi32, #tpu.memory_space<hbm>>
            tpu.wait_dma2 semaphore(%run_scoped3A : memref<!tpu.dma_semaphore, #tpu.memory_space<semaphore_mem>>) src(%dma_wait3A_294 : memref<128xi32, #tpu.memory_space<hbm>>) dst(%arg10 : memref<128xi32, #tpu.memory_space<vmem>>)
            tpu.yield
          }) : () -> ()
          %get3A_240 = arith.constant 0 : index
          %get3A_241 = tpu.vector_load %arg9[%get3A_240] {strides = array<i32>} : memref<128xi32, #tpu.memory_space<vmem>>, vector<16xi32>,
          %add3A_242 = vector.broadcast %mul3A_67 : i32 to vector<16xi32>
          %add3A_243 = arith.addi %get3A_241, %add3A_242 : vector<16xi32>
          %swap3A_244 = arith.constant 0 : index
          %swap3A_245 = tpu.vector_load %arg9[%swap3A_244] {strides = array<i32>} : memref<128xi32, #tpu.memory_space<vmem>>, vector<16xi32>,
          tpu.vector_store %arg9[%swap3A_244], %add3A_243 {strides = array<i32>} : memref<128xi32, #tpu.memory_space<vmem>>, vector<16xi32>,
          %get3A_246 = arith.constant 16 : index
          %get3A_247 = tpu.vector_load %arg9[%get3A_246] {strides = array<i32>} : memref<128xi32, #tpu.memory_space<vmem>>, vector<16xi32>,
          %add3A_248 = vector.broadcast %mul3A_67 : i32 to vector<16xi32>
          %add3A_249 = arith.addi %get3A_247, %add3A_248 : vector<16xi32>
          %swap3A_250 = arith.constant 16 : index
          %swap3A_251 = tpu.vector_load %arg9[%swap3A_250] {strides = array<i32>} : memref<128xi32, #tpu.memory_space<vmem>>, vector<16xi32>,
          tpu.vector_store %arg9[%swap3A_250], %add3A_249 {strides = array<i32>} : memref<128xi32, #tpu.memory_space<vmem>>, vector<16xi32>,
          %get3A_252 = arith.constant 32 : index
          %get3A_253 = tpu.vector_load %arg9[%get3A_252] {strides = array<i32>} : memref<128xi32, #tpu.memory_space<vmem>>, vector<16xi32>,
          %add3A_254 = vector.broadcast %mul3A_67 : i32 to vector<16xi32>
          %add3A_255 = arith.addi %get3A_253, %add3A_254 : vector<16xi32>
          %swap3A_256 = arith.constant 32 : index
          %swap3A_257 = tpu.vector_load %arg9[%swap3A_256] {strides = array<i32>} : memref<128xi32, #tpu.memory_space<vmem>>, vector<16xi32>,
          tpu.vector_store %arg9[%swap3A_256], %add3A_255 {strides = array<i32>} : memref<128xi32, #tpu.memory_space<vmem>>, vector<16xi32>,
          %get3A_258 = arith.constant 48 : index
          %get3A_259 = tpu.vector_load %arg9[%get3A_258] {strides = array<i32>} : memref<128xi32, #tpu.memory_space<vmem>>, vector<16xi32>,
          %add3A_260 = vector.broadcast %mul3A_67 : i32 to vector<16xi32>
          %add3A_261 = arith.addi %get3A_259, %add3A_260 : vector<16xi32>
          %swap3A_262 = arith.constant 48 : index
          %swap3A_263 = tpu.vector_load %arg9[%swap3A_262] {strides = array<i32>} : memref<128xi32, #tpu.memory_space<vmem>>, vector<16xi32>,
          tpu.vector_store %arg9[%swap3A_262], %add3A_261 {strides = array<i32>} : memref<128xi32, #tpu.memory_space<vmem>>, vector<16xi32>,
          %get3A_264 = arith.constant 64 : index
          %get3A_265 = tpu.vector_load %arg9[%get3A_264] {strides = array<i32>} : memref<128xi32, #tpu.memory_space<vmem>>, vector<16xi32>,
          %add3A_266 = vector.broadcast %mul3A_67 : i32 to vector<16xi32>
          %add3A_267 = arith.addi %get3A_265, %add3A_266 : vector<16xi32>
          %swap3A_268 = arith.constant 64 : index
          %swap3A_269 = tpu.vector_load %arg9[%swap3A_268] {strides = array<i32>} : memref<128xi32, #tpu.memory_space<vmem>>, vector<16xi32>,
          tpu.vector_store %arg9[%swap3A_268], %add3A_267 {strides = array<i32>} : memref<128xi32, #tpu.memory_space<vmem>>, vector<16xi32>,
          %get3A_270 = arith.constant 80 : index
          %get3A_271 = tpu.vector_load %arg9[%get3A_270] {strides = array<i32>} : memref<128xi32, #tpu.memory_space<vmem>>, vector<16xi32>,
          %add3A_272 = vector.broadcast %mul3A_67 : i32 to vector<16xi32>
          %add3A_273 = arith.addi %get3A_271, %add3A_272 : vector<16xi32>
          %swap3A_274 = arith.constant 80 : index
          %swap3A_275 = tpu.vector_load %arg9[%swap3A_274] {strides = array<i32>} : memref<128xi32, #tpu.memory_space<vmem>>, vector<16xi32>,
          tpu.vector_store %arg9[%swap3A_274], %add3A_273 {strides = array<i32>} : memref<128xi32, #tpu.memory_space<vmem>>, vector<16xi32>,
          %get3A_276 = arith.constant 96 : index
          %get3A_277 = tpu.vector_load %arg9[%get3A_276] {strides = array<i32>} : memref<128xi32, #tpu.memory_space<vmem>>, vector<16xi32>,
          %add3A_278 = vector.broadcast %mul3A_67 : i32 to vector<16xi32>
          %add3A_279 = arith.addi %get3A_277, %add3A_278 : vector<16xi32>
          %swap3A_280 = arith.constant 96 : index
          %swap3A_281 = tpu.vector_load %arg9[%swap3A_280] {strides = array<i32>} : memref<128xi32, #tpu.memory_space<vmem>>, vector<16xi32>,
          tpu.vector_store %arg9[%swap3A_280], %add3A_279 {strides = array<i32>} : memref<128xi32, #tpu.memory_space<vmem>>, vector<16xi32>,
          %get3A_282 = arith.constant 112 : index
          %get3A_283 = tpu.vector_load %arg9[%get3A_282] {strides = array<i32>} : memref<128xi32, #tpu.memory_space<vmem>>, vector<16xi32>,
          %add3A_284 = vector.broadcast %mul3A_67 : i32 to vector<16xi32>
          %add3A_285 = arith.addi %get3A_283, %add3A_284 : vector<16xi32>
          %swap3A_286 = arith.constant 112 : index
          %swap3A_287 = tpu.vector_load %arg9[%swap3A_286] {strides = array<i32>} : memref<128xi32, #tpu.memory_space<vmem>>, vector<16xi32>,
          tpu.vector_store %arg9[%swap3A_286], %add3A_285 {strides = array<i32>} : memref<128xi32, #tpu.memory_space<vmem>>, vector<16xi32>,
          %dma_start3A_288 = arith.constant 0 : i32
          %dma_start3A_289 = arith.constant 0 : i32
          %dma_start3A_290 = tpu.memref_slice %arg4[%dma_start3A_288, %dma_start3A_289] : memref<20000x128xf32, #tpu.memory_space<hbm>> -> memref<20000x128xf32, #tpu.memory_space<hbm>>
          tpu.enqueue_indirect_dma source(%dma_start3A_290 : memref<20000x128xf32, #tpu.memory_space<hbm>>) target(%arg11 : memref<128x128xf32, #tpu.memory_space<vmem>>) offsets(%arg9 : memref<128xi32, #tpu.memory_space<vmem>>) semaphore(%arg19 : memref<!tpu.dma_semaphore, #tpu.memory_space<semaphore_mem>>)
        } else {
        }
        %dma_wait3A_227 = arith.constant 0 : i32
        %dma_wait3A_228 = arith.constant 0 : i32
        %dma_wait3A_229 = tpu.memref_slice %arg4[%dma_wait3A_227, %dma_wait3A_228] : memref<20000x128xf32, #tpu.memory_space<hbm>> -> memref<20000x128xf32, #tpu.memory_space<hbm>>
        tpu.wait_indirect_dma semaphore(%arg20 : memref<!tpu.dma_semaphore, #tpu.memory_space<semaphore_mem>>) src(%dma_wait3A_229 : memref<20000x128xf32, #tpu.memory_space<hbm>>) dst(%arg14 : memref<128x128xf32, #tpu.memory_space<vmem>>)
        "tpu.region"() ({
          %run_scoped3A = tpu.sem_alloc : memref<!tpu.dma_semaphore, #tpu.memory_space<semaphore_mem>>
          %dma_start3A_233 = arith.constant 0 : i32
          %dma_start3A_234 = arith.constant 0 : i32
          %dma_start3A_235 = tpu.memref_slice %arg17[%dma_start3A_233, %dma_start3A_234] : memref<10000x128xf32, #tpu.memory_space<vmem_shared>> -> memref<10000x128xf32, #tpu.memory_space<vmem_shared>>
          tpu.enqueue_indirect_dma source(%arg14 : memref<128x128xf32, #tpu.memory_space<vmem>>) target(%dma_start3A_235 : memref<10000x128xf32, #tpu.memory_space<vmem_shared>>) offsets(%arg13 : memref<128xi32, #tpu.memory_space<vmem>>) semaphore(%run_scoped3A : memref<!tpu.dma_semaphore, #tpu.memory_space<semaphore_mem>>) {add = true}
          %dma_wait3A_236 = arith.constant 0 : i32
          %dma_wait3A_237 = arith.constant 0 : i32
          %dma_wait3A_238 = tpu.memref_slice %arg17[%dma_wait3A_236, %dma_wait3A_237] : memref<10000x128xf32, #tpu.memory_space<vmem_shared>> -> memref<10000x128xf32, #tpu.memory_space<vmem_shared>>
          tpu.wait_indirect_dma semaphore(%run_scoped3A : memref<!tpu.dma_semaphore, #tpu.memory_space<semaphore_mem>>) src(%arg14 : memref<128x128xf32, #tpu.memory_space<vmem>>) dst(%dma_wait3A_238 : memref<10000x128xf32, #tpu.memory_space<vmem_shared>>)
          tpu.yield
        }) : () -> ()
        %convert_element_type3A_230 = arith.extui %eq3A_82 : i1 to i32
        %cond3A_231 = arith.constant 0 : i32
        %cond3A_232 = arith.cmpi ne, %convert_element_type3A_230, %cond3A_231 : i32
        scf.if %cond3A_232 {
          %get3A_233 = arith.constant 0 : index
          %get3A_234 = tpu.vector_load %arg13[%get3A_233] {strides = array<i32>} : memref<128xi32, #tpu.memory_space<vmem>>, vector<16xi32>,
          %shift_right_logical3A = arith.constant 7 : i32
          %shift_right_logical3A_235 = vector.broadcast %shift_right_logical3A : i32 to vector<16xi32>
          %shift_right_logical3A_236 = arith.shrui %get3A_234, %shift_right_logical3A_235 : vector<16xi32>
          %and3A_237 = arith.constant 127 : i32
          %and3A_238 = vector.broadcast %and3A_237 : i32 to vector<16xi32>
          %and3A_239 = arith.andi %get3A_234, %and3A_238 : vector<16xi32>
          tpu.vector_store_idx %arg15[%shift_right_logical3A_236, %and3A_239], %broadcast_in_dim3A_68 {add = true} : memref<80x128xf32, #tpu.memory_space<vmem>>[vector<16xi32>, vector<16xi32>], vector<16xf32>,
          %get3A_240 = arith.constant 16 : index
          %get3A_241 = tpu.vector_load %arg13[%get3A_240] {strides = array<i32>} : memref<128xi32, #tpu.memory_space<vmem>>, vector<16xi32>,
          %shift_right_logical3A_242 = arith.constant 7 : i32
          %shift_right_logical3A_243 = vector.broadcast %shift_right_logical3A_242 : i32 to vector<16xi32>
          %shift_right_logical3A_244 = arith.shrui %get3A_241, %shift_right_logical3A_243 : vector<16xi32>
          %and3A_245 = arith.constant 127 : i32
          %and3A_246 = vector.broadcast %and3A_245 : i32 to vector<16xi32>
          %and3A_247 = arith.andi %get3A_241, %and3A_246 : vector<16xi32>
          tpu.vector_store_idx %arg15[%shift_right_logical3A_244, %and3A_247], %broadcast_in_dim3A_68 {add = true} : memref<80x128xf32, #tpu.memory_space<vmem>>[vector<16xi32>, vector<16xi32>], vector<16xf32>,
          %get3A_248 = arith.constant 32 : index
          %get3A_249 = tpu.vector_load %arg13[%get3A_248] {strides = array<i32>} : memref<128xi32, #tpu.memory_space<vmem>>, vector<16xi32>,
          %shift_right_logical3A_250 = arith.constant 7 : i32
          %shift_right_logical3A_251 = vector.broadcast %shift_right_logical3A_250 : i32 to vector<16xi32>
          %shift_right_logical3A_252 = arith.shrui %get3A_249, %shift_right_logical3A_251 : vector<16xi32>
          %and3A_253 = arith.constant 127 : i32
          %and3A_254 = vector.broadcast %and3A_253 : i32 to vector<16xi32>
          %and3A_255 = arith.andi %get3A_249, %and3A_254 : vector<16xi32>
          tpu.vector_store_idx %arg15[%shift_right_logical3A_252, %and3A_255], %broadcast_in_dim3A_68 {add = true} : memref<80x128xf32, #tpu.memory_space<vmem>>[vector<16xi32>, vector<16xi32>], vector<16xf32>,
          %get3A_256 = arith.constant 48 : index
          %get3A_257 = tpu.vector_load %arg13[%get3A_256] {strides = array<i32>} : memref<128xi32, #tpu.memory_space<vmem>>, vector<16xi32>,
          %shift_right_logical3A_258 = arith.constant 7 : i32
          %shift_right_logical3A_259 = vector.broadcast %shift_right_logical3A_258 : i32 to vector<16xi32>
          %shift_right_logical3A_260 = arith.shrui %get3A_257, %shift_right_logical3A_259 : vector<16xi32>
          %and3A_261 = arith.constant 127 : i32
          %and3A_262 = vector.broadcast %and3A_261 : i32 to vector<16xi32>
          %and3A_263 = arith.andi %get3A_257, %and3A_262 : vector<16xi32>
          tpu.vector_store_idx %arg15[%shift_right_logical3A_260, %and3A_263], %broadcast_in_dim3A_68 {add = true} : memref<80x128xf32, #tpu.memory_space<vmem>>[vector<16xi32>, vector<16xi32>], vector<16xf32>,
          %get3A_264 = arith.constant 64 : index
          %get3A_265 = tpu.vector_load %arg13[%get3A_264] {strides = array<i32>} : memref<128xi32, #tpu.memory_space<vmem>>, vector<16xi32>,
          %shift_right_logical3A_266 = arith.constant 7 : i32
          %shift_right_logical3A_267 = vector.broadcast %shift_right_logical3A_266 : i32 to vector<16xi32>
          %shift_right_logical3A_268 = arith.shrui %get3A_265, %shift_right_logical3A_267 : vector<16xi32>
          %and3A_269 = arith.constant 127 : i32
          %and3A_270 = vector.broadcast %and3A_269 : i32 to vector<16xi32>
          %and3A_271 = arith.andi %get3A_265, %and3A_270 : vector<16xi32>
          tpu.vector_store_idx %arg15[%shift_right_logical3A_268, %and3A_271], %broadcast_in_dim3A_68 {add = true} : memref<80x128xf32, #tpu.memory_space<vmem>>[vector<16xi32>, vector<16xi32>], vector<16xf32>,
          %get3A_272 = arith.constant 80 : index
          %get3A_273 = tpu.vector_load %arg13[%get3A_272] {strides = array<i32>} : memref<128xi32, #tpu.memory_space<vmem>>, vector<16xi32>,
          %shift_right_logical3A_274 = arith.constant 7 : i32
          %shift_right_logical3A_275 = vector.broadcast %shift_right_logical3A_274 : i32 to vector<16xi32>
          %shift_right_logical3A_276 = arith.shrui %get3A_273, %shift_right_logical3A_275 : vector<16xi32>
          %and3A_277 = arith.constant 127 : i32
          %and3A_278 = vector.broadcast %and3A_277 : i32 to vector<16xi32>
          %and3A_279 = arith.andi %get3A_273, %and3A_278 : vector<16xi32>
          tpu.vector_store_idx %arg15[%shift_right_logical3A_276, %and3A_279], %broadcast_in_dim3A_68 {add = true} : memref<80x128xf32, #tpu.memory_space<vmem>>[vector<16xi32>, vector<16xi32>], vector<16xf32>,
          %get3A_280 = arith.constant 96 : index
          %get3A_281 = tpu.vector_load %arg13[%get3A_280] {strides = array<i32>} : memref<128xi32, #tpu.memory_space<vmem>>, vector<16xi32>,
          %shift_right_logical3A_282 = arith.constant 7 : i32
          %shift_right_logical3A_283 = vector.broadcast %shift_right_logical3A_282 : i32 to vector<16xi32>
          %shift_right_logical3A_284 = arith.shrui %get3A_281, %shift_right_logical3A_283 : vector<16xi32>
          %and3A_285 = arith.constant 127 : i32
          %and3A_286 = vector.broadcast %and3A_285 : i32 to vector<16xi32>
          %and3A_287 = arith.andi %get3A_281, %and3A_286 : vector<16xi32>
          tpu.vector_store_idx %arg15[%shift_right_logical3A_284, %and3A_287], %broadcast_in_dim3A_68 {add = true} : memref<80x128xf32, #tpu.memory_space<vmem>>[vector<16xi32>, vector<16xi32>], vector<16xf32>,
          %get3A_288 = arith.constant 112 : index
          %get3A_289 = tpu.vector_load %arg13[%get3A_288] {strides = array<i32>} : memref<128xi32, #tpu.memory_space<vmem>>, vector<16xi32>,
          %shift_right_logical3A_290 = arith.constant 7 : i32
          %shift_right_logical3A_291 = vector.broadcast %shift_right_logical3A_290 : i32 to vector<16xi32>
          %shift_right_logical3A_292 = arith.shrui %get3A_289, %shift_right_logical3A_291 : vector<16xi32>
          %and3A_293 = arith.constant 127 : i32
          %and3A_294 = vector.broadcast %and3A_293 : i32 to vector<16xi32>
          %and3A_295 = arith.andi %get3A_289, %and3A_294 : vector<16xi32>
          tpu.vector_store_idx %arg15[%shift_right_logical3A_292, %and3A_295], %broadcast_in_dim3A_68 {add = true} : memref<80x128xf32, #tpu.memory_space<vmem>>[vector<16xi32>, vector<16xi32>], vector<16xf32>,
        } else {
        }
      } else {
      }
      %while3A_220 = arith.constant 0 : i32
      scf.yield %while3A_220 : i32
    }
    %while3A_169 = arith.constant 1 : i32
    %while3A_170 = scf.for %while3A_201 = %while3A_166 to %while3A_162 step %while3A_169 iter_args(%while3A_202 = %while3A_168) -> (i32)  : i32 {
      %mul3A_203 = arith.constant 2 : i32
      %mul3A_204 = arith.muli %mul3A_203, %while3A_201 : i32
      %add3A_205 = arith.constant 1 : i32
      %add3A_206 = arith.addi %mul3A_204, %add3A_205 : i32
      %lt3A_207 = arith.cmpi slt, %add3A_206, %select_n3A_65 : i32
      %convert_element_type3A_208 = arith.extui %lt3A_207 : i1 to i32
      %cond3A_209 = arith.constant 0 : i32
      %cond3A_210 = arith.cmpi ne, %convert_element_type3A_208, %cond3A_209 : i32
      scf.if %cond3A_210 {
        %mul3A_221 = arith.constant 16 : i32
        %mul3A_222 = arith.muli %add3A_206, %mul3A_221 : i32
        %add3A_223 = arith.addi %arg1, %mul3A_222 : i32
        %mul3A_224 = arith.constant 128 : i32
        %mul3A_225 = arith.muli %add3A_223, %mul3A_224 : i32
        "tpu.region"() ({
          %run_scoped3A = tpu.sem_alloc : memref<!tpu.dma_semaphore, #tpu.memory_space<semaphore_mem>>
          %dma_start3A_277 = tpu.memref_slice %arg2[%mul3A_225] : memref<160000xi32, #tpu.memory_space<hbm>> -> memref<128xi32, #tpu.memory_space<hbm>>
          %dma_start3A_278 = tpu.memref_slice %arg2[%mul3A_225] : memref<160000xi32, #tpu.memory_space<hbm>> -> memref<128xi32, #tpu.memory_space<hbm>>
          tpu.enqueue_dma source(%dma_start3A_278 : memref<128xi32, #tpu.memory_space<hbm>>) target(%arg12 : memref<128xi32, #tpu.memory_space<vmem>>) target_semaphore(%run_scoped3A : memref<!tpu.dma_semaphore, #tpu.memory_space<semaphore_mem>>)
          %dma_wait3A_279 = tpu.memref_slice %arg2[%mul3A_225] : memref<160000xi32, #tpu.memory_space<hbm>> -> memref<128xi32, #tpu.memory_space<hbm>>
          %dma_wait3A_280 = tpu.memref_slice %arg2[%mul3A_225] : memref<160000xi32, #tpu.memory_space<hbm>> -> memref<128xi32, #tpu.memory_space<hbm>>
          tpu.wait_dma2 semaphore(%run_scoped3A : memref<!tpu.dma_semaphore, #tpu.memory_space<semaphore_mem>>) src(%dma_wait3A_280 : memref<128xi32, #tpu.memory_space<hbm>>) dst(%arg12 : memref<128xi32, #tpu.memory_space<vmem>>)
          tpu.yield
        }) : () -> ()
        "tpu.region"() ({
          %run_scoped3A = tpu.sem_alloc : memref<!tpu.dma_semaphore, #tpu.memory_space<semaphore_mem>>
          %dma_start3A_277 = tpu.memref_slice %arg3[%mul3A_225] : memref<160000xi32, #tpu.memory_space<hbm>> -> memref<128xi32, #tpu.memory_space<hbm>>
          %dma_start3A_278 = tpu.memref_slice %arg3[%mul3A_225] : memref<160000xi32, #tpu.memory_space<hbm>> -> memref<128xi32, #tpu.memory_space<hbm>>
          tpu.enqueue_dma source(%dma_start3A_278 : memref<128xi32, #tpu.memory_space<hbm>>) target(%arg13 : memref<128xi32, #tpu.memory_space<vmem>>) target_semaphore(%run_scoped3A : memref<!tpu.dma_semaphore, #tpu.memory_space<semaphore_mem>>)
          %dma_wait3A_279 = tpu.memref_slice %arg3[%mul3A_225] : memref<160000xi32, #tpu.memory_space<hbm>> -> memref<128xi32, #tpu.memory_space<hbm>>
          %dma_wait3A_280 = tpu.memref_slice %arg3[%mul3A_225] : memref<160000xi32, #tpu.memory_space<hbm>> -> memref<128xi32, #tpu.memory_space<hbm>>
          tpu.wait_dma2 semaphore(%run_scoped3A : memref<!tpu.dma_semaphore, #tpu.memory_space<semaphore_mem>>) src(%dma_wait3A_280 : memref<128xi32, #tpu.memory_space<hbm>>) dst(%arg13 : memref<128xi32, #tpu.memory_space<vmem>>)
          tpu.yield
        }) : () -> ()
        %get3A_226 = arith.constant 0 : index
        %get3A_227 = tpu.vector_load %arg12[%get3A_226] {strides = array<i32>} : memref<128xi32, #tpu.memory_space<vmem>>, vector<16xi32>,
        %add3A_228 = vector.broadcast %mul3A_67 : i32 to vector<16xi32>
        %add3A_229 = arith.addi %get3A_227, %add3A_228 : vector<16xi32>
        %swap3A_230 = arith.constant 0 : index
        %swap3A_231 = tpu.vector_load %arg12[%swap3A_230] {strides = array<i32>} : memref<128xi32, #tpu.memory_space<vmem>>, vector<16xi32>,
        tpu.vector_store %arg12[%swap3A_230], %add3A_229 {strides = array<i32>} : memref<128xi32, #tpu.memory_space<vmem>>, vector<16xi32>,
        %get3A_232 = arith.constant 16 : index
        %get3A_233 = tpu.vector_load %arg12[%get3A_232] {strides = array<i32>} : memref<128xi32, #tpu.memory_space<vmem>>, vector<16xi32>,
        %add3A_234 = vector.broadcast %mul3A_67 : i32 to vector<16xi32>
        %add3A_235 = arith.addi %get3A_233, %add3A_234 : vector<16xi32>
        %swap3A_236 = arith.constant 16 : index
        %swap3A_237 = tpu.vector_load %arg12[%swap3A_236] {strides = array<i32>} : memref<128xi32, #tpu.memory_space<vmem>>, vector<16xi32>,
        tpu.vector_store %arg12[%swap3A_236], %add3A_235 {strides = array<i32>} : memref<128xi32, #tpu.memory_space<vmem>>, vector<16xi32>,
        %get3A_238 = arith.constant 32 : index
        %get3A_239 = tpu.vector_load %arg12[%get3A_238] {strides = array<i32>} : memref<128xi32, #tpu.memory_space<vmem>>, vector<16xi32>,
        %add3A_240 = vector.broadcast %mul3A_67 : i32 to vector<16xi32>
        %add3A_241 = arith.addi %get3A_239, %add3A_240 : vector<16xi32>
        %swap3A_242 = arith.constant 32 : index
        %swap3A_243 = tpu.vector_load %arg12[%swap3A_242] {strides = array<i32>} : memref<128xi32, #tpu.memory_space<vmem>>, vector<16xi32>,
        tpu.vector_store %arg12[%swap3A_242], %add3A_241 {strides = array<i32>} : memref<128xi32, #tpu.memory_space<vmem>>, vector<16xi32>,
        %get3A_244 = arith.constant 48 : index
        %get3A_245 = tpu.vector_load %arg12[%get3A_244] {strides = array<i32>} : memref<128xi32, #tpu.memory_space<vmem>>, vector<16xi32>,
        %add3A_246 = vector.broadcast %mul3A_67 : i32 to vector<16xi32>
        %add3A_247 = arith.addi %get3A_245, %add3A_246 : vector<16xi32>
        %swap3A_248 = arith.constant 48 : index
        %swap3A_249 = tpu.vector_load %arg12[%swap3A_248] {strides = array<i32>} : memref<128xi32, #tpu.memory_space<vmem>>, vector<16xi32>,
        tpu.vector_store %arg12[%swap3A_248], %add3A_247 {strides = array<i32>} : memref<128xi32, #tpu.memory_space<vmem>>, vector<16xi32>,
        %get3A_250 = arith.constant 64 : index
        %get3A_251 = tpu.vector_load %arg12[%get3A_250] {strides = array<i32>} : memref<128xi32, #tpu.memory_space<vmem>>, vector<16xi32>,
        %add3A_252 = vector.broadcast %mul3A_67 : i32 to vector<16xi32>
        %add3A_253 = arith.addi %get3A_251, %add3A_252 : vector<16xi32>
        %swap3A_254 = arith.constant 64 : index
        %swap3A_255 = tpu.vector_load %arg12[%swap3A_254] {strides = array<i32>} : memref<128xi32, #tpu.memory_space<vmem>>, vector<16xi32>,
        tpu.vector_store %arg12[%swap3A_254], %add3A_253 {strides = array<i32>} : memref<128xi32, #tpu.memory_space<vmem>>, vector<16xi32>,
        %get3A_256 = arith.constant 80 : index
        %get3A_257 = tpu.vector_load %arg12[%get3A_256] {strides = array<i32>} : memref<128xi32, #tpu.memory_space<vmem>>, vector<16xi32>,
        %add3A_258 = vector.broadcast %mul3A_67 : i32 to vector<16xi32>
        %add3A_259 = arith.addi %get3A_257, %add3A_258 : vector<16xi32>
        %swap3A_260 = arith.constant 80 : index
        %swap3A_261 = tpu.vector_load %arg12[%swap3A_260] {strides = array<i32>} : memref<128xi32, #tpu.memory_space<vmem>>, vector<16xi32>,
        tpu.vector_store %arg12[%swap3A_260], %add3A_259 {strides = array<i32>} : memref<128xi32, #tpu.memory_space<vmem>>, vector<16xi32>,
        %get3A_262 = arith.constant 96 : index
        %get3A_263 = tpu.vector_load %arg12[%get3A_262] {strides = array<i32>} : memref<128xi32, #tpu.memory_space<vmem>>, vector<16xi32>,
        %add3A_264 = vector.broadcast %mul3A_67 : i32 to vector<16xi32>
        %add3A_265 = arith.addi %get3A_263, %add3A_264 : vector<16xi32>
        %swap3A_266 = arith.constant 96 : index
        %swap3A_267 = tpu.vector_load %arg12[%swap3A_266] {strides = array<i32>} : memref<128xi32, #tpu.memory_space<vmem>>, vector<16xi32>,
        tpu.vector_store %arg12[%swap3A_266], %add3A_265 {strides = array<i32>} : memref<128xi32, #tpu.memory_space<vmem>>, vector<16xi32>,
        %get3A_268 = arith.constant 112 : index
        %get3A_269 = tpu.vector_load %arg12[%get3A_268] {strides = array<i32>} : memref<128xi32, #tpu.memory_space<vmem>>, vector<16xi32>,
        %add3A_270 = vector.broadcast %mul3A_67 : i32 to vector<16xi32>
        %add3A_271 = arith.addi %get3A_269, %add3A_270 : vector<16xi32>
        %swap3A_272 = arith.constant 112 : index
        %swap3A_273 = tpu.vector_load %arg12[%swap3A_272] {strides = array<i32>} : memref<128xi32, #tpu.memory_space<vmem>>, vector<16xi32>,
        tpu.vector_store %arg12[%swap3A_272], %add3A_271 {strides = array<i32>} : memref<128xi32, #tpu.memory_space<vmem>>, vector<16xi32>,
        %dma_start3A_274 = arith.constant 0 : i32
        %dma_start3A_275 = arith.constant 0 : i32
        %dma_start3A_276 = tpu.memref_slice %arg4[%dma_start3A_274, %dma_start3A_275] : memref<20000x128xf32, #tpu.memory_space<hbm>> -> memref<20000x128xf32, #tpu.memory_space<hbm>>
        tpu.enqueue_indirect_dma source(%dma_start3A_276 : memref<20000x128xf32, #tpu.memory_space<hbm>>) target(%arg14 : memref<128x128xf32, #tpu.memory_space<vmem>>) offsets(%arg12 : memref<128xi32, #tpu.memory_space<vmem>>) semaphore(%arg20 : memref<!tpu.dma_semaphore, #tpu.memory_space<semaphore_mem>>)
      } else {
      }
      %dma_wait3A = arith.constant 0 : i32
      %dma_wait3A_211 = arith.constant 0 : i32
      %dma_wait3A_212 = tpu.memref_slice %arg4[%dma_wait3A, %dma_wait3A_211] : memref<20000x128xf32, #tpu.memory_space<hbm>> -> memref<20000x128xf32, #tpu.memory_space<hbm>>
      tpu.wait_indirect_dma semaphore(%arg19 : memref<!tpu.dma_semaphore, #tpu.memory_space<semaphore_mem>>) src(%dma_wait3A_212 : memref<20000x128xf32, #tpu.memory_space<hbm>>) dst(%arg11 : memref<128x128xf32, #tpu.memory_space<vmem>>)
      "tpu.region"() ({
        %run_scoped3A = tpu.sem_alloc : memref<!tpu.dma_semaphore, #tpu.memory_space<semaphore_mem>>
        %dma_start3A_221 = arith.constant 0 : i32
        %dma_start3A_222 = arith.constant 0 : i32
        %dma_start3A_223 = tpu.memref_slice %arg17[%dma_start3A_221, %dma_start3A_222] : memref<10000x128xf32, #tpu.memory_space<vmem_shared>> -> memref<10000x128xf32, #tpu.memory_space<vmem_shared>>
        tpu.enqueue_indirect_dma source(%arg11 : memref<128x128xf32, #tpu.memory_space<vmem>>) target(%dma_start3A_223 : memref<10000x128xf32, #tpu.memory_space<vmem_shared>>) offsets(%arg10 : memref<128xi32, #tpu.memory_space<vmem>>) semaphore(%run_scoped3A : memref<!tpu.dma_semaphore, #tpu.memory_space<semaphore_mem>>) {add = true}
        %dma_wait3A_224 = arith.constant 0 : i32
        %dma_wait3A_225 = arith.constant 0 : i32
        %dma_wait3A_226 = tpu.memref_slice %arg17[%dma_wait3A_224, %dma_wait3A_225] : memref<10000x128xf32, #tpu.memory_space<vmem_shared>> -> memref<10000x128xf32, #tpu.memory_space<vmem_shared>>
        tpu.wait_indirect_dma semaphore(%run_scoped3A : memref<!tpu.dma_semaphore, #tpu.memory_space<semaphore_mem>>) src(%arg11 : memref<128x128xf32, #tpu.memory_space<vmem>>) dst(%dma_wait3A_226 : memref<10000x128xf32, #tpu.memory_space<vmem_shared>>)
        tpu.yield
      }) : () -> ()
      %convert_element_type3A_213 = arith.extui %eq3A_82 : i1 to i32
      %cond3A_214 = arith.constant 0 : i32
      %cond3A_215 = arith.cmpi ne, %convert_element_type3A_213, %cond3A_214 : i32
      scf.if %cond3A_215 {
        %get3A_221 = arith.constant 0 : index
        %get3A_222 = tpu.vector_load %arg10[%get3A_221] {strides = array<i32>} : memref<128xi32, #tpu.memory_space<vmem>>, vector<16xi32>,
        %shift_right_logical3A = arith.constant 7 : i32
        %shift_right_logical3A_223 = vector.broadcast %shift_right_logical3A : i32 to vector<16xi32>
        %shift_right_logical3A_224 = arith.shrui %get3A_222, %shift_right_logical3A_223 : vector<16xi32>
        %and3A_225 = arith.constant 127 : i32
        %and3A_226 = vector.broadcast %and3A_225 : i32 to vector<16xi32>
        %and3A_227 = arith.andi %get3A_222, %and3A_226 : vector<16xi32>
        tpu.vector_store_idx %arg15[%shift_right_logical3A_224, %and3A_227], %broadcast_in_dim3A_68 {add = true} : memref<80x128xf32, #tpu.memory_space<vmem>>[vector<16xi32>, vector<16xi32>], vector<16xf32>,
        %get3A_228 = arith.constant 16 : index
        %get3A_229 = tpu.vector_load %arg10[%get3A_228] {strides = array<i32>} : memref<128xi32, #tpu.memory_space<vmem>>, vector<16xi32>,
        %shift_right_logical3A_230 = arith.constant 7 : i32
        %shift_right_logical3A_231 = vector.broadcast %shift_right_logical3A_230 : i32 to vector<16xi32>
        %shift_right_logical3A_232 = arith.shrui %get3A_229, %shift_right_logical3A_231 : vector<16xi32>
        %and3A_233 = arith.constant 127 : i32
        %and3A_234 = vector.broadcast %and3A_233 : i32 to vector<16xi32>
        %and3A_235 = arith.andi %get3A_229, %and3A_234 : vector<16xi32>
        tpu.vector_store_idx %arg15[%shift_right_logical3A_232, %and3A_235], %broadcast_in_dim3A_68 {add = true} : memref<80x128xf32, #tpu.memory_space<vmem>>[vector<16xi32>, vector<16xi32>], vector<16xf32>,
        %get3A_236 = arith.constant 32 : index
        %get3A_237 = tpu.vector_load %arg10[%get3A_236] {strides = array<i32>} : memref<128xi32, #tpu.memory_space<vmem>>, vector<16xi32>,
        %shift_right_logical3A_238 = arith.constant 7 : i32
        %shift_right_logical3A_239 = vector.broadcast %shift_right_logical3A_238 : i32 to vector<16xi32>
        %shift_right_logical3A_240 = arith.shrui %get3A_237, %shift_right_logical3A_239 : vector<16xi32>
        %and3A_241 = arith.constant 127 : i32
        %and3A_242 = vector.broadcast %and3A_241 : i32 to vector<16xi32>
        %and3A_243 = arith.andi %get3A_237, %and3A_242 : vector<16xi32>
        tpu.vector_store_idx %arg15[%shift_right_logical3A_240, %and3A_243], %broadcast_in_dim3A_68 {add = true} : memref<80x128xf32, #tpu.memory_space<vmem>>[vector<16xi32>, vector<16xi32>], vector<16xf32>,
        %get3A_244 = arith.constant 48 : index
        %get3A_245 = tpu.vector_load %arg10[%get3A_244] {strides = array<i32>} : memref<128xi32, #tpu.memory_space<vmem>>, vector<16xi32>,
        %shift_right_logical3A_246 = arith.constant 7 : i32
        %shift_right_logical3A_247 = vector.broadcast %shift_right_logical3A_246 : i32 to vector<16xi32>
        %shift_right_logical3A_248 = arith.shrui %get3A_245, %shift_right_logical3A_247 : vector<16xi32>
        %and3A_249 = arith.constant 127 : i32
        %and3A_250 = vector.broadcast %and3A_249 : i32 to vector<16xi32>
        %and3A_251 = arith.andi %get3A_245, %and3A_250 : vector<16xi32>
        tpu.vector_store_idx %arg15[%shift_right_logical3A_248, %and3A_251], %broadcast_in_dim3A_68 {add = true} : memref<80x128xf32, #tpu.memory_space<vmem>>[vector<16xi32>, vector<16xi32>], vector<16xf32>,
        %get3A_252 = arith.constant 64 : index
        %get3A_253 = tpu.vector_load %arg10[%get3A_252] {strides = array<i32>} : memref<128xi32, #tpu.memory_space<vmem>>, vector<16xi32>,
        %shift_right_logical3A_254 = arith.constant 7 : i32
        %shift_right_logical3A_255 = vector.broadcast %shift_right_logical3A_254 : i32 to vector<16xi32>
        %shift_right_logical3A_256 = arith.shrui %get3A_253, %shift_right_logical3A_255 : vector<16xi32>
        %and3A_257 = arith.constant 127 : i32
        %and3A_258 = vector.broadcast %and3A_257 : i32 to vector<16xi32>
        %and3A_259 = arith.andi %get3A_253, %and3A_258 : vector<16xi32>
        tpu.vector_store_idx %arg15[%shift_right_logical3A_256, %and3A_259], %broadcast_in_dim3A_68 {add = true} : memref<80x128xf32, #tpu.memory_space<vmem>>[vector<16xi32>, vector<16xi32>], vector<16xf32>,
        %get3A_260 = arith.constant 80 : index
        %get3A_261 = tpu.vector_load %arg10[%get3A_260] {strides = array<i32>} : memref<128xi32, #tpu.memory_space<vmem>>, vector<16xi32>,
        %shift_right_logical3A_262 = arith.constant 7 : i32
        %shift_right_logical3A_263 = vector.broadcast %shift_right_logical3A_262 : i32 to vector<16xi32>
        %shift_right_logical3A_264 = arith.shrui %get3A_261, %shift_right_logical3A_263 : vector<16xi32>
        %and3A_265 = arith.constant 127 : i32
        %and3A_266 = vector.broadcast %and3A_265 : i32 to vector<16xi32>
        %and3A_267 = arith.andi %get3A_261, %and3A_266 : vector<16xi32>
        tpu.vector_store_idx %arg15[%shift_right_logical3A_264, %and3A_267], %broadcast_in_dim3A_68 {add = true} : memref<80x128xf32, #tpu.memory_space<vmem>>[vector<16xi32>, vector<16xi32>], vector<16xf32>,
        %get3A_268 = arith.constant 96 : index
        %get3A_269 = tpu.vector_load %arg10[%get3A_268] {strides = array<i32>} : memref<128xi32, #tpu.memory_space<vmem>>, vector<16xi32>,
        %shift_right_logical3A_270 = arith.constant 7 : i32
        %shift_right_logical3A_271 = vector.broadcast %shift_right_logical3A_270 : i32 to vector<16xi32>
        %shift_right_logical3A_272 = arith.shrui %get3A_269, %shift_right_logical3A_271 : vector<16xi32>
        %and3A_273 = arith.constant 127 : i32
        %and3A_274 = vector.broadcast %and3A_273 : i32 to vector<16xi32>
        %and3A_275 = arith.andi %get3A_269, %and3A_274 : vector<16xi32>
        tpu.vector_store_idx %arg15[%shift_right_logical3A_272, %and3A_275], %broadcast_in_dim3A_68 {add = true} : memref<80x128xf32, #tpu.memory_space<vmem>>[vector<16xi32>, vector<16xi32>], vector<16xf32>,
        %get3A_276 = arith.constant 112 : index
        %get3A_277 = tpu.vector_load %arg10[%get3A_276] {strides = array<i32>} : memref<128xi32, #tpu.memory_space<vmem>>, vector<16xi32>,
        %shift_right_logical3A_278 = arith.constant 7 : i32
        %shift_right_logical3A_279 = vector.broadcast %shift_right_logical3A_278 : i32 to vector<16xi32>
        %shift_right_logical3A_280 = arith.shrui %get3A_277, %shift_right_logical3A_279 : vector<16xi32>
        %and3A_281 = arith.constant 127 : i32
        %and3A_282 = vector.broadcast %and3A_281 : i32 to vector<16xi32>
        %and3A_283 = arith.andi %get3A_277, %and3A_282 : vector<16xi32>
        tpu.vector_store_idx %arg15[%shift_right_logical3A_280, %and3A_283], %broadcast_in_dim3A_68 {add = true} : memref<80x128xf32, #tpu.memory_space<vmem>>[vector<16xi32>, vector<16xi32>], vector<16xf32>,
      } else {
      }
      %lt3A_216 = arith.cmpi slt, %add3A_206, %select_n3A_65 : i32
      %convert_element_type3A_217 = arith.extui %lt3A_216 : i1 to i32
      %cond3A_218 = arith.constant 0 : i32
      %cond3A_219 = arith.cmpi ne, %convert_element_type3A_217, %cond3A_218 : i32
      scf.if %cond3A_219 {
        %add3A_221 = arith.constant 1 : i32
        %add3A_222 = arith.addi %add3A_206, %add3A_221 : i32
        %lt3A_223 = arith.cmpi slt, %add3A_222, %select_n3A_65 : i32
        %convert_element_type3A_224 = arith.extui %lt3A_223 : i1 to i32
        %cond3A_225 = arith.constant 0 : i32
        %cond3A_226 = arith.cmpi ne, %convert_element_type3A_224, %cond3A_225 : i32
        scf.if %cond3A_226 {
          %add3A_233 = arith.constant 1 : i32
          %add3A_234 = arith.addi %add3A_206, %add3A_233 : i32
          %mul3A_235 = arith.constant 16 : i32
          %mul3A_236 = arith.muli %add3A_234, %mul3A_235 : i32
          %add3A_237 = arith.addi %arg1, %mul3A_236 : i32
          %mul3A_238 = arith.constant 128 : i32
          %mul3A_239 = arith.muli %add3A_237, %mul3A_238 : i32
          "tpu.region"() ({
            %run_scoped3A = tpu.sem_alloc : memref<!tpu.dma_semaphore, #tpu.memory_space<semaphore_mem>>
            %dma_start3A_291 = tpu.memref_slice %arg2[%mul3A_239] : memref<160000xi32, #tpu.memory_space<hbm>> -> memref<128xi32, #tpu.memory_space<hbm>>
            %dma_start3A_292 = tpu.memref_slice %arg2[%mul3A_239] : memref<160000xi32, #tpu.memory_space<hbm>> -> memref<128xi32, #tpu.memory_space<hbm>>
            tpu.enqueue_dma source(%dma_start3A_292 : memref<128xi32, #tpu.memory_space<hbm>>) target(%arg9 : memref<128xi32, #tpu.memory_space<vmem>>) target_semaphore(%run_scoped3A : memref<!tpu.dma_semaphore, #tpu.memory_space<semaphore_mem>>)
            %dma_wait3A_293 = tpu.memref_slice %arg2[%mul3A_239] : memref<160000xi32, #tpu.memory_space<hbm>> -> memref<128xi32, #tpu.memory_space<hbm>>
            %dma_wait3A_294 = tpu.memref_slice %arg2[%mul3A_239] : memref<160000xi32, #tpu.memory_space<hbm>> -> memref<128xi32, #tpu.memory_space<hbm>>
            tpu.wait_dma2 semaphore(%run_scoped3A : memref<!tpu.dma_semaphore, #tpu.memory_space<semaphore_mem>>) src(%dma_wait3A_294 : memref<128xi32, #tpu.memory_space<hbm>>) dst(%arg9 : memref<128xi32, #tpu.memory_space<vmem>>)
            tpu.yield
          }) : () -> ()
          "tpu.region"() ({
            %run_scoped3A = tpu.sem_alloc : memref<!tpu.dma_semaphore, #tpu.memory_space<semaphore_mem>>
            %dma_start3A_291 = tpu.memref_slice %arg3[%mul3A_239] : memref<160000xi32, #tpu.memory_space<hbm>> -> memref<128xi32, #tpu.memory_space<hbm>>
            %dma_start3A_292 = tpu.memref_slice %arg3[%mul3A_239] : memref<160000xi32, #tpu.memory_space<hbm>> -> memref<128xi32, #tpu.memory_space<hbm>>
            tpu.enqueue_dma source(%dma_start3A_292 : memref<128xi32, #tpu.memory_space<hbm>>) target(%arg10 : memref<128xi32, #tpu.memory_space<vmem>>) target_semaphore(%run_scoped3A : memref<!tpu.dma_semaphore, #tpu.memory_space<semaphore_mem>>)
            %dma_wait3A_293 = tpu.memref_slice %arg3[%mul3A_239] : memref<160000xi32, #tpu.memory_space<hbm>> -> memref<128xi32, #tpu.memory_space<hbm>>
            %dma_wait3A_294 = tpu.memref_slice %arg3[%mul3A_239] : memref<160000xi32, #tpu.memory_space<hbm>> -> memref<128xi32, #tpu.memory_space<hbm>>
            tpu.wait_dma2 semaphore(%run_scoped3A : memref<!tpu.dma_semaphore, #tpu.memory_space<semaphore_mem>>) src(%dma_wait3A_294 : memref<128xi32, #tpu.memory_space<hbm>>) dst(%arg10 : memref<128xi32, #tpu.memory_space<vmem>>)
            tpu.yield
          }) : () -> ()
          %get3A_240 = arith.constant 0 : index
          %get3A_241 = tpu.vector_load %arg9[%get3A_240] {strides = array<i32>} : memref<128xi32, #tpu.memory_space<vmem>>, vector<16xi32>,
          %add3A_242 = vector.broadcast %mul3A_67 : i32 to vector<16xi32>
          %add3A_243 = arith.addi %get3A_241, %add3A_242 : vector<16xi32>
          %swap3A_244 = arith.constant 0 : index
          %swap3A_245 = tpu.vector_load %arg9[%swap3A_244] {strides = array<i32>} : memref<128xi32, #tpu.memory_space<vmem>>, vector<16xi32>,
          tpu.vector_store %arg9[%swap3A_244], %add3A_243 {strides = array<i32>} : memref<128xi32, #tpu.memory_space<vmem>>, vector<16xi32>,
          %get3A_246 = arith.constant 16 : index
          %get3A_247 = tpu.vector_load %arg9[%get3A_246] {strides = array<i32>} : memref<128xi32, #tpu.memory_space<vmem>>, vector<16xi32>,
          %add3A_248 = vector.broadcast %mul3A_67 : i32 to vector<16xi32>
          %add3A_249 = arith.addi %get3A_247, %add3A_248 : vector<16xi32>
          %swap3A_250 = arith.constant 16 : index
          %swap3A_251 = tpu.vector_load %arg9[%swap3A_250] {strides = array<i32>} : memref<128xi32, #tpu.memory_space<vmem>>, vector<16xi32>,
          tpu.vector_store %arg9[%swap3A_250], %add3A_249 {strides = array<i32>} : memref<128xi32, #tpu.memory_space<vmem>>, vector<16xi32>,
          %get3A_252 = arith.constant 32 : index
          %get3A_253 = tpu.vector_load %arg9[%get3A_252] {strides = array<i32>} : memref<128xi32, #tpu.memory_space<vmem>>, vector<16xi32>,
          %add3A_254 = vector.broadcast %mul3A_67 : i32 to vector<16xi32>
          %add3A_255 = arith.addi %get3A_253, %add3A_254 : vector<16xi32>
          %swap3A_256 = arith.constant 32 : index
          %swap3A_257 = tpu.vector_load %arg9[%swap3A_256] {strides = array<i32>} : memref<128xi32, #tpu.memory_space<vmem>>, vector<16xi32>,
          tpu.vector_store %arg9[%swap3A_256], %add3A_255 {strides = array<i32>} : memref<128xi32, #tpu.memory_space<vmem>>, vector<16xi32>,
          %get3A_258 = arith.constant 48 : index
          %get3A_259 = tpu.vector_load %arg9[%get3A_258] {strides = array<i32>} : memref<128xi32, #tpu.memory_space<vmem>>, vector<16xi32>,
          %add3A_260 = vector.broadcast %mul3A_67 : i32 to vector<16xi32>
          %add3A_261 = arith.addi %get3A_259, %add3A_260 : vector<16xi32>
          %swap3A_262 = arith.constant 48 : index
          %swap3A_263 = tpu.vector_load %arg9[%swap3A_262] {strides = array<i32>} : memref<128xi32, #tpu.memory_space<vmem>>, vector<16xi32>,
          tpu.vector_store %arg9[%swap3A_262], %add3A_261 {strides = array<i32>} : memref<128xi32, #tpu.memory_space<vmem>>, vector<16xi32>,
          %get3A_264 = arith.constant 64 : index
          %get3A_265 = tpu.vector_load %arg9[%get3A_264] {strides = array<i32>} : memref<128xi32, #tpu.memory_space<vmem>>, vector<16xi32>,
          %add3A_266 = vector.broadcast %mul3A_67 : i32 to vector<16xi32>
          %add3A_267 = arith.addi %get3A_265, %add3A_266 : vector<16xi32>
          %swap3A_268 = arith.constant 64 : index
          %swap3A_269 = tpu.vector_load %arg9[%swap3A_268] {strides = array<i32>} : memref<128xi32, #tpu.memory_space<vmem>>, vector<16xi32>,
          tpu.vector_store %arg9[%swap3A_268], %add3A_267 {strides = array<i32>} : memref<128xi32, #tpu.memory_space<vmem>>, vector<16xi32>,
          %get3A_270 = arith.constant 80 : index
          %get3A_271 = tpu.vector_load %arg9[%get3A_270] {strides = array<i32>} : memref<128xi32, #tpu.memory_space<vmem>>, vector<16xi32>,
          %add3A_272 = vector.broadcast %mul3A_67 : i32 to vector<16xi32>
          %add3A_273 = arith.addi %get3A_271, %add3A_272 : vector<16xi32>
          %swap3A_274 = arith.constant 80 : index
          %swap3A_275 = tpu.vector_load %arg9[%swap3A_274] {strides = array<i32>} : memref<128xi32, #tpu.memory_space<vmem>>, vector<16xi32>,
          tpu.vector_store %arg9[%swap3A_274], %add3A_273 {strides = array<i32>} : memref<128xi32, #tpu.memory_space<vmem>>, vector<16xi32>,
          %get3A_276 = arith.constant 96 : index
          %get3A_277 = tpu.vector_load %arg9[%get3A_276] {strides = array<i32>} : memref<128xi32, #tpu.memory_space<vmem>>, vector<16xi32>,
          %add3A_278 = vector.broadcast %mul3A_67 : i32 to vector<16xi32>
          %add3A_279 = arith.addi %get3A_277, %add3A_278 : vector<16xi32>
          %swap3A_280 = arith.constant 96 : index
          %swap3A_281 = tpu.vector_load %arg9[%swap3A_280] {strides = array<i32>} : memref<128xi32, #tpu.memory_space<vmem>>, vector<16xi32>,
          tpu.vector_store %arg9[%swap3A_280], %add3A_279 {strides = array<i32>} : memref<128xi32, #tpu.memory_space<vmem>>, vector<16xi32>,
          %get3A_282 = arith.constant 112 : index
          %get3A_283 = tpu.vector_load %arg9[%get3A_282] {strides = array<i32>} : memref<128xi32, #tpu.memory_space<vmem>>, vector<16xi32>,
          %add3A_284 = vector.broadcast %mul3A_67 : i32 to vector<16xi32>
          %add3A_285 = arith.addi %get3A_283, %add3A_284 : vector<16xi32>
          %swap3A_286 = arith.constant 112 : index
          %swap3A_287 = tpu.vector_load %arg9[%swap3A_286] {strides = array<i32>} : memref<128xi32, #tpu.memory_space<vmem>>, vector<16xi32>,
          tpu.vector_store %arg9[%swap3A_286], %add3A_285 {strides = array<i32>} : memref<128xi32, #tpu.memory_space<vmem>>, vector<16xi32>,
          %dma_start3A_288 = arith.constant 0 : i32
          %dma_start3A_289 = arith.constant 0 : i32
          %dma_start3A_290 = tpu.memref_slice %arg4[%dma_start3A_288, %dma_start3A_289] : memref<20000x128xf32, #tpu.memory_space<hbm>> -> memref<20000x128xf32, #tpu.memory_space<hbm>>
          tpu.enqueue_indirect_dma source(%dma_start3A_290 : memref<20000x128xf32, #tpu.memory_space<hbm>>) target(%arg11 : memref<128x128xf32, #tpu.memory_space<vmem>>) offsets(%arg9 : memref<128xi32, #tpu.memory_space<vmem>>) semaphore(%arg19 : memref<!tpu.dma_semaphore, #tpu.memory_space<semaphore_mem>>)
        } else {
        }
        %dma_wait3A_227 = arith.constant 0 : i32
        %dma_wait3A_228 = arith.constant 0 : i32
        %dma_wait3A_229 = tpu.memref_slice %arg4[%dma_wait3A_227, %dma_wait3A_228] : memref<20000x128xf32, #tpu.memory_space<hbm>> -> memref<20000x128xf32, #tpu.memory_space<hbm>>
        tpu.wait_indirect_dma semaphore(%arg20 : memref<!tpu.dma_semaphore, #tpu.memory_space<semaphore_mem>>) src(%dma_wait3A_229 : memref<20000x128xf32, #tpu.memory_space<hbm>>) dst(%arg14 : memref<128x128xf32, #tpu.memory_space<vmem>>)
        "tpu.region"() ({
          %run_scoped3A = tpu.sem_alloc : memref<!tpu.dma_semaphore, #tpu.memory_space<semaphore_mem>>
          %dma_start3A_233 = arith.constant 0 : i32
          %dma_start3A_234 = arith.constant 0 : i32
          %dma_start3A_235 = tpu.memref_slice %arg17[%dma_start3A_233, %dma_start3A_234] : memref<10000x128xf32, #tpu.memory_space<vmem_shared>> -> memref<10000x128xf32, #tpu.memory_space<vmem_shared>>
          tpu.enqueue_indirect_dma source(%arg14 : memref<128x128xf32, #tpu.memory_space<vmem>>) target(%dma_start3A_235 : memref<10000x128xf32, #tpu.memory_space<vmem_shared>>) offsets(%arg13 : memref<128xi32, #tpu.memory_space<vmem>>) semaphore(%run_scoped3A : memref<!tpu.dma_semaphore, #tpu.memory_space<semaphore_mem>>) {add = true}
          %dma_wait3A_236 = arith.constant 0 : i32
          %dma_wait3A_237 = arith.constant 0 : i32
          %dma_wait3A_238 = tpu.memref_slice %arg17[%dma_wait3A_236, %dma_wait3A_237] : memref<10000x128xf32, #tpu.memory_space<vmem_shared>> -> memref<10000x128xf32, #tpu.memory_space<vmem_shared>>
          tpu.wait_indirect_dma semaphore(%run_scoped3A : memref<!tpu.dma_semaphore, #tpu.memory_space<semaphore_mem>>) src(%arg14 : memref<128x128xf32, #tpu.memory_space<vmem>>) dst(%dma_wait3A_238 : memref<10000x128xf32, #tpu.memory_space<vmem_shared>>)
          tpu.yield
        }) : () -> ()
        %convert_element_type3A_230 = arith.extui %eq3A_82 : i1 to i32
        %cond3A_231 = arith.constant 0 : i32
        %cond3A_232 = arith.cmpi ne, %convert_element_type3A_230, %cond3A_231 : i32
        scf.if %cond3A_232 {
          %get3A_233 = arith.constant 0 : index
          %get3A_234 = tpu.vector_load %arg13[%get3A_233] {strides = array<i32>} : memref<128xi32, #tpu.memory_space<vmem>>, vector<16xi32>,
          %shift_right_logical3A = arith.constant 7 : i32
          %shift_right_logical3A_235 = vector.broadcast %shift_right_logical3A : i32 to vector<16xi32>
          %shift_right_logical3A_236 = arith.shrui %get3A_234, %shift_right_logical3A_235 : vector<16xi32>
          %and3A_237 = arith.constant 127 : i32
          %and3A_238 = vector.broadcast %and3A_237 : i32 to vector<16xi32>
          %and3A_239 = arith.andi %get3A_234, %and3A_238 : vector<16xi32>
          tpu.vector_store_idx %arg15[%shift_right_logical3A_236, %and3A_239], %broadcast_in_dim3A_68 {add = true} : memref<80x128xf32, #tpu.memory_space<vmem>>[vector<16xi32>, vector<16xi32>], vector<16xf32>,
          %get3A_240 = arith.constant 16 : index
          %get3A_241 = tpu.vector_load %arg13[%get3A_240] {strides = array<i32>} : memref<128xi32, #tpu.memory_space<vmem>>, vector<16xi32>,
          %shift_right_logical3A_242 = arith.constant 7 : i32
          %shift_right_logical3A_243 = vector.broadcast %shift_right_logical3A_242 : i32 to vector<16xi32>
          %shift_right_logical3A_244 = arith.shrui %get3A_241, %shift_right_logical3A_243 : vector<16xi32>
          %and3A_245 = arith.constant 127 : i32
          %and3A_246 = vector.broadcast %and3A_245 : i32 to vector<16xi32>
          %and3A_247 = arith.andi %get3A_241, %and3A_246 : vector<16xi32>
          tpu.vector_store_idx %arg15[%shift_right_logical3A_244, %and3A_247], %broadcast_in_dim3A_68 {add = true} : memref<80x128xf32, #tpu.memory_space<vmem>>[vector<16xi32>, vector<16xi32>], vector<16xf32>,
          %get3A_248 = arith.constant 32 : index
          %get3A_249 = tpu.vector_load %arg13[%get3A_248] {strides = array<i32>} : memref<128xi32, #tpu.memory_space<vmem>>, vector<16xi32>,
          %shift_right_logical3A_250 = arith.constant 7 : i32
          %shift_right_logical3A_251 = vector.broadcast %shift_right_logical3A_250 : i32 to vector<16xi32>
          %shift_right_logical3A_252 = arith.shrui %get3A_249, %shift_right_logical3A_251 : vector<16xi32>
          %and3A_253 = arith.constant 127 : i32
          %and3A_254 = vector.broadcast %and3A_253 : i32 to vector<16xi32>
          %and3A_255 = arith.andi %get3A_249, %and3A_254 : vector<16xi32>
          tpu.vector_store_idx %arg15[%shift_right_logical3A_252, %and3A_255], %broadcast_in_dim3A_68 {add = true} : memref<80x128xf32, #tpu.memory_space<vmem>>[vector<16xi32>, vector<16xi32>], vector<16xf32>,
          %get3A_256 = arith.constant 48 : index
          %get3A_257 = tpu.vector_load %arg13[%get3A_256] {strides = array<i32>} : memref<128xi32, #tpu.memory_space<vmem>>, vector<16xi32>,
          %shift_right_logical3A_258 = arith.constant 7 : i32
          %shift_right_logical3A_259 = vector.broadcast %shift_right_logical3A_258 : i32 to vector<16xi32>
          %shift_right_logical3A_260 = arith.shrui %get3A_257, %shift_right_logical3A_259 : vector<16xi32>
          %and3A_261 = arith.constant 127 : i32
          %and3A_262 = vector.broadcast %and3A_261 : i32 to vector<16xi32>
          %and3A_263 = arith.andi %get3A_257, %and3A_262 : vector<16xi32>
          tpu.vector_store_idx %arg15[%shift_right_logical3A_260, %and3A_263], %broadcast_in_dim3A_68 {add = true} : memref<80x128xf32, #tpu.memory_space<vmem>>[vector<16xi32>, vector<16xi32>], vector<16xf32>,
          %get3A_264 = arith.constant 64 : index
          %get3A_265 = tpu.vector_load %arg13[%get3A_264] {strides = array<i32>} : memref<128xi32, #tpu.memory_space<vmem>>, vector<16xi32>,
          %shift_right_logical3A_266 = arith.constant 7 : i32
          %shift_right_logical3A_267 = vector.broadcast %shift_right_logical3A_266 : i32 to vector<16xi32>
          %shift_right_logical3A_268 = arith.shrui %get3A_265, %shift_right_logical3A_267 : vector<16xi32>
          %and3A_269 = arith.constant 127 : i32
          %and3A_270 = vector.broadcast %and3A_269 : i32 to vector<16xi32>
          %and3A_271 = arith.andi %get3A_265, %and3A_270 : vector<16xi32>
          tpu.vector_store_idx %arg15[%shift_right_logical3A_268, %and3A_271], %broadcast_in_dim3A_68 {add = true} : memref<80x128xf32, #tpu.memory_space<vmem>>[vector<16xi32>, vector<16xi32>], vector<16xf32>,
          %get3A_272 = arith.constant 80 : index
          %get3A_273 = tpu.vector_load %arg13[%get3A_272] {strides = array<i32>} : memref<128xi32, #tpu.memory_space<vmem>>, vector<16xi32>,
          %shift_right_logical3A_274 = arith.constant 7 : i32
          %shift_right_logical3A_275 = vector.broadcast %shift_right_logical3A_274 : i32 to vector<16xi32>
          %shift_right_logical3A_276 = arith.shrui %get3A_273, %shift_right_logical3A_275 : vector<16xi32>
          %and3A_277 = arith.constant 127 : i32
          %and3A_278 = vector.broadcast %and3A_277 : i32 to vector<16xi32>
          %and3A_279 = arith.andi %get3A_273, %and3A_278 : vector<16xi32>
          tpu.vector_store_idx %arg15[%shift_right_logical3A_276, %and3A_279], %broadcast_in_dim3A_68 {add = true} : memref<80x128xf32, #tpu.memory_space<vmem>>[vector<16xi32>, vector<16xi32>], vector<16xf32>,
          %get3A_280 = arith.constant 96 : index
          %get3A_281 = tpu.vector_load %arg13[%get3A_280] {strides = array<i32>} : memref<128xi32, #tpu.memory_space<vmem>>, vector<16xi32>,
          %shift_right_logical3A_282 = arith.constant 7 : i32
          %shift_right_logical3A_283 = vector.broadcast %shift_right_logical3A_282 : i32 to vector<16xi32>
          %shift_right_logical3A_284 = arith.shrui %get3A_281, %shift_right_logical3A_283 : vector<16xi32>
          %and3A_285 = arith.constant 127 : i32
          %and3A_286 = vector.broadcast %and3A_285 : i32 to vector<16xi32>
          %and3A_287 = arith.andi %get3A_281, %and3A_286 : vector<16xi32>
          tpu.vector_store_idx %arg15[%shift_right_logical3A_284, %and3A_287], %broadcast_in_dim3A_68 {add = true} : memref<80x128xf32, #tpu.memory_space<vmem>>[vector<16xi32>, vector<16xi32>], vector<16xf32>,
          %get3A_288 = arith.constant 112 : index
          %get3A_289 = tpu.vector_load %arg13[%get3A_288] {strides = array<i32>} : memref<128xi32, #tpu.memory_space<vmem>>, vector<16xi32>,
          %shift_right_logical3A_290 = arith.constant 7 : i32
          %shift_right_logical3A_291 = vector.broadcast %shift_right_logical3A_290 : i32 to vector<16xi32>
          %shift_right_logical3A_292 = arith.shrui %get3A_289, %shift_right_logical3A_291 : vector<16xi32>
          %and3A_293 = arith.constant 127 : i32
          %and3A_294 = vector.broadcast %and3A_293 : i32 to vector<16xi32>
          %and3A_295 = arith.andi %get3A_289, %and3A_294 : vector<16xi32>
          tpu.vector_store_idx %arg15[%shift_right_logical3A_292, %and3A_295], %broadcast_in_dim3A_68 {add = true} : memref<80x128xf32, #tpu.memory_space<vmem>>[vector<16xi32>, vector<16xi32>], vector<16xf32>,
        } else {
        }
      } else {
      }
      %while3A_220 = arith.constant 0 : i32
      scf.yield %while3A_220 : i32
    }
    %convert_element_type3A_171 = arith.extui %eq3A_82 : i1 to i32
    %cond3A_172 = arith.constant 0 : i32
    %cond3A_173 = arith.cmpi ne, %convert_element_type3A_171, %cond3A_172 : i32
    scf.if %cond3A_173 {
      "tpu.region"() ({
        %run_scoped3A = tpu.sem_alloc : memref<!tpu.dma_semaphore, #tpu.memory_space<semaphore_mem>>
        %dma_start3A_201 = arith.constant 0 : i32
        %dma_start3A_202 = arith.constant 0 : i32
        %dma_start3A_203 = tpu.memref_slice %arg18[%dma_start3A_201, %dma_start3A_202] : memref<80x128xf32, #tpu.memory_space<vmem_shared>> -> memref<80x128xf32, #tpu.memory_space<vmem_shared>>
        tpu.enqueue_indirect_dma source(%arg15 : memref<80x128xf32, #tpu.memory_space<vmem>>) target(%dma_start3A_203 : memref<80x128xf32, #tpu.memory_space<vmem_shared>>) offsets(%arg16 : memref<80xi32, #tpu.memory_space<vmem>>) semaphore(%run_scoped3A : memref<!tpu.dma_semaphore, #tpu.memory_space<semaphore_mem>>) {add = true}
        %dma_wait3A = arith.constant 0 : i32
        %dma_wait3A_204 = arith.constant 0 : i32
        %dma_wait3A_205 = tpu.memref_slice %arg18[%dma_wait3A, %dma_wait3A_204] : memref<80x128xf32, #tpu.memory_space<vmem_shared>> -> memref<80x128xf32, #tpu.memory_space<vmem_shared>>
        tpu.wait_indirect_dma semaphore(%run_scoped3A : memref<!tpu.dma_semaphore, #tpu.memory_space<semaphore_mem>>) src(%arg15 : memref<80x128xf32, #tpu.memory_space<vmem>>) dst(%dma_wait3A_205 : memref<80x128xf32, #tpu.memory_space<vmem_shared>>)
        tpu.yield
      }) : () -> ()
    } else {
    }
    %barrier3A_174 = arith.constant 0 : index
    tpu.barrier barrier_id(%barrier3A_174)
    %eq3A_175 = arith.constant 0 : i32
    %eq3A_176 = arith.cmpi eq, %arg0, %eq3A_175 : i32
    %convert_element_type3A_177 = arith.extui %eq3A_176 : i1 to i32
    %cond3A_178 = arith.constant 0 : i32
    %cond3A_179 = arith.cmpi ne, %convert_element_type3A_177, %cond3A_178 : i32
    scf.if %cond3A_179 {
      "tpu.region"() ({
        %run_scoped3A = tpu.sem_alloc : memref<!tpu.dma_semaphore, #tpu.memory_space<semaphore_mem>>
        %dma_start3A_201 = arith.constant 0 : i32
        %dma_start3A_202 = arith.constant 0 : i32
        %dma_start3A_203 = tpu.memref_slice %arg5[%arg1, %dma_start3A_201, %dma_start3A_202] : memref<16x625x128xf32, #tpu.memory_space<hbm>> -> memref<1x625x128xf32, #tpu.memory_space<hbm>>
        %dma_start3A_204 = tpu.memref_squeeze %dma_start3A_203 : memref<1x625x128xf32, #tpu.memory_space<hbm>> -> memref<625x128xf32, #tpu.memory_space<hbm>>
        %dma_start3A_205 = arith.constant 0 : i32
        %dma_start3A_206 = tpu.memref_slice %arg17[%mul3A_0, %dma_start3A_205] : memref<10000x128xf32, #tpu.memory_space<vmem_shared>> -> memref<625x128xf32, #tpu.memory_space<vmem_shared>>
        tpu.enqueue_dma source(%dma_start3A_206 : memref<625x128xf32, #tpu.memory_space<vmem_shared>>) target(%dma_start3A_204 : memref<625x128xf32, #tpu.memory_space<hbm>>) target_semaphore(%run_scoped3A : memref<!tpu.dma_semaphore, #tpu.memory_space<semaphore_mem>>)
        %dma_wait3A = arith.constant 0 : i32
        %dma_wait3A_207 = arith.constant 0 : i32
        %dma_wait3A_208 = tpu.memref_slice %arg5[%arg1, %dma_wait3A, %dma_wait3A_207] : memref<16x625x128xf32, #tpu.memory_space<hbm>> -> memref<1x625x128xf32, #tpu.memory_space<hbm>>
        %dma_wait3A_209 = tpu.memref_squeeze %dma_wait3A_208 : memref<1x625x128xf32, #tpu.memory_space<hbm>> -> memref<625x128xf32, #tpu.memory_space<hbm>>
        %dma_wait3A_210 = arith.constant 0 : i32
        %dma_wait3A_211 = tpu.memref_slice %arg17[%mul3A_0, %dma_wait3A_210] : memref<10000x128xf32, #tpu.memory_space<vmem_shared>> -> memref<625x128xf32, #tpu.memory_space<vmem_shared>>
        tpu.wait_dma2 semaphore(%run_scoped3A : memref<!tpu.dma_semaphore, #tpu.memory_space<semaphore_mem>>) src(%dma_wait3A_211 : memref<625x128xf32, #tpu.memory_space<vmem_shared>>) dst(%dma_wait3A_209 : memref<625x128xf32, #tpu.memory_space<hbm>>)
        tpu.yield
      }) : () -> ()
    } else {
    }
    %eq3A_180 = arith.constant 1 : i32
    %eq3A_181 = arith.cmpi eq, %arg0, %eq3A_180 : i32
    %convert_element_type3A_182 = arith.extui %eq3A_181 : i1 to i32
    %cond3A_183 = arith.constant 0 : i32
    %cond3A_184 = arith.cmpi ne, %convert_element_type3A_182, %cond3A_183 : i32
    scf.if %cond3A_184 {
      "tpu.region"() ({
        %run_scoped3A = tpu.sem_alloc : memref<!tpu.dma_semaphore, #tpu.memory_space<semaphore_mem>>
        %dma_start3A_201 = arith.constant 0 : i32
        %dma_start3A_202 = arith.constant 0 : i32
        %dma_start3A_203 = tpu.memref_slice %arg6[%arg1, %dma_start3A_201, %dma_start3A_202] : memref<16x625x128xf32, #tpu.memory_space<hbm>> -> memref<1x625x128xf32, #tpu.memory_space<hbm>>
        %dma_start3A_204 = tpu.memref_squeeze %dma_start3A_203 : memref<1x625x128xf32, #tpu.memory_space<hbm>> -> memref<625x128xf32, #tpu.memory_space<hbm>>
        %dma_start3A_205 = arith.constant 0 : i32
        %dma_start3A_206 = tpu.memref_slice %arg17[%mul3A_0, %dma_start3A_205] : memref<10000x128xf32, #tpu.memory_space<vmem_shared>> -> memref<625x128xf32, #tpu.memory_space<vmem_shared>>
        tpu.enqueue_dma source(%dma_start3A_206 : memref<625x128xf32, #tpu.memory_space<vmem_shared>>) target(%dma_start3A_204 : memref<625x128xf32, #tpu.memory_space<hbm>>) target_semaphore(%run_scoped3A : memref<!tpu.dma_semaphore, #tpu.memory_space<semaphore_mem>>)
        %dma_wait3A = arith.constant 0 : i32
        %dma_wait3A_207 = arith.constant 0 : i32
        %dma_wait3A_208 = tpu.memref_slice %arg6[%arg1, %dma_wait3A, %dma_wait3A_207] : memref<16x625x128xf32, #tpu.memory_space<hbm>> -> memref<1x625x128xf32, #tpu.memory_space<hbm>>
        %dma_wait3A_209 = tpu.memref_squeeze %dma_wait3A_208 : memref<1x625x128xf32, #tpu.memory_space<hbm>> -> memref<625x128xf32, #tpu.memory_space<hbm>>
        %dma_wait3A_210 = arith.constant 0 : i32
        %dma_wait3A_211 = tpu.memref_slice %arg17[%mul3A_0, %dma_wait3A_210] : memref<10000x128xf32, #tpu.memory_space<vmem_shared>> -> memref<625x128xf32, #tpu.memory_space<vmem_shared>>
        tpu.wait_dma2 semaphore(%run_scoped3A : memref<!tpu.dma_semaphore, #tpu.memory_space<semaphore_mem>>) src(%dma_wait3A_211 : memref<625x128xf32, #tpu.memory_space<vmem_shared>>) dst(%dma_wait3A_209 : memref<625x128xf32, #tpu.memory_space<hbm>>)
        tpu.yield
      }) : () -> ()
    } else {
    }
    %eq3A_185 = arith.constant 0 : i32
    %eq3A_186 = arith.cmpi eq, %arg1, %eq3A_185 : i32
    %eq3A_187 = arith.constant 0 : i32
    %eq3A_188 = arith.cmpi eq, %arg0, %eq3A_187 : i32
    %and3A_189 = arith.andi %eq3A_186, %eq3A_188 : i1
    %convert_element_type3A_190 = arith.extui %and3A_189 : i1 to i32
    %cond3A_191 = arith.constant 0 : i32
    %cond3A_192 = arith.cmpi ne, %convert_element_type3A_190, %cond3A_191 : i32
    scf.if %cond3A_192 {
      "tpu.region"() ({
        %run_scoped3A = tpu.sem_alloc : memref<!tpu.dma_semaphore, #tpu.memory_space<semaphore_mem>>
        tpu.enqueue_dma source(%arg18 : memref<80x128xf32, #tpu.memory_space<vmem_shared>>) target(%arg7 : memref<80x128xf32, #tpu.memory_space<hbm>>) target_semaphore(%run_scoped3A : memref<!tpu.dma_semaphore, #tpu.memory_space<semaphore_mem>>)
        tpu.wait_dma2 semaphore(%run_scoped3A : memref<!tpu.dma_semaphore, #tpu.memory_space<semaphore_mem>>) src(%arg18 : memref<80x128xf32, #tpu.memory_space<vmem_shared>>) dst(%arg7 : memref<80x128xf32, #tpu.memory_space<hbm>>)
        tpu.yield
      }) : () -> ()
    } else {
    }
    %eq3A_193 = arith.constant 0 : i32
    %eq3A_194 = arith.cmpi eq, %arg1, %eq3A_193 : i32
    %eq3A_195 = arith.constant 1 : i32
    %eq3A_196 = arith.cmpi eq, %arg0, %eq3A_195 : i32
    %and3A_197 = arith.andi %eq3A_194, %eq3A_196 : i1
    %convert_element_type3A_198 = arith.extui %and3A_197 : i1 to i32
    %cond3A_199 = arith.constant 0 : i32
    %cond3A_200 = arith.cmpi ne, %convert_element_type3A_198, %cond3A_199 : i32
    scf.if %cond3A_200 {
      "tpu.region"() ({
        %run_scoped3A = tpu.sem_alloc : memref<!tpu.dma_semaphore, #tpu.memory_space<semaphore_mem>>
        tpu.enqueue_dma source(%arg18 : memref<80x128xf32, #tpu.memory_space<vmem_shared>>) target(%arg8 : memref<80x128xf32, #tpu.memory_space<hbm>>) target_semaphore(%run_scoped3A : memref<!tpu.dma_semaphore, #tpu.memory_space<semaphore_mem>>)
        tpu.wait_dma2 semaphore(%run_scoped3A : memref<!tpu.dma_semaphore, #tpu.memory_space<semaphore_mem>>) src(%arg18 : memref<80x128xf32, #tpu.memory_space<vmem_shared>>) dst(%arg8 : memref<80x128xf32, #tpu.memory_space<hbm>>)
        tpu.yield
      }) : () -> ()
    } else {
    }
    return
  }
}

module attributes {stable_mosaic.version = 14 : i64} {
  func.func @_mm_body(%arg0: i32, %arg1: memref<2000x256xf32, #tpu.memory_space<vmem>>, %arg2: memref<256x256xf32, #tpu.memory_space<vmem>>, %arg3: memref<2x2000x128xf32, #tpu.memory_space<vmem>>, %arg4: memref<2000x256xf32, #tpu.memory_space<vmem>>) attributes {dimension_semantics = [#tpu.dimension_semantics<arbitrary>], iteration_bounds = array<i64: 5>, scalar_prefetch = 0 : i64, scratch_operands = 0 : i64, tpu.core_type = #tpu.core_type<tc>, window_params = [{transform_indices = @transform_0, window_bounds = array<i64: 2000, 256>}, {pipeline_mode = #tpu.pipeline_mode<synchronous>, transform_indices = @transform_1, window_bounds = array<i64: 256, 256>}, {transform_indices = @transform_2, window_bounds = array<i64: 2, 2000, 128>}, {transform_indices = @transform_3, window_bounds = array<i64: 2000, 256>}]} {
    %get3A = arith.constant 0 : index
    %get3A_0 = arith.constant 0 : index
    %get3A_1 = vector.load %arg1[%get3A, %get3A_0] : memref<2000x256xf32, #tpu.memory_space<vmem>>, vector<2000x256xf32>
    %slice3A = vector.extract_strided_slice %get3A_1 {offsets = [0, 0], sizes = [2000, 128], strides = [1, 1]} : vector<2000x256xf32> to vector<2000x128xf32>
    %swap3A = arith.constant 0 : index
    %swap3A_2 = arith.constant 0 : index
    %swap3A_3 = arith.constant 0 : index
    %swap3A_4 = vector.load %arg3[%swap3A, %swap3A_2, %swap3A_3] : memref<2x2000x128xf32, #tpu.memory_space<vmem>>, vector<1x2000x128xf32>
    %swap3A_5 = vector.shape_cast %swap3A_4 : vector<1x2000x128xf32> to vector<2000x128xf32>
    %swap3A_6 = vector.shape_cast %slice3A : vector<2000x128xf32> to vector<1x2000x128xf32>
    tpu.vector_store %arg3[%swap3A, %swap3A_2, %swap3A_3], %swap3A_6 {strides = array<i32>} : memref<2x2000x128xf32, #tpu.memory_space<vmem>>, vector<1x2000x128xf32>,
    %slice3A_7 = vector.extract_strided_slice %get3A_1 {offsets = [0, 128], sizes = [2000, 128], strides = [1, 1]} : vector<2000x256xf32> to vector<2000x128xf32>
    %swap3A_8 = arith.constant 1 : index
    %swap3A_9 = arith.constant 0 : index
    %swap3A_10 = arith.constant 0 : index
    %swap3A_11 = vector.load %arg3[%swap3A_8, %swap3A_9, %swap3A_10] : memref<2x2000x128xf32, #tpu.memory_space<vmem>>, vector<1x2000x128xf32>
    %swap3A_12 = vector.shape_cast %swap3A_11 : vector<1x2000x128xf32> to vector<2000x128xf32>
    %swap3A_13 = vector.shape_cast %slice3A_7 : vector<2000x128xf32> to vector<1x2000x128xf32>
    tpu.vector_store %arg3[%swap3A_8, %swap3A_9, %swap3A_10], %swap3A_13 {strides = array<i32>} : memref<2x2000x128xf32, #tpu.memory_space<vmem>>, vector<1x2000x128xf32>,
    %get3A_14 = arith.constant 0 : index
    %get3A_15 = arith.constant 0 : index
    %get3A_16 = vector.load %arg2[%get3A_14, %get3A_15] : memref<256x256xf32, #tpu.memory_space<vmem>>, vector<256x256xf32>
    %dot_general3A = arith.constant dense<0.000000e+00> : vector<2000x256xf32>
    %dot_general3A_17 = tpu.matmul %get3A_1, %get3A_16, %dot_general3A {dimension_numbers = #tpu.dot_dimension_numbers<[1], [0], [0], [1], [0, 0, 1, 1], [], []>, transpose_lhs_hint = false} : vector<2000x256xf32>, vector<256x256xf32>, vector<2000x256xf32> -> vector<2000x256xf32>
    %swap3A_18 = arith.constant 0 : index
    %swap3A_19 = arith.constant 0 : index
    %swap3A_20 = vector.load %arg4[%swap3A_18, %swap3A_19] : memref<2000x256xf32, #tpu.memory_space<vmem>>, vector<2000x256xf32>
    tpu.vector_store %arg4[%swap3A_18, %swap3A_19], %dot_general3A_17 {strides = array<i32>} : memref<2000x256xf32, #tpu.memory_space<vmem>>, vector<2000x256xf32>,
    return
  }
  func.func @transform_0(%arg0: i32) -> (i32, i32) {
    %c0_i32 = arith.constant 0 : i32
    %c0_i32_0 = arith.constant 0 : i32
    return %arg0, %c0_i32 : i32, i32
  }
  func.func @transform_1(%arg0: i32) -> (i32, i32) {
    %c0_i32 = arith.constant 0 : i32
    %c0_i32_0 = arith.constant 0 : i32
    %c0_i32_1 = arith.constant 0 : i32
    return %c0_i32, %c0_i32_0 : i32, i32
  }
  func.func @transform_2(%arg0: i32) -> (i32, i32, i32) {
    %c0_i32 = arith.constant 0 : i32
    %c0_i32_0 = arith.constant 0 : i32
    %c0_i32_1 = arith.constant 0 : i32
    return %c0_i32, %arg0, %c0_i32_0 : i32, i32, i32
  }
  func.func @transform_3(%arg0: i32) -> (i32, i32) {
    %c0_i32 = arith.constant 0 : i32
    %c0_i32_0 = arith.constant 0 : i32
    return %arg0, %c0_i32 : i32, i32
  }
}

module attributes {stable_mosaic.version = 14 : i64} {
  func.func @_z_body(%arg0: i32, %arg1: memref<1000x128xf32, #tpu.memory_space<vmem>>, %arg2: memref<1000x128xf32, #tpu.memory_space<vmem>>, %arg3: memref<1000x1xf32, #tpu.memory_space<vmem>>, %arg4: memref<1000x256xf32, #tpu.memory_space<vmem>>, %arg5: memref<256x256xf32, #tpu.memory_space<vmem>>, %arg6: memref<1x256xf32, #tpu.memory_space<vmem>>, %arg7: memref<1000x256xf32, #tpu.memory_space<vmem>>) attributes {dimension_semantics = [#tpu.dimension_semantics<arbitrary>], iteration_bounds = array<i64: 10>, scalar_prefetch = 0 : i64, scratch_operands = 0 : i64, tpu.core_type = #tpu.core_type<tc>, window_params = [{transform_indices = @transform_0, window_bounds = array<i64: 1000, 128>}, {transform_indices = @transform_1, window_bounds = array<i64: 1000, 128>}, {transform_indices = @transform_2, window_bounds = array<i64: 1000, 1>}, {transform_indices = @transform_3, window_bounds = array<i64: 1000, 256>}, {pipeline_mode = #tpu.pipeline_mode<synchronous>, transform_indices = @transform_4, window_bounds = array<i64: 256, 256>}, {pipeline_mode = #tpu.pipeline_mode<synchronous>, transform_indices = @transform_5, window_bounds = array<i64: 1, 256>}, {transform_indices = @transform_6, window_bounds = array<i64: 1000, 256>}]} {
    %get3A = arith.constant 0 : index
    %get3A_0 = arith.constant 0 : index
    %get3A_1 = vector.load %arg1[%get3A, %get3A_0] : memref<1000x128xf32, #tpu.memory_space<vmem>>, vector<1000x128xf32>
    %get3A_2 = arith.constant 0 : index
    %get3A_3 = arith.constant 0 : index
    %get3A_4 = vector.load %arg2[%get3A_2, %get3A_3] : memref<1000x128xf32, #tpu.memory_space<vmem>>, vector<1000x128xf32>
    %concatenate3A = tpu.concatenate %get3A_1, %get3A_4 in 1 : vector<1000x128xf32>, vector<1000x128xf32> -> vector<1000x256xf32>
    %get3A_5 = arith.constant 0 : index
    %get3A_6 = arith.constant 0 : index
    %get3A_7 = vector.load %arg3[%get3A_5, %get3A_6] : memref<1000x1xf32, #tpu.memory_space<vmem>>, vector<1000x1xf32>
    %max3A = arith.constant 1.000000e+00 : f32
    %max3A_8 = vector.broadcast %max3A : f32 to vector<1000x1xf32>
    %max3A_9 = arith.maximumf %get3A_7, %max3A_8 : vector<1000x1xf32>
    %div3A = vector.broadcast %max3A_9 : vector<1000x1xf32> to vector<1000x256xf32>
    %div3A_10 = arith.divf %concatenate3A, %div3A : vector<1000x256xf32>
    %get3A_11 = arith.constant 0 : index
    %get3A_12 = arith.constant 0 : index
    %get3A_13 = vector.load %arg5[%get3A_11, %get3A_12] : memref<256x256xf32, #tpu.memory_space<vmem>>, vector<256x256xf32>
    %dot_general3A = arith.constant dense<0.000000e+00> : vector<1000x256xf32>
    %dot_general3A_14 = tpu.matmul %div3A_10, %get3A_13, %dot_general3A {dimension_numbers = #tpu.dot_dimension_numbers<[1], [0], [0], [1], [0, 0, 1, 1], [], []>, transpose_lhs_hint = false} : vector<1000x256xf32>, vector<256x256xf32>, vector<1000x256xf32> -> vector<1000x256xf32>
    %get3A_15 = arith.constant 0 : index
    %get3A_16 = arith.constant 0 : index
    %get3A_17 = vector.load %arg6[%get3A_15, %get3A_16] : memref<1x256xf32, #tpu.memory_space<vmem>>, vector<1x256xf32>
    %add3A = vector.broadcast %get3A_17 : vector<1x256xf32> to vector<1000x256xf32>
    %add3A_18 = arith.addf %dot_general3A_14, %add3A : vector<1000x256xf32>
    %get3A_19 = arith.constant 0 : index
    %get3A_20 = arith.constant 0 : index
    %get3A_21 = vector.load %arg4[%get3A_19, %get3A_20] : memref<1000x256xf32, #tpu.memory_space<vmem>>, vector<1000x256xf32>
    %add3A_22 = arith.addf %add3A_18, %get3A_21 : vector<1000x256xf32>
    %swap3A = arith.constant 0 : index
    %swap3A_23 = arith.constant 0 : index
    %swap3A_24 = vector.load %arg7[%swap3A, %swap3A_23] : memref<1000x256xf32, #tpu.memory_space<vmem>>, vector<1000x256xf32>
    tpu.vector_store %arg7[%swap3A, %swap3A_23], %add3A_22 {strides = array<i32>} : memref<1000x256xf32, #tpu.memory_space<vmem>>, vector<1000x256xf32>,
    return
  }
  func.func @transform_0(%arg0: i32) -> (i32, i32) {
    %c0_i32 = arith.constant 0 : i32
    %c0_i32_0 = arith.constant 0 : i32
    return %arg0, %c0_i32 : i32, i32
  }
  func.func @transform_1(%arg0: i32) -> (i32, i32) {
    %c0_i32 = arith.constant 0 : i32
    %c0_i32_0 = arith.constant 0 : i32
    return %arg0, %c0_i32 : i32, i32
  }
  func.func @transform_2(%arg0: i32) -> (i32, i32) {
    %c0_i32 = arith.constant 0 : i32
    %c0_i32_0 = arith.constant 0 : i32
    return %arg0, %c0_i32 : i32, i32
  }
  func.func @transform_3(%arg0: i32) -> (i32, i32) {
    %c0_i32 = arith.constant 0 : i32
    %c0_i32_0 = arith.constant 0 : i32
    return %arg0, %c0_i32 : i32, i32
  }
  func.func @transform_4(%arg0: i32) -> (i32, i32) {
    %c0_i32 = arith.constant 0 : i32
    %c0_i32_0 = arith.constant 0 : i32
    %c0_i32_1 = arith.constant 0 : i32
    return %c0_i32, %c0_i32_0 : i32, i32
  }
  func.func @transform_5(%arg0: i32) -> (i32, i32) {
    %c0_i32 = arith.constant 0 : i32
    %c0_i32_0 = arith.constant 0 : i32
    %c0_i32_1 = arith.constant 0 : i32
    return %c0_i32, %c0_i32_0 : i32, i32
  }
  func.func @transform_6(%arg0: i32) -> (i32, i32) {
    %c0_i32 = arith.constant 0 : i32
    %c0_i32_0 = arith.constant 0 : i32
    return %arg0, %c0_i32 : i32, i32
  }
}

module attributes {stable_mosaic.version = 14 : i64} {
  func.func @_bn_body(%arg0: i32, %arg1: i32, %arg2: memref<1000x256xf32, #tpu.memory_space<vmem>>, %arg3: memref<1x256xf32, #tpu.memory_space<vmem>>, %arg4: memref<1x256xf32, #tpu.memory_space<vmem>>, %arg5: memref<2x1000x128xf32, #tpu.memory_space<vmem>>, %arg6: memref<1x256xf32, #tpu.memory_space<vmem>>, %arg7: memref<1x256xf32, #tpu.memory_space<vmem>>) attributes {dimension_semantics = [#tpu.dimension_semantics<arbitrary>, #tpu.dimension_semantics<arbitrary>], iteration_bounds = array<i64: 3, 10>, scalar_prefetch = 0 : i64, scratch_operands = 2 : i64, tpu.core_type = #tpu.core_type<tc>, window_params = [{transform_indices = @transform_0, window_bounds = array<i64: 1000, 256>}, {pipeline_mode = #tpu.pipeline_mode<synchronous>, transform_indices = @transform_1, window_bounds = array<i64: 1, 256>}, {pipeline_mode = #tpu.pipeline_mode<synchronous>, transform_indices = @transform_2, window_bounds = array<i64: 1, 256>}, {transform_indices = @transform_3, window_bounds = array<i64: 2, 1000, 128>}]} {
    %eq3A = arith.constant 0 : i32
    %eq3A_0 = arith.cmpi eq, %arg0, %eq3A : i32
    %eq3A_1 = arith.constant 0 : i32
    %eq3A_2 = arith.cmpi eq, %arg1, %eq3A_1 : i32
    %and3A = arith.andi %eq3A_0, %eq3A_2 : i1
    %convert_element_type3A = arith.extui %and3A : i1 to i32
    %cond3A = arith.constant 0 : i32
    %cond3A_3 = arith.cmpi ne, %convert_element_type3A, %cond3A : i32
    scf.if %cond3A_3 {
      %broadcast_in_dim3A = arith.constant 0.000000e+00 : f32
      %broadcast_in_dim3A_29 = vector.broadcast %broadcast_in_dim3A : f32 to vector<1x256xf32>
      %swap3A = arith.constant 0 : index
      %swap3A_30 = arith.constant 0 : index
      %swap3A_31 = vector.load %arg6[%swap3A, %swap3A_30] : memref<1x256xf32, #tpu.memory_space<vmem>>, vector<1x256xf32>
      tpu.vector_store %arg6[%swap3A, %swap3A_30], %broadcast_in_dim3A_29 {strides = array<i32>} : memref<1x256xf32, #tpu.memory_space<vmem>>, vector<1x256xf32>,
    } else {
    }
    %eq3A_4 = arith.constant 1 : i32
    %eq3A_5 = arith.cmpi eq, %arg0, %eq3A_4 : i32
    %eq3A_6 = arith.constant 0 : i32
    %eq3A_7 = arith.cmpi eq, %arg1, %eq3A_6 : i32
    %and3A_8 = arith.andi %eq3A_5, %eq3A_7 : i1
    %convert_element_type3A_9 = arith.extui %and3A_8 : i1 to i32
    %cond3A_10 = arith.constant 0 : i32
    %cond3A_11 = arith.cmpi ne, %convert_element_type3A_9, %cond3A_10 : i32
    scf.if %cond3A_11 {
      %broadcast_in_dim3A = arith.constant 0.000000e+00 : f32
      %broadcast_in_dim3A_29 = vector.broadcast %broadcast_in_dim3A : f32 to vector<1x256xf32>
      %swap3A = arith.constant 0 : index
      %swap3A_30 = arith.constant 0 : index
      %swap3A_31 = vector.load %arg7[%swap3A, %swap3A_30] : memref<1x256xf32, #tpu.memory_space<vmem>>, vector<1x256xf32>
      tpu.vector_store %arg7[%swap3A, %swap3A_30], %broadcast_in_dim3A_29 {strides = array<i32>} : memref<1x256xf32, #tpu.memory_space<vmem>>, vector<1x256xf32>,
    } else {
    }
    %get3A = arith.constant 0 : index
    %get3A_12 = arith.constant 0 : index
    %get3A_13 = vector.load %arg2[%get3A, %get3A_12] : memref<1000x256xf32, #tpu.memory_space<vmem>>, vector<1000x256xf32>
    %eq3A_14 = arith.constant 0 : i32
    %eq3A_15 = arith.cmpi eq, %arg0, %eq3A_14 : i32
    %convert_element_type3A_16 = arith.extui %eq3A_15 : i1 to i32
    %cond3A_17 = arith.constant 0 : i32
    %cond3A_18 = arith.cmpi ne, %convert_element_type3A_16, %cond3A_17 : i32
    scf.if %cond3A_18 {
      %get3A_29 = arith.constant 0 : index
      %get3A_30 = arith.constant 0 : index
      %get3A_31 = vector.load %arg6[%get3A_29, %get3A_30] : memref<1x256xf32, #tpu.memory_space<vmem>>, vector<1x256xf32>
      %reduce_sum3A = arith.constant dense<0.000000e+00> : vector<256xf32>
      %reduce_sum3A_32 = vector.multi_reduction <add>, %get3A_13, %reduce_sum3A [0] : vector<1000x256xf32> to vector<256xf32>
      %broadcast_in_dim3A = vector.shape_cast %reduce_sum3A_32 : vector<256xf32> to vector<1x256xf32>
      %add3A = arith.addf %get3A_31, %broadcast_in_dim3A : vector<1x256xf32>
      %swap3A = arith.constant 0 : index
      %swap3A_33 = arith.constant 0 : index
      %swap3A_34 = vector.load %arg6[%swap3A, %swap3A_33] : memref<1x256xf32, #tpu.memory_space<vmem>>, vector<1x256xf32>
      tpu.vector_store %arg6[%swap3A, %swap3A_33], %add3A {strides = array<i32>} : memref<1x256xf32, #tpu.memory_space<vmem>>, vector<1x256xf32>,
    } else {
    }
    %eq3A_19 = arith.constant 1 : i32
    %eq3A_20 = arith.cmpi eq, %arg0, %eq3A_19 : i32
    %convert_element_type3A_21 = arith.extui %eq3A_20 : i1 to i32
    %cond3A_22 = arith.constant 0 : i32
    %cond3A_23 = arith.cmpi ne, %convert_element_type3A_21, %cond3A_22 : i32
    scf.if %cond3A_23 {
      %get3A_29 = arith.constant 0 : index
      %get3A_30 = arith.constant 0 : index
      %get3A_31 = vector.load %arg6[%get3A_29, %get3A_30] : memref<1x256xf32, #tpu.memory_space<vmem>>, vector<1x256xf32>
      %mul3A = arith.constant 9.99999974E-5 : f32
      %mul3A_32 = vector.broadcast %mul3A : f32 to vector<1x256xf32>
      %mul3A_33 = arith.mulf %get3A_31, %mul3A_32 : vector<1x256xf32>
      %sub3A = vector.broadcast %mul3A_33 : vector<1x256xf32> to vector<1000x256xf32>
      %sub3A_34 = arith.subf %get3A_13, %sub3A : vector<1000x256xf32>
      %get3A_35 = arith.constant 0 : index
      %get3A_36 = arith.constant 0 : index
      %get3A_37 = vector.load %arg7[%get3A_35, %get3A_36] : memref<1x256xf32, #tpu.memory_space<vmem>>, vector<1x256xf32>
      %mul3A_38 = arith.mulf %sub3A_34, %sub3A_34 : vector<1000x256xf32>
      %reduce_sum3A = arith.constant dense<0.000000e+00> : vector<256xf32>
      %reduce_sum3A_39 = vector.multi_reduction <add>, %mul3A_38, %reduce_sum3A [0] : vector<1000x256xf32> to vector<256xf32>
      %broadcast_in_dim3A = vector.shape_cast %reduce_sum3A_39 : vector<256xf32> to vector<1x256xf32>
      %add3A = arith.addf %get3A_37, %broadcast_in_dim3A : vector<1x256xf32>
      %swap3A = arith.constant 0 : index
      %swap3A_40 = arith.constant 0 : index
      %swap3A_41 = vector.load %arg7[%swap3A, %swap3A_40] : memref<1x256xf32, #tpu.memory_space<vmem>>, vector<1x256xf32>
      tpu.vector_store %arg7[%swap3A, %swap3A_40], %add3A {strides = array<i32>} : memref<1x256xf32, #tpu.memory_space<vmem>>, vector<1x256xf32>,
    } else {
    }
    %eq3A_24 = arith.constant 2 : i32
    %eq3A_25 = arith.cmpi eq, %arg0, %eq3A_24 : i32
    %convert_element_type3A_26 = arith.extui %eq3A_25 : i1 to i32
    %cond3A_27 = arith.constant 0 : i32
    %cond3A_28 = arith.cmpi ne, %convert_element_type3A_26, %cond3A_27 : i32
    scf.if %cond3A_28 {
      %get3A_29 = arith.constant 0 : index
      %get3A_30 = arith.constant 0 : index
      %get3A_31 = vector.load %arg6[%get3A_29, %get3A_30] : memref<1x256xf32, #tpu.memory_space<vmem>>, vector<1x256xf32>
      %mul3A = arith.constant 9.99999974E-5 : f32
      %mul3A_32 = vector.broadcast %mul3A : f32 to vector<1x256xf32>
      %mul3A_33 = arith.mulf %get3A_31, %mul3A_32 : vector<1x256xf32>
      %get3A_34 = arith.constant 0 : index
      %get3A_35 = arith.constant 0 : index
      %get3A_36 = vector.load %arg7[%get3A_34, %get3A_35] : memref<1x256xf32, #tpu.memory_space<vmem>>, vector<1x256xf32>
      %mul3A_37 = arith.constant 9.99999974E-5 : f32
      %mul3A_38 = vector.broadcast %mul3A_37 : f32 to vector<1x256xf32>
      %mul3A_39 = arith.mulf %get3A_36, %mul3A_38 : vector<1x256xf32>
      %add3A = arith.constant 9.99999974E-6 : f32
      %add3A_40 = vector.broadcast %add3A : f32 to vector<1x256xf32>
      %add3A_41 = arith.addf %mul3A_39, %add3A_40 : vector<1x256xf32>
      %sqrt3A = math.sqrt %add3A_41 : vector<1x256xf32>
      %div3A = arith.constant 1.000000e+00 : f32
      %div3A_42 = vector.broadcast %div3A : f32 to vector<1x256xf32>
      %div3A_43 = arith.divf %div3A_42, %sqrt3A : vector<1x256xf32>
      %sub3A = vector.broadcast %mul3A_33 : vector<1x256xf32> to vector<1000x256xf32>
      %sub3A_44 = arith.subf %get3A_13, %sub3A : vector<1000x256xf32>
      %get3A_45 = arith.constant 0 : index
      %get3A_46 = arith.constant 0 : index
      %get3A_47 = vector.load %arg3[%get3A_45, %get3A_46] : memref<1x256xf32, #tpu.memory_space<vmem>>, vector<1x256xf32>
      %mul3A_48 = arith.mulf %div3A_43, %get3A_47 : vector<1x256xf32>
      %mul3A_49 = vector.broadcast %mul3A_48 : vector<1x256xf32> to vector<1000x256xf32>
      %mul3A_50 = arith.mulf %sub3A_44, %mul3A_49 : vector<1000x256xf32>
      %get3A_51 = arith.constant 0 : index
      %get3A_52 = arith.constant 0 : index
      %get3A_53 = vector.load %arg4[%get3A_51, %get3A_52] : memref<1x256xf32, #tpu.memory_space<vmem>>, vector<1x256xf32>
      %add3A_54 = vector.broadcast %get3A_53 : vector<1x256xf32> to vector<1000x256xf32>
      %add3A_55 = arith.addf %mul3A_50, %add3A_54 : vector<1000x256xf32>
      %max3A = arith.constant 0.000000e+00 : f32
      %max3A_56 = vector.broadcast %max3A : f32 to vector<1000x256xf32>
      %max3A_57 = arith.maximumf %add3A_55, %max3A_56 : vector<1000x256xf32>
      %slice3A = vector.extract_strided_slice %max3A_57 {offsets = [0, 0], sizes = [1000, 128], strides = [1, 1]} : vector<1000x256xf32> to vector<1000x128xf32>
      %swap3A = arith.constant 0 : index
      %swap3A_58 = arith.constant 0 : index
      %swap3A_59 = arith.constant 0 : index
      %swap3A_60 = vector.load %arg5[%swap3A, %swap3A_58, %swap3A_59] : memref<2x1000x128xf32, #tpu.memory_space<vmem>>, vector<1x1000x128xf32>
      %swap3A_61 = vector.shape_cast %swap3A_60 : vector<1x1000x128xf32> to vector<1000x128xf32>
      %swap3A_62 = vector.shape_cast %slice3A : vector<1000x128xf32> to vector<1x1000x128xf32>
      tpu.vector_store %arg5[%swap3A, %swap3A_58, %swap3A_59], %swap3A_62 {strides = array<i32>} : memref<2x1000x128xf32, #tpu.memory_space<vmem>>, vector<1x1000x128xf32>,
      %slice3A_63 = vector.extract_strided_slice %max3A_57 {offsets = [0, 128], sizes = [1000, 128], strides = [1, 1]} : vector<1000x256xf32> to vector<1000x128xf32>
      %swap3A_64 = arith.constant 1 : index
      %swap3A_65 = arith.constant 0 : index
      %swap3A_66 = arith.constant 0 : index
      %swap3A_67 = vector.load %arg5[%swap3A_64, %swap3A_65, %swap3A_66] : memref<2x1000x128xf32, #tpu.memory_space<vmem>>, vector<1x1000x128xf32>
      %swap3A_68 = vector.shape_cast %swap3A_67 : vector<1x1000x128xf32> to vector<1000x128xf32>
      %swap3A_69 = vector.shape_cast %slice3A_63 : vector<1000x128xf32> to vector<1x1000x128xf32>
      tpu.vector_store %arg5[%swap3A_64, %swap3A_65, %swap3A_66], %swap3A_69 {strides = array<i32>} : memref<2x1000x128xf32, #tpu.memory_space<vmem>>, vector<1x1000x128xf32>,
    } else {
    }
    return
  }
  func.func @transform_0(%arg0: i32, %arg1: i32) -> (i32, i32) {
    %c0_i32 = arith.constant 0 : i32
    %c0_i32_0 = arith.constant 0 : i32
    return %arg1, %c0_i32 : i32, i32
  }
  func.func @transform_1(%arg0: i32, %arg1: i32) -> (i32, i32) {
    %c0_i32 = arith.constant 0 : i32
    %c0_i32_0 = arith.constant 0 : i32
    %c0_i32_1 = arith.constant 0 : i32
    return %c0_i32, %c0_i32_0 : i32, i32
  }
  func.func @transform_2(%arg0: i32, %arg1: i32) -> (i32, i32) {
    %c0_i32 = arith.constant 0 : i32
    %c0_i32_0 = arith.constant 0 : i32
    %c0_i32_1 = arith.constant 0 : i32
    return %c0_i32, %c0_i32_0 : i32, i32
  }
  func.func @transform_3(%arg0: i32, %arg1: i32) -> (i32, i32, i32) {
    %c0_i32 = arith.constant 0 : i32
    %c0_i32_0 = arith.constant 0 : i32
    %c0_i32_1 = arith.constant 0 : i32
    return %c0_i32, %arg1, %c0_i32_0 : i32, i32, i32
  }
}

module attributes {stable_mosaic.version = 14 : i64} {
  func.func @_tail_body(%arg0: i32, %arg1: memref<1000x128xf32, #tpu.memory_space<vmem>>, %arg2: memref<1000x128xf32, #tpu.memory_space<vmem>>, %arg3: memref<1000x1xf32, #tpu.memory_space<vmem>>, %arg4: memref<1000x128xf32, #tpu.memory_space<vmem>>, %arg5: memref<1000x128xf32, #tpu.memory_space<vmem>>, %arg6: memref<256x128xf32, #tpu.memory_space<vmem>>, %arg7: memref<1x128xf32, #tpu.memory_space<vmem>>, %arg8: memref<256x128xf32, #tpu.memory_space<vmem>>, %arg9: memref<128x256xf32, #tpu.memory_space<vmem>>, %arg10: memref<1x256xf32, #tpu.memory_space<vmem>>, %arg11: memref<256x128xf32, #tpu.memory_space<vmem>>, %arg12: memref<1x128xf32, #tpu.memory_space<vmem>>, %arg13: memref<128x2xf32, #tpu.memory_space<vmem>>, %arg14: memref<1x2xf32, #tpu.memory_space<vmem>>, %arg15: memref<1x2xf32, #tpu.memory_space<vmem>>, %arg16: memref<1x256xf32, #tpu.memory_space<vmem>>) attributes {dimension_semantics = [#tpu.dimension_semantics<arbitrary>], iteration_bounds = array<i64: 10>, scalar_prefetch = 0 : i64, scratch_operands = 1 : i64, tpu.core_type = #tpu.core_type<tc>, window_params = [{transform_indices = @transform_0, window_bounds = array<i64: 1000, 128>}, {transform_indices = @transform_1, window_bounds = array<i64: 1000, 128>}, {transform_indices = @transform_2, window_bounds = array<i64: 1000, 1>}, {transform_indices = @transform_3, window_bounds = array<i64: 1000, 128>}, {transform_indices = @transform_4, window_bounds = array<i64: 1000, 128>}, {pipeline_mode = #tpu.pipeline_mode<synchronous>, transform_indices = @transform_5, window_bounds = array<i64: 256, 128>}, {pipeline_mode = #tpu.pipeline_mode<synchronous>, transform_indices = @transform_6, window_bounds = array<i64: 1, 128>}, {pipeline_mode = #tpu.pipeline_mode<synchronous>, transform_indices = @transform_7, window_bounds = array<i64: 256, 128>}, {pipeline_mode = #tpu.pipeline_mode<synchronous>, transform_indices = @transform_8, window_bounds = array<i64: 128, 256>}, {pipeline_mode = #tpu.pipeline_mode<synchronous>, transform_indices = @transform_9, window_bounds = array<i64: 1, 256>}, {pipeline_mode = #tpu.pipeline_mode<synchronous>, transform_indices = @transform_10, window_bounds = array<i64: 256, 128>}, {pipeline_mode = #tpu.pipeline_mode<synchronous>, transform_indices = @transform_11, window_bounds = array<i64: 1, 128>}, {pipeline_mode = #tpu.pipeline_mode<synchronous>, transform_indices = @transform_12, window_bounds = array<i64: 128, 2>}, {pipeline_mode = #tpu.pipeline_mode<synchronous>, transform_indices = @transform_13, window_bounds = array<i64: 1, 2>}, {pipeline_mode = #tpu.pipeline_mode<synchronous>, transform_indices = @transform_14, window_bounds = array<i64: 1, 2>}]} {
    %eq3A = arith.constant 0 : i32
    %eq3A_0 = arith.cmpi eq, %arg0, %eq3A : i32
    %convert_element_type3A = arith.extui %eq3A_0 : i1 to i32
    %cond3A = arith.constant 0 : i32
    %cond3A_1 = arith.cmpi ne, %convert_element_type3A, %cond3A : i32
    scf.if %cond3A_1 {
      %broadcast_in_dim3A_51 = arith.constant 0.000000e+00 : f32
      %broadcast_in_dim3A_52 = vector.broadcast %broadcast_in_dim3A_51 : f32 to vector<1x256xf32>
      %swap3A_53 = arith.constant 0 : index
      %swap3A_54 = arith.constant 0 : index
      %swap3A_55 = vector.load %arg16[%swap3A_53, %swap3A_54] : memref<1x256xf32, #tpu.memory_space<vmem>>, vector<1x256xf32>
      tpu.vector_store %arg16[%swap3A_53, %swap3A_54], %broadcast_in_dim3A_52 {strides = array<i32>} : memref<1x256xf32, #tpu.memory_space<vmem>>, vector<1x256xf32>,
    } else {
    }
    %get3A = arith.constant 0 : index
    %get3A_2 = arith.constant 0 : index
    %get3A_3 = vector.load %arg1[%get3A, %get3A_2] : memref<1000x128xf32, #tpu.memory_space<vmem>>, vector<1000x128xf32>
    %get3A_4 = arith.constant 0 : index
    %get3A_5 = arith.constant 0 : index
    %get3A_6 = vector.load %arg2[%get3A_4, %get3A_5] : memref<1000x128xf32, #tpu.memory_space<vmem>>, vector<1000x128xf32>
    %concatenate3A = tpu.concatenate %get3A_3, %get3A_6 in 1 : vector<1000x128xf32>, vector<1000x128xf32> -> vector<1000x256xf32>
    %get3A_7 = arith.constant 0 : index
    %get3A_8 = arith.constant 0 : index
    %get3A_9 = vector.load %arg3[%get3A_7, %get3A_8] : memref<1000x1xf32, #tpu.memory_space<vmem>>, vector<1000x1xf32>
    %max3A = arith.constant 1.000000e+00 : f32
    %max3A_10 = vector.broadcast %max3A : f32 to vector<1000x1xf32>
    %max3A_11 = arith.maximumf %get3A_9, %max3A_10 : vector<1000x1xf32>
    %div3A = vector.broadcast %max3A_11 : vector<1000x1xf32> to vector<1000x256xf32>
    %div3A_12 = arith.divf %concatenate3A, %div3A : vector<1000x256xf32>
    %get3A_13 = arith.constant 0 : index
    %get3A_14 = arith.constant 0 : index
    %get3A_15 = vector.load %arg4[%get3A_13, %get3A_14] : memref<1000x128xf32, #tpu.memory_space<vmem>>, vector<1000x128xf32>
    %get3A_16 = arith.constant 0 : index
    %get3A_17 = arith.constant 0 : index
    %get3A_18 = vector.load %arg5[%get3A_16, %get3A_17] : memref<1000x128xf32, #tpu.memory_space<vmem>>, vector<1000x128xf32>
    %concatenate3A_19 = tpu.concatenate %get3A_15, %get3A_18 in 1 : vector<1000x128xf32>, vector<1000x128xf32> -> vector<1000x256xf32>
    %get3A_20 = arith.constant 0 : index
    %get3A_21 = arith.constant 0 : index
    %get3A_22 = vector.load %arg6[%get3A_20, %get3A_21] : memref<256x128xf32, #tpu.memory_space<vmem>>, vector<256x128xf32>
    %dot_general3A = arith.constant dense<0.000000e+00> : vector<1000x128xf32>
    %dot_general3A_23 = tpu.matmul %div3A_12, %get3A_22, %dot_general3A {dimension_numbers = #tpu.dot_dimension_numbers<[1], [0], [0], [1], [0, 0, 1, 1], [], []>, transpose_lhs_hint = false} : vector<1000x256xf32>, vector<256x128xf32>, vector<1000x128xf32> -> vector<1000x128xf32>
    %get3A_24 = arith.constant 0 : index
    %get3A_25 = arith.constant 0 : index
    %get3A_26 = vector.load %arg7[%get3A_24, %get3A_25] : memref<1x128xf32, #tpu.memory_space<vmem>>, vector<1x128xf32>
    %add3A = vector.broadcast %get3A_26 : vector<1x128xf32> to vector<1000x128xf32>
    %add3A_27 = arith.addf %dot_general3A_23, %add3A : vector<1000x128xf32>
    %get3A_28 = arith.constant 0 : index
    %get3A_29 = arith.constant 0 : index
    %get3A_30 = vector.load %arg8[%get3A_28, %get3A_29] : memref<256x128xf32, #tpu.memory_space<vmem>>, vector<256x128xf32>
    %dot_general3A_31 = arith.constant dense<0.000000e+00> : vector<1000x128xf32>
    %dot_general3A_32 = tpu.matmul %concatenate3A_19, %get3A_30, %dot_general3A_31 {dimension_numbers = #tpu.dot_dimension_numbers<[1], [0], [0], [1], [0, 0, 1, 1], [], []>, transpose_lhs_hint = false} : vector<1000x256xf32>, vector<256x128xf32>, vector<1000x128xf32> -> vector<1000x128xf32>
    %add3A_33 = arith.addf %add3A_27, %dot_general3A_32 : vector<1000x128xf32>
    %get3A_34 = arith.constant 0 : index
    %get3A_35 = arith.constant 0 : index
    %get3A_36 = vector.load %arg9[%get3A_34, %get3A_35] : memref<128x256xf32, #tpu.memory_space<vmem>>, vector<128x256xf32>
    %dot_general3A_37 = arith.constant dense<0.000000e+00> : vector<1000x256xf32>
    %dot_general3A_38 = tpu.matmul %add3A_33, %get3A_36, %dot_general3A_37 {dimension_numbers = #tpu.dot_dimension_numbers<[1], [0], [0], [1], [0, 0, 1, 1], [], []>, transpose_lhs_hint = false} : vector<1000x128xf32>, vector<128x256xf32>, vector<1000x256xf32> -> vector<1000x256xf32>
    %get3A_39 = arith.constant 0 : index
    %get3A_40 = arith.constant 0 : index
    %get3A_41 = vector.load %arg16[%get3A_39, %get3A_40] : memref<1x256xf32, #tpu.memory_space<vmem>>, vector<1x256xf32>
    %reduce_sum3A = arith.constant dense<0.000000e+00> : vector<256xf32>
    %reduce_sum3A_42 = vector.multi_reduction <add>, %dot_general3A_38, %reduce_sum3A [0] : vector<1000x256xf32> to vector<256xf32>
    %broadcast_in_dim3A = vector.shape_cast %reduce_sum3A_42 : vector<256xf32> to vector<1x256xf32>
    %add3A_43 = arith.addf %get3A_41, %broadcast_in_dim3A : vector<1x256xf32>
    %swap3A = arith.constant 0 : index
    %swap3A_44 = arith.constant 0 : index
    %swap3A_45 = vector.load %arg16[%swap3A, %swap3A_44] : memref<1x256xf32, #tpu.memory_space<vmem>>, vector<1x256xf32>
    tpu.vector_store %arg16[%swap3A, %swap3A_44], %add3A_43 {strides = array<i32>} : memref<1x256xf32, #tpu.memory_space<vmem>>, vector<1x256xf32>,
    %eq3A_46 = arith.constant 9 : i32
    %eq3A_47 = arith.cmpi eq, %arg0, %eq3A_46 : i32
    %convert_element_type3A_48 = arith.extui %eq3A_47 : i1 to i32
    %cond3A_49 = arith.constant 0 : i32
    %cond3A_50 = arith.cmpi ne, %convert_element_type3A_48, %cond3A_49 : i32
    scf.if %cond3A_50 {
      %get3A_51 = arith.constant 0 : index
      %get3A_52 = arith.constant 0 : index
      %get3A_53 = vector.load %arg16[%get3A_51, %get3A_52] : memref<1x256xf32, #tpu.memory_space<vmem>>, vector<1x256xf32>
      %mul3A = arith.constant 9.99999974E-5 : f32
      %mul3A_54 = vector.broadcast %mul3A : f32 to vector<1x256xf32>
      %mul3A_55 = arith.mulf %get3A_53, %mul3A_54 : vector<1x256xf32>
      %get3A_56 = arith.constant 0 : index
      %get3A_57 = arith.constant 0 : index
      %get3A_58 = vector.load %arg10[%get3A_56, %get3A_57] : memref<1x256xf32, #tpu.memory_space<vmem>>, vector<1x256xf32>
      %add3A_59 = arith.addf %mul3A_55, %get3A_58 : vector<1x256xf32>
      %get3A_60 = arith.constant 0 : index
      %get3A_61 = arith.constant 0 : index
      %get3A_62 = vector.load %arg11[%get3A_60, %get3A_61] : memref<256x128xf32, #tpu.memory_space<vmem>>, vector<256x128xf32>
      %dot_general3A_63 = arith.constant dense<0.000000e+00> : vector<1x128xf32>
      %dot_general3A_64 = tpu.matmul %add3A_59, %get3A_62, %dot_general3A_63 {dimension_numbers = #tpu.dot_dimension_numbers<[1], [0], [0], [1], [0, 0, 1, 1], [], []>, transpose_lhs_hint = false} : vector<1x256xf32>, vector<256x128xf32>, vector<1x128xf32> -> vector<1x128xf32>
      %get3A_65 = arith.constant 0 : index
      %get3A_66 = arith.constant 0 : index
      %get3A_67 = vector.load %arg12[%get3A_65, %get3A_66] : memref<1x128xf32, #tpu.memory_space<vmem>>, vector<1x128xf32>
      %add3A_68 = arith.addf %dot_general3A_64, %get3A_67 : vector<1x128xf32>
      %max3A_69 = arith.constant 0.000000e+00 : f32
      %max3A_70 = vector.broadcast %max3A_69 : f32 to vector<1x128xf32>
      %max3A_71 = arith.maximumf %add3A_68, %max3A_70 : vector<1x128xf32>
      %get3A_72 = arith.constant 0 : index
      %get3A_73 = arith.constant 0 : index
      %get3A_74 = vector.load %arg13[%get3A_72, %get3A_73] : memref<128x2xf32, #tpu.memory_space<vmem>>, vector<128x2xf32>
      %dot_general3A_75 = arith.constant dense<0.000000e+00> : vector<1x2xf32>
      %dot_general3A_76 = tpu.matmul %max3A_71, %get3A_74, %dot_general3A_75 {dimension_numbers = #tpu.dot_dimension_numbers<[1], [0], [0], [1], [0, 0, 1, 1], [], []>, transpose_lhs_hint = false} : vector<1x128xf32>, vector<128x2xf32>, vector<1x2xf32> -> vector<1x2xf32>
      %get3A_77 = arith.constant 0 : index
      %get3A_78 = arith.constant 0 : index
      %get3A_79 = vector.load %arg14[%get3A_77, %get3A_78] : memref<1x2xf32, #tpu.memory_space<vmem>>, vector<1x2xf32>
      %add3A_80 = arith.addf %dot_general3A_76, %get3A_79 : vector<1x2xf32>
      %swap3A_81 = arith.constant 0 : index
      %swap3A_82 = arith.constant 0 : index
      %swap3A_83 = vector.load %arg15[%swap3A_81, %swap3A_82] : memref<1x2xf32, #tpu.memory_space<vmem>>, vector<1x2xf32>
      tpu.vector_store %arg15[%swap3A_81, %swap3A_82], %add3A_80 {strides = array<i32>} : memref<1x2xf32, #tpu.memory_space<vmem>>, vector<1x2xf32>,
    } else {
    }
    return
  }
  func.func @transform_0(%arg0: i32) -> (i32, i32) {
    %c0_i32 = arith.constant 0 : i32
    %c0_i32_0 = arith.constant 0 : i32
    return %arg0, %c0_i32 : i32, i32
  }
  func.func @transform_1(%arg0: i32) -> (i32, i32) {
    %c0_i32 = arith.constant 0 : i32
    %c0_i32_0 = arith.constant 0 : i32
    return %arg0, %c0_i32 : i32, i32
  }
  func.func @transform_2(%arg0: i32) -> (i32, i32) {
    %c0_i32 = arith.constant 0 : i32
    %c0_i32_0 = arith.constant 0 : i32
    return %arg0, %c0_i32 : i32, i32
  }
  func.func @transform_3(%arg0: i32) -> (i32, i32) {
    %c0_i32 = arith.constant 0 : i32
    %c0_i32_0 = arith.constant 0 : i32
    return %arg0, %c0_i32 : i32, i32
  }
  func.func @transform_4(%arg0: i32) -> (i32, i32) {
    %c0_i32 = arith.constant 0 : i32
    %c0_i32_0 = arith.constant 0 : i32
    return %arg0, %c0_i32 : i32, i32
  }
  func.func @transform_5(%arg0: i32) -> (i32, i32) {
    %c0_i32 = arith.constant 0 : i32
    %c0_i32_0 = arith.constant 0 : i32
    %c0_i32_1 = arith.constant 0 : i32
    return %c0_i32, %c0_i32_0 : i32, i32
  }
  func.func @transform_6(%arg0: i32) -> (i32, i32) {
    %c0_i32 = arith.constant 0 : i32
    %c0_i32_0 = arith.constant 0 : i32
    %c0_i32_1 = arith.constant 0 : i32
    return %c0_i32, %c0_i32_0 : i32, i32
  }
  func.func @transform_7(%arg0: i32) -> (i32, i32) {
    %c0_i32 = arith.constant 0 : i32
    %c0_i32_0 = arith.constant 0 : i32
    %c0_i32_1 = arith.constant 0 : i32
    return %c0_i32, %c0_i32_0 : i32, i32
  }
  func.func @transform_8(%arg0: i32) -> (i32, i32) {
    %c0_i32 = arith.constant 0 : i32
    %c0_i32_0 = arith.constant 0 : i32
    %c0_i32_1 = arith.constant 0 : i32
    return %c0_i32, %c0_i32_0 : i32, i32
  }
  func.func @transform_9(%arg0: i32) -> (i32, i32) {
    %c0_i32 = arith.constant 0 : i32
    %c0_i32_0 = arith.constant 0 : i32
    %c0_i32_1 = arith.constant 0 : i32
    return %c0_i32, %c0_i32_0 : i32, i32
  }
  func.func @transform_10(%arg0: i32) -> (i32, i32) {
    %c0_i32 = arith.constant 0 : i32
    %c0_i32_0 = arith.constant 0 : i32
    %c0_i32_1 = arith.constant 0 : i32
    return %c0_i32, %c0_i32_0 : i32, i32
  }
  func.func @transform_11(%arg0: i32) -> (i32, i32) {
    %c0_i32 = arith.constant 0 : i32
    %c0_i32_0 = arith.constant 0 : i32
    %c0_i32_1 = arith.constant 0 : i32
    return %c0_i32, %c0_i32_0 : i32, i32
  }
  func.func @transform_12(%arg0: i32) -> (i32, i32) {
    %c0_i32 = arith.constant 0 : i32
    %c0_i32_0 = arith.constant 0 : i32
    %c0_i32_1 = arith.constant 0 : i32
    return %c0_i32, %c0_i32_0 : i32, i32
  }
  func.func @transform_13(%arg0: i32) -> (i32, i32) {
    %c0_i32 = arith.constant 0 : i32
    %c0_i32_0 = arith.constant 0 : i32
    %c0_i32_1 = arith.constant 0 : i32
    return %c0_i32, %c0_i32_0 : i32, i32
  }
  func.func @transform_14(%arg0: i32) -> (i32, i32) {
    %c0_i32 = arith.constant 0 : i32
    %c0_i32_0 = arith.constant 0 : i32
    %c0_i32_1 = arith.constant 0 : i32
    return %c0_i32, %c0_i32_0 : i32, i32
  }
}

</mosaic_0001>

<sc_bundles>
// kernel: kernel.11.cloned.1.call-start
scs
__scs_entry_jumppad:
0x0: {  	(pc) =	sbr.rel $0x88, $3  }
0x1: {  	(tag) =	ssettag $0x0;
	lr =	simm.s32 $0x1  }
0x2: {  	[smem:$0x3F91] =	sst lr;
	_ =	strace $0xD0000000  }
0x3: {  	_ = 	snop  }
0x4: {  	_ = 	snop  }
0x5: {  	_ = 	snop  }
0x6: {  	_ = 	snop  }
0x7: {  	_ = 	snop  }
__scs_overlays_trampoline_lowered:
0x8: {  	[smem:$0x3FA0] =	sst s0  }
0x9: {  	[smem:$0x3FA1] =	sst s1  }
0xa: {  	[smem:$0x3FA2] =	sst s2  }
0xb: {  	[smem:$0x3FA3] =	sst s3  }
0xc: {  	[smem:$0x3FA4] =	sst s4  }
0xd: {  	[smem:$0x3FA5] =	sst s5  }
0xe: {  	[smem:$0x3FA6] =	sst s6  }
0xf: {  	[smem:$0x3FA7] =	sst s7  }
0x10: {  	[smem:$0x3FA8] =	sst s8  }
0x11: {  	[smem:$0x3FA9] =	sst s9;
	s0 =	simm.s32 @!p0 $0x0  }
0x12: {  	s1 =	sld [smem:$0x3F8F];
	s0 =	simm.s32 @p0 $0x1  }
0x13: {  	[smem:$0x3FAA] =	sst s0;
	s0 =	simm.s32 @!p1 $0x0  }
0x14: {  	s2 =	sld [smem:$0x3F8E];
	s0 =	simm.s32 @p1 $0x1  }
0x15: {  	[smem:$0x3FAB] =	sst s0;
	s0 =	simm.s32 @!p2 $0x0  }
0x16: {  	s3 =	sld [smem:$0x3FDB];
	s0 =	simm.s32 @p2 $0x1  }
0x17: {  	s4 =	simm.s32 $0x1BF5;
	[smem:$0x3FAD] =	sst s0  }
0x18: {  	s0 =	sld [smem:$0x3F90];
	_ =	swait.ge [sflag:s4], $0x0  }
0x19: {  	s7 =	sld [smem:$0x3F91]  }
0x1a: {  	s8 =	sadd.s32 $0xFFFFE003, lr  }
0x1b: {  	s9 =	sadd.s32 $0xFFFFFEF7, lr;
	s5 =	simm.s32 $0xFFFFFFFF;
	p2 =	slt.u32 s8, $0xFFFFF086  }
0x1c: {  	p1 =	slt.u32 s9, $0xF7A;
	s5 =	simm.s32 @!p2 $0x0  }
0x1d: {  	s5 =	simm.s32 @p1 $0x1;
	p0 =	seq.s32 s7, s2  }
0x1e: {  	s7 =	smul.u32 @!p0 $0xF7A, s2;
	p2 =	seq.s32 @!p0 s5, $0x0  }
0x1f: {  	s9 =	smul.u32 $0xF7A, s1;
	s8 =	simm.s32 @!p0 $0x1BF5;
	p2 =	por !p2, p0  }
0x20: {  	[sflag:s8] =	ssyncset.s32 @!p0 $0xFFFFF086;
	s6 =	sadd.s32 @!p0 s3, s7;
	s7 =	simm.s32 @!p0 $0x108  }
0x21: {  	s3 =	sadd.s32 s3, s9;
	s6 =	sadd.s32 @!p0 $0x88, s6;
	s7 =	simm.s32 @p2 $0x1082  }
0x22: {  	[simem:s7], [sflag:s8] =	dma.local @!p0 [hbm:s6], $0xF7A  }
0x23: {  	s9 =	sor.u32 $0xD0000000, s2;
	s6 =	simm.s32 $0x108;
	_ =	swait.ge @!p0 [sflag:s8], $0x0  }
0x24: {  	s3 =	sadd.s32 $0x88, s3;
	s6 =	simm.s32 @!p1 $0x1082;
	[sflag:s4] =	ssyncset.s32 $0xFFFFF086  }
0x25: {  	[simem:s6], [sflag:s4] =	dma.local [hbm:s3], $0xF7A  }
0x26: {  	[smem:$0x3F91] =	sst s1;
	(tag) =	ssettag s2;
	_ =	strace s9  }
0x27: {  	s1 =	sld [smem:$0x3FA1]  }
0x28: {  	s2 =	sld [smem:$0x3FA2]  }
0x29: {  	s4 =	sld [smem:$0x3FA4]  }
0x2a: {  	p0 =	seq.s32 s5, $0x0;
	s5 =	sld [smem:$0x3FA5]  }
0x2b: {  	s6 =	sld [smem:$0x3FA6]  }
0x2c: {  	s7 =	sld [smem:$0x3FA7]  }
0x2d: {  	s3 =	simm.s32 $0x108;
	s8 =	sld [smem:$0x3FA8]  }
0x2e: {  	s3 =	simm.s32 @!p0 $0x1082;
	s9 =	sld [smem:$0x3FA9]  }
0x2f: {  	lr =	sadd.s32 s0, s3;
	s0 =	sld [smem:$0x3FA0]  }
0x30: {  	s3 =	sld [smem:$0x3FA3]  }
0x31: {  	[smem:$0x3FAC] =	sst s10  }
0x32: {  	s10 =	sld [smem:$0x3FAA];
	_ =	sdelay $0x3  }
0x33: {  	p0 =	seq.s32 s10, $0x1;
	s10 =	sld [smem:$0x3FAC];
	_ =	sdelay $0x3  }
0x34: {  	[smem:$0x3FAC] =	sst s10  }
0x35: {  	s10 =	sld [smem:$0x3FAB];
	_ =	sdelay $0x3  }
0x36: {  	p1 =	seq.s32 s10, $0x1;
	s10 =	sld [smem:$0x3FAC];
	_ =	sdelay $0x3  }
0x37: {  	[smem:$0x3FAC] =	sst s10  }
0x38: {  	s10 =	sld [smem:$0x3FAD]  }
0x39: {  	_ = 	snop;
	(pc) =	sbr.ind lr, $3  }
0x3a: {  	_ = 	snop  }
0x3b: {  	_ = 	snop  }
0x3c: {  	p2 =	seq.s32 s10, $0x1;
	s10 =	sld [smem:$0x3FAC]  }
0x3d: {  	_ =	shalt  }
0x3e: {  	_ =	shalt  }
0x3f: {  	_ =	shalt  }
0x40: {  	_ =	shalt  }
0x41: {  	_ =	shalt  }
0x42: {  	_ =	shalt  }
0x43: {  	_ =	shalt  }
0x44: {  	_ =	shalt  }
0x45: {  	_ =	shalt  }
0x46: {  	_ =	shalt  }
0x47: {  	_ =	shalt  }
0x48: {  	_ =	shalt  }
0x49: {  	_ =	shalt  }
0x4a: {  	_ =	shalt  }
0x4b: {  	_ =	shalt  }
0x4c: {  	_ =	shalt  }
0x4d: {  	_ =	shalt  }
0x4e: {  	_ =	shalt  }
0x4f: {  	_ =	shalt  }
0x50: {  	_ =	shalt  }
0x51: {  	_ =	shalt  }
0x52: {  	_ =	shalt  }
0x53: {  	_ =	shalt  }
0x54: {  	_ =	shalt  }
0x55: {  	_ =	shalt  }
0x56: {  	_ =	shalt  }
0x57: {  	_ =	shalt  }
0x58: {  	_ =	shalt  }
0x59: {  	_ =	shalt  }
0x5a: {  	_ =	shalt  }
0x5b: {  	_ =	shalt  }
0x5c: {  	_ =	shalt  }
0x5d: {  	_ =	shalt  }
0x5e: {  	_ =	shalt  }
0x5f: {  	_ =	shalt  }
0x60: {  	_ =	shalt  }
0x61: {  	_ =	shalt  }
0x62: {  	_ =	shalt  }
0x63: {  	_ =	shalt  }
0x64: {  	_ =	shalt  }
0x65: {  	_ =	shalt  }
0x66: {  	_ =	shalt  }
0x67: {  	_ =	shalt  }
0x68: {  	_ =	shalt  }
0x69: {  	_ =	shalt  }
0x6a: {  	_ =	shalt  }
0x6b: {  	_ =	shalt  }
0x6c: {  	_ =	shalt  }
0x6d: {  	_ =	shalt  }
0x6e: {  	_ =	shalt  }
0x6f: {  	_ =	shalt  }
0x70: {  	_ =	shalt  }
0x71: {  	_ =	shalt  }
0x72: {  	_ =	shalt  }
0x73: {  	_ =	shalt  }
0x74: {  	_ =	shalt  }
0x75: {  	_ =	shalt  }
0x76: {  	_ =	shalt  }
0x77: {  	_ =	shalt  }
0x78: {  	_ =	shalt  }
0x79: {  	_ =	shalt  }
0x7a: {  	_ =	shalt  }
0x7b: {  	_ =	shalt  }
0x7c: {  	_ =	shalt  }
0x7d: {  	_ =	shalt  }
0x7e: {  	_ =	shalt  }
0x7f: {  	_ =	shalt  }
0x80: {  	_ =	shalt  }
0x81: {  	_ =	shalt  }
0x82: {  	_ =	shalt  }
0x83: {  	_ =	shalt  }
0x84: {  	_ =	shalt  }
0x85: {  	_ =	shalt  }
0x86: {  	_ =	shalt  }
0x87: {  	_ =	shalt  }
.Lfunc_end0:
.L_simem_size_0:
called_computation.1_lowered:
.L_overlay_start_0:
0x88: {  	s2 =	sld [smem:$0x3FD9]  }
0x89: {  	s3 =	sld [smem:$0x3FFE];
	_ =	sdelay $0x1  }
0x8a: {  	s1 =	srdreg.scid  }
0x8b: {  	s0 =	sand.u32 $0x1, s1  }
0x8c: {  	s16 =	sshll.u32 s0, $0xA;
	s2 =	sadd.s32 s3, s2  }
0x8d: {  	s2 =	sadd.s32 s2, s16  }
0x8e: {  	[smem:$0x3FB8] =	sst s2  }
0x8f: {  	_ = 	snop  }
0x90: {  	(tm) =	ssettm $0x1  }
0x91: {  	s17 =	sld [smem:$0x3FFB];
	_ =	sdelay $0x3  }
0x92: {  	_ =	strace s17  }
0x93: {  	s2 =	sld [smem:$0x3FFC];
	_ =	sdelay $0x3  }
0x94: {  	_ =	strace s2  }
0x95: {  	s2 =	sld [smem:$0x3FFD];
	_ =	sdelay $0x3  }
0x96: {  	_ =	strace s2  }
0x97: {  	_ =	strace $0x8FFFFFFF  }
0x98: {  	s18 =	sld [smem:$0x3FDB];
	_ =	sdelay $0x1  }
0x99: {  	s19 =	simm.s32 $_scs_section_size  }
0x9a: {  	s4 =	simm.s32 $_size__tile_overlayer_lowered;
	s5 =	simm.s32 $_tile_overlayer_lowered  }
0x9b: {  	s22 =	simm.s32 $0x1BFF;
	s21 =	sshll.u32 s5, $0x1;
	s2 =	sadd.s32 s19, s18  }
0x9c: {  	s6 =	simm.s32 $0x0;
	s20 =	sshll.u32 s4, $0x1;
	s4 =	sadd.s32 s21, s2  }
0x9d: {  	[timem:s6], [sflag:s22] =	dma.local [hbm:s4], s20  }
0x9e: {  	_ =	swait.ge [sflag:s22], s20  }
0x9f: {  	s3 =	ssub.s32 $0x0, s20;
	[sflag:s22] =	ssyncset.done $0x0  }
0xa0: {  	[sflag:s22] =	ssyncadd.s32 s3;
	_ =	sdelay $0x1  }
0xa1: {  	s23 =	simm.s32 $0x1B8B  }
0xa2: {  	_ =	swait.ge [sflag:s23], $0x1  }
0xa3: {  	[sflag:s23] =	ssyncset.done $0x0  }
0xa4: {  	s25 =	simm.s32 $0x1B8E;
	s24 =	sld [smem:$0x3FFE];
	[sflag:s23] =	ssyncadd.s32 $0xFFFFFFFF  }
0xa5: {  	s26 =	simm.s32 $execute0_lowered;
	[smem:$0x3FD2] =	sst s25  }
0xa6: {  	s4 =	sshll.u32 s26, $0x1;
	_ =	strace $0x80000049;
	[dreg:$0x1] =	wrdreg $0xFFFFFFFF  }
0xa7: {  	s28 =	simm.s32 $_size_execute0_lowered;
	s2 =	sadd.s32 s2, s4;
	[dreg:$0x0] =	wrdreg $0x0  }
0xa8: {  	s4 =	sshll.u32 s28, $0x1;
	[dreg:$0x2] =	wrdreg s2  }
0xa9: {  	[dreg:$0x3] =	wrdreg s4  }
0xaa: {  	[dreg:$0x4] =	wrdreg $0xC0  }
0xab: {  	_ =	task [dreg:s6], $0x5FFFF  }
0xac: {  	[dreg:$0x1] =	wrdreg $0xFFFFFFFF  }
0xad: {  	[dreg:$0x0] =	wrdreg $0x60  }
0xae: {  	[dreg:$0x2] =	wrdreg s24  }
0xaf: {  	[dreg:$0x3] =	wrdreg $0xAA800  }
0xb0: {  	[dreg:$0x4] =	wrdreg $0x1E3000  }
0xb1: {  	[dreg:$0x5] =	wrdreg $0x9  }
0xb2: {  	_ =	task.clear_ibuf [dreg:s6], $0x6FFFF;
	_ =	strace $0x90000049  }
0xb3: {  	s29 =	simm.s32 $0x9;
	_ =	strace $0x8000004B  }
0xb4: {  	_ =	swait.ge [sflag:s29], $0x1  }
0xb5: {  	[sflag:s29] =	ssyncadd.s32 $0xFFFFFFFF  }
0xb6: {  	_ =	strace $0x9000004B  }
0xb7: {  	_ =	sfence  }
0xb8: {  	s30 =	sld [smem:$0x0];
	_ =	sdelay $0x2  }
0xb9: {  	s31 =	sshll.u32 s1, $0xD;
	s1 =	sshrl.u32 s1, $0x2  }
0xba: {  	s3 =	sand.u32 $0x4000, s31;
	s1 =	sadd.s32 s1, s30  }
0xbb: {  	s0 =	sor.u32 s3, s0;
	s1 =	sshll.u32 s1, $0x11  }
0xbc: {  	s0 =	sor.u32 s1, s0  }
0xbd: {  	s0 =	sadd.s32 $0x8F2B, s0  }
0xbe: {  	[sflag:s0] =	ssyncadd.remote.s32 $0x1  }
0xbf: {  	_ =	sfence.sel $0xFFFF  }
0xc0: {  	[dreg:$0x0] =	wrdreg $0xFFFFFFFF;
	(pc) =	sbr.abs _section_cstart, $3  }
0xc1: {  	[dreg:$0x1] =	wrdreg $0xFFFFFFFF  }
0xc2: {  	_ =	task.clear_ibuf [dreg:s6], $0x2FFFF;
	_ =	strace $0x9FFFFFFF  }
0xc3: {  	(tm) =	ssettm $0x7FFFFFFF  }
tec
execute0_lowered:
.L_overlay_start_1:
0x0: {  	(tag) =	ssettag $0x1  }
0x1: {  	s0 =	rddreg [dreg:$0x0]  }
0x2: {  	s1 =	rddreg [dreg:$0x1]  }
0x3: {  	s3 =	rddreg [dreg:$0x2];
	s4 =	simm.s32 $0x0;
	s2 =	stileid.u32  }
0x4: {  	s9 =	srdreg.scid;
	s10 =	simm.s32 $0x5;
	s12 =	simm.s32 $0x4F  }
0x5: {  	s28 =	simm.s32 $0x4180;
	s29 =	simm.s32 $0x4200;
	s30 =	simm.s32 $0x8200  }
0x6: {  	p6 =	por $0x0, $0x0;
	[smem:$0x7FF] =	sst s4;
	s8 =	smul.u32 $0x2780, s2  }
0x7: {  	s5 =	sadd.s32 $0x8E00, s0;
	s6 =	sadd.s32 $0x3E00, s0;
	s7 =	sadd.s32 $0xDE00, s0  }
0x8: {  	s20 =	sand.u32 $0x1, s9;
	s19 =	sadd.s32 $0x5C000, s0;
	p0 =	slt.u32 s2, $0xE  }
0x9: {  	s23 =	sshll.u32 s2, $0xE;
	s24 =	sadd.s32 $0x138000, s1;
	s25 =	sshll.u32 s2, $0x4  }
0xa: {  	s16 =	smul.u32 $0x4E200, s2;
	p3 =	seq.s32 s2, $0x0;
	_ =	strace $0x8000004A  }
0xb: {  	[dreg:$0x4] =	wrdreg s19;
	s21 =	ssub.s32 $0x2, s20;
	s10 =	simm.s32 @!p0 $0x4  }
0xc: {  	s11 =	sadd.s32 s23, s1;
	p0 =	slt.u32 s2, $0x2;
	[dreg:$0x6] =	wrdreg s24  }
0xd: {  	s13 =	sadd.s32 s5, s25;
	s9 =	sadd.s32 s6, s25;
	s23 =	sshll.u32 s2, $0x7  }
0xe: {  	p5 =	seq.s32 s20, $0x1;
	s25 =	sor.u32 s20, s2;
	s24 =	simm.s32 $0x80  }
0xf: {  	s8 =	sadd.s32 s8, s0;
	s0 =	sadd.s32 $0x5C600, s0;
	[dreg:$0x7] =	wrdreg s13  }
0x10: {  	s22 =	sshrl.u32 s21, $0x1;
	s12 =	simm.s32 @!p0 $0x4E;
	[dreg:$0x8] =	wrdreg s9  }
0x11: {  	s17 =	sshrl.u32 s16, $0x2;
	p0 =	sne.s32 s20, $0x0;
	[dreg:$0x5] =	wrdreg s0  }
0x12: {  	s0 =	ssub.s32 s21, s22;
	s21 =	smul.u32 $0x2710, s20;
	s22 =	sand.u32 $0x1, s2  }
0x13: {  	s26 =	sadd.s32 $0x1, s12;
	s19 =	smax.u32 s0, $0x1;
	s0 =	simm.s32 @!p0 $0x0  }
0x14: {  	s31 =	sadd.s32 $0x5CC00, s8;
	s0 =	simm.s32 @p0 $0x1;
	p0 =	sne.s32 @!p3 s2, $0xF  }
0x15: {  	s17 =	sadd.s32 s17, s1;
	[dreg:$0x9] =	wrdreg s31;
	p4 =	por p0, p3  }
0x16: {  	s8 =	sadd.s32 $0x84400, s8;
	[smem:$0x7F9] =	sst s0;
	s0 =	simm.s32 @!p4 $0x0  }
0x17: {  	s9 =	sshrl.u32 s26, $0x1;
	[dreg:$0xa] =	wrdreg s8;
	s0 =	simm.s32 @p4 $0x1  }
0x18: {  	s8 =	sor.u32 $0x800, s23;
	[smem:$0x7FA] =	sst s0;
	s0 =	simm.s32 @!p3 $0x0  }
0x19: {  	p1 =	sne.s32 s22, s20;
	p0 =	por !p0, p3;
	s0 =	simm.s32 @p3 $0x1  }
.Ltmp0:
0x1a: {  	[smem:$0x7FB] =	sst s0;
	s0 =	simm.s32 @!p0 $0x0;
	(pc) =	sbr.rel .LBB2_1-.Ltmp0, $4  }
0x1b: {  	p2 =	seq.s32 s22, s20;
	s0 =	simm.s32 @p0 $0x1;
	p0 =	sne.s32 s25, $0x0  }
0x1c: {  	v1 =	vlaneseq.u32;
	v2 =	vimm.f32 $0.0e+00;
	s22 =	simm.s32 $0x100;
	[smem:$0x7FC] =	sst s0;
	s0 =	simm.s32 @!p0 $0x0  }
0x1d: {  	v7 =	vimm.f32 $1.000000000e+00;
	v3 =	vor.u32 $0x10, v1;
	v4 =	vor.u32 $0x20, v1;
	s23 =	simm.s32 $0x3;
	s26 =	simm.s32 $0x2;
	s0 =	simm.s32 @p0 $0x1  }
0x1e: {  	v5 =	vor.u32 $0x30, v1;
	v6 =	vor.u32 $0x40, v1;
	s9 =	sadd.s32 $0xFFFFFFFF, s9;
	v0 =	vmov s21;
	s25 =	simm.s32 $0x1;
	[smem:$0x7FD] =	sst s0  }
.LBB2_18:
0x1f: {  	s0 =	simm.s32 $0x50;
	s13 =	simm.s32 $0xAA00  }
0x20: {  	[spmem:s3] =	stream.indirect.scatter.add.f32 [tilespmem:s30], [sflag:$0x3], $0x80, s13, s0, $0xb8;
	[tilespmem:$0x1E580] =	vst v63  }
0x21: {  	_ =	swait.ge [sflag:s23], $0x2800  }
0x22: {  	[sflag:s23] =	ssyncset.done $0x0  }
0x23: {  	[sflag:s23] =	ssyncadd.s32 $0xFFFFD800  }
.LBB2_19:
0x24: {  	s0 =	sld [smem:$0x7F9];
	_ =	sdelay $0x2  }
0x25: {  	p3 =	seq.s32 s0, $0x1  }
0x26: {  	[bflag:$0x0] =	sbarrier.arrive $0xFFFF;
	s0 =	sshll.u32 @!p3 s2, $0x6  }
0x27: {  	s14 =	rddreg [dreg:$0x9];
	s13 =	sshrl.u32 @!p3 s17, $0x3;
	s0 =	sor.u32 @!p3 $0x1C03, s0  }
0x28: {  	[hbm:s14], [sflag:s0] =	dma.local @!p3 [spmem:s13], $0x2710  }
0x29: {  	s0 =	simm.s32 @!p3 $0x3  }
0x2a: {  	_ =	swait.ge @!p3 [sflag:s0], $0x2710  }
0x2b: {  	s13 =	sshll.u32 @p5 s2, $0x6;
	[sflag:s0] =	ssyncset.done @!p3 $0x0;
	s14 =	rddreg [dreg:$0xa]  }
0x2c: {  	[sflag:s0] =	ssyncadd.s32 @!p3 $0xFFFFD8F0;
	s0 =	sor.u32 @p5 $0x1C03, s13;
	s13 =	sshrl.u32 @p5 s17, $0x3  }
0x2d: {  	[hbm:s14], [sflag:s0] =	dma.local @p5 [spmem:s13], $0x2710  }
0x2e: {  	s0 =	simm.s32 @p5 $0x3  }
0x2f: {  	_ =	swait.ge @p5 [sflag:s0], $0x2710  }
0x30: {  	s31 =	sld [smem:$0x7FD];
	_ =	sdelay $0x2  }
0x31: {  	p3 =	seq.s32 s31, $0x1  }
0x32: {  	[sflag:s0] =	ssyncset.done @p5 $0x0;
	s14 =	rddreg [dreg:$0x4];
	s13 =	sshll.u32 @!p3 s2, $0x6  }
0x33: {  	[sflag:s0] =	ssyncadd.s32 @p5 $0xFFFFD8F0;
	s0 =	sor.u32 @!p3 $0x1C03, s13;
	s13 =	sshrl.u32 @!p3 s3, $0x3  }
0x34: {  	[hbm:s14], [sflag:s0] =	dma.local @!p3 [spmem:s13], $0x500  }
0x35: {  	s0 =	simm.s32 @!p3 $0x3  }
0x36: {  	_ =	swait.ge @!p3 [sflag:s0], $0x500  }
0x37: {  	s4 =	sadd.s32 $0x1, s4;
	[sflag:s0] =	ssyncset.done @!p3 $0x0  }
0x38: {  	s13 =	sshll.u32 @p0 s2, $0x6;
	s14 =	rddreg [dreg:$0x5];
	[sflag:s0] =	ssyncadd.s32 @!p3 $0xFFFFFB00  }
0x39: {  	s0 =	sor.u32 @p0 $0x1C03, s13;
	s13 =	sshrl.u32 @p0 s3, $0x3;
	p3 =	sne.s32 s4, s19  }
0x3a: {  	[hbm:s14], [sflag:s0] =	dma.local @p0 [spmem:s13], $0x500  }
.Ltmp1:
0x3b: {  	_ = 	snop;
	(pc) =	sbr.rel @!p3 .LBB2_20-.Ltmp1, $4  }
0x3c: {  	s0 =	simm.s32 @p0 $0x3  }
0x3d: {  	_ =	swait.ge @p0 [sflag:s0], $0x500  }
0x3e: {  	[sflag:s0] =	ssyncset.done @p0 $0x0  }
0x3f: {  	[sflag:s0] =	ssyncadd.s32 @p0 $0xFFFFFB00  }
.LBB2_1:
0x40: {  	s0 =	simm.s32 $0x0;
	s20 =	simm.s32 $0x200  }
.LBB2_2:
0x41: {  	p0 =	sne.s32 s20, $0x9E00;
	[tilespmem:s0+$0x8270] =	vst v2  }
0x42: {  	[tilespmem:s0+$0x8200] =	vst v2  }
0x43: {  	[tilespmem:s0+$0x8210] =	vst v2  }
.Ltmp2:
0x44: {  	[tilespmem:s0+$0x8220] =	vst v2;
	(pc) =	sbr.rel @p0 .LBB2_2-.Ltmp2, $4  }
0x45: {  	[tilespmem:s0+$0x8230] =	vst v2  }
0x46: {  	[tilespmem:s0+$0x8240] =	vst v2  }
0x47: {  	[tilespmem:s0+$0x8250] =	vst v2  }
0x48: {  	[tilespmem:s0+$0x8260] =	vst v2;
	s0 =	sshra.s32 s20, $0x2;
	s20 =	sadd.s32 $0x200, s20  }
0x49: {  	[tilespmem:s0+$0x8270] =	vst v2  }
0x4a: {  	[tilespmem:s0+$0x8200] =	vst v2  }
0x4b: {  	[tilespmem:s0+$0x8210] =	vst v2  }
0x4c: {  	[tilespmem:s0+$0x8220] =	vst v2  }
0x4d: {  	[tilespmem:s0+$0x8230] =	vst v2  }
0x4e: {  	[tilespmem:s0+$0x8240] =	vst v2  }
0x4f: {  	[tilespmem:s0+$0x8250] =	vst v2  }
0x50: {  	[tilespmem:s0+$0x8260] =	vst v2  }
0x51: {  	[tilespmem:$0xAA00] =	vst v1  }
0x52: {  	[tilespmem:$0xAA10] =	vst v3  }
0x53: {  	[tilespmem:$0xAA20] =	vst v4  }
0x54: {  	[tilespmem:$0xAA30] =	vst v5  }
0x55: {  	s0 =	simm.s32 $0x0;
	s20 =	simm.s32 $0x200;
	[tilespmem:$0xAA40] =	vst v6  }
.LBB2_4:
0x56: {  	p0 =	sne.s32 s20, $0xFE00;
	[tilespmem:s0+$0x170] =	vst v2  }
0x57: {  	[tilespmem:s0+$0x100] =	vst v2  }
0x58: {  	[tilespmem:s0+$0x110] =	vst v2  }
.Ltmp3:
0x59: {  	[tilespmem:s0+$0x120] =	vst v2;
	(pc) =	sbr.rel @p0 .LBB2_4-.Ltmp3, $4  }
0x5a: {  	[tilespmem:s0+$0x130] =	vst v2  }
0x5b: {  	[tilespmem:s0+$0x140] =	vst v2  }
0x5c: {  	[tilespmem:s0+$0x150] =	vst v2  }
0x5d: {  	[tilespmem:s0+$0x160] =	vst v2;
	s0 =	sshra.s32 s20, $0x2;
	s20 =	sadd.s32 $0x200, s20  }
0x5e: {  	[tilespmem:s0+$0x170] =	vst v2  }
0x5f: {  	[tilespmem:s0+$0x100] =	vst v2  }
0x60: {  	[tilespmem:s0+$0x110] =	vst v2  }
0x61: {  	[tilespmem:s0+$0x120] =	vst v2  }
0x62: {  	[tilespmem:s0+$0x130] =	vst v2  }
0x63: {  	[tilespmem:s0+$0x140] =	vst v2;
	p0 =	sne.s32 s10, $0x1  }
.Ltmp4:
0x64: {  	[tilespmem:s0+$0x150] =	vst v2;
	(pc) =	sbr.rel @!p0 .LBB2_7-.Ltmp4, $4  }
0x65: {  	[tilespmem:s0+$0x160] =	vst v2  }
0x66: {  	[spmem:s11] =	stream.linear.scatter [tilespmem:s22], [sflag:$0x3], $0x4000, $0x38;
	[tilespmem:$0x1E580] =	vst v63  }
0x67: {  	_ =	swait.ge [sflag:s23], $0x4000  }
0x68: {  	s0 =	sadd.s32 $0xFFFFFFFF, s10;
	s20 =	smov.u32 s11;
	[sflag:s23] =	ssyncset.done $0x0  }
.LBB2_6:
0x69: {  	p0 =	sne.s32 s0, $0x1;
	[sflag:s23] =	ssyncadd.s32 $0xFFFFC000;
	s20 =	sadd.s32 $0x40000, s20  }
.Ltmp5:
0x6a: {  	s0 =	sadd.s32 $0xFFFFFFFF, s0;
	(pc) =	sbr.rel @p0 .LBB2_6-.Ltmp5, $4  }
0x6b: {  	_ = 	snop  }
0x6c: {  	[spmem:s20] =	stream.linear.scatter [tilespmem:s22], [sflag:$0x3], $0x4000, $0x38;
	[tilespmem:$0x1E580] =	vst v63  }
0x6d: {  	_ =	swait.ge [sflag:s23], $0x4000  }
0x6e: {  	[sflag:s23] =	ssyncset.done $0x0  }
.LBB2_7:
0x6f: {  	s0 =	sld [smem:$0x7FB];
	_ =	sdelay $0x2  }
0x70: {  	p4 =	seq.s32 s0, $0x1  }
0x71: {  	[sflag:s23] =	ssyncadd.s32 $0xFFFFC000;
	s0 =	simm.s32 @p4 $0x100  }
0x72: {  	[spmem:s3] =	stream.linear.scatter @p4 [tilespmem:s0], [sflag:$0x3], $0x2800, $0x38;
	[tilespmem:$0x1E580] =	vst v63  }
0x73: {  	s0 =	simm.s32 @p4 $0x3  }
0x74: {  	_ =	swait.ge @p4 [sflag:s0], $0x2800  }
0x75: {  	s16 =	sld [smem:$0x7FA];
	_ =	sdelay $0x2  }
0x76: {  	[sflag:s0] =	ssyncset.done @p4 $0x0;
	p0 =	seq.s32 s16, $0x1  }
0x77: {  	s13 =	rddreg [dreg:$0x6];
	[sflag:s0] =	ssyncadd.s32 @p4 $0xFFFFD800;
	s0 =	simm.s32 @!p0 $0x100  }
0x78: {  	[spmem:s13] =	stream.linear.scatter @!p0 [tilespmem:s0], [sflag:$0x3], $0x800, $0x38;
	[tilespmem:$0x1E580] =	vst v63  }
0x79: {  	s0 =	simm.s32 @!p0 $0x3  }
0x7a: {  	_ =	swait.ge @!p0 [sflag:s0], $0x800  }
0x7b: {  	[sflag:s0] =	ssyncset.done @!p0 $0x0  }
0x7c: {  	[sflag:s0] =	ssyncadd.s32 @!p0 $0xFFFFF800  }
0x7d: {  	[bflag:$0x0] =	sbarrier.arrive $0xFFFF  }
0x7e: {  	s31 =	simm.s32 $0x0;
	s18 =	rddreg [dreg:$0x7]  }
0x7f: {  	[tilespmem:s31], [sflag:$0x3] =	stream.linear.gather [hbm4b:s18+s31], $0x80, $0x38;
	[tilespmem:$0x1E580] =	vst v63  }
0x80: {  	_ =	swait.ge [sflag:s23], $0x80  }
0x81: {  	[sflag:s23] =	ssyncset.done $0x0  }
0x82: {  	s20 =	rddreg [dreg:$0x8];
	[sflag:s23] =	ssyncadd.s32 $0xFFFFFF80  }
0x83: {  	[tilespmem:s24], [sflag:$0x3] =	stream.linear.gather [hbm4b:s20+s31], $0x80, $0x38;
	[tilespmem:$0x1E580] =	vst v63  }
0x84: {  	_ =	swait.ge [sflag:s23], $0x80  }
0x85: {  	[sflag:s23] =	ssyncset.done $0x0  }
0x86: {  	[sflag:s23] =	ssyncadd.s32 $0xFFFFFF80  }
0x87: {  	v8 =	vld [tilespmem:$0x0]  }
0x88: {  	v9 =	vld [tilespmem:$0x10]  }
0x89: {  	v10 =	vld [tilespmem:$0x20]  }
0x8a: {  	v11 =	vld [tilespmem:$0x30]  }
0x8b: {  	v12 =	vld [tilespmem:$0x40]  }
0x8c: {  	v13 =	vld [tilespmem:$0x50];
	v8 =	vadd.s32 v0, v8  }
0x8d: {  	v62 =	vld [tilespmem:$0x60];
	[tilespmem:$0x0] =	vst v8;
	v8 =	vadd.s32 v0, v9  }
0x8e: {  	v63 =	vld [tilespmem:$0x70];
	[tilespmem:$0x10] =	vst v8;
	v8 =	vadd.s32 v0, v10  }
0x8f: {  	s21 =	sld [smem:$0x7FC];
	[tilespmem:$0x20] =	vst v8;
	v8 =	vadd.s32 v0, v11  }
0x90: {  	[tilespmem:$0x30] =	vst v8;
	v8 =	vadd.s32 v0, v12  }
.Ltmp6:
0x91: {  	[tilespmem:$0x40] =	vst v8;
	v8 =	vadd.s32 v0, v13;
	(pc) =	sbr.rel .LBB2_8-.Ltmp6, $4  }
0x92: {  	p3 =	por @!p0 $0x0, $0x0;
	p0 =	seq.s32 s21, $0x1;
	[tilespmem:$0x50] =	vst v8;
	v8 =	vadd.s32 v0, v62  }
0x93: {  	s0 =	simm.s32 $0x1;
	p3 =	por @!p0 p6, p6;
	p0 =	por p5, p5;
	[tilespmem:$0x60] =	vst v8;
	v8 =	vadd.s32 v0, v63  }
0x94: {  	s20 =	smov.u32 s9;
	s21 =	smov.u32 s8;
	p0 =	por @!p4 p3, p3;
	[tilespmem:$0x70] =	vst v8  }
0x95: {  	[tilespmem:s22], [sflag:$0x1] =	stream.indirect.gather [hbm4b:s7+s24], $0x80, s31, s24, $0xb8;
	[tilespmem:$0x1E580] =	vst v63  }
.LBB2_14:
0x96: {  	s20 =	sadd.s32 $0xFFFFFFFF, s20;
	s21 =	sadd.s32 $0x1000, s21;
	s0 =	sadd.s32 $0x2, s0  }
.LBB2_8:
0x97: {  	p3 =	sge.u32 s0, s12  }
0x98: {  	s13 =	sshrl.u32 @!p3 s21, $0x3  }
0x99: {  	s15 =	simm.s32 @!p3 $0x0;
	s16 =	simm.s32 @!p3 $0x4100;
	s14 =	sadd.s32 @!p3 s5, s13  }
0x9a: {  	[tilespmem:s16], [sflag:$0x3] =	stream.linear.gather @!p3 [hbm4b:s14+s15], $0x80, $0x38;
	[tilespmem:$0x1E580] =	vst v63  }
0x9b: {  	s14 =	simm.s32 @!p3 $0x3  }
0x9c: {  	_ =	swait.ge @!p3 [sflag:s14], $0x80  }
0x9d: {  	[sflag:s14] =	ssyncset.done @!p3 $0x0  }
0x9e: {  	s18 =	simm.s32 @!p3 $0x4180;
	s13 =	sadd.s32 @!p3 s6, s13;
	[sflag:s14] =	ssyncadd.s32 @!p3 $0xFFFFFF80  }
0x9f: {  	[tilespmem:s18], [sflag:$0x3] =	stream.linear.gather @!p3 [hbm4b:s13+s15], $0x80, $0x38;
	[tilespmem:$0x1E580] =	vst v63  }
0xa0: {  	_ =	swait.ge @!p3 [sflag:s14], $0x80  }
0xa1: {  	[sflag:s14] =	ssyncset.done @!p3 $0x0  }
0xa2: {  	[sflag:s14] =	ssyncadd.s32 @!p3 $0xFFFFFF80  }
0xa3: {  	v8 =	vld @!p3 [tilespmem:$0x4100]  }
0xa4: {  	v9 =	vld @!p3 [tilespmem:$0x4110]  }
0xa5: {  	v10 =	vld @!p3 [tilespmem:$0x4120]  }
0xa6: {  	v11 =	vld @!p3 [tilespmem:$0x4130]  }
0xa7: {  	v12 =	vld @!p3 [tilespmem:$0x4140]  }
0xa8: {  	v13 =	vld @!p3 [tilespmem:$0x4150];
	v8 =	vadd.s32 @!p3 v0, v8  }
0xa9: {  	[tilespmem:$0x4100] =	vst @!p3 v8;
	v8 =	vadd.s32 @!p3 v0, v9;
	v9 =	vld @!p3 [tilespmem:$0x4160]  }
0xaa: {  	[tilespmem:$0x4110] =	vst @!p3 v8;
	v8 =	vadd.s32 @!p3 v0, v10;
	v10 =	vld @!p3 [tilespmem:$0x4170]  }
0xab: {  	[tilespmem:$0x4120] =	vst @!p3 v8;
	v8 =	vadd.s32 @!p3 v0, v11  }
0xac: {  	[tilespmem:$0x4130] =	vst @!p3 v8;
	v8 =	vadd.s32 @!p3 v0, v12  }
0xad: {  	[tilespmem:$0x4140] =	vst @!p3 v8;
	v8 =	vadd.s32 @!p3 v0, v13  }
0xae: {  	[tilespmem:$0x4150] =	vst @!p3 v8;
	v8 =	vadd.s32 @!p3 v0, v9  }
0xaf: {  	[tilespmem:$0x4160] =	vst @!p3 v8;
	v8 =	vadd.s32 @!p3 v0, v10  }
0xb0: {  	s13 =	simm.s32 @!p3 $0x80;
	s14 =	simm.s32 @!p3 $0x4200;
	[tilespmem:$0x4170] =	vst @!p3 v8  }
0xb1: {  	[tilespmem:s14], [sflag:$0x2] =	stream.indirect.gather @!p3 [hbm4b:s7+s13], $0x80, s16, s13, $0xb8;
	[tilespmem:$0x1E580] =	vst v63  }
0xb2: {  	_ =	swait.ge [sflag:s25], $0x4000  }
0xb3: {  	[sflag:s25] =	ssyncset.done $0x0  }
0xb4: {  	[sflag:s25] =	ssyncadd.s32 $0xFFFFC000  }
0xb5: {  	[spmem:s1] =	stream.indirect.scatter.add.f32 [tilespmem:s22], [sflag:$0x3], $0x80, s24, s24, $0xb8;
	[tilespmem:$0x1E580] =	vst v63  }
0xb6: {  	_ =	swait.ge [sflag:s23], $0x4000  }
0xb7: {  	[sflag:s23] =	ssyncset.done $0x0  }
0xb8: {  	[sflag:s23] =	ssyncadd.s32 $0xFFFFC000  }
0xb9: {  	v8 =	vld @!p1 [tilespmem:$0x80];
	_ =	sdelay $0x6  }
0xba: {  	v9 =	vimm.f32 @!p1 $1.000000000e+00;
	s13 =	simm.s32 @!p1 $0x8200  }
0xbb: {  	[tilespmem:v8+s13+$0x0] =	vst.idx.add.f32.msk @!p1 $0xffff, v9  }
0xbc: {  	v8 =	vld @!p1 [tilespmem:$0x90];
	_ =	sdelay $0x7  }
0xbd: {  	[tilespmem:v8+s13+$0x0] =	vst.idx.add.f32.msk @!p1 $0xffff, v9  }
0xbe: {  	v8 =	vld @!p1 [tilespmem:$0xA0];
	_ =	sdelay $0x7  }
0xbf: {  	[tilespmem:v8+s13+$0x0] =	vst.idx.add.f32.msk @!p1 $0xffff, v9  }
0xc0: {  	v8 =	vld @!p1 [tilespmem:$0xB0];
	_ =	sdelay $0x7  }
0xc1: {  	[tilespmem:v8+s13+$0x0] =	vst.idx.add.f32.msk @!p1 $0xffff, v9  }
0xc2: {  	v8 =	vld @!p1 [tilespmem:$0xC0];
	_ =	sdelay $0x7  }
0xc3: {  	[tilespmem:v8+s13+$0x0] =	vst.idx.add.f32.msk @!p1 $0xffff, v9  }
0xc4: {  	v8 =	vld @!p1 [tilespmem:$0xD0];
	_ =	sdelay $0x7  }
0xc5: {  	[tilespmem:v8+s13+$0x0] =	vst.idx.add.f32.msk @!p1 $0xffff, v9  }
0xc6: {  	v8 =	vld @!p1 [tilespmem:$0xE0];
	_ =	sdelay $0x7  }
0xc7: {  	[tilespmem:v8+s13+$0x0] =	vst.idx.add.f32.msk @!p1 $0xffff, v9  }
0xc8: {  	v8 =	vld @!p1 [tilespmem:$0xF0];
	_ =	sdelay $0x3  }
.Ltmp7:
0xc9: {  	_ = 	snop;
	(pc) =	sbr.rel @p3 .LBB2_12-.Ltmp7, $2  }
0xca: {  	_ =	sdelay $0x2  }
0xcb: {  	[tilespmem:v8+s13+$0x0] =	vst.idx.add.f32.msk @!p1 $0xffff, v9  }
0xcc: {  	s13 =	sadd.s32 $0x1, s0  }
0xcd: {  	p3 =	sge.u32 s13, s12  }
0xce: {  	s13 =	sadd.s32 @!p3 $0x800, s21  }
0xcf: {  	s13 =	sshrl.u32 @!p3 s13, $0x3  }
0xd0: {  	s15 =	simm.s32 @!p3 $0x0;
	s14 =	sadd.s32 @!p3 s5, s13  }
0xd1: {  	[tilespmem:s15], [sflag:$0x3] =	stream.linear.gather @!p3 [hbm4b:s14+s15], $0x80, $0x38;
	[tilespmem:$0x1E580] =	vst v63  }
0xd2: {  	s14 =	simm.s32 @!p3 $0x3  }
0xd3: {  	_ =	swait.ge @!p3 [sflag:s14], $0x80  }
0xd4: {  	[sflag:s14] =	ssyncset.done @!p3 $0x0  }
0xd5: {  	s16 =	simm.s32 @!p3 $0x80;
	s13 =	sadd.s32 @!p3 s6, s13;
	[sflag:s14] =	ssyncadd.s32 @!p3 $0xFFFFFF80  }
0xd6: {  	[tilespmem:s16], [sflag:$0x3] =	stream.linear.gather @!p3 [hbm4b:s13+s15], $0x80, $0x38;
	[tilespmem:$0x1E580] =	vst v63  }
0xd7: {  	_ =	swait.ge @!p3 [sflag:s14], $0x80  }
0xd8: {  	[sflag:s14] =	ssyncset.done @!p3 $0x0  }
0xd9: {  	[sflag:s14] =	ssyncadd.s32 @!p3 $0xFFFFFF80  }
0xda: {  	v8 =	vld @!p3 [tilespmem:$0x0]  }
0xdb: {  	v9 =	vld @!p3 [tilespmem:$0x10]  }
0xdc: {  	v10 =	vld @!p3 [tilespmem:$0x20]  }
0xdd: {  	v11 =	vld @!p3 [tilespmem:$0x30]  }
0xde: {  	v12 =	vld @!p3 [tilespmem:$0x40]  }
0xdf: {  	v13 =	vld @!p3 [tilespmem:$0x50];
	v8 =	vadd.s32 @!p3 v0, v8  }
0xe0: {  	[tilespmem:$0x0] =	vst @!p3 v8;
	v8 =	vadd.s32 @!p3 v0, v9;
	v9 =	vld @!p3 [tilespmem:$0x60]  }
0xe1: {  	[tilespmem:$0x10] =	vst @!p3 v8;
	v8 =	vadd.s32 @!p3 v0, v10;
	v10 =	vld @!p3 [tilespmem:$0x70]  }
0xe2: {  	[tilespmem:$0x20] =	vst @!p3 v8;
	v8 =	vadd.s32 @!p3 v0, v11  }
0xe3: {  	[tilespmem:$0x30] =	vst @!p3 v8;
	v8 =	vadd.s32 @!p3 v0, v12  }
0xe4: {  	[tilespmem:$0x40] =	vst @!p3 v8;
	v8 =	vadd.s32 @!p3 v0, v13  }
0xe5: {  	[tilespmem:$0x50] =	vst @!p3 v8;
	v8 =	vadd.s32 @!p3 v0, v9  }
0xe6: {  	[tilespmem:$0x60] =	vst @!p3 v8;
	v8 =	vadd.s32 @!p3 v0, v10  }
0xe7: {  	s13 =	simm.s32 @!p3 $0x100;
	[tilespmem:$0x70] =	vst @!p3 v8  }
0xe8: {  	[tilespmem:s13], [sflag:$0x1] =	stream.indirect.gather @!p3 [hbm4b:s7+s16], $0x80, s15, s16, $0xb8;
	[tilespmem:$0x1E580] =	vst v63  }
0xe9: {  	_ =	swait.ge [sflag:s26], $0x4000  }
0xea: {  	[sflag:s26] =	ssyncset.done $0x0  }
.Ltmp8:
0xeb: {  	[sflag:s26] =	ssyncadd.s32 $0xFFFFC000;
	(pc) =	sbr.rel @!p2 .LBB2_15-.Ltmp8, $4  }
0xec: {  	[spmem:s1] =	stream.indirect.scatter.add.f32 [tilespmem:s29], [sflag:$0x3], $0x80, s28, s24, $0xb8;
	[tilespmem:$0x1E580] =	vst v63  }
0xed: {  	_ =	swait.ge [sflag:s23], $0x4000  }
0xee: {  	[sflag:s23] =	ssyncset.done $0x0  }
0xef: {  	[sflag:s23] =	ssyncadd.s32 $0xFFFFC000  }
0xf0: {  	v8 =	vld [tilespmem:$0x4180];
	_ =	sdelay $0x7  }
0xf1: {  	[tilespmem:v8+s30+$0x0] =	vst.idx.add.f32.msk $0xffff, v7  }
0xf2: {  	v8 =	vld [tilespmem:$0x4190];
	_ =	sdelay $0x7  }
0xf3: {  	[tilespmem:v8+s30+$0x0] =	vst.idx.add.f32.msk $0xffff, v7  }
0xf4: {  	v8 =	vld [tilespmem:$0x41A0];
	_ =	sdelay $0x7  }
0xf5: {  	[tilespmem:v8+s30+$0x0] =	vst.idx.add.f32.msk $0xffff, v7  }
0xf6: {  	v8 =	vld [tilespmem:$0x41B0];
	_ =	sdelay $0x7  }
0xf7: {  	[tilespmem:v8+s30+$0x0] =	vst.idx.add.f32.msk $0xffff, v7  }
0xf8: {  	v8 =	vld [tilespmem:$0x41C0];
	_ =	sdelay $0x7  }
0xf9: {  	[tilespmem:v8+s30+$0x0] =	vst.idx.add.f32.msk $0xffff, v7  }
0xfa: {  	v8 =	vld [tilespmem:$0x41D0];
	_ =	sdelay $0x7  }
0xfb: {  	[tilespmem:v8+s30+$0x0] =	vst.idx.add.f32.msk $0xffff, v7  }
0xfc: {  	v8 =	vld [tilespmem:$0x41E0];
	_ =	sdelay $0x7  }
0xfd: {  	[tilespmem:v8+s30+$0x0] =	vst.idx.add.f32.msk $0xffff, v7  }
0xfe: {  	v8 =	vld [tilespmem:$0x41F0];
	_ =	sdelay $0x2  }
0xff: {  	p3 =	seq.s32 s20, $0x0  }
.Ltmp9:
0x100: {  	_ = 	snop;
	(pc) =	sbr.rel @p3 .LBB2_18-.Ltmp9, $2  }
0x101: {  	_ =	sdelay $0x2  }
0x102: {  	[tilespmem:v8+s30+$0x0] =	vst.idx.add.f32.msk $0xffff, v7  }
.Ltmp10:
0x103: {  	(pc) =	sbr.rel .LBB2_14-.Ltmp10, $2  }
0x104: {  	_ =	sdelay $0x2  }
0x105: {  	s31 =	sadd.s32 $0x1, s31  }
.LBB2_12:
0x106: {  	p3 =	seq.s32 s20, $0x0  }
.Ltmp11:
0x107: {  	_ = 	snop;
	(pc) =	sbr.rel @p3 .LBB2_17-.Ltmp11, $1  }
0x108: {  	_ =	sdelay $0x3  }
.Ltmp12:
0x109: {  	(pc) =	sbr.rel .LBB2_14-.Ltmp12, $2  }
0x10a: {  	_ =	sdelay $0x2  }
0x10b: {  	s31 =	sadd.s32 $0x1, s31  }
.LBB2_15:
0x10c: {  	p3 =	seq.s32 s20, $0x0  }
.Ltmp13:
0x10d: {  	_ = 	snop;
	(pc) =	sbr.rel @p3 .LBB2_19-.Ltmp13, $1  }
0x10e: {  	_ =	sdelay $0x3  }
.Ltmp14:
0x10f: {  	(pc) =	sbr.rel .LBB2_14-.Ltmp14, $2  }
0x110: {  	_ =	sdelay $0x2  }
0x111: {  	s31 =	sadd.s32 $0x1, s31  }
.LBB2_17:
.Ltmp15:
0x112: {  	(pc) =	sbr.rel @p1 .LBB2_19-.Ltmp15, $4  }
.Ltmp16:
0x113: {  	(pc) =	sbr.rel @!p1 .LBB2_18-.Ltmp16, $4  }
0x114: {  	_ = 	snop  }
0x115: {  	_ = 	snop  }
0x116: {  	_ = 	snop  }
0x117: {  	_ = 	snop  }
.LBB2_20:
0x118: {  	_ =	sfence.sel $0x180000  }
0x119: {  	[bflag:$0x0] =	sbarrier.arrive $0xFFFF  }
0x11a: {  	_ =	strace $0x9000004A  }
0x11b: {  	[bflag:$0x2] =	sbarrier.arrive $0xFFFF  }
0x11c: {  	p0 =	sne.s32 s2, $0x0;
	s0 =	rddreg [dreg:$0x3]  }
0x11d: {  	s0 =	sadd.s32 @!p0 $0x100000, s0  }
0x11e: {  	[sflag:s0] =	ssyncadd.tile.s32 @!p0 $0x1;
	_ =	shalt  }
.Lfunc_end2:
_tile_overlayer_lowered:
.L_overlay_start_2:
0x11f: {  	(tag) =	ssettag $0x2  }
0x120: {  	s0 =	rddreg [dreg:$0x0];
	s2 =	stileid.u32  }
0x121: {  	s1 =	rddreg [dreg:$0x1];
	p0 =	sne.s32 s2, $0x0  }
0x122: {  	s3 =	rddreg [dreg:$0x2];
	[bflag:$0x3] =	sbarrier.arrive $0xFFFF;
	s2 =	simm.s32 @!p0 $0x1C03  }
0x123: {  	[timem:s3], [sflag:s2] =	dma.local @!p0 [hbm:s0], s1  }
0x124: {  	s0 =	simm.s32 @!p0 $0x3  }
0x125: {  	_ =	swait.ge @!p0 [sflag:s0], s1  }
0x126: {  	s1 =	ssub.s32 @!p0 $0x0, s1;
	[sflag:s0] =	ssyncset.done @!p0 $0x0  }
0x127: {  	[sflag:s0] =	ssyncadd.s32 @!p0 s1  }
0x128: {  	[bflag:$0x3] =	sbarrier.arrive $0xFFFF  }
0x129: {  	_ =	shalt  }

// kernel: kernel.8.cloned.1.call-start
scs
__scs_entry_jumppad:
0x0: {  	(pc) =	sbr.rel $0x88, $3  }
0x1: {  	(tag) =	ssettag $0x0;
	lr =	simm.s32 $0x1  }
0x2: {  	[smem:$0x3F91] =	sst lr;
	_ =	strace $0xD0000000  }
0x3: {  	_ = 	snop  }
0x4: {  	_ = 	snop  }
0x5: {  	_ = 	snop  }
0x6: {  	_ = 	snop  }
0x7: {  	_ = 	snop  }
__scs_overlays_trampoline_lowered:
0x8: {  	[smem:$0x3FA0] =	sst s0  }
0x9: {  	[smem:$0x3FA1] =	sst s1  }
0xa: {  	[smem:$0x3FA2] =	sst s2  }
0xb: {  	[smem:$0x3FA3] =	sst s3  }
0xc: {  	[smem:$0x3FA4] =	sst s4  }
0xd: {  	[smem:$0x3FA5] =	sst s5  }
0xe: {  	[smem:$0x3FA6] =	sst s6  }
0xf: {  	[smem:$0x3FA7] =	sst s7  }
0x10: {  	[smem:$0x3FA8] =	sst s8  }
0x11: {  	[smem:$0x3FA9] =	sst s9;
	s0 =	simm.s32 @!p0 $0x0  }
0x12: {  	s1 =	sld [smem:$0x3F8F];
	s0 =	simm.s32 @p0 $0x1  }
0x13: {  	[smem:$0x3FAA] =	sst s0;
	s0 =	simm.s32 @!p1 $0x0  }
0x14: {  	s2 =	sld [smem:$0x3F8E];
	s0 =	simm.s32 @p1 $0x1  }
0x15: {  	[smem:$0x3FAB] =	sst s0;
	s0 =	simm.s32 @!p2 $0x0  }
0x16: {  	s3 =	sld [smem:$0x3FDB];
	s0 =	simm.s32 @p2 $0x1  }
0x17: {  	s4 =	simm.s32 $0x1BF5;
	[smem:$0x3FAD] =	sst s0  }
0x18: {  	s0 =	sld [smem:$0x3F90];
	_ =	swait.ge [sflag:s4], $0x0  }
0x19: {  	s7 =	sld [smem:$0x3F91]  }
0x1a: {  	s8 =	sadd.s32 $0xFFFFE003, lr  }
0x1b: {  	s9 =	sadd.s32 $0xFFFFFEF7, lr;
	s5 =	simm.s32 $0xFFFFFFFF;
	p2 =	slt.u32 s8, $0xFFFFF086  }
0x1c: {  	p1 =	slt.u32 s9, $0xF7A;
	s5 =	simm.s32 @!p2 $0x0  }
0x1d: {  	s5 =	simm.s32 @p1 $0x1;
	p0 =	seq.s32 s7, s2  }
0x1e: {  	s7 =	smul.u32 @!p0 $0xF7A, s2;
	p2 =	seq.s32 @!p0 s5, $0x0  }
0x1f: {  	s9 =	smul.u32 $0xF7A, s1;
	s8 =	simm.s32 @!p0 $0x1BF5;
	p2 =	por !p2, p0  }
0x20: {  	[sflag:s8] =	ssyncset.s32 @!p0 $0xFFFFF086;
	s6 =	sadd.s32 @!p0 s3, s7;
	s7 =	simm.s32 @!p0 $0x108  }
0x21: {  	s3 =	sadd.s32 s3, s9;
	s6 =	sadd.s32 @!p0 $0x88, s6;
	s7 =	simm.s32 @p2 $0x1082  }
0x22: {  	[simem:s7], [sflag:s8] =	dma.local @!p0 [hbm:s6], $0xF7A  }
0x23: {  	s9 =	sor.u32 $0xD0000000, s2;
	s6 =	simm.s32 $0x108;
	_ =	swait.ge @!p0 [sflag:s8], $0x0  }
0x24: {  	s3 =	sadd.s32 $0x88, s3;
	s6 =	simm.s32 @!p1 $0x1082;
	[sflag:s4] =	ssyncset.s32 $0xFFFFF086  }
0x25: {  	[simem:s6], [sflag:s4] =	dma.local [hbm:s3], $0xF7A  }
0x26: {  	[smem:$0x3F91] =	sst s1;
	(tag) =	ssettag s2;
	_ =	strace s9  }
0x27: {  	s1 =	sld [smem:$0x3FA1]  }
0x28: {  	s2 =	sld [smem:$0x3FA2]  }
0x29: {  	s4 =	sld [smem:$0x3FA4]  }
0x2a: {  	p0 =	seq.s32 s5, $0x0;
	s5 =	sld [smem:$0x3FA5]  }
0x2b: {  	s6 =	sld [smem:$0x3FA6]  }
0x2c: {  	s7 =	sld [smem:$0x3FA7]  }
0x2d: {  	s3 =	simm.s32 $0x108;
	s8 =	sld [smem:$0x3FA8]  }
0x2e: {  	s3 =	simm.s32 @!p0 $0x1082;
	s9 =	sld [smem:$0x3FA9]  }
0x2f: {  	lr =	sadd.s32 s0, s3;
	s0 =	sld [smem:$0x3FA0]  }
0x30: {  	s3 =	sld [smem:$0x3FA3]  }
0x31: {  	[smem:$0x3FAC] =	sst s10  }
0x32: {  	s10 =	sld [smem:$0x3FAA];
	_ =	sdelay $0x3  }
0x33: {  	p0 =	seq.s32 s10, $0x1;
	s10 =	sld [smem:$0x3FAC];
	_ =	sdelay $0x3  }
0x34: {  	[smem:$0x3FAC] =	sst s10  }
0x35: {  	s10 =	sld [smem:$0x3FAB];
	_ =	sdelay $0x3  }
0x36: {  	p1 =	seq.s32 s10, $0x1;
	s10 =	sld [smem:$0x3FAC];
	_ =	sdelay $0x3  }
0x37: {  	[smem:$0x3FAC] =	sst s10  }
0x38: {  	s10 =	sld [smem:$0x3FAD]  }
0x39: {  	_ = 	snop;
	(pc) =	sbr.ind lr, $3  }
0x3a: {  	_ = 	snop  }
0x3b: {  	_ = 	snop  }
0x3c: {  	p2 =	seq.s32 s10, $0x1;
	s10 =	sld [smem:$0x3FAC]  }
0x3d: {  	_ =	shalt  }
0x3e: {  	_ =	shalt  }
0x3f: {  	_ =	shalt  }
0x40: {  	_ =	shalt  }
0x41: {  	_ =	shalt  }
0x42: {  	_ =	shalt  }
0x43: {  	_ =	shalt  }
0x44: {  	_ =	shalt  }
0x45: {  	_ =	shalt  }
0x46: {  	_ =	shalt  }
0x47: {  	_ =	shalt  }
0x48: {  	_ =	shalt  }
0x49: {  	_ =	shalt  }
0x4a: {  	_ =	shalt  }
0x4b: {  	_ =	shalt  }
0x4c: {  	_ =	shalt  }
0x4d: {  	_ =	shalt  }
0x4e: {  	_ =	shalt  }
0x4f: {  	_ =	shalt  }
0x50: {  	_ =	shalt  }
0x51: {  	_ =	shalt  }
0x52: {  	_ =	shalt  }
0x53: {  	_ =	shalt  }
0x54: {  	_ =	shalt  }
0x55: {  	_ =	shalt  }
0x56: {  	_ =	shalt  }
0x57: {  	_ =	shalt  }
0x58: {  	_ =	shalt  }
0x59: {  	_ =	shalt  }
0x5a: {  	_ =	shalt  }
0x5b: {  	_ =	shalt  }
0x5c: {  	_ =	shalt  }
0x5d: {  	_ =	shalt  }
0x5e: {  	_ =	shalt  }
0x5f: {  	_ =	shalt  }
0x60: {  	_ =	shalt  }
0x61: {  	_ =	shalt  }
0x62: {  	_ =	shalt  }
0x63: {  	_ =	shalt  }
0x64: {  	_ =	shalt  }
0x65: {  	_ =	shalt  }
0x66: {  	_ =	shalt  }
0x67: {  	_ =	shalt  }
0x68: {  	_ =	shalt  }
0x69: {  	_ =	shalt  }
0x6a: {  	_ =	shalt  }
0x6b: {  	_ =	shalt  }
0x6c: {  	_ =	shalt  }
0x6d: {  	_ =	shalt  }
0x6e: {  	_ =	shalt  }
0x6f: {  	_ =	shalt  }
0x70: {  	_ =	shalt  }
0x71: {  	_ =	shalt  }
0x72: {  	_ =	shalt  }
0x73: {  	_ =	shalt  }
0x74: {  	_ =	shalt  }
0x75: {  	_ =	shalt  }
0x76: {  	_ =	shalt  }
0x77: {  	_ =	shalt  }
0x78: {  	_ =	shalt  }
0x79: {  	_ =	shalt  }
0x7a: {  	_ =	shalt  }
0x7b: {  	_ =	shalt  }
0x7c: {  	_ =	shalt  }
0x7d: {  	_ =	shalt  }
0x7e: {  	_ =	shalt  }
0x7f: {  	_ =	shalt  }
0x80: {  	_ =	shalt  }
0x81: {  	_ =	shalt  }
0x82: {  	_ =	shalt  }
0x83: {  	_ =	shalt  }
0x84: {  	_ =	shalt  }
0x85: {  	_ =	shalt  }
0x86: {  	_ =	shalt  }
0x87: {  	_ =	shalt  }
.Lfunc_end0:
.L_simem_size_0:
called_computation_lowered:
.L_overlay_start_0:
0x88: {  	s2 =	sld [smem:$0x3FD9]  }
0x89: {  	s3 =	sld [smem:$0x3FFE];
	_ =	sdelay $0x1  }
0x8a: {  	s1 =	srdreg.scid  }
0x8b: {  	s0 =	sand.u32 $0x1, s1  }
0x8c: {  	s16 =	sshll.u32 s0, $0xA;
	s2 =	sadd.s32 s3, s2  }
0x8d: {  	s2 =	sadd.s32 s2, s16  }
0x8e: {  	[smem:$0x3FB8] =	sst s2  }
0x8f: {  	_ = 	snop  }
0x90: {  	(tm) =	ssettm $0x1  }
0x91: {  	s17 =	sld [smem:$0x3FFB];
	_ =	sdelay $0x3  }
0x92: {  	_ =	strace s17  }
0x93: {  	s2 =	sld [smem:$0x3FFC];
	_ =	sdelay $0x3  }
0x94: {  	_ =	strace s2  }
0x95: {  	s2 =	sld [smem:$0x3FFD];
	_ =	sdelay $0x3  }
0x96: {  	_ =	strace s2  }
0x97: {  	_ =	strace $0x8FFFFFFF  }
0x98: {  	s18 =	sld [smem:$0x3FDB];
	_ =	sdelay $0x1  }
0x99: {  	s19 =	simm.s32 $_scs_section_size  }
0x9a: {  	s4 =	simm.s32 $_size__tile_overlayer_lowered;
	s5 =	simm.s32 $_tile_overlayer_lowered  }
0x9b: {  	s22 =	simm.s32 $0x1BFF;
	s21 =	sshll.u32 s5, $0x1;
	s2 =	sadd.s32 s19, s18  }
0x9c: {  	s6 =	simm.s32 $0x0;
	s20 =	sshll.u32 s4, $0x1;
	s4 =	sadd.s32 s21, s2  }
0x9d: {  	[timem:s6], [sflag:s22] =	dma.local [hbm:s4], s20  }
0x9e: {  	_ =	swait.ge [sflag:s22], s20  }
0x9f: {  	s3 =	ssub.s32 $0x0, s20;
	[sflag:s22] =	ssyncset.done $0x0  }
0xa0: {  	[sflag:s22] =	ssyncadd.s32 s3;
	_ =	sdelay $0x1  }
0xa1: {  	s23 =	simm.s32 $0x1B8B  }
0xa2: {  	_ =	swait.ge [sflag:s23], $0x1  }
0xa3: {  	[sflag:s23] =	ssyncset.done $0x0  }
0xa4: {  	s25 =	simm.s32 $0x1B8E;
	s24 =	sld [smem:$0x3FFE];
	[sflag:s23] =	ssyncadd.s32 $0xFFFFFFFF  }
0xa5: {  	s26 =	simm.s32 $execute0_lowered;
	[smem:$0x3FD2] =	sst s25  }
0xa6: {  	s4 =	sshll.u32 s26, $0x1;
	_ =	strace $0x80000046;
	[dreg:$0x1] =	wrdreg $0xFFFFFFFF  }
0xa7: {  	s28 =	simm.s32 $_size_execute0_lowered;
	s2 =	sadd.s32 s2, s4;
	[dreg:$0x0] =	wrdreg $0x0  }
0xa8: {  	s4 =	sshll.u32 s28, $0x1;
	[dreg:$0x2] =	wrdreg s2  }
0xa9: {  	[dreg:$0x3] =	wrdreg s4  }
0xaa: {  	[dreg:$0x4] =	wrdreg $0xC0  }
0xab: {  	_ =	task [dreg:s6], $0x5FFFF  }
0xac: {  	[dreg:$0x1] =	wrdreg $0xFFFFFFFF  }
0xad: {  	[dreg:$0x0] =	wrdreg $0x60  }
0xae: {  	[dreg:$0x2] =	wrdreg s24  }
0xaf: {  	[dreg:$0x3] =	wrdreg $0xAA800  }
0xb0: {  	[dreg:$0x4] =	wrdreg $0x1E3000  }
0xb1: {  	[dreg:$0x5] =	wrdreg $0x9  }
0xb2: {  	_ =	task.clear_ibuf [dreg:s6], $0x6FFFF;
	_ =	strace $0x90000046  }
0xb3: {  	s29 =	simm.s32 $0x9;
	_ =	strace $0x80000048  }
0xb4: {  	_ =	swait.ge [sflag:s29], $0x1  }
0xb5: {  	[sflag:s29] =	ssyncadd.s32 $0xFFFFFFFF  }
0xb6: {  	_ =	strace $0x90000048  }
0xb7: {  	_ =	sfence  }
0xb8: {  	s30 =	sld [smem:$0x0];
	_ =	sdelay $0x2  }
0xb9: {  	s31 =	sshll.u32 s1, $0xD;
	s1 =	sshrl.u32 s1, $0x2  }
0xba: {  	s3 =	sand.u32 $0x4000, s31;
	s1 =	sadd.s32 s1, s30  }
0xbb: {  	s0 =	sor.u32 s3, s0;
	s1 =	sshll.u32 s1, $0x11  }
0xbc: {  	s0 =	sor.u32 s1, s0  }
0xbd: {  	s0 =	sadd.s32 $0x8F2B, s0  }
0xbe: {  	[sflag:s0] =	ssyncadd.remote.s32 $0x1  }
0xbf: {  	_ =	sfence.sel $0xFFFF  }
0xc0: {  	[dreg:$0x0] =	wrdreg $0xFFFFFFFF;
	(pc) =	sbr.abs _section_cstart, $3  }
0xc1: {  	[dreg:$0x1] =	wrdreg $0xFFFFFFFF  }
0xc2: {  	_ =	task.clear_ibuf [dreg:s6], $0x2FFFF;
	_ =	strace $0x9FFFFFFF  }
0xc3: {  	(tm) =	ssettm $0x7FFFFFFF  }
tec
execute0_lowered:
.L_overlay_start_1:
0x0: {  	(tag) =	ssettag $0x1  }
0x1: {  	s0 =	rddreg [dreg:$0x0]  }
0x2: {  	s1 =	rddreg [dreg:$0x1]  }
0x3: {  	s3 =	rddreg [dreg:$0x2];
	s4 =	simm.s32 $0x0;
	s2 =	stileid.u32  }
0x4: {  	s9 =	srdreg.scid;
	s10 =	simm.s32 $0x5;
	s12 =	simm.s32 $0x4F  }
0x5: {  	s28 =	simm.s32 $0x4180;
	s29 =	simm.s32 $0x4200;
	s30 =	simm.s32 $0x8200  }
0x6: {  	p6 =	por $0x0, $0x0;
	[smem:$0x7FF] =	sst s4;
	s8 =	smul.u32 $0x2780, s2  }
0x7: {  	s5 =	sadd.s32 $0x8E00, s0;
	s6 =	sadd.s32 $0x3E00, s0;
	s7 =	sadd.s32 $0xDE00, s0  }
0x8: {  	s20 =	sand.u32 $0x1, s9;
	s19 =	sadd.s32 $0xAA200, s0;
	p0 =	slt.u32 s2, $0xE  }
0x9: {  	s23 =	sshll.u32 s2, $0xE;
	s24 =	sadd.s32 $0x138000, s1;
	s25 =	sshll.u32 s2, $0x4  }
0xa: {  	s16 =	smul.u32 $0x4E200, s2;
	p3 =	seq.s32 s2, $0x0;
	_ =	strace $0x80000047  }
0xb: {  	[dreg:$0x4] =	wrdreg s19;
	s21 =	ssub.s32 $0x2, s20;
	s10 =	simm.s32 @!p0 $0x4  }
0xc: {  	s11 =	sadd.s32 s23, s1;
	p0 =	slt.u32 s2, $0x2;
	[dreg:$0x6] =	wrdreg s24  }
0xd: {  	s13 =	sadd.s32 s5, s25;
	s9 =	sadd.s32 s6, s25;
	s23 =	sshll.u32 s2, $0x7  }
0xe: {  	p5 =	seq.s32 s20, $0x1;
	s25 =	sor.u32 s20, s2;
	s24 =	simm.s32 $0x80  }
0xf: {  	s8 =	sadd.s32 s8, s0;
	s0 =	sadd.s32 $0xAA800, s0;
	[dreg:$0x7] =	wrdreg s13  }
0x10: {  	s22 =	sshrl.u32 s21, $0x1;
	s12 =	simm.s32 @!p0 $0x4E;
	[dreg:$0x8] =	wrdreg s9  }
0x11: {  	s17 =	sshrl.u32 s16, $0x2;
	p0 =	sne.s32 s20, $0x0;
	[dreg:$0x5] =	wrdreg s0  }
0x12: {  	s0 =	ssub.s32 s21, s22;
	s21 =	smul.u32 $0x2710, s20;
	s22 =	sand.u32 $0x1, s2  }
0x13: {  	s26 =	sadd.s32 $0x1, s12;
	s19 =	smax.u32 s0, $0x1;
	s0 =	simm.s32 @!p0 $0x0  }
0x14: {  	s31 =	sadd.s32 $0xAAE00, s8;
	s0 =	simm.s32 @p0 $0x1;
	p0 =	sne.s32 @!p3 s2, $0xF  }
0x15: {  	s17 =	sadd.s32 s17, s1;
	[dreg:$0x9] =	wrdreg s31;
	p4 =	por p0, p3  }
0x16: {  	s8 =	sadd.s32 $0xD2600, s8;
	[smem:$0x7F9] =	sst s0;
	s0 =	simm.s32 @!p4 $0x0  }
0x17: {  	s9 =	sshrl.u32 s26, $0x1;
	[dreg:$0xa] =	wrdreg s8;
	s0 =	simm.s32 @p4 $0x1  }
0x18: {  	s8 =	sor.u32 $0x800, s23;
	[smem:$0x7FA] =	sst s0;
	s0 =	simm.s32 @!p3 $0x0  }
0x19: {  	p1 =	sne.s32 s22, s20;
	p0 =	por !p0, p3;
	s0 =	simm.s32 @p3 $0x1  }
.Ltmp0:
0x1a: {  	[smem:$0x7FB] =	sst s0;
	s0 =	simm.s32 @!p0 $0x0;
	(pc) =	sbr.rel .LBB2_1-.Ltmp0, $4  }
0x1b: {  	p2 =	seq.s32 s22, s20;
	s0 =	simm.s32 @p0 $0x1;
	p0 =	sne.s32 s25, $0x0  }
0x1c: {  	v1 =	vlaneseq.u32;
	v2 =	vimm.f32 $0.0e+00;
	s22 =	simm.s32 $0x100;
	[smem:$0x7FC] =	sst s0;
	s0 =	simm.s32 @!p0 $0x0  }
0x1d: {  	v7 =	vimm.f32 $1.000000000e+00;
	v3 =	vor.u32 $0x10, v1;
	v4 =	vor.u32 $0x20, v1;
	s23 =	simm.s32 $0x3;
	s26 =	simm.s32 $0x2;
	s0 =	simm.s32 @p0 $0x1  }
0x1e: {  	v5 =	vor.u32 $0x30, v1;
	v6 =	vor.u32 $0x40, v1;
	s9 =	sadd.s32 $0xFFFFFFFF, s9;
	v0 =	vmov s21;
	s25 =	simm.s32 $0x1;
	[smem:$0x7FD] =	sst s0  }
.LBB2_18:
0x1f: {  	s0 =	simm.s32 $0x50;
	s13 =	simm.s32 $0xAA00  }
0x20: {  	[spmem:s3] =	stream.indirect.scatter.add.f32 [tilespmem:s30], [sflag:$0x3], $0x80, s13, s0, $0xb8;
	[tilespmem:$0x1E580] =	vst v63  }
0x21: {  	_ =	swait.ge [sflag:s23], $0x2800  }
0x22: {  	[sflag:s23] =	ssyncset.done $0x0  }
0x23: {  	[sflag:s23] =	ssyncadd.s32 $0xFFFFD800  }
.LBB2_19:
0x24: {  	s0 =	sld [smem:$0x7F9];
	_ =	sdelay $0x2  }
0x25: {  	p3 =	seq.s32 s0, $0x1  }
0x26: {  	[bflag:$0x0] =	sbarrier.arrive $0xFFFF;
	s0 =	sshll.u32 @!p3 s2, $0x6  }
0x27: {  	s14 =	rddreg [dreg:$0x9];
	s13 =	sshrl.u32 @!p3 s17, $0x3;
	s0 =	sor.u32 @!p3 $0x1C03, s0  }
0x28: {  	[hbm:s14], [sflag:s0] =	dma.local @!p3 [spmem:s13], $0x2710  }
0x29: {  	s0 =	simm.s32 @!p3 $0x3  }
0x2a: {  	_ =	swait.ge @!p3 [sflag:s0], $0x2710  }
0x2b: {  	s13 =	sshll.u32 @p5 s2, $0x6;
	[sflag:s0] =	ssyncset.done @!p3 $0x0;
	s14 =	rddreg [dreg:$0xa]  }
0x2c: {  	[sflag:s0] =	ssyncadd.s32 @!p3 $0xFFFFD8F0;
	s0 =	sor.u32 @p5 $0x1C03, s13;
	s13 =	sshrl.u32 @p5 s17, $0x3  }
0x2d: {  	[hbm:s14], [sflag:s0] =	dma.local @p5 [spmem:s13], $0x2710  }
0x2e: {  	s0 =	simm.s32 @p5 $0x3  }
0x2f: {  	_ =	swait.ge @p5 [sflag:s0], $0x2710  }
0x30: {  	s31 =	sld [smem:$0x7FD];
	_ =	sdelay $0x2  }
0x31: {  	p3 =	seq.s32 s31, $0x1  }
0x32: {  	[sflag:s0] =	ssyncset.done @p5 $0x0;
	s14 =	rddreg [dreg:$0x4];
	s13 =	sshll.u32 @!p3 s2, $0x6  }
0x33: {  	[sflag:s0] =	ssyncadd.s32 @p5 $0xFFFFD8F0;
	s0 =	sor.u32 @!p3 $0x1C03, s13;
	s13 =	sshrl.u32 @!p3 s3, $0x3  }
0x34: {  	[hbm:s14], [sflag:s0] =	dma.local @!p3 [spmem:s13], $0x500  }
0x35: {  	s0 =	simm.s32 @!p3 $0x3  }
0x36: {  	_ =	swait.ge @!p3 [sflag:s0], $0x500  }
0x37: {  	s4 =	sadd.s32 $0x1, s4;
	[sflag:s0] =	ssyncset.done @!p3 $0x0  }
0x38: {  	s13 =	sshll.u32 @p0 s2, $0x6;
	s14 =	rddreg [dreg:$0x5];
	[sflag:s0] =	ssyncadd.s32 @!p3 $0xFFFFFB00  }
0x39: {  	s0 =	sor.u32 @p0 $0x1C03, s13;
	s13 =	sshrl.u32 @p0 s3, $0x3;
	p3 =	sne.s32 s4, s19  }
0x3a: {  	[hbm:s14], [sflag:s0] =	dma.local @p0 [spmem:s13], $0x500  }
.Ltmp1:
0x3b: {  	_ = 	snop;
	(pc) =	sbr.rel @!p3 .LBB2_20-.Ltmp1, $4  }
0x3c: {  	s0 =	simm.s32 @p0 $0x3  }
0x3d: {  	_ =	swait.ge @p0 [sflag:s0], $0x500  }
0x3e: {  	[sflag:s0] =	ssyncset.done @p0 $0x0  }
0x3f: {  	[sflag:s0] =	ssyncadd.s32 @p0 $0xFFFFFB00  }
.LBB2_1:
0x40: {  	s0 =	simm.s32 $0x0;
	s20 =	simm.s32 $0x200  }
.LBB2_2:
0x41: {  	p0 =	sne.s32 s20, $0x9E00;
	[tilespmem:s0+$0x8270] =	vst v2  }
0x42: {  	[tilespmem:s0+$0x8200] =	vst v2  }
0x43: {  	[tilespmem:s0+$0x8210] =	vst v2  }
.Ltmp2:
0x44: {  	[tilespmem:s0+$0x8220] =	vst v2;
	(pc) =	sbr.rel @p0 .LBB2_2-.Ltmp2, $4  }
0x45: {  	[tilespmem:s0+$0x8230] =	vst v2  }
0x46: {  	[tilespmem:s0+$0x8240] =	vst v2  }
0x47: {  	[tilespmem:s0+$0x8250] =	vst v2  }
0x48: {  	[tilespmem:s0+$0x8260] =	vst v2;
	s0 =	sshra.s32 s20, $0x2;
	s20 =	sadd.s32 $0x200, s20  }
0x49: {  	[tilespmem:s0+$0x8270] =	vst v2  }
0x4a: {  	[tilespmem:s0+$0x8200] =	vst v2  }
0x4b: {  	[tilespmem:s0+$0x8210] =	vst v2  }
0x4c: {  	[tilespmem:s0+$0x8220] =	vst v2  }
0x4d: {  	[tilespmem:s0+$0x8230] =	vst v2  }
0x4e: {  	[tilespmem:s0+$0x8240] =	vst v2  }
0x4f: {  	[tilespmem:s0+$0x8250] =	vst v2  }
0x50: {  	[tilespmem:s0+$0x8260] =	vst v2  }
0x51: {  	[tilespmem:$0xAA00] =	vst v1  }
0x52: {  	[tilespmem:$0xAA10] =	vst v3  }
0x53: {  	[tilespmem:$0xAA20] =	vst v4  }
0x54: {  	[tilespmem:$0xAA30] =	vst v5  }
0x55: {  	s0 =	simm.s32 $0x0;
	s20 =	simm.s32 $0x200;
	[tilespmem:$0xAA40] =	vst v6  }
.LBB2_4:
0x56: {  	p0 =	sne.s32 s20, $0xFE00;
	[tilespmem:s0+$0x170] =	vst v2  }
0x57: {  	[tilespmem:s0+$0x100] =	vst v2  }
0x58: {  	[tilespmem:s0+$0x110] =	vst v2  }
.Ltmp3:
0x59: {  	[tilespmem:s0+$0x120] =	vst v2;
	(pc) =	sbr.rel @p0 .LBB2_4-.Ltmp3, $4  }
0x5a: {  	[tilespmem:s0+$0x130] =	vst v2  }
0x5b: {  	[tilespmem:s0+$0x140] =	vst v2  }
0x5c: {  	[tilespmem:s0+$0x150] =	vst v2  }
0x5d: {  	[tilespmem:s0+$0x160] =	vst v2;
	s0 =	sshra.s32 s20, $0x2;
	s20 =	sadd.s32 $0x200, s20  }
0x5e: {  	[tilespmem:s0+$0x170] =	vst v2  }
0x5f: {  	[tilespmem:s0+$0x100] =	vst v2  }
0x60: {  	[tilespmem:s0+$0x110] =	vst v2  }
0x61: {  	[tilespmem:s0+$0x120] =	vst v2  }
0x62: {  	[tilespmem:s0+$0x130] =	vst v2  }
0x63: {  	[tilespmem:s0+$0x140] =	vst v2;
	p0 =	sne.s32 s10, $0x1  }
.Ltmp4:
0x64: {  	[tilespmem:s0+$0x150] =	vst v2;
	(pc) =	sbr.rel @!p0 .LBB2_7-.Ltmp4, $4  }
0x65: {  	[tilespmem:s0+$0x160] =	vst v2  }
0x66: {  	[spmem:s11] =	stream.linear.scatter [tilespmem:s22], [sflag:$0x3], $0x4000, $0x38;
	[tilespmem:$0x1E580] =	vst v63  }
0x67: {  	_ =	swait.ge [sflag:s23], $0x4000  }
0x68: {  	s0 =	sadd.s32 $0xFFFFFFFF, s10;
	s20 =	smov.u32 s11;
	[sflag:s23] =	ssyncset.done $0x0  }
.LBB2_6:
0x69: {  	p0 =	sne.s32 s0, $0x1;
	[sflag:s23] =	ssyncadd.s32 $0xFFFFC000;
	s20 =	sadd.s32 $0x40000, s20  }
.Ltmp5:
0x6a: {  	s0 =	sadd.s32 $0xFFFFFFFF, s0;
	(pc) =	sbr.rel @p0 .LBB2_6-.Ltmp5, $4  }
0x6b: {  	_ = 	snop  }
0x6c: {  	[spmem:s20] =	stream.linear.scatter [tilespmem:s22], [sflag:$0x3], $0x4000, $0x38;
	[tilespmem:$0x1E580] =	vst v63  }
0x6d: {  	_ =	swait.ge [sflag:s23], $0x4000  }
0x6e: {  	[sflag:s23] =	ssyncset.done $0x0  }
.LBB2_7:
0x6f: {  	s0 =	sld [smem:$0x7FB];
	_ =	sdelay $0x2  }
0x70: {  	p4 =	seq.s32 s0, $0x1  }
0x71: {  	[sflag:s23] =	ssyncadd.s32 $0xFFFFC000;
	s0 =	simm.s32 @p4 $0x100  }
0x72: {  	[spmem:s3] =	stream.linear.scatter @p4 [tilespmem:s0], [sflag:$0x3], $0x2800, $0x38;
	[tilespmem:$0x1E580] =	vst v63  }
0x73: {  	s0 =	simm.s32 @p4 $0x3  }
0x74: {  	_ =	swait.ge @p4 [sflag:s0], $0x2800  }
0x75: {  	s16 =	sld [smem:$0x7FA];
	_ =	sdelay $0x2  }
0x76: {  	[sflag:s0] =	ssyncset.done @p4 $0x0;
	p0 =	seq.s32 s16, $0x1  }
0x77: {  	s13 =	rddreg [dreg:$0x6];
	[sflag:s0] =	ssyncadd.s32 @p4 $0xFFFFD800;
	s0 =	simm.s32 @!p0 $0x100  }
0x78: {  	[spmem:s13] =	stream.linear.scatter @!p0 [tilespmem:s0], [sflag:$0x3], $0x800, $0x38;
	[tilespmem:$0x1E580] =	vst v63  }
0x79: {  	s0 =	simm.s32 @!p0 $0x3  }
0x7a: {  	_ =	swait.ge @!p0 [sflag:s0], $0x800  }
0x7b: {  	[sflag:s0] =	ssyncset.done @!p0 $0x0  }
0x7c: {  	[sflag:s0] =	ssyncadd.s32 @!p0 $0xFFFFF800  }
0x7d: {  	[bflag:$0x0] =	sbarrier.arrive $0xFFFF  }
0x7e: {  	s31 =	simm.s32 $0x0;
	s18 =	rddreg [dreg:$0x7]  }
0x7f: {  	[tilespmem:s31], [sflag:$0x3] =	stream.linear.gather [hbm4b:s18+s31], $0x80, $0x38;
	[tilespmem:$0x1E580] =	vst v63  }
0x80: {  	_ =	swait.ge [sflag:s23], $0x80  }
0x81: {  	[sflag:s23] =	ssyncset.done $0x0  }
0x82: {  	s20 =	rddreg [dreg:$0x8];
	[sflag:s23] =	ssyncadd.s32 $0xFFFFFF80  }
0x83: {  	[tilespmem:s24], [sflag:$0x3] =	stream.linear.gather [hbm4b:s20+s31], $0x80, $0x38;
	[tilespmem:$0x1E580] =	vst v63  }
0x84: {  	_ =	swait.ge [sflag:s23], $0x80  }
0x85: {  	[sflag:s23] =	ssyncset.done $0x0  }
0x86: {  	[sflag:s23] =	ssyncadd.s32 $0xFFFFFF80  }
0x87: {  	v8 =	vld [tilespmem:$0x0]  }
0x88: {  	v9 =	vld [tilespmem:$0x10]  }
0x89: {  	v10 =	vld [tilespmem:$0x20]  }
0x8a: {  	v11 =	vld [tilespmem:$0x30]  }
0x8b: {  	v12 =	vld [tilespmem:$0x40]  }
0x8c: {  	v13 =	vld [tilespmem:$0x50];
	v8 =	vadd.s32 v0, v8  }
0x8d: {  	v62 =	vld [tilespmem:$0x60];
	[tilespmem:$0x0] =	vst v8;
	v8 =	vadd.s32 v0, v9  }
0x8e: {  	v63 =	vld [tilespmem:$0x70];
	[tilespmem:$0x10] =	vst v8;
	v8 =	vadd.s32 v0, v10  }
0x8f: {  	s21 =	sld [smem:$0x7FC];
	[tilespmem:$0x20] =	vst v8;
	v8 =	vadd.s32 v0, v11  }
0x90: {  	[tilespmem:$0x30] =	vst v8;
	v8 =	vadd.s32 v0, v12  }
.Ltmp6:
0x91: {  	[tilespmem:$0x40] =	vst v8;
	v8 =	vadd.s32 v0, v13;
	(pc) =	sbr.rel .LBB2_8-.Ltmp6, $4  }
0x92: {  	p3 =	por @!p0 $0x0, $0x0;
	p0 =	seq.s32 s21, $0x1;
	[tilespmem:$0x50] =	vst v8;
	v8 =	vadd.s32 v0, v62  }
0x93: {  	s0 =	simm.s32 $0x1;
	p3 =	por @!p0 p6, p6;
	p0 =	por p5, p5;
	[tilespmem:$0x60] =	vst v8;
	v8 =	vadd.s32 v0, v63  }
0x94: {  	s20 =	smov.u32 s9;
	s21 =	smov.u32 s8;
	p0 =	por @!p4 p3, p3;
	[tilespmem:$0x70] =	vst v8  }
0x95: {  	[tilespmem:s22], [sflag:$0x1] =	stream.indirect.gather [hbm4b:s7+s24], $0x80, s31, s24, $0xb8;
	[tilespmem:$0x1E580] =	vst v63  }
.LBB2_14:
0x96: {  	s20 =	sadd.s32 $0xFFFFFFFF, s20;
	s21 =	sadd.s32 $0x1000, s21;
	s0 =	sadd.s32 $0x2, s0  }
.LBB2_8:
0x97: {  	p3 =	sge.u32 s0, s12  }
0x98: {  	s13 =	sshrl.u32 @!p3 s21, $0x3  }
0x99: {  	s15 =	simm.s32 @!p3 $0x0;
	s16 =	simm.s32 @!p3 $0x4100;
	s14 =	sadd.s32 @!p3 s5, s13  }
0x9a: {  	[tilespmem:s16], [sflag:$0x3] =	stream.linear.gather @!p3 [hbm4b:s14+s15], $0x80, $0x38;
	[tilespmem:$0x1E580] =	vst v63  }
0x9b: {  	s14 =	simm.s32 @!p3 $0x3  }
0x9c: {  	_ =	swait.ge @!p3 [sflag:s14], $0x80  }
0x9d: {  	[sflag:s14] =	ssyncset.done @!p3 $0x0  }
0x9e: {  	s18 =	simm.s32 @!p3 $0x4180;
	s13 =	sadd.s32 @!p3 s6, s13;
	[sflag:s14] =	ssyncadd.s32 @!p3 $0xFFFFFF80  }
0x9f: {  	[tilespmem:s18], [sflag:$0x3] =	stream.linear.gather @!p3 [hbm4b:s13+s15], $0x80, $0x38;
	[tilespmem:$0x1E580] =	vst v63  }
0xa0: {  	_ =	swait.ge @!p3 [sflag:s14], $0x80  }
0xa1: {  	[sflag:s14] =	ssyncset.done @!p3 $0x0  }
0xa2: {  	[sflag:s14] =	ssyncadd.s32 @!p3 $0xFFFFFF80  }
0xa3: {  	v8 =	vld @!p3 [tilespmem:$0x4100]  }
0xa4: {  	v9 =	vld @!p3 [tilespmem:$0x4110]  }
0xa5: {  	v10 =	vld @!p3 [tilespmem:$0x4120]  }
0xa6: {  	v11 =	vld @!p3 [tilespmem:$0x4130]  }
0xa7: {  	v12 =	vld @!p3 [tilespmem:$0x4140]  }
0xa8: {  	v13 =	vld @!p3 [tilespmem:$0x4150];
	v8 =	vadd.s32 @!p3 v0, v8  }
0xa9: {  	[tilespmem:$0x4100] =	vst @!p3 v8;
	v8 =	vadd.s32 @!p3 v0, v9;
	v9 =	vld @!p3 [tilespmem:$0x4160]  }
0xaa: {  	[tilespmem:$0x4110] =	vst @!p3 v8;
	v8 =	vadd.s32 @!p3 v0, v10;
	v10 =	vld @!p3 [tilespmem:$0x4170]  }
0xab: {  	[tilespmem:$0x4120] =	vst @!p3 v8;
	v8 =	vadd.s32 @!p3 v0, v11  }
0xac: {  	[tilespmem:$0x4130] =	vst @!p3 v8;
	v8 =	vadd.s32 @!p3 v0, v12  }
0xad: {  	[tilespmem:$0x4140] =	vst @!p3 v8;
	v8 =	vadd.s32 @!p3 v0, v13  }
0xae: {  	[tilespmem:$0x4150] =	vst @!p3 v8;
	v8 =	vadd.s32 @!p3 v0, v9  }
0xaf: {  	[tilespmem:$0x4160] =	vst @!p3 v8;
	v8 =	vadd.s32 @!p3 v0, v10  }
0xb0: {  	s13 =	simm.s32 @!p3 $0x80;
	s14 =	simm.s32 @!p3 $0x4200;
	[tilespmem:$0x4170] =	vst @!p3 v8  }
0xb1: {  	[tilespmem:s14], [sflag:$0x2] =	stream.indirect.gather @!p3 [hbm4b:s7+s13], $0x80, s16, s13, $0xb8;
	[tilespmem:$0x1E580] =	vst v63  }
0xb2: {  	_ =	swait.ge [sflag:s25], $0x4000  }
0xb3: {  	[sflag:s25] =	ssyncset.done $0x0  }
0xb4: {  	[sflag:s25] =	ssyncadd.s32 $0xFFFFC000  }
0xb5: {  	[spmem:s1] =	stream.indirect.scatter.add.f32 [tilespmem:s22], [sflag:$0x3], $0x80, s24, s24, $0xb8;
	[tilespmem:$0x1E580] =	vst v63  }
0xb6: {  	_ =	swait.ge [sflag:s23], $0x4000  }
0xb7: {  	[sflag:s23] =	ssyncset.done $0x0  }
0xb8: {  	[sflag:s23] =	ssyncadd.s32 $0xFFFFC000  }
0xb9: {  	v8 =	vld @!p1 [tilespmem:$0x80];
	_ =	sdelay $0x6  }
0xba: {  	v9 =	vimm.f32 @!p1 $1.000000000e+00;
	s13 =	simm.s32 @!p1 $0x8200  }
0xbb: {  	[tilespmem:v8+s13+$0x0] =	vst.idx.add.f32.msk @!p1 $0xffff, v9  }
0xbc: {  	v8 =	vld @!p1 [tilespmem:$0x90];
	_ =	sdelay $0x7  }
0xbd: {  	[tilespmem:v8+s13+$0x0] =	vst.idx.add.f32.msk @!p1 $0xffff, v9  }
0xbe: {  	v8 =	vld @!p1 [tilespmem:$0xA0];
	_ =	sdelay $0x7  }
0xbf: {  	[tilespmem:v8+s13+$0x0] =	vst.idx.add.f32.msk @!p1 $0xffff, v9  }
0xc0: {  	v8 =	vld @!p1 [tilespmem:$0xB0];
	_ =	sdelay $0x7  }
0xc1: {  	[tilespmem:v8+s13+$0x0] =	vst.idx.add.f32.msk @!p1 $0xffff, v9  }
0xc2: {  	v8 =	vld @!p1 [tilespmem:$0xC0];
	_ =	sdelay $0x7  }
0xc3: {  	[tilespmem:v8+s13+$0x0] =	vst.idx.add.f32.msk @!p1 $0xffff, v9  }
0xc4: {  	v8 =	vld @!p1 [tilespmem:$0xD0];
	_ =	sdelay $0x7  }
0xc5: {  	[tilespmem:v8+s13+$0x0] =	vst.idx.add.f32.msk @!p1 $0xffff, v9  }
0xc6: {  	v8 =	vld @!p1 [tilespmem:$0xE0];
	_ =	sdelay $0x7  }
0xc7: {  	[tilespmem:v8+s13+$0x0] =	vst.idx.add.f32.msk @!p1 $0xffff, v9  }
0xc8: {  	v8 =	vld @!p1 [tilespmem:$0xF0];
	_ =	sdelay $0x3  }
.Ltmp7:
0xc9: {  	_ = 	snop;
	(pc) =	sbr.rel @p3 .LBB2_12-.Ltmp7, $2  }
0xca: {  	_ =	sdelay $0x2  }
0xcb: {  	[tilespmem:v8+s13+$0x0] =	vst.idx.add.f32.msk @!p1 $0xffff, v9  }
0xcc: {  	s13 =	sadd.s32 $0x1, s0  }
0xcd: {  	p3 =	sge.u32 s13, s12  }
0xce: {  	s13 =	sadd.s32 @!p3 $0x800, s21  }
0xcf: {  	s13 =	sshrl.u32 @!p3 s13, $0x3  }
0xd0: {  	s15 =	simm.s32 @!p3 $0x0;
	s14 =	sadd.s32 @!p3 s5, s13  }
0xd1: {  	[tilespmem:s15], [sflag:$0x3] =	stream.linear.gather @!p3 [hbm4b:s14+s15], $0x80, $0x38;
	[tilespmem:$0x1E580] =	vst v63  }
0xd2: {  	s14 =	simm.s32 @!p3 $0x3  }
0xd3: {  	_ =	swait.ge @!p3 [sflag:s14], $0x80  }
0xd4: {  	[sflag:s14] =	ssyncset.done @!p3 $0x0  }
0xd5: {  	s16 =	simm.s32 @!p3 $0x80;
	s13 =	sadd.s32 @!p3 s6, s13;
	[sflag:s14] =	ssyncadd.s32 @!p3 $0xFFFFFF80  }
0xd6: {  	[tilespmem:s16], [sflag:$0x3] =	stream.linear.gather @!p3 [hbm4b:s13+s15], $0x80, $0x38;
	[tilespmem:$0x1E580] =	vst v63  }
0xd7: {  	_ =	swait.ge @!p3 [sflag:s14], $0x80  }
0xd8: {  	[sflag:s14] =	ssyncset.done @!p3 $0x0  }
0xd9: {  	[sflag:s14] =	ssyncadd.s32 @!p3 $0xFFFFFF80  }
0xda: {  	v8 =	vld @!p3 [tilespmem:$0x0]  }
0xdb: {  	v9 =	vld @!p3 [tilespmem:$0x10]  }
0xdc: {  	v10 =	vld @!p3 [tilespmem:$0x20]  }
0xdd: {  	v11 =	vld @!p3 [tilespmem:$0x30]  }
0xde: {  	v12 =	vld @!p3 [tilespmem:$0x40]  }
0xdf: {  	v13 =	vld @!p3 [tilespmem:$0x50];
	v8 =	vadd.s32 @!p3 v0, v8  }
0xe0: {  	[tilespmem:$0x0] =	vst @!p3 v8;
	v8 =	vadd.s32 @!p3 v0, v9;
	v9 =	vld @!p3 [tilespmem:$0x60]  }
0xe1: {  	[tilespmem:$0x10] =	vst @!p3 v8;
	v8 =	vadd.s32 @!p3 v0, v10;
	v10 =	vld @!p3 [tilespmem:$0x70]  }
0xe2: {  	[tilespmem:$0x20] =	vst @!p3 v8;
	v8 =	vadd.s32 @!p3 v0, v11  }
0xe3: {  	[tilespmem:$0x30] =	vst @!p3 v8;
	v8 =	vadd.s32 @!p3 v0, v12  }
0xe4: {  	[tilespmem:$0x40] =	vst @!p3 v8;
	v8 =	vadd.s32 @!p3 v0, v13  }
0xe5: {  	[tilespmem:$0x50] =	vst @!p3 v8;
	v8 =	vadd.s32 @!p3 v0, v9  }
0xe6: {  	[tilespmem:$0x60] =	vst @!p3 v8;
	v8 =	vadd.s32 @!p3 v0, v10  }
0xe7: {  	s13 =	simm.s32 @!p3 $0x100;
	[tilespmem:$0x70] =	vst @!p3 v8  }
0xe8: {  	[tilespmem:s13], [sflag:$0x1] =	stream.indirect.gather @!p3 [hbm4b:s7+s16], $0x80, s15, s16, $0xb8;
	[tilespmem:$0x1E580] =	vst v63  }
0xe9: {  	_ =	swait.ge [sflag:s26], $0x4000  }
0xea: {  	[sflag:s26] =	ssyncset.done $0x0  }
.Ltmp8:
0xeb: {  	[sflag:s26] =	ssyncadd.s32 $0xFFFFC000;
	(pc) =	sbr.rel @!p2 .LBB2_15-.Ltmp8, $4  }
0xec: {  	[spmem:s1] =	stream.indirect.scatter.add.f32 [tilespmem:s29], [sflag:$0x3], $0x80, s28, s24, $0xb8;
	[tilespmem:$0x1E580] =	vst v63  }
0xed: {  	_ =	swait.ge [sflag:s23], $0x4000  }
0xee: {  	[sflag:s23] =	ssyncset.done $0x0  }
0xef: {  	[sflag:s23] =	ssyncadd.s32 $0xFFFFC000  }
0xf0: {  	v8 =	vld [tilespmem:$0x4180];
	_ =	sdelay $0x7  }
0xf1: {  	[tilespmem:v8+s30+$0x0] =	vst.idx.add.f32.msk $0xffff, v7  }
0xf2: {  	v8 =	vld [tilespmem:$0x4190];
	_ =	sdelay $0x7  }
0xf3: {  	[tilespmem:v8+s30+$0x0] =	vst.idx.add.f32.msk $0xffff, v7  }
0xf4: {  	v8 =	vld [tilespmem:$0x41A0];
	_ =	sdelay $0x7  }
0xf5: {  	[tilespmem:v8+s30+$0x0] =	vst.idx.add.f32.msk $0xffff, v7  }
0xf6: {  	v8 =	vld [tilespmem:$0x41B0];
	_ =	sdelay $0x7  }
0xf7: {  	[tilespmem:v8+s30+$0x0] =	vst.idx.add.f32.msk $0xffff, v7  }
0xf8: {  	v8 =	vld [tilespmem:$0x41C0];
	_ =	sdelay $0x7  }
0xf9: {  	[tilespmem:v8+s30+$0x0] =	vst.idx.add.f32.msk $0xffff, v7  }
0xfa: {  	v8 =	vld [tilespmem:$0x41D0];
	_ =	sdelay $0x7  }
0xfb: {  	[tilespmem:v8+s30+$0x0] =	vst.idx.add.f32.msk $0xffff, v7  }
0xfc: {  	v8 =	vld [tilespmem:$0x41E0];
	_ =	sdelay $0x7  }
0xfd: {  	[tilespmem:v8+s30+$0x0] =	vst.idx.add.f32.msk $0xffff, v7  }
0xfe: {  	v8 =	vld [tilespmem:$0x41F0];
	_ =	sdelay $0x2  }
0xff: {  	p3 =	seq.s32 s20, $0x0  }
.Ltmp9:
0x100: {  	_ = 	snop;
	(pc) =	sbr.rel @p3 .LBB2_18-.Ltmp9, $2  }
0x101: {  	_ =	sdelay $0x2  }
0x102: {  	[tilespmem:v8+s30+$0x0] =	vst.idx.add.f32.msk $0xffff, v7  }
.Ltmp10:
0x103: {  	(pc) =	sbr.rel .LBB2_14-.Ltmp10, $2  }
0x104: {  	_ =	sdelay $0x2  }
0x105: {  	s31 =	sadd.s32 $0x1, s31  }
.LBB2_12:
0x106: {  	p3 =	seq.s32 s20, $0x0  }
.Ltmp11:
0x107: {  	_ = 	snop;
	(pc) =	sbr.rel @p3 .LBB2_17-.Ltmp11, $1  }
0x108: {  	_ =	sdelay $0x3  }
.Ltmp12:
0x109: {  	(pc) =	sbr.rel .LBB2_14-.Ltmp12, $2  }
0x10a: {  	_ =	sdelay $0x2  }
0x10b: {  	s31 =	sadd.s32 $0x1, s31  }
.LBB2_15:
0x10c: {  	p3 =	seq.s32 s20, $0x0  }
.Ltmp13:
0x10d: {  	_ = 	snop;
	(pc) =	sbr.rel @p3 .LBB2_19-.Ltmp13, $1  }
0x10e: {  	_ =	sdelay $0x3  }
.Ltmp14:
0x10f: {  	(pc) =	sbr.rel .LBB2_14-.Ltmp14, $2  }
0x110: {  	_ =	sdelay $0x2  }
0x111: {  	s31 =	sadd.s32 $0x1, s31  }
.LBB2_17:
.Ltmp15:
0x112: {  	(pc) =	sbr.rel @p1 .LBB2_19-.Ltmp15, $4  }
.Ltmp16:
0x113: {  	(pc) =	sbr.rel @!p1 .LBB2_18-.Ltmp16, $4  }
0x114: {  	_ = 	snop  }
0x115: {  	_ = 	snop  }
0x116: {  	_ = 	snop  }
0x117: {  	_ = 	snop  }
.LBB2_20:
0x118: {  	_ =	sfence.sel $0x180000  }
0x119: {  	[bflag:$0x0] =	sbarrier.arrive $0xFFFF  }
0x11a: {  	_ =	strace $0x90000047  }
0x11b: {  	[bflag:$0x2] =	sbarrier.arrive $0xFFFF  }
0x11c: {  	p0 =	sne.s32 s2, $0x0;
	s0 =	rddreg [dreg:$0x3]  }
0x11d: {  	s0 =	sadd.s32 @!p0 $0x100000, s0  }
0x11e: {  	[sflag:s0] =	ssyncadd.tile.s32 @!p0 $0x1;
	_ =	shalt  }
.Lfunc_end2:
_tile_overlayer_lowered:
.L_overlay_start_2:
0x11f: {  	(tag) =	ssettag $0x2  }
0x120: {  	s0 =	rddreg [dreg:$0x0];
	s2 =	stileid.u32  }
0x121: {  	s1 =	rddreg [dreg:$0x1];
	p0 =	sne.s32 s2, $0x0  }
0x122: {  	s3 =	rddreg [dreg:$0x2];
	[bflag:$0x3] =	sbarrier.arrive $0xFFFF;
	s2 =	simm.s32 @!p0 $0x1C03  }
0x123: {  	[timem:s3], [sflag:s2] =	dma.local @!p0 [hbm:s0], s1  }
0x124: {  	s0 =	simm.s32 @!p0 $0x3  }
0x125: {  	_ =	swait.ge @!p0 [sflag:s0], s1  }
0x126: {  	s1 =	ssub.s32 @!p0 $0x0, s1;
	[sflag:s0] =	ssyncset.done @!p0 $0x0  }
0x127: {  	[sflag:s0] =	ssyncadd.s32 @!p0 s1  }
0x128: {  	[bflag:$0x3] =	sbarrier.arrive $0xFFFF  }
0x129: {  	_ =	shalt  }

</sc_bundles>
